<compile_context>
chip_gen: v7x
topology: tpu7x:2x2x1
jax: 0.10.2.dev20260603
libtpu: 0.0.44.dev20260713+nightly
codegen_flags: <defaults>
</compile_context>

<pallas_src>
import functools

import jax
import jax.numpy as jnp
from jax import lax
from jax.experimental import pallas as pl
from jax.experimental.pallas import tpu as pltpu, tpu_sc as plsc

DIM = 32
NC = 2
NS = 16
NW = NC * NS
CH = 4096
BB = 128


def _pack_body(ra_ref, rb_ref, ia_ref, ib_ref, o_ref):
    o_ref[...] = jnp.concatenate(
        [ra_ref[...].T, ia_ref[...].T, rb_ref[...].T, ib_ref[...].T], axis=1)


def _pack_tables(trp, tip):
    v = trp.shape[1]
    grid = (v + 2 * CH - 1) // (2 * CH)
    last = (v - 1) // CH

    def odd(i):
        return (0, jnp.minimum(2 * i + 1, last))

    return pl.pallas_call(
        _pack_body,
        grid=(grid,),
        in_specs=[
            pl.BlockSpec((DIM, CH), lambda i: (0, 2 * i)),
            pl.BlockSpec((DIM, CH), odd),
            pl.BlockSpec((DIM, CH), lambda i: (0, 2 * i)),
            pl.BlockSpec((DIM, CH), odd),
        ],
        out_specs=pl.BlockSpec((CH, 4 * DIM), lambda i: (i, 0)),
        out_shape=jax.ShapeDtypeStruct((grid * CH, 4 * DIM), jnp.float32),
    )(trp, trp, tip, tip)


@functools.partial(jax.jit, static_argnames=("n_l", "n_b"))
def _embed_call(ids_pad, table_r, table_i, n_l, n_b):
    n_lp = ids_pad.shape[0]
    n_bb = n_b // BB
    n_sb = (n_lp // 8) * n_bb
    k_per_w = n_sb // NW

    tab = _pack_tables(table_r.T, table_i.T)
    tab64 = tab.reshape(tab.shape[0] * 2, 2 * DIM)

    mesh = plsc.VectorSubcoreMesh(core_axis_name="c", subcore_axis_name="s")

    l_tail = max(n_l % 8, 1)
    m_full = (n_l - n_l % 8) * n_bb // NW
    m_total = m_full + ((n_l % 8) * n_bb) // NW
    assert m_total % 4 == 0

    @functools.partial(
        pl.kernel,
        out_type=jax.ShapeDtypeStruct((n_l, DIM, n_bb, 2, BB), jnp.float32),
        mesh=mesh,
        compiler_params=pltpu.CompilerParams(
            needs_layout_passes=False, use_tc_tiling_on_sc=False),
        scratch_types=[
            pltpu.VMEM((8, BB), jnp.int32),
            pltpu.VMEM((4, BB), jnp.int32),
            pltpu.VMEM((4, BB, 2 * DIM), jnp.float32),
            pltpu.VMEM((4, DIM, 2, BB + 1), jnp.float32),
            pltpu.SemaphoreType.DMA,
            pltpu.SemaphoreType.DMA,
            pltpu.SemaphoreType.DMA,
            pltpu.SemaphoreType.DMA,
            pltpu.SemaphoreType.DMA,
            pltpu.SemaphoreType.DMA,
            pltpu.SemaphoreType.DMA,
            pltpu.SemaphoreType.DMA,
        ],
    )
    def k(ids_hbm, tab_hbm, out_hbm, idx_v, g_v, gbuf, tbuf,
          sem_g0, sem_g1, sem_g2, sem_g3, sem_w0, sem_w1, sem_w2, sem_w3):
        wid = lax.axis_index("s") * NC + lax.axis_index("c")
        lane = lax.iota(jnp.int32, 16)
        sem_g = (sem_g0, sem_g1, sem_g2, sem_g3)
        sem_w = (sem_w0, sem_w1, sem_w2, sem_w3)
        d_idx, e_idx = [], []
        for st in range(4):
            f = lane + 16 * st
            d_idx.append(f % DIM)
            e_idx.append(f // DIM)

        def coords(m):
            sbt = jnp.where(m < m_full, m // 8, m_full // 8 + (m - m_full) // l_tail)
            l8 = jnp.where(m < m_full, m % 8, (m - m_full) % l_tail)
            sb = sbt * NW + wid
            lo = (sb // n_bb) * 8
            bb = sb % n_bb
            return lo, l8, bb

        def prep(m, slot):
            lo, l8, bb = coords(m)

            @pl.when(l8 == 0)
            def _():
                pltpu.sync_copy(
                    ids_hbm.at[pl.ds(lo, 8), pl.ds(bb * BB, BB)], idx_v)

            for t in range(8):
                v = idx_v[l8, pl.ds(16 * t, 16)]
                g_v[slot, pl.ds(16 * t, 16)] = (
                    lax.shift_left(lax.shift_right_logical(v, 13), 13)
                    | lax.shift_left(v & (CH - 1), 1)
                    | (lax.shift_right_logical(v, 12) & 1))
            pltpu.async_copy(
                tab_hbm.at[g_v.at[slot]], gbuf.at[slot], sem_g[slot])

        def consume(m, slot):
            lo, l8, bb = coords(m)
            l = lo + l8
            @pl.when(m >= 4)
            def _():
                pltpu.make_async_copy(
                    tbuf.at[slot, :, :, pl.ds(0, BB)],
                    out_hbm.at[0, :, 0, :, :], sem_w[slot]).wait()

            @plsc.parallel_loop(0, BB, unroll=2)
            def _(b):
                bs = jnp.zeros((16,), jnp.int32) + b
                for st in range(4):
                    val = gbuf[slot, b, pl.ds(16 * st, 16)]
                    plsc.store_scatter(
                        tbuf.at[slot], [d_idx[st], e_idx[st], bs], val)
            pltpu.async_copy(
                tbuf.at[slot, :, :, pl.ds(0, BB)],
                out_hbm.at[l, :, bb, :, :], sem_w[slot])

        def wait_g(slot):
            pltpu.make_async_copy(
                tab_hbm.at[g_v.at[slot]], gbuf.at[slot], sem_g[slot]).wait()

        prep(0, 0)
        prep(1, 1)
        prep(2, 2)

        def body4(j, _):
            for s in range(4):
                m = 4 * j + s
                wait_g(s)
                consume(m, s)

                @pl.when(m + 3 < m_total)
                def _():
                    prep(m + 3, (s + 3) % 4)

            return 0

        lax.fori_loop(0, m_total // 4, body4, 0)
        for slot in (0, 1, 2, 3):
            pltpu.make_async_copy(
                tbuf.at[slot, :, :, pl.ds(0, BB)],
                out_hbm.at[0, :, 0, :, :], sem_w[slot]).wait()

    return k(ids_pad, tab64)


def kernel(input_ids, table_r, table_i):
    b, l = input_ids.shape
    n_lp = ((l + 7) // 8) * 8
    idsp = input_ids.astype(jnp.int32).T
    ids_pad = jnp.pad(idsp, ((0, n_lp - l), (0, 0)))
    out3 = _embed_call(ids_pad, table_r, table_i, l, b)
    t = jnp.transpose(out3, (2, 4, 0, 1, 3))
    return t.reshape(b, l, DIM, 2)

# --- scband reference (transcript-rebuilt; emitter-appended) ---
"""Pipeline reference for scband-complex-embed-83623013253246 (READ-ONLY COPY).

The authoritative reference and input builder live on the scoring server;
editing this copy changes nothing except your own understanding.
"""

import jax, jax.numpy as jnp
import numpy as np

VOCAB = 1000000
DIM = 32
B = 16384
L = 50

def setup_inputs(seed: int = 0) -> dict:
    key = jax.random.key(seed)
    k_ids, k_r, k_i = jax.random.split(key, 3)
    input_ids = jax.random.randint(k_ids, (B, L), 0, VOCAB, dtype=jnp.int64 if jax.config.jax_enable_x64 else jnp.int32)
    table_r = jax.random.normal(k_r, (VOCAB, DIM), dtype=jnp.float32)
    table_i = jax.random.normal(k_i, (VOCAB, DIM), dtype=jnp.float32)
    return {"input_ids": input_ids, "table_r": table_r, "table_i": table_i}

def reference(input_ids, table_r, table_i):
    # embed_r(input_ids) and embed_i(input_ids): gather rows from each table
    er = jnp.take(table_r, input_ids, axis=0)  # [B, L, DIM]
    ei = jnp.take(table_i, input_ids, axis=0)  # [B, L, DIM]
    # torch.stack([...], dim=-1) -> [B, L, DIM, 2]
    return jnp.stack([er, ei], axis=-1)

if __name__ == "__main__":
    import jax
    _d = setup_inputs()
    print(jax.jit(kernel)(*tuple(_d.values())))

</pallas_src>

<mosaic_0001>
#map = affine_map<(d0, d1) -> (0, 0)>
#map1 = affine_map<(d0, d1) -> (0, 0, 0, 0, 0)>
module attributes {stable_mosaic.version = 14 : i64} {
  func.func @k(%arg0: i32, %arg1: i32, %arg2: memref<56x16384xi32, #tpu.memory_space<hbm>>, %arg3: memref<1007616x64xf32, #tpu.memory_space<hbm>>, %arg4: memref<50x32x128x2x128xf32, #tpu.memory_space<hbm>>, %arg5: memref<8x128xi32, #tpu.memory_space<vmem>>, %arg6: memref<4x128xi32, #tpu.memory_space<vmem>>, %arg7: memref<4x128x64xf32, #tpu.memory_space<vmem>>, %arg8: memref<4x32x2x129xf32, #tpu.memory_space<vmem>>, %arg9: memref<!tpu.dma_semaphore, #tpu.memory_space<semaphore_mem>>, %arg10: memref<!tpu.dma_semaphore, #tpu.memory_space<semaphore_mem>>, %arg11: memref<!tpu.dma_semaphore, #tpu.memory_space<semaphore_mem>>, %arg12: memref<!tpu.dma_semaphore, #tpu.memory_space<semaphore_mem>>, %arg13: memref<!tpu.dma_semaphore, #tpu.memory_space<semaphore_mem>>, %arg14: memref<!tpu.dma_semaphore, #tpu.memory_space<semaphore_mem>>, %arg15: memref<!tpu.dma_semaphore, #tpu.memory_space<semaphore_mem>>, %arg16: memref<!tpu.dma_semaphore, #tpu.memory_space<semaphore_mem>>) attributes {dimension_semantics = [#tpu.dimension_semantics<core_parallel>, #tpu.dimension_semantics<subcore_parallel>], iteration_bounds = array<i64: 2, 16>, scalar_prefetch = 0 : i64, scratch_operands = 12 : i64, tpu.core_type = #tpu.core_type<sc_vector_subcore>, window_params = [{transform_indices = #map}, {transform_indices = #map}, {transform_indices = #map1}]} {
    %mul3A = arith.constant 2 : i32
    %mul3A_0 = arith.muli %arg1, %mul3A : i32
    %add3A = arith.addi %mul3A_0, %arg0 : i32
    %iota3A = tpu.iota {dimensions = array<i32: 0>} : vector<16xi32>
    %add3A_1 = arith.constant 0 : i32
    %add3A_2 = vector.broadcast %add3A_1 : i32 to vector<16xi32>
    %add3A_3 = arith.addi %iota3A, %add3A_2 : vector<16xi32>
    %jit3A = arith.constant 32 : i32
    %eq3A = arith.constant 0 : i32
    %eq3A_4 = arith.cmpi eq, %jit3A, %eq3A : i32
    %jit3A_5 = arith.constant 1 : i32
    %select_n3A = arith.select %eq3A_4, %jit3A_5, %jit3A : i32
    %rem3A = vector.broadcast %select_n3A : i32 to vector<16xi32>
    %rem3A_6 = arith.remsi %add3A_3, %rem3A : vector<16xi32>
    %ne3A = arith.constant 0 : i32
    %ne3A_7 = vector.broadcast %ne3A : i32 to vector<16xi32>
    %ne3A_8 = arith.cmpi ne, %rem3A_6, %ne3A_7 : vector<16xi32>
    %lt3A = arith.constant 0 : i32
    %lt3A_9 = vector.broadcast %lt3A : i32 to vector<16xi32>
    %lt3A_10 = arith.cmpi slt, %rem3A_6, %lt3A_9 : vector<16xi32>
    %lt3A_11 = arith.constant 0 : i32
    %lt3A_12 = arith.cmpi slt, %select_n3A, %lt3A_11 : i32
    %ne3A_13 = vector.broadcast %lt3A_12 : i1 to vector<16xi1>
    %ne3A_14 = vector.broadcast %ne3A_13 : vector<16xi1> to vector<16xi1>
    %ne3A_15 = arith.xori %lt3A_10, %ne3A_14 : vector<16xi1>
    %and3A = arith.andi %ne3A_15, %ne3A_8 : vector<16xi1>
    %add3A_16 = vector.broadcast %select_n3A : i32 to vector<16xi32>
    %add3A_17 = arith.addi %rem3A_6, %add3A_16 : vector<16xi32>
    %select_n3A_18 = arith.select %and3A, %add3A_17, %rem3A_6 : vector<16xi1>, vector<16xi32>
    %jit3A_19 = arith.constant 32 : i32
    %div3A = vector.broadcast %jit3A_19 : i32 to vector<16xi32>
    %div3A_20 = arith.divsi %add3A_3, %div3A : vector<16xi32>
    %sign3A = arith.constant 0 : i32
    %sign3A_21 = vector.broadcast %sign3A : i32 to vector<16xi32>
    %sign3A_22 = arith.cmpi sgt, %add3A_3, %sign3A_21 : vector<16xi32>
    %sign3A_23 = arith.extui %sign3A_22 : vector<16xi1> to vector<16xi32>
    %sign3A_24 = arith.constant 0 : i32
    %sign3A_25 = vector.broadcast %sign3A_24 : i32 to vector<16xi32>
    %sign3A_26 = arith.cmpi slt, %add3A_3, %sign3A_25 : vector<16xi32>
    %sign3A_27 = arith.extui %sign3A_26 : vector<16xi1> to vector<16xi32>
    %sign3A_28 = arith.subi %sign3A_23, %sign3A_27 : vector<16xi32>
    %sign3A_29 = arith.constant 0 : i32
    %sign3A_30 = arith.cmpi sgt, %jit3A_19, %sign3A_29 : i32
    %sign3A_31 = arith.extui %sign3A_30 : i1 to i32
    %sign3A_32 = arith.constant 0 : i32
    %sign3A_33 = arith.cmpi slt, %jit3A_19, %sign3A_32 : i32
    %sign3A_34 = arith.extui %sign3A_33 : i1 to i32
    %sign3A_35 = arith.subi %sign3A_31, %sign3A_34 : i32
    %ne3A_36 = vector.broadcast %sign3A_35 : i32 to vector<16xi32>
    %ne3A_37 = arith.cmpi ne, %sign3A_28, %ne3A_36 : vector<16xi32>
    %rem3A_38 = vector.broadcast %jit3A_19 : i32 to vector<16xi32>
    %rem3A_39 = arith.remsi %add3A_3, %rem3A_38 : vector<16xi32>
    %ne3A_40 = arith.constant 0 : i32
    %ne3A_41 = vector.broadcast %ne3A_40 : i32 to vector<16xi32>
    %ne3A_42 = arith.cmpi ne, %rem3A_39, %ne3A_41 : vector<16xi32>
    %and3A_43 = arith.andi %ne3A_37, %ne3A_42 : vector<16xi1>
    %sub3A = arith.constant 1 : i32
    %sub3A_44 = vector.broadcast %sub3A : i32 to vector<16xi32>
    %sub3A_45 = arith.subi %div3A_20, %sub3A_44 : vector<16xi32>
    %select_n3A_46 = arith.select %and3A_43, %sub3A_45, %div3A_20 : vector<16xi1>, vector<16xi32>
    %add3A_47 = arith.constant 16 : i32
    %add3A_48 = vector.broadcast %add3A_47 : i32 to vector<16xi32>
    %add3A_49 = arith.addi %iota3A, %add3A_48 : vector<16xi32>
    %jit3A_50 = arith.constant 32 : i32
    %eq3A_51 = arith.constant 0 : i32
    %eq3A_52 = arith.cmpi eq, %jit3A_50, %eq3A_51 : i32
    %jit3A_53 = arith.constant 1 : i32
    %select_n3A_54 = arith.select %eq3A_52, %jit3A_53, %jit3A_50 : i32
    %rem3A_55 = vector.broadcast %select_n3A_54 : i32 to vector<16xi32>
    %rem3A_56 = arith.remsi %add3A_49, %rem3A_55 : vector<16xi32>
    %ne3A_57 = arith.constant 0 : i32
    %ne3A_58 = vector.broadcast %ne3A_57 : i32 to vector<16xi32>
    %ne3A_59 = arith.cmpi ne, %rem3A_56, %ne3A_58 : vector<16xi32>
    %lt3A_60 = arith.constant 0 : i32
    %lt3A_61 = vector.broadcast %lt3A_60 : i32 to vector<16xi32>
    %lt3A_62 = arith.cmpi slt, %rem3A_56, %lt3A_61 : vector<16xi32>
    %lt3A_63 = arith.constant 0 : i32
    %lt3A_64 = arith.cmpi slt, %select_n3A_54, %lt3A_63 : i32
    %ne3A_65 = vector.broadcast %lt3A_64 : i1 to vector<16xi1>
    %ne3A_66 = vector.broadcast %ne3A_65 : vector<16xi1> to vector<16xi1>
    %ne3A_67 = arith.xori %lt3A_62, %ne3A_66 : vector<16xi1>
    %and3A_68 = arith.andi %ne3A_67, %ne3A_59 : vector<16xi1>
    %add3A_69 = vector.broadcast %select_n3A_54 : i32 to vector<16xi32>
    %add3A_70 = arith.addi %rem3A_56, %add3A_69 : vector<16xi32>
    %select_n3A_71 = arith.select %and3A_68, %add3A_70, %rem3A_56 : vector<16xi1>, vector<16xi32>
    %jit3A_72 = arith.constant 32 : i32
    %div3A_73 = vector.broadcast %jit3A_72 : i32 to vector<16xi32>
    %div3A_74 = arith.divsi %add3A_49, %div3A_73 : vector<16xi32>
    %sign3A_75 = arith.constant 0 : i32
    %sign3A_76 = vector.broadcast %sign3A_75 : i32 to vector<16xi32>
    %sign3A_77 = arith.cmpi sgt, %add3A_49, %sign3A_76 : vector<16xi32>
    %sign3A_78 = arith.extui %sign3A_77 : vector<16xi1> to vector<16xi32>
    %sign3A_79 = arith.constant 0 : i32
    %sign3A_80 = vector.broadcast %sign3A_79 : i32 to vector<16xi32>
    %sign3A_81 = arith.cmpi slt, %add3A_49, %sign3A_80 : vector<16xi32>
    %sign3A_82 = arith.extui %sign3A_81 : vector<16xi1> to vector<16xi32>
    %sign3A_83 = arith.subi %sign3A_78, %sign3A_82 : vector<16xi32>
    %sign3A_84 = arith.constant 0 : i32
    %sign3A_85 = arith.cmpi sgt, %jit3A_72, %sign3A_84 : i32
    %sign3A_86 = arith.extui %sign3A_85 : i1 to i32
    %sign3A_87 = arith.constant 0 : i32
    %sign3A_88 = arith.cmpi slt, %jit3A_72, %sign3A_87 : i32
    %sign3A_89 = arith.extui %sign3A_88 : i1 to i32
    %sign3A_90 = arith.subi %sign3A_86, %sign3A_89 : i32
    %ne3A_91 = vector.broadcast %sign3A_90 : i32 to vector<16xi32>
    %ne3A_92 = arith.cmpi ne, %sign3A_83, %ne3A_91 : vector<16xi32>
    %rem3A_93 = vector.broadcast %jit3A_72 : i32 to vector<16xi32>
    %rem3A_94 = arith.remsi %add3A_49, %rem3A_93 : vector<16xi32>
    %ne3A_95 = arith.constant 0 : i32
    %ne3A_96 = vector.broadcast %ne3A_95 : i32 to vector<16xi32>
    %ne3A_97 = arith.cmpi ne, %rem3A_94, %ne3A_96 : vector<16xi32>
    %and3A_98 = arith.andi %ne3A_92, %ne3A_97 : vector<16xi1>
    %sub3A_99 = arith.constant 1 : i32
    %sub3A_100 = vector.broadcast %sub3A_99 : i32 to vector<16xi32>
    %sub3A_101 = arith.subi %div3A_74, %sub3A_100 : vector<16xi32>
    %select_n3A_102 = arith.select %and3A_98, %sub3A_101, %div3A_74 : vector<16xi1>, vector<16xi32>
    %add3A_103 = arith.constant 32 : i32
    %add3A_104 = vector.broadcast %add3A_103 : i32 to vector<16xi32>
    %add3A_105 = arith.addi %iota3A, %add3A_104 : vector<16xi32>
    %jit3A_106 = arith.constant 32 : i32
    %eq3A_107 = arith.constant 0 : i32
    %eq3A_108 = arith.cmpi eq, %jit3A_106, %eq3A_107 : i32
    %jit3A_109 = arith.constant 1 : i32
    %select_n3A_110 = arith.select %eq3A_108, %jit3A_109, %jit3A_106 : i32
    %rem3A_111 = vector.broadcast %select_n3A_110 : i32 to vector<16xi32>
    %rem3A_112 = arith.remsi %add3A_105, %rem3A_111 : vector<16xi32>
    %ne3A_113 = arith.constant 0 : i32
    %ne3A_114 = vector.broadcast %ne3A_113 : i32 to vector<16xi32>
    %ne3A_115 = arith.cmpi ne, %rem3A_112, %ne3A_114 : vector<16xi32>
    %lt3A_116 = arith.constant 0 : i32
    %lt3A_117 = vector.broadcast %lt3A_116 : i32 to vector<16xi32>
    %lt3A_118 = arith.cmpi slt, %rem3A_112, %lt3A_117 : vector<16xi32>
    %lt3A_119 = arith.constant 0 : i32
    %lt3A_120 = arith.cmpi slt, %select_n3A_110, %lt3A_119 : i32
    %ne3A_121 = vector.broadcast %lt3A_120 : i1 to vector<16xi1>
    %ne3A_122 = vector.broadcast %ne3A_121 : vector<16xi1> to vector<16xi1>
    %ne3A_123 = arith.xori %lt3A_118, %ne3A_122 : vector<16xi1>
    %and3A_124 = arith.andi %ne3A_123, %ne3A_115 : vector<16xi1>
    %add3A_125 = vector.broadcast %select_n3A_110 : i32 to vector<16xi32>
    %add3A_126 = arith.addi %rem3A_112, %add3A_125 : vector<16xi32>
    %select_n3A_127 = arith.select %and3A_124, %add3A_126, %rem3A_112 : vector<16xi1>, vector<16xi32>
    %jit3A_128 = arith.constant 32 : i32
    %div3A_129 = vector.broadcast %jit3A_128 : i32 to vector<16xi32>
    %div3A_130 = arith.divsi %add3A_105, %div3A_129 : vector<16xi32>
    %sign3A_131 = arith.constant 0 : i32
    %sign3A_132 = vector.broadcast %sign3A_131 : i32 to vector<16xi32>
    %sign3A_133 = arith.cmpi sgt, %add3A_105, %sign3A_132 : vector<16xi32>
    %sign3A_134 = arith.extui %sign3A_133 : vector<16xi1> to vector<16xi32>
    %sign3A_135 = arith.constant 0 : i32
    %sign3A_136 = vector.broadcast %sign3A_135 : i32 to vector<16xi32>
    %sign3A_137 = arith.cmpi slt, %add3A_105, %sign3A_136 : vector<16xi32>
    %sign3A_138 = arith.extui %sign3A_137 : vector<16xi1> to vector<16xi32>
    %sign3A_139 = arith.subi %sign3A_134, %sign3A_138 : vector<16xi32>
    %sign3A_140 = arith.constant 0 : i32
    %sign3A_141 = arith.cmpi sgt, %jit3A_128, %sign3A_140 : i32
    %sign3A_142 = arith.extui %sign3A_141 : i1 to i32
    %sign3A_143 = arith.constant 0 : i32
    %sign3A_144 = arith.cmpi slt, %jit3A_128, %sign3A_143 : i32
    %sign3A_145 = arith.extui %sign3A_144 : i1 to i32
    %sign3A_146 = arith.subi %sign3A_142, %sign3A_145 : i32
    %ne3A_147 = vector.broadcast %sign3A_146 : i32 to vector<16xi32>
    %ne3A_148 = arith.cmpi ne, %sign3A_139, %ne3A_147 : vector<16xi32>
    %rem3A_149 = vector.broadcast %jit3A_128 : i32 to vector<16xi32>
    %rem3A_150 = arith.remsi %add3A_105, %rem3A_149 : vector<16xi32>
    %ne3A_151 = arith.constant 0 : i32
    %ne3A_152 = vector.broadcast %ne3A_151 : i32 to vector<16xi32>
    %ne3A_153 = arith.cmpi ne, %rem3A_150, %ne3A_152 : vector<16xi32>
    %and3A_154 = arith.andi %ne3A_148, %ne3A_153 : vector<16xi1>
    %sub3A_155 = arith.constant 1 : i32
    %sub3A_156 = vector.broadcast %sub3A_155 : i32 to vector<16xi32>
    %sub3A_157 = arith.subi %div3A_130, %sub3A_156 : vector<16xi32>
    %select_n3A_158 = arith.select %and3A_154, %sub3A_157, %div3A_130 : vector<16xi1>, vector<16xi32>
    %add3A_159 = arith.constant 48 : i32
    %add3A_160 = vector.broadcast %add3A_159 : i32 to vector<16xi32>
    %add3A_161 = arith.addi %iota3A, %add3A_160 : vector<16xi32>
    %jit3A_162 = arith.constant 32 : i32
    %eq3A_163 = arith.constant 0 : i32
    %eq3A_164 = arith.cmpi eq, %jit3A_162, %eq3A_163 : i32
    %jit3A_165 = arith.constant 1 : i32
    %select_n3A_166 = arith.select %eq3A_164, %jit3A_165, %jit3A_162 : i32
    %rem3A_167 = vector.broadcast %select_n3A_166 : i32 to vector<16xi32>
    %rem3A_168 = arith.remsi %add3A_161, %rem3A_167 : vector<16xi32>
    %ne3A_169 = arith.constant 0 : i32
    %ne3A_170 = vector.broadcast %ne3A_169 : i32 to vector<16xi32>
    %ne3A_171 = arith.cmpi ne, %rem3A_168, %ne3A_170 : vector<16xi32>
    %lt3A_172 = arith.constant 0 : i32
    %lt3A_173 = vector.broadcast %lt3A_172 : i32 to vector<16xi32>
    %lt3A_174 = arith.cmpi slt, %rem3A_168, %lt3A_173 : vector<16xi32>
    %lt3A_175 = arith.constant 0 : i32
    %lt3A_176 = arith.cmpi slt, %select_n3A_166, %lt3A_175 : i32
    %ne3A_177 = vector.broadcast %lt3A_176 : i1 to vector<16xi1>
    %ne3A_178 = vector.broadcast %ne3A_177 : vector<16xi1> to vector<16xi1>
    %ne3A_179 = arith.xori %lt3A_174, %ne3A_178 : vector<16xi1>
    %and3A_180 = arith.andi %ne3A_179, %ne3A_171 : vector<16xi1>
    %add3A_181 = vector.broadcast %select_n3A_166 : i32 to vector<16xi32>
    %add3A_182 = arith.addi %rem3A_168, %add3A_181 : vector<16xi32>
    %select_n3A_183 = arith.select %and3A_180, %add3A_182, %rem3A_168 : vector<16xi1>, vector<16xi32>
    %jit3A_184 = arith.constant 32 : i32
    %div3A_185 = vector.broadcast %jit3A_184 : i32 to vector<16xi32>
    %div3A_186 = arith.divsi %add3A_161, %div3A_185 : vector<16xi32>
    %sign3A_187 = arith.constant 0 : i32
    %sign3A_188 = vector.broadcast %sign3A_187 : i32 to vector<16xi32>
    %sign3A_189 = arith.cmpi sgt, %add3A_161, %sign3A_188 : vector<16xi32>
    %sign3A_190 = arith.extui %sign3A_189 : vector<16xi1> to vector<16xi32>
    %sign3A_191 = arith.constant 0 : i32
    %sign3A_192 = vector.broadcast %sign3A_191 : i32 to vector<16xi32>
    %sign3A_193 = arith.cmpi slt, %add3A_161, %sign3A_192 : vector<16xi32>
    %sign3A_194 = arith.extui %sign3A_193 : vector<16xi1> to vector<16xi32>
    %sign3A_195 = arith.subi %sign3A_190, %sign3A_194 : vector<16xi32>
    %sign3A_196 = arith.constant 0 : i32
    %sign3A_197 = arith.cmpi sgt, %jit3A_184, %sign3A_196 : i32
    %sign3A_198 = arith.extui %sign3A_197 : i1 to i32
    %sign3A_199 = arith.constant 0 : i32
    %sign3A_200 = arith.cmpi slt, %jit3A_184, %sign3A_199 : i32
    %sign3A_201 = arith.extui %sign3A_200 : i1 to i32
    %sign3A_202 = arith.subi %sign3A_198, %sign3A_201 : i32
    %ne3A_203 = vector.broadcast %sign3A_202 : i32 to vector<16xi32>
    %ne3A_204 = arith.cmpi ne, %sign3A_195, %ne3A_203 : vector<16xi32>
    %rem3A_205 = vector.broadcast %jit3A_184 : i32 to vector<16xi32>
    %rem3A_206 = arith.remsi %add3A_161, %rem3A_205 : vector<16xi32>
    %ne3A_207 = arith.constant 0 : i32
    %ne3A_208 = vector.broadcast %ne3A_207 : i32 to vector<16xi32>
    %ne3A_209 = arith.cmpi ne, %rem3A_206, %ne3A_208 : vector<16xi32>
    %and3A_210 = arith.andi %ne3A_204, %ne3A_209 : vector<16xi1>
    %sub3A_211 = arith.constant 1 : i32
    %sub3A_212 = vector.broadcast %sub3A_211 : i32 to vector<16xi32>
    %sub3A_213 = arith.subi %div3A_186, %sub3A_212 : vector<16xi32>
    %select_n3A_214 = arith.select %and3A_210, %sub3A_213, %div3A_186 : vector<16xi1>, vector<16xi32>
    %jit3A_215 = arith.constant true
    %jit3A_216 = arith.constant 0 : i32
    %jit3A_217 = arith.constant -72 : i32
    %select_n3A_218 = arith.select %jit3A_215, %jit3A_216, %jit3A_217 : i32
    %jit3A_219 = arith.constant true
    %jit3A_220 = arith.constant 0 : i32
    %jit3A_221 = arith.constant 0 : i32
    %select_n3A_222 = arith.select %jit3A_219, %jit3A_220, %jit3A_221 : i32
    %mul3A_223 = arith.constant 32 : i32
    %mul3A_224 = arith.muli %select_n3A_218, %mul3A_223 : i32
    %add3A_225 = arith.addi %mul3A_224, %add3A : i32
    %jit3A_226 = arith.constant 128 : i32
    %div3A_227 = arith.divsi %add3A_225, %jit3A_226 : i32
    %sign3A_228 = arith.constant 0 : i32
    %sign3A_229 = arith.cmpi sgt, %add3A_225, %sign3A_228 : i32
    %sign3A_230 = arith.extui %sign3A_229 : i1 to i32
    %sign3A_231 = arith.constant 0 : i32
    %sign3A_232 = arith.cmpi slt, %add3A_225, %sign3A_231 : i32
    %sign3A_233 = arith.extui %sign3A_232 : i1 to i32
    %sign3A_234 = arith.subi %sign3A_230, %sign3A_233 : i32
    %sign3A_235 = arith.constant 0 : i32
    %sign3A_236 = arith.cmpi sgt, %jit3A_226, %sign3A_235 : i32
    %sign3A_237 = arith.extui %sign3A_236 : i1 to i32
    %sign3A_238 = arith.constant 0 : i32
    %sign3A_239 = arith.cmpi slt, %jit3A_226, %sign3A_238 : i32
    %sign3A_240 = arith.extui %sign3A_239 : i1 to i32
    %sign3A_241 = arith.subi %sign3A_237, %sign3A_240 : i32
    %ne3A_242 = arith.cmpi ne, %sign3A_234, %sign3A_241 : i32
    %rem3A_243 = arith.remsi %add3A_225, %jit3A_226 : i32
    %ne3A_244 = arith.constant 0 : i32
    %ne3A_245 = arith.cmpi ne, %rem3A_243, %ne3A_244 : i32
    %and3A_246 = arith.andi %ne3A_242, %ne3A_245 : i1
    %sub3A_247 = arith.constant 1 : i32
    %sub3A_248 = arith.subi %div3A_227, %sub3A_247 : i32
    %select_n3A_249 = arith.select %and3A_246, %sub3A_248, %div3A_227 : i32
    %mul3A_250 = arith.constant 8 : i32
    %mul3A_251 = arith.muli %select_n3A_249, %mul3A_250 : i32
    %jit3A_252 = arith.constant 128 : i32
    %eq3A_253 = arith.constant 0 : i32
    %eq3A_254 = arith.cmpi eq, %jit3A_252, %eq3A_253 : i32
    %jit3A_255 = arith.constant 1 : i32
    %select_n3A_256 = arith.select %eq3A_254, %jit3A_255, %jit3A_252 : i32
    %rem3A_257 = arith.remsi %add3A_225, %select_n3A_256 : i32
    %ne3A_258 = arith.constant 0 : i32
    %ne3A_259 = arith.cmpi ne, %rem3A_257, %ne3A_258 : i32
    %lt3A_260 = arith.constant 0 : i32
    %lt3A_261 = arith.cmpi slt, %rem3A_257, %lt3A_260 : i32
    %lt3A_262 = arith.constant 0 : i32
    %lt3A_263 = arith.cmpi slt, %select_n3A_256, %lt3A_262 : i32
    %ne3A_264 = arith.xori %lt3A_261, %lt3A_263 : i1
    %and3A_265 = arith.andi %ne3A_264, %ne3A_259 : i1
    %add3A_266 = arith.addi %rem3A_257, %select_n3A_256 : i32
    %select_n3A_267 = arith.select %and3A_265, %add3A_266, %rem3A_257 : i32
    %eq3A_268 = arith.constant 0 : i32
    %eq3A_269 = arith.cmpi eq, %select_n3A_222, %eq3A_268 : i32
    %convert_element_type3A = arith.extui %eq3A_269 : i1 to i32
    %cond3A = arith.constant 0 : i32
    %cond3A_270 = arith.cmpi ne, %convert_element_type3A, %cond3A : i32
    scf.if %cond3A_270 {
      %mul3A_1162 = arith.constant 128 : i32
      %mul3A_1163 = arith.muli %select_n3A_267, %mul3A_1162 : i32
      "tpu.region"() ({
        %run_scoped3A = tpu.sem_alloc : memref<!tpu.dma_semaphore, #tpu.memory_space<semaphore_mem>>
        %dma_start3A_1164 = tpu.memref_slice %arg2[%mul3A_251, %mul3A_1163] : memref<56x16384xi32, #tpu.memory_space<hbm>> -> memref<8x128xi32, #tpu.memory_space<hbm>>
        %dma_start3A_1165 = tpu.memref_slice %arg2[%mul3A_251, %mul3A_1163] : memref<56x16384xi32, #tpu.memory_space<hbm>> -> memref<8x128xi32, #tpu.memory_space<hbm>>
        tpu.enqueue_dma source(%dma_start3A_1165 : memref<8x128xi32, #tpu.memory_space<hbm>>) target(%arg5 : memref<8x128xi32, #tpu.memory_space<vmem>>) target_semaphore(%run_scoped3A : memref<!tpu.dma_semaphore, #tpu.memory_space<semaphore_mem>>)
        %dma_wait3A_1166 = tpu.memref_slice %arg2[%mul3A_251, %mul3A_1163] : memref<56x16384xi32, #tpu.memory_space<hbm>> -> memref<8x128xi32, #tpu.memory_space<hbm>>
        %dma_wait3A_1167 = tpu.memref_slice %arg2[%mul3A_251, %mul3A_1163] : memref<56x16384xi32, #tpu.memory_space<hbm>> -> memref<8x128xi32, #tpu.memory_space<hbm>>
        tpu.wait_dma2 semaphore(%run_scoped3A : memref<!tpu.dma_semaphore, #tpu.memory_space<semaphore_mem>>) src(%dma_wait3A_1167 : memref<8x128xi32, #tpu.memory_space<hbm>>) dst(%arg5 : memref<8x128xi32, #tpu.memory_space<vmem>>)
        tpu.yield
      }) : () -> ()
    } else {
    }
    %get3A = arith.index_cast %select_n3A_222 : i32 to index
    %get3A_271 = arith.constant 0 : index
    %get3A_272 = tpu.vector_load %arg5[%get3A, %get3A_271] {strides = array<i32>} : memref<8x128xi32, #tpu.memory_space<vmem>>, vector<16xi32>,
    %shift_right_logical3A = arith.constant 13 : i32
    %shift_right_logical3A_273 = vector.broadcast %shift_right_logical3A : i32 to vector<16xi32>
    %shift_right_logical3A_274 = arith.shrui %get3A_272, %shift_right_logical3A_273 : vector<16xi32>
    %shift_left3A = arith.constant 13 : i32
    %shift_left3A_275 = vector.broadcast %shift_left3A : i32 to vector<16xi32>
    %shift_left3A_276 = arith.shli %shift_right_logical3A_274, %shift_left3A_275 : vector<16xi32>
    %and3A_277 = arith.constant 4095 : i32
    %and3A_278 = vector.broadcast %and3A_277 : i32 to vector<16xi32>
    %and3A_279 = arith.andi %get3A_272, %and3A_278 : vector<16xi32>
    %shift_left3A_280 = arith.constant 1 : i32
    %shift_left3A_281 = vector.broadcast %shift_left3A_280 : i32 to vector<16xi32>
    %shift_left3A_282 = arith.shli %and3A_279, %shift_left3A_281 : vector<16xi32>
    %or3A = arith.ori %shift_left3A_276, %shift_left3A_282 : vector<16xi32>
    %shift_right_logical3A_283 = arith.constant 12 : i32
    %shift_right_logical3A_284 = vector.broadcast %shift_right_logical3A_283 : i32 to vector<16xi32>
    %shift_right_logical3A_285 = arith.shrui %get3A_272, %shift_right_logical3A_284 : vector<16xi32>
    %and3A_286 = arith.constant 1 : i32
    %and3A_287 = vector.broadcast %and3A_286 : i32 to vector<16xi32>
    %and3A_288 = arith.andi %shift_right_logical3A_285, %and3A_287 : vector<16xi32>
    %or3A_289 = arith.ori %or3A, %and3A_288 : vector<16xi32>
    %swap3A = arith.constant 0 : i32
    %swap3A_290 = arith.index_cast %swap3A : i32 to index
    %swap3A_291 = arith.constant 0 : index
    %swap3A_292 = tpu.vector_load %arg6[%swap3A_290, %swap3A_291] {strides = array<i32>} : memref<4x128xi32, #tpu.memory_space<vmem>>, vector<16xi32>,
    tpu.vector_store %arg6[%swap3A_290, %swap3A_291], %or3A_289 {strides = array<i32>} : memref<4x128xi32, #tpu.memory_space<vmem>>, vector<16xi32>,
    %get3A_293 = arith.index_cast %select_n3A_222 : i32 to index
    %get3A_294 = arith.constant 16 : index
    %get3A_295 = tpu.vector_load %arg5[%get3A_293, %get3A_294] {strides = array<i32>} : memref<8x128xi32, #tpu.memory_space<vmem>>, vector<16xi32>,
    %shift_right_logical3A_296 = arith.constant 13 : i32
    %shift_right_logical3A_297 = vector.broadcast %shift_right_logical3A_296 : i32 to vector<16xi32>
    %shift_right_logical3A_298 = arith.shrui %get3A_295, %shift_right_logical3A_297 : vector<16xi32>
    %shift_left3A_299 = arith.constant 13 : i32
    %shift_left3A_300 = vector.broadcast %shift_left3A_299 : i32 to vector<16xi32>
    %shift_left3A_301 = arith.shli %shift_right_logical3A_298, %shift_left3A_300 : vector<16xi32>
    %and3A_302 = arith.constant 4095 : i32
    %and3A_303 = vector.broadcast %and3A_302 : i32 to vector<16xi32>
    %and3A_304 = arith.andi %get3A_295, %and3A_303 : vector<16xi32>
    %shift_left3A_305 = arith.constant 1 : i32
    %shift_left3A_306 = vector.broadcast %shift_left3A_305 : i32 to vector<16xi32>
    %shift_left3A_307 = arith.shli %and3A_304, %shift_left3A_306 : vector<16xi32>
    %or3A_308 = arith.ori %shift_left3A_301, %shift_left3A_307 : vector<16xi32>
    %shift_right_logical3A_309 = arith.constant 12 : i32
    %shift_right_logical3A_310 = vector.broadcast %shift_right_logical3A_309 : i32 to vector<16xi32>
    %shift_right_logical3A_311 = arith.shrui %get3A_295, %shift_right_logical3A_310 : vector<16xi32>
    %and3A_312 = arith.constant 1 : i32
    %and3A_313 = vector.broadcast %and3A_312 : i32 to vector<16xi32>
    %and3A_314 = arith.andi %shift_right_logical3A_311, %and3A_313 : vector<16xi32>
    %or3A_315 = arith.ori %or3A_308, %and3A_314 : vector<16xi32>
    %swap3A_316 = arith.constant 0 : i32
    %swap3A_317 = arith.index_cast %swap3A_316 : i32 to index
    %swap3A_318 = arith.constant 16 : index
    %swap3A_319 = tpu.vector_load %arg6[%swap3A_317, %swap3A_318] {strides = array<i32>} : memref<4x128xi32, #tpu.memory_space<vmem>>, vector<16xi32>,
    tpu.vector_store %arg6[%swap3A_317, %swap3A_318], %or3A_315 {strides = array<i32>} : memref<4x128xi32, #tpu.memory_space<vmem>>, vector<16xi32>,
    %get3A_320 = arith.index_cast %select_n3A_222 : i32 to index
    %get3A_321 = arith.constant 32 : index
    %get3A_322 = tpu.vector_load %arg5[%get3A_320, %get3A_321] {strides = array<i32>} : memref<8x128xi32, #tpu.memory_space<vmem>>, vector<16xi32>,
    %shift_right_logical3A_323 = arith.constant 13 : i32
    %shift_right_logical3A_324 = vector.broadcast %shift_right_logical3A_323 : i32 to vector<16xi32>
    %shift_right_logical3A_325 = arith.shrui %get3A_322, %shift_right_logical3A_324 : vector<16xi32>
    %shift_left3A_326 = arith.constant 13 : i32
    %shift_left3A_327 = vector.broadcast %shift_left3A_326 : i32 to vector<16xi32>
    %shift_left3A_328 = arith.shli %shift_right_logical3A_325, %shift_left3A_327 : vector<16xi32>
    %and3A_329 = arith.constant 4095 : i32
    %and3A_330 = vector.broadcast %and3A_329 : i32 to vector<16xi32>
    %and3A_331 = arith.andi %get3A_322, %and3A_330 : vector<16xi32>
    %shift_left3A_332 = arith.constant 1 : i32
    %shift_left3A_333 = vector.broadcast %shift_left3A_332 : i32 to vector<16xi32>
    %shift_left3A_334 = arith.shli %and3A_331, %shift_left3A_333 : vector<16xi32>
    %or3A_335 = arith.ori %shift_left3A_328, %shift_left3A_334 : vector<16xi32>
    %shift_right_logical3A_336 = arith.constant 12 : i32
    %shift_right_logical3A_337 = vector.broadcast %shift_right_logical3A_336 : i32 to vector<16xi32>
    %shift_right_logical3A_338 = arith.shrui %get3A_322, %shift_right_logical3A_337 : vector<16xi32>
    %and3A_339 = arith.constant 1 : i32
    %and3A_340 = vector.broadcast %and3A_339 : i32 to vector<16xi32>
    %and3A_341 = arith.andi %shift_right_logical3A_338, %and3A_340 : vector<16xi32>
    %or3A_342 = arith.ori %or3A_335, %and3A_341 : vector<16xi32>
    %swap3A_343 = arith.constant 0 : i32
    %swap3A_344 = arith.index_cast %swap3A_343 : i32 to index
    %swap3A_345 = arith.constant 32 : index
    %swap3A_346 = tpu.vector_load %arg6[%swap3A_344, %swap3A_345] {strides = array<i32>} : memref<4x128xi32, #tpu.memory_space<vmem>>, vector<16xi32>,
    tpu.vector_store %arg6[%swap3A_344, %swap3A_345], %or3A_342 {strides = array<i32>} : memref<4x128xi32, #tpu.memory_space<vmem>>, vector<16xi32>,
    %get3A_347 = arith.index_cast %select_n3A_222 : i32 to index
    %get3A_348 = arith.constant 48 : index
    %get3A_349 = tpu.vector_load %arg5[%get3A_347, %get3A_348] {strides = array<i32>} : memref<8x128xi32, #tpu.memory_space<vmem>>, vector<16xi32>,
    %shift_right_logical3A_350 = arith.constant 13 : i32
    %shift_right_logical3A_351 = vector.broadcast %shift_right_logical3A_350 : i32 to vector<16xi32>
    %shift_right_logical3A_352 = arith.shrui %get3A_349, %shift_right_logical3A_351 : vector<16xi32>
    %shift_left3A_353 = arith.constant 13 : i32
    %shift_left3A_354 = vector.broadcast %shift_left3A_353 : i32 to vector<16xi32>
    %shift_left3A_355 = arith.shli %shift_right_logical3A_352, %shift_left3A_354 : vector<16xi32>
    %and3A_356 = arith.constant 4095 : i32
    %and3A_357 = vector.broadcast %and3A_356 : i32 to vector<16xi32>
    %and3A_358 = arith.andi %get3A_349, %and3A_357 : vector<16xi32>
    %shift_left3A_359 = arith.constant 1 : i32
    %shift_left3A_360 = vector.broadcast %shift_left3A_359 : i32 to vector<16xi32>
    %shift_left3A_361 = arith.shli %and3A_358, %shift_left3A_360 : vector<16xi32>
    %or3A_362 = arith.ori %shift_left3A_355, %shift_left3A_361 : vector<16xi32>
    %shift_right_logical3A_363 = arith.constant 12 : i32
    %shift_right_logical3A_364 = vector.broadcast %shift_right_logical3A_363 : i32 to vector<16xi32>
    %shift_right_logical3A_365 = arith.shrui %get3A_349, %shift_right_logical3A_364 : vector<16xi32>
    %and3A_366 = arith.constant 1 : i32
    %and3A_367 = vector.broadcast %and3A_366 : i32 to vector<16xi32>
    %and3A_368 = arith.andi %shift_right_logical3A_365, %and3A_367 : vector<16xi32>
    %or3A_369 = arith.ori %or3A_362, %and3A_368 : vector<16xi32>
    %swap3A_370 = arith.constant 0 : i32
    %swap3A_371 = arith.index_cast %swap3A_370 : i32 to index
    %swap3A_372 = arith.constant 48 : index
    %swap3A_373 = tpu.vector_load %arg6[%swap3A_371, %swap3A_372] {strides = array<i32>} : memref<4x128xi32, #tpu.memory_space<vmem>>, vector<16xi32>,
    tpu.vector_store %arg6[%swap3A_371, %swap3A_372], %or3A_369 {strides = array<i32>} : memref<4x128xi32, #tpu.memory_space<vmem>>, vector<16xi32>,
    %get3A_374 = arith.index_cast %select_n3A_222 : i32 to index
    %get3A_375 = arith.constant 64 : index
    %get3A_376 = tpu.vector_load %arg5[%get3A_374, %get3A_375] {strides = array<i32>} : memref<8x128xi32, #tpu.memory_space<vmem>>, vector<16xi32>,
    %shift_right_logical3A_377 = arith.constant 13 : i32
    %shift_right_logical3A_378 = vector.broadcast %shift_right_logical3A_377 : i32 to vector<16xi32>
    %shift_right_logical3A_379 = arith.shrui %get3A_376, %shift_right_logical3A_378 : vector<16xi32>
    %shift_left3A_380 = arith.constant 13 : i32
    %shift_left3A_381 = vector.broadcast %shift_left3A_380 : i32 to vector<16xi32>
    %shift_left3A_382 = arith.shli %shift_right_logical3A_379, %shift_left3A_381 : vector<16xi32>
    %and3A_383 = arith.constant 4095 : i32
    %and3A_384 = vector.broadcast %and3A_383 : i32 to vector<16xi32>
    %and3A_385 = arith.andi %get3A_376, %and3A_384 : vector<16xi32>
    %shift_left3A_386 = arith.constant 1 : i32
    %shift_left3A_387 = vector.broadcast %shift_left3A_386 : i32 to vector<16xi32>
    %shift_left3A_388 = arith.shli %and3A_385, %shift_left3A_387 : vector<16xi32>
    %or3A_389 = arith.ori %shift_left3A_382, %shift_left3A_388 : vector<16xi32>
    %shift_right_logical3A_390 = arith.constant 12 : i32
    %shift_right_logical3A_391 = vector.broadcast %shift_right_logical3A_390 : i32 to vector<16xi32>
    %shift_right_logical3A_392 = arith.shrui %get3A_376, %shift_right_logical3A_391 : vector<16xi32>
    %and3A_393 = arith.constant 1 : i32
    %and3A_394 = vector.broadcast %and3A_393 : i32 to vector<16xi32>
    %and3A_395 = arith.andi %shift_right_logical3A_392, %and3A_394 : vector<16xi32>
    %or3A_396 = arith.ori %or3A_389, %and3A_395 : vector<16xi32>
    %swap3A_397 = arith.constant 0 : i32
    %swap3A_398 = arith.index_cast %swap3A_397 : i32 to index
    %swap3A_399 = arith.constant 64 : index
    %swap3A_400 = tpu.vector_load %arg6[%swap3A_398, %swap3A_399] {strides = array<i32>} : memref<4x128xi32, #tpu.memory_space<vmem>>, vector<16xi32>,
    tpu.vector_store %arg6[%swap3A_398, %swap3A_399], %or3A_396 {strides = array<i32>} : memref<4x128xi32, #tpu.memory_space<vmem>>, vector<16xi32>,
    %get3A_401 = arith.index_cast %select_n3A_222 : i32 to index
    %get3A_402 = arith.constant 80 : index
    %get3A_403 = tpu.vector_load %arg5[%get3A_401, %get3A_402] {strides = array<i32>} : memref<8x128xi32, #tpu.memory_space<vmem>>, vector<16xi32>,
    %shift_right_logical3A_404 = arith.constant 13 : i32
    %shift_right_logical3A_405 = vector.broadcast %shift_right_logical3A_404 : i32 to vector<16xi32>
    %shift_right_logical3A_406 = arith.shrui %get3A_403, %shift_right_logical3A_405 : vector<16xi32>
    %shift_left3A_407 = arith.constant 13 : i32
    %shift_left3A_408 = vector.broadcast %shift_left3A_407 : i32 to vector<16xi32>
    %shift_left3A_409 = arith.shli %shift_right_logical3A_406, %shift_left3A_408 : vector<16xi32>
    %and3A_410 = arith.constant 4095 : i32
    %and3A_411 = vector.broadcast %and3A_410 : i32 to vector<16xi32>
    %and3A_412 = arith.andi %get3A_403, %and3A_411 : vector<16xi32>
    %shift_left3A_413 = arith.constant 1 : i32
    %shift_left3A_414 = vector.broadcast %shift_left3A_413 : i32 to vector<16xi32>
    %shift_left3A_415 = arith.shli %and3A_412, %shift_left3A_414 : vector<16xi32>
    %or3A_416 = arith.ori %shift_left3A_409, %shift_left3A_415 : vector<16xi32>
    %shift_right_logical3A_417 = arith.constant 12 : i32
    %shift_right_logical3A_418 = vector.broadcast %shift_right_logical3A_417 : i32 to vector<16xi32>
    %shift_right_logical3A_419 = arith.shrui %get3A_403, %shift_right_logical3A_418 : vector<16xi32>
    %and3A_420 = arith.constant 1 : i32
    %and3A_421 = vector.broadcast %and3A_420 : i32 to vector<16xi32>
    %and3A_422 = arith.andi %shift_right_logical3A_419, %and3A_421 : vector<16xi32>
    %or3A_423 = arith.ori %or3A_416, %and3A_422 : vector<16xi32>
    %swap3A_424 = arith.constant 0 : i32
    %swap3A_425 = arith.index_cast %swap3A_424 : i32 to index
    %swap3A_426 = arith.constant 80 : index
    %swap3A_427 = tpu.vector_load %arg6[%swap3A_425, %swap3A_426] {strides = array<i32>} : memref<4x128xi32, #tpu.memory_space<vmem>>, vector<16xi32>,
    tpu.vector_store %arg6[%swap3A_425, %swap3A_426], %or3A_423 {strides = array<i32>} : memref<4x128xi32, #tpu.memory_space<vmem>>, vector<16xi32>,
    %get3A_428 = arith.index_cast %select_n3A_222 : i32 to index
    %get3A_429 = arith.constant 96 : index
    %get3A_430 = tpu.vector_load %arg5[%get3A_428, %get3A_429] {strides = array<i32>} : memref<8x128xi32, #tpu.memory_space<vmem>>, vector<16xi32>,
    %shift_right_logical3A_431 = arith.constant 13 : i32
    %shift_right_logical3A_432 = vector.broadcast %shift_right_logical3A_431 : i32 to vector<16xi32>
    %shift_right_logical3A_433 = arith.shrui %get3A_430, %shift_right_logical3A_432 : vector<16xi32>
    %shift_left3A_434 = arith.constant 13 : i32
    %shift_left3A_435 = vector.broadcast %shift_left3A_434 : i32 to vector<16xi32>
    %shift_left3A_436 = arith.shli %shift_right_logical3A_433, %shift_left3A_435 : vector<16xi32>
    %and3A_437 = arith.constant 4095 : i32
    %and3A_438 = vector.broadcast %and3A_437 : i32 to vector<16xi32>
    %and3A_439 = arith.andi %get3A_430, %and3A_438 : vector<16xi32>
    %shift_left3A_440 = arith.constant 1 : i32
    %shift_left3A_441 = vector.broadcast %shift_left3A_440 : i32 to vector<16xi32>
    %shift_left3A_442 = arith.shli %and3A_439, %shift_left3A_441 : vector<16xi32>
    %or3A_443 = arith.ori %shift_left3A_436, %shift_left3A_442 : vector<16xi32>
    %shift_right_logical3A_444 = arith.constant 12 : i32
    %shift_right_logical3A_445 = vector.broadcast %shift_right_logical3A_444 : i32 to vector<16xi32>
    %shift_right_logical3A_446 = arith.shrui %get3A_430, %shift_right_logical3A_445 : vector<16xi32>
    %and3A_447 = arith.constant 1 : i32
    %and3A_448 = vector.broadcast %and3A_447 : i32 to vector<16xi32>
    %and3A_449 = arith.andi %shift_right_logical3A_446, %and3A_448 : vector<16xi32>
    %or3A_450 = arith.ori %or3A_443, %and3A_449 : vector<16xi32>
    %swap3A_451 = arith.constant 0 : i32
    %swap3A_452 = arith.index_cast %swap3A_451 : i32 to index
    %swap3A_453 = arith.constant 96 : index
    %swap3A_454 = tpu.vector_load %arg6[%swap3A_452, %swap3A_453] {strides = array<i32>} : memref<4x128xi32, #tpu.memory_space<vmem>>, vector<16xi32>,
    tpu.vector_store %arg6[%swap3A_452, %swap3A_453], %or3A_450 {strides = array<i32>} : memref<4x128xi32, #tpu.memory_space<vmem>>, vector<16xi32>,
    %get3A_455 = arith.index_cast %select_n3A_222 : i32 to index
    %get3A_456 = arith.constant 112 : index
    %get3A_457 = tpu.vector_load %arg5[%get3A_455, %get3A_456] {strides = array<i32>} : memref<8x128xi32, #tpu.memory_space<vmem>>, vector<16xi32>,
    %shift_right_logical3A_458 = arith.constant 13 : i32
    %shift_right_logical3A_459 = vector.broadcast %shift_right_logical3A_458 : i32 to vector<16xi32>
    %shift_right_logical3A_460 = arith.shrui %get3A_457, %shift_right_logical3A_459 : vector<16xi32>
    %shift_left3A_461 = arith.constant 13 : i32
    %shift_left3A_462 = vector.broadcast %shift_left3A_461 : i32 to vector<16xi32>
    %shift_left3A_463 = arith.shli %shift_right_logical3A_460, %shift_left3A_462 : vector<16xi32>
    %and3A_464 = arith.constant 4095 : i32
    %and3A_465 = vector.broadcast %and3A_464 : i32 to vector<16xi32>
    %and3A_466 = arith.andi %get3A_457, %and3A_465 : vector<16xi32>
    %shift_left3A_467 = arith.constant 1 : i32
    %shift_left3A_468 = vector.broadcast %shift_left3A_467 : i32 to vector<16xi32>
    %shift_left3A_469 = arith.shli %and3A_466, %shift_left3A_468 : vector<16xi32>
    %or3A_470 = arith.ori %shift_left3A_463, %shift_left3A_469 : vector<16xi32>
    %shift_right_logical3A_471 = arith.constant 12 : i32
    %shift_right_logical3A_472 = vector.broadcast %shift_right_logical3A_471 : i32 to vector<16xi32>
    %shift_right_logical3A_473 = arith.shrui %get3A_457, %shift_right_logical3A_472 : vector<16xi32>
    %and3A_474 = arith.constant 1 : i32
    %and3A_475 = vector.broadcast %and3A_474 : i32 to vector<16xi32>
    %and3A_476 = arith.andi %shift_right_logical3A_473, %and3A_475 : vector<16xi32>
    %or3A_477 = arith.ori %or3A_470, %and3A_476 : vector<16xi32>
    %swap3A_478 = arith.constant 0 : i32
    %swap3A_479 = arith.index_cast %swap3A_478 : i32 to index
    %swap3A_480 = arith.constant 112 : index
    %swap3A_481 = tpu.vector_load %arg6[%swap3A_479, %swap3A_480] {strides = array<i32>} : memref<4x128xi32, #tpu.memory_space<vmem>>, vector<16xi32>,
    tpu.vector_store %arg6[%swap3A_479, %swap3A_480], %or3A_477 {strides = array<i32>} : memref<4x128xi32, #tpu.memory_space<vmem>>, vector<16xi32>,
    %dma_start3A = arith.constant 0 : i32
    %dma_start3A_482 = arith.constant 0 : i32
    %dma_start3A_483 = arith.constant 0 : i32
    %dma_start3A_484 = arith.constant 0 : i32
    %dma_start3A_485 = tpu.memref_slice %arg7[%dma_start3A_482, %dma_start3A_483, %dma_start3A_484] : memref<4x128x64xf32, #tpu.memory_space<vmem>> -> memref<1x128x64xf32, #tpu.memory_space<vmem>>
    %dma_start3A_486 = tpu.memref_squeeze %dma_start3A_485 : memref<1x128x64xf32, #tpu.memory_space<vmem>> -> memref<128x64xf32, #tpu.memory_space<vmem>>
    %dma_start3A_487 = arith.constant 0 : i32
    %dma_start3A_488 = tpu.memref_slice %arg6[%dma_start3A, %dma_start3A_487] : memref<4x128xi32, #tpu.memory_space<vmem>> -> memref<1x128xi32, #tpu.memory_space<vmem>>
    %dma_start3A_489 = tpu.memref_squeeze %dma_start3A_488 : memref<1x128xi32, #tpu.memory_space<vmem>> -> memref<128xi32, #tpu.memory_space<vmem>>
    %dma_start3A_490 = arith.constant 0 : i32
    %dma_start3A_491 = arith.constant 0 : i32
    %dma_start3A_492 = tpu.memref_slice %arg3[%dma_start3A_490, %dma_start3A_491] : memref<1007616x64xf32, #tpu.memory_space<hbm>> -> memref<1007616x64xf32, #tpu.memory_space<hbm>>
    tpu.enqueue_indirect_dma source(%dma_start3A_492 : memref<1007616x64xf32, #tpu.memory_space<hbm>>) target(%dma_start3A_486 : memref<128x64xf32, #tpu.memory_space<vmem>>) offsets(%dma_start3A_489 : memref<128xi32, #tpu.memory_space<vmem>>) semaphore(%arg9 : memref<!tpu.dma_semaphore, #tpu.memory_space<semaphore_mem>>)
    %jit3A_493 = arith.constant true
    %jit3A_494 = arith.constant 0 : i32
    %jit3A_495 = arith.constant -72 : i32
    %select_n3A_496 = arith.select %jit3A_493, %jit3A_494, %jit3A_495 : i32
    %jit3A_497 = arith.constant true
    %jit3A_498 = arith.constant 1 : i32
    %jit3A_499 = arith.constant 1 : i32
    %select_n3A_500 = arith.select %jit3A_497, %jit3A_498, %jit3A_499 : i32
    %mul3A_501 = arith.constant 32 : i32
    %mul3A_502 = arith.muli %select_n3A_496, %mul3A_501 : i32
    %add3A_503 = arith.addi %mul3A_502, %add3A : i32
    %jit3A_504 = arith.constant 128 : i32
    %div3A_505 = arith.divsi %add3A_503, %jit3A_504 : i32
    %sign3A_506 = arith.constant 0 : i32
    %sign3A_507 = arith.cmpi sgt, %add3A_503, %sign3A_506 : i32
    %sign3A_508 = arith.extui %sign3A_507 : i1 to i32
    %sign3A_509 = arith.constant 0 : i32
    %sign3A_510 = arith.cmpi slt, %add3A_503, %sign3A_509 : i32
    %sign3A_511 = arith.extui %sign3A_510 : i1 to i32
    %sign3A_512 = arith.subi %sign3A_508, %sign3A_511 : i32
    %sign3A_513 = arith.constant 0 : i32
    %sign3A_514 = arith.cmpi sgt, %jit3A_504, %sign3A_513 : i32
    %sign3A_515 = arith.extui %sign3A_514 : i1 to i32
    %sign3A_516 = arith.constant 0 : i32
    %sign3A_517 = arith.cmpi slt, %jit3A_504, %sign3A_516 : i32
    %sign3A_518 = arith.extui %sign3A_517 : i1 to i32
    %sign3A_519 = arith.subi %sign3A_515, %sign3A_518 : i32
    %ne3A_520 = arith.cmpi ne, %sign3A_512, %sign3A_519 : i32
    %rem3A_521 = arith.remsi %add3A_503, %jit3A_504 : i32
    %ne3A_522 = arith.constant 0 : i32
    %ne3A_523 = arith.cmpi ne, %rem3A_521, %ne3A_522 : i32
    %and3A_524 = arith.andi %ne3A_520, %ne3A_523 : i1
    %sub3A_525 = arith.constant 1 : i32
    %sub3A_526 = arith.subi %div3A_505, %sub3A_525 : i32
    %select_n3A_527 = arith.select %and3A_524, %sub3A_526, %div3A_505 : i32
    %mul3A_528 = arith.constant 8 : i32
    %mul3A_529 = arith.muli %select_n3A_527, %mul3A_528 : i32
    %jit3A_530 = arith.constant 128 : i32
    %eq3A_531 = arith.constant 0 : i32
    %eq3A_532 = arith.cmpi eq, %jit3A_530, %eq3A_531 : i32
    %jit3A_533 = arith.constant 1 : i32
    %select_n3A_534 = arith.select %eq3A_532, %jit3A_533, %jit3A_530 : i32
    %rem3A_535 = arith.remsi %add3A_503, %select_n3A_534 : i32
    %ne3A_536 = arith.constant 0 : i32
    %ne3A_537 = arith.cmpi ne, %rem3A_535, %ne3A_536 : i32
    %lt3A_538 = arith.constant 0 : i32
    %lt3A_539 = arith.cmpi slt, %rem3A_535, %lt3A_538 : i32
    %lt3A_540 = arith.constant 0 : i32
    %lt3A_541 = arith.cmpi slt, %select_n3A_534, %lt3A_540 : i32
    %ne3A_542 = arith.xori %lt3A_539, %lt3A_541 : i1
    %and3A_543 = arith.andi %ne3A_542, %ne3A_537 : i1
    %add3A_544 = arith.addi %rem3A_535, %select_n3A_534 : i32
    %select_n3A_545 = arith.select %and3A_543, %add3A_544, %rem3A_535 : i32
    %eq3A_546 = arith.constant 0 : i32
    %eq3A_547 = arith.cmpi eq, %select_n3A_500, %eq3A_546 : i32
    %convert_element_type3A_548 = arith.extui %eq3A_547 : i1 to i32
    %cond3A_549 = arith.constant 0 : i32
    %cond3A_550 = arith.cmpi ne, %convert_element_type3A_548, %cond3A_549 : i32
    scf.if %cond3A_550 {
      %mul3A_1162 = arith.constant 128 : i32
      %mul3A_1163 = arith.muli %select_n3A_545, %mul3A_1162 : i32
      "tpu.region"() ({
        %run_scoped3A = tpu.sem_alloc : memref<!tpu.dma_semaphore, #tpu.memory_space<semaphore_mem>>
        %dma_start3A_1164 = tpu.memref_slice %arg2[%mul3A_529, %mul3A_1163] : memref<56x16384xi32, #tpu.memory_space<hbm>> -> memref<8x128xi32, #tpu.memory_space<hbm>>
        %dma_start3A_1165 = tpu.memref_slice %arg2[%mul3A_529, %mul3A_1163] : memref<56x16384xi32, #tpu.memory_space<hbm>> -> memref<8x128xi32, #tpu.memory_space<hbm>>
        tpu.enqueue_dma source(%dma_start3A_1165 : memref<8x128xi32, #tpu.memory_space<hbm>>) target(%arg5 : memref<8x128xi32, #tpu.memory_space<vmem>>) target_semaphore(%run_scoped3A : memref<!tpu.dma_semaphore, #tpu.memory_space<semaphore_mem>>)
        %dma_wait3A_1166 = tpu.memref_slice %arg2[%mul3A_529, %mul3A_1163] : memref<56x16384xi32, #tpu.memory_space<hbm>> -> memref<8x128xi32, #tpu.memory_space<hbm>>
        %dma_wait3A_1167 = tpu.memref_slice %arg2[%mul3A_529, %mul3A_1163] : memref<56x16384xi32, #tpu.memory_space<hbm>> -> memref<8x128xi32, #tpu.memory_space<hbm>>
        tpu.wait_dma2 semaphore(%run_scoped3A : memref<!tpu.dma_semaphore, #tpu.memory_space<semaphore_mem>>) src(%dma_wait3A_1167 : memref<8x128xi32, #tpu.memory_space<hbm>>) dst(%arg5 : memref<8x128xi32, #tpu.memory_space<vmem>>)
        tpu.yield
      }) : () -> ()
    } else {
    }
    %get3A_551 = arith.index_cast %select_n3A_500 : i32 to index
    %get3A_552 = arith.constant 0 : index
    %get3A_553 = tpu.vector_load %arg5[%get3A_551, %get3A_552] {strides = array<i32>} : memref<8x128xi32, #tpu.memory_space<vmem>>, vector<16xi32>,
    %shift_right_logical3A_554 = arith.constant 13 : i32
    %shift_right_logical3A_555 = vector.broadcast %shift_right_logical3A_554 : i32 to vector<16xi32>
    %shift_right_logical3A_556 = arith.shrui %get3A_553, %shift_right_logical3A_555 : vector<16xi32>
    %shift_left3A_557 = arith.constant 13 : i32
    %shift_left3A_558 = vector.broadcast %shift_left3A_557 : i32 to vector<16xi32>
    %shift_left3A_559 = arith.shli %shift_right_logical3A_556, %shift_left3A_558 : vector<16xi32>
    %and3A_560 = arith.constant 4095 : i32
    %and3A_561 = vector.broadcast %and3A_560 : i32 to vector<16xi32>
    %and3A_562 = arith.andi %get3A_553, %and3A_561 : vector<16xi32>
    %shift_left3A_563 = arith.constant 1 : i32
    %shift_left3A_564 = vector.broadcast %shift_left3A_563 : i32 to vector<16xi32>
    %shift_left3A_565 = arith.shli %and3A_562, %shift_left3A_564 : vector<16xi32>
    %or3A_566 = arith.ori %shift_left3A_559, %shift_left3A_565 : vector<16xi32>
    %shift_right_logical3A_567 = arith.constant 12 : i32
    %shift_right_logical3A_568 = vector.broadcast %shift_right_logical3A_567 : i32 to vector<16xi32>
    %shift_right_logical3A_569 = arith.shrui %get3A_553, %shift_right_logical3A_568 : vector<16xi32>
    %and3A_570 = arith.constant 1 : i32
    %and3A_571 = vector.broadcast %and3A_570 : i32 to vector<16xi32>
    %and3A_572 = arith.andi %shift_right_logical3A_569, %and3A_571 : vector<16xi32>
    %or3A_573 = arith.ori %or3A_566, %and3A_572 : vector<16xi32>
    %swap3A_574 = arith.constant 1 : i32
    %swap3A_575 = arith.index_cast %swap3A_574 : i32 to index
    %swap3A_576 = arith.constant 0 : index
    %swap3A_577 = tpu.vector_load %arg6[%swap3A_575, %swap3A_576] {strides = array<i32>} : memref<4x128xi32, #tpu.memory_space<vmem>>, vector<16xi32>,
    tpu.vector_store %arg6[%swap3A_575, %swap3A_576], %or3A_573 {strides = array<i32>} : memref<4x128xi32, #tpu.memory_space<vmem>>, vector<16xi32>,
    %get3A_578 = arith.index_cast %select_n3A_500 : i32 to index
    %get3A_579 = arith.constant 16 : index
    %get3A_580 = tpu.vector_load %arg5[%get3A_578, %get3A_579] {strides = array<i32>} : memref<8x128xi32, #tpu.memory_space<vmem>>, vector<16xi32>,
    %shift_right_logical3A_581 = arith.constant 13 : i32
    %shift_right_logical3A_582 = vector.broadcast %shift_right_logical3A_581 : i32 to vector<16xi32>
    %shift_right_logical3A_583 = arith.shrui %get3A_580, %shift_right_logical3A_582 : vector<16xi32>
    %shift_left3A_584 = arith.constant 13 : i32
    %shift_left3A_585 = vector.broadcast %shift_left3A_584 : i32 to vector<16xi32>
    %shift_left3A_586 = arith.shli %shift_right_logical3A_583, %shift_left3A_585 : vector<16xi32>
    %and3A_587 = arith.constant 4095 : i32
    %and3A_588 = vector.broadcast %and3A_587 : i32 to vector<16xi32>
    %and3A_589 = arith.andi %get3A_580, %and3A_588 : vector<16xi32>
    %shift_left3A_590 = arith.constant 1 : i32
    %shift_left3A_591 = vector.broadcast %shift_left3A_590 : i32 to vector<16xi32>
    %shift_left3A_592 = arith.shli %and3A_589, %shift_left3A_591 : vector<16xi32>
    %or3A_593 = arith.ori %shift_left3A_586, %shift_left3A_592 : vector<16xi32>
    %shift_right_logical3A_594 = arith.constant 12 : i32
    %shift_right_logical3A_595 = vector.broadcast %shift_right_logical3A_594 : i32 to vector<16xi32>
    %shift_right_logical3A_596 = arith.shrui %get3A_580, %shift_right_logical3A_595 : vector<16xi32>
    %and3A_597 = arith.constant 1 : i32
    %and3A_598 = vector.broadcast %and3A_597 : i32 to vector<16xi32>
    %and3A_599 = arith.andi %shift_right_logical3A_596, %and3A_598 : vector<16xi32>
    %or3A_600 = arith.ori %or3A_593, %and3A_599 : vector<16xi32>
    %swap3A_601 = arith.constant 1 : i32
    %swap3A_602 = arith.index_cast %swap3A_601 : i32 to index
    %swap3A_603 = arith.constant 16 : index
    %swap3A_604 = tpu.vector_load %arg6[%swap3A_602, %swap3A_603] {strides = array<i32>} : memref<4x128xi32, #tpu.memory_space<vmem>>, vector<16xi32>,
    tpu.vector_store %arg6[%swap3A_602, %swap3A_603], %or3A_600 {strides = array<i32>} : memref<4x128xi32, #tpu.memory_space<vmem>>, vector<16xi32>,
    %get3A_605 = arith.index_cast %select_n3A_500 : i32 to index
    %get3A_606 = arith.constant 32 : index
    %get3A_607 = tpu.vector_load %arg5[%get3A_605, %get3A_606] {strides = array<i32>} : memref<8x128xi32, #tpu.memory_space<vmem>>, vector<16xi32>,
    %shift_right_logical3A_608 = arith.constant 13 : i32
    %shift_right_logical3A_609 = vector.broadcast %shift_right_logical3A_608 : i32 to vector<16xi32>
    %shift_right_logical3A_610 = arith.shrui %get3A_607, %shift_right_logical3A_609 : vector<16xi32>
    %shift_left3A_611 = arith.constant 13 : i32
    %shift_left3A_612 = vector.broadcast %shift_left3A_611 : i32 to vector<16xi32>
    %shift_left3A_613 = arith.shli %shift_right_logical3A_610, %shift_left3A_612 : vector<16xi32>
    %and3A_614 = arith.constant 4095 : i32
    %and3A_615 = vector.broadcast %and3A_614 : i32 to vector<16xi32>
    %and3A_616 = arith.andi %get3A_607, %and3A_615 : vector<16xi32>
    %shift_left3A_617 = arith.constant 1 : i32
    %shift_left3A_618 = vector.broadcast %shift_left3A_617 : i32 to vector<16xi32>
    %shift_left3A_619 = arith.shli %and3A_616, %shift_left3A_618 : vector<16xi32>
    %or3A_620 = arith.ori %shift_left3A_613, %shift_left3A_619 : vector<16xi32>
    %shift_right_logical3A_621 = arith.constant 12 : i32
    %shift_right_logical3A_622 = vector.broadcast %shift_right_logical3A_621 : i32 to vector<16xi32>
    %shift_right_logical3A_623 = arith.shrui %get3A_607, %shift_right_logical3A_622 : vector<16xi32>
    %and3A_624 = arith.constant 1 : i32
    %and3A_625 = vector.broadcast %and3A_624 : i32 to vector<16xi32>
    %and3A_626 = arith.andi %shift_right_logical3A_623, %and3A_625 : vector<16xi32>
    %or3A_627 = arith.ori %or3A_620, %and3A_626 : vector<16xi32>
    %swap3A_628 = arith.constant 1 : i32
    %swap3A_629 = arith.index_cast %swap3A_628 : i32 to index
    %swap3A_630 = arith.constant 32 : index
    %swap3A_631 = tpu.vector_load %arg6[%swap3A_629, %swap3A_630] {strides = array<i32>} : memref<4x128xi32, #tpu.memory_space<vmem>>, vector<16xi32>,
    tpu.vector_store %arg6[%swap3A_629, %swap3A_630], %or3A_627 {strides = array<i32>} : memref<4x128xi32, #tpu.memory_space<vmem>>, vector<16xi32>,
    %get3A_632 = arith.index_cast %select_n3A_500 : i32 to index
    %get3A_633 = arith.constant 48 : index
    %get3A_634 = tpu.vector_load %arg5[%get3A_632, %get3A_633] {strides = array<i32>} : memref<8x128xi32, #tpu.memory_space<vmem>>, vector<16xi32>,
    %shift_right_logical3A_635 = arith.constant 13 : i32
    %shift_right_logical3A_636 = vector.broadcast %shift_right_logical3A_635 : i32 to vector<16xi32>
    %shift_right_logical3A_637 = arith.shrui %get3A_634, %shift_right_logical3A_636 : vector<16xi32>
    %shift_left3A_638 = arith.constant 13 : i32
    %shift_left3A_639 = vector.broadcast %shift_left3A_638 : i32 to vector<16xi32>
    %shift_left3A_640 = arith.shli %shift_right_logical3A_637, %shift_left3A_639 : vector<16xi32>
    %and3A_641 = arith.constant 4095 : i32
    %and3A_642 = vector.broadcast %and3A_641 : i32 to vector<16xi32>
    %and3A_643 = arith.andi %get3A_634, %and3A_642 : vector<16xi32>
    %shift_left3A_644 = arith.constant 1 : i32
    %shift_left3A_645 = vector.broadcast %shift_left3A_644 : i32 to vector<16xi32>
    %shift_left3A_646 = arith.shli %and3A_643, %shift_left3A_645 : vector<16xi32>
    %or3A_647 = arith.ori %shift_left3A_640, %shift_left3A_646 : vector<16xi32>
    %shift_right_logical3A_648 = arith.constant 12 : i32
    %shift_right_logical3A_649 = vector.broadcast %shift_right_logical3A_648 : i32 to vector<16xi32>
    %shift_right_logical3A_650 = arith.shrui %get3A_634, %shift_right_logical3A_649 : vector<16xi32>
    %and3A_651 = arith.constant 1 : i32
    %and3A_652 = vector.broadcast %and3A_651 : i32 to vector<16xi32>
    %and3A_653 = arith.andi %shift_right_logical3A_650, %and3A_652 : vector<16xi32>
    %or3A_654 = arith.ori %or3A_647, %and3A_653 : vector<16xi32>
    %swap3A_655 = arith.constant 1 : i32
    %swap3A_656 = arith.index_cast %swap3A_655 : i32 to index
    %swap3A_657 = arith.constant 48 : index
    %swap3A_658 = tpu.vector_load %arg6[%swap3A_656, %swap3A_657] {strides = array<i32>} : memref<4x128xi32, #tpu.memory_space<vmem>>, vector<16xi32>,
    tpu.vector_store %arg6[%swap3A_656, %swap3A_657], %or3A_654 {strides = array<i32>} : memref<4x128xi32, #tpu.memory_space<vmem>>, vector<16xi32>,
    %get3A_659 = arith.index_cast %select_n3A_500 : i32 to index
    %get3A_660 = arith.constant 64 : index
    %get3A_661 = tpu.vector_load %arg5[%get3A_659, %get3A_660] {strides = array<i32>} : memref<8x128xi32, #tpu.memory_space<vmem>>, vector<16xi32>,
    %shift_right_logical3A_662 = arith.constant 13 : i32
    %shift_right_logical3A_663 = vector.broadcast %shift_right_logical3A_662 : i32 to vector<16xi32>
    %shift_right_logical3A_664 = arith.shrui %get3A_661, %shift_right_logical3A_663 : vector<16xi32>
    %shift_left3A_665 = arith.constant 13 : i32
    %shift_left3A_666 = vector.broadcast %shift_left3A_665 : i32 to vector<16xi32>
    %shift_left3A_667 = arith.shli %shift_right_logical3A_664, %shift_left3A_666 : vector<16xi32>
    %and3A_668 = arith.constant 4095 : i32
    %and3A_669 = vector.broadcast %and3A_668 : i32 to vector<16xi32>
    %and3A_670 = arith.andi %get3A_661, %and3A_669 : vector<16xi32>
    %shift_left3A_671 = arith.constant 1 : i32
    %shift_left3A_672 = vector.broadcast %shift_left3A_671 : i32 to vector<16xi32>
    %shift_left3A_673 = arith.shli %and3A_670, %shift_left3A_672 : vector<16xi32>
    %or3A_674 = arith.ori %shift_left3A_667, %shift_left3A_673 : vector<16xi32>
    %shift_right_logical3A_675 = arith.constant 12 : i32
    %shift_right_logical3A_676 = vector.broadcast %shift_right_logical3A_675 : i32 to vector<16xi32>
    %shift_right_logical3A_677 = arith.shrui %get3A_661, %shift_right_logical3A_676 : vector<16xi32>
    %and3A_678 = arith.constant 1 : i32
    %and3A_679 = vector.broadcast %and3A_678 : i32 to vector<16xi32>
    %and3A_680 = arith.andi %shift_right_logical3A_677, %and3A_679 : vector<16xi32>
    %or3A_681 = arith.ori %or3A_674, %and3A_680 : vector<16xi32>
    %swap3A_682 = arith.constant 1 : i32
    %swap3A_683 = arith.index_cast %swap3A_682 : i32 to index
    %swap3A_684 = arith.constant 64 : index
    %swap3A_685 = tpu.vector_load %arg6[%swap3A_683, %swap3A_684] {strides = array<i32>} : memref<4x128xi32, #tpu.memory_space<vmem>>, vector<16xi32>,
    tpu.vector_store %arg6[%swap3A_683, %swap3A_684], %or3A_681 {strides = array<i32>} : memref<4x128xi32, #tpu.memory_space<vmem>>, vector<16xi32>,
    %get3A_686 = arith.index_cast %select_n3A_500 : i32 to index
    %get3A_687 = arith.constant 80 : index
    %get3A_688 = tpu.vector_load %arg5[%get3A_686, %get3A_687] {strides = array<i32>} : memref<8x128xi32, #tpu.memory_space<vmem>>, vector<16xi32>,
    %shift_right_logical3A_689 = arith.constant 13 : i32
    %shift_right_logical3A_690 = vector.broadcast %shift_right_logical3A_689 : i32 to vector<16xi32>
    %shift_right_logical3A_691 = arith.shrui %get3A_688, %shift_right_logical3A_690 : vector<16xi32>
    %shift_left3A_692 = arith.constant 13 : i32
    %shift_left3A_693 = vector.broadcast %shift_left3A_692 : i32 to vector<16xi32>
    %shift_left3A_694 = arith.shli %shift_right_logical3A_691, %shift_left3A_693 : vector<16xi32>
    %and3A_695 = arith.constant 4095 : i32
    %and3A_696 = vector.broadcast %and3A_695 : i32 to vector<16xi32>
    %and3A_697 = arith.andi %get3A_688, %and3A_696 : vector<16xi32>
    %shift_left3A_698 = arith.constant 1 : i32
    %shift_left3A_699 = vector.broadcast %shift_left3A_698 : i32 to vector<16xi32>
    %shift_left3A_700 = arith.shli %and3A_697, %shift_left3A_699 : vector<16xi32>
    %or3A_701 = arith.ori %shift_left3A_694, %shift_left3A_700 : vector<16xi32>
    %shift_right_logical3A_702 = arith.constant 12 : i32
    %shift_right_logical3A_703 = vector.broadcast %shift_right_logical3A_702 : i32 to vector<16xi32>
    %shift_right_logical3A_704 = arith.shrui %get3A_688, %shift_right_logical3A_703 : vector<16xi32>
    %and3A_705 = arith.constant 1 : i32
    %and3A_706 = vector.broadcast %and3A_705 : i32 to vector<16xi32>
    %and3A_707 = arith.andi %shift_right_logical3A_704, %and3A_706 : vector<16xi32>
    %or3A_708 = arith.ori %or3A_701, %and3A_707 : vector<16xi32>
    %swap3A_709 = arith.constant 1 : i32
    %swap3A_710 = arith.index_cast %swap3A_709 : i32 to index
    %swap3A_711 = arith.constant 80 : index
    %swap3A_712 = tpu.vector_load %arg6[%swap3A_710, %swap3A_711] {strides = array<i32>} : memref<4x128xi32, #tpu.memory_space<vmem>>, vector<16xi32>,
    tpu.vector_store %arg6[%swap3A_710, %swap3A_711], %or3A_708 {strides = array<i32>} : memref<4x128xi32, #tpu.memory_space<vmem>>, vector<16xi32>,
    %get3A_713 = arith.index_cast %select_n3A_500 : i32 to index
    %get3A_714 = arith.constant 96 : index
    %get3A_715 = tpu.vector_load %arg5[%get3A_713, %get3A_714] {strides = array<i32>} : memref<8x128xi32, #tpu.memory_space<vmem>>, vector<16xi32>,
    %shift_right_logical3A_716 = arith.constant 13 : i32
    %shift_right_logical3A_717 = vector.broadcast %shift_right_logical3A_716 : i32 to vector<16xi32>
    %shift_right_logical3A_718 = arith.shrui %get3A_715, %shift_right_logical3A_717 : vector<16xi32>
    %shift_left3A_719 = arith.constant 13 : i32
    %shift_left3A_720 = vector.broadcast %shift_left3A_719 : i32 to vector<16xi32>
    %shift_left3A_721 = arith.shli %shift_right_logical3A_718, %shift_left3A_720 : vector<16xi32>
    %and3A_722 = arith.constant 4095 : i32
    %and3A_723 = vector.broadcast %and3A_722 : i32 to vector<16xi32>
    %and3A_724 = arith.andi %get3A_715, %and3A_723 : vector<16xi32>
    %shift_left3A_725 = arith.constant 1 : i32
    %shift_left3A_726 = vector.broadcast %shift_left3A_725 : i32 to vector<16xi32>
    %shift_left3A_727 = arith.shli %and3A_724, %shift_left3A_726 : vector<16xi32>
    %or3A_728 = arith.ori %shift_left3A_721, %shift_left3A_727 : vector<16xi32>
    %shift_right_logical3A_729 = arith.constant 12 : i32
    %shift_right_logical3A_730 = vector.broadcast %shift_right_logical3A_729 : i32 to vector<16xi32>
    %shift_right_logical3A_731 = arith.shrui %get3A_715, %shift_right_logical3A_730 : vector<16xi32>
    %and3A_732 = arith.constant 1 : i32
    %and3A_733 = vector.broadcast %and3A_732 : i32 to vector<16xi32>
    %and3A_734 = arith.andi %shift_right_logical3A_731, %and3A_733 : vector<16xi32>
    %or3A_735 = arith.ori %or3A_728, %and3A_734 : vector<16xi32>
    %swap3A_736 = arith.constant 1 : i32
    %swap3A_737 = arith.index_cast %swap3A_736 : i32 to index
    %swap3A_738 = arith.constant 96 : index
    %swap3A_739 = tpu.vector_load %arg6[%swap3A_737, %swap3A_738] {strides = array<i32>} : memref<4x128xi32, #tpu.memory_space<vmem>>, vector<16xi32>,
    tpu.vector_store %arg6[%swap3A_737, %swap3A_738], %or3A_735 {strides = array<i32>} : memref<4x128xi32, #tpu.memory_space<vmem>>, vector<16xi32>,
    %get3A_740 = arith.index_cast %select_n3A_500 : i32 to index
    %get3A_741 = arith.constant 112 : index
    %get3A_742 = tpu.vector_load %arg5[%get3A_740, %get3A_741] {strides = array<i32>} : memref<8x128xi32, #tpu.memory_space<vmem>>, vector<16xi32>,
    %shift_right_logical3A_743 = arith.constant 13 : i32
    %shift_right_logical3A_744 = vector.broadcast %shift_right_logical3A_743 : i32 to vector<16xi32>
    %shift_right_logical3A_745 = arith.shrui %get3A_742, %shift_right_logical3A_744 : vector<16xi32>
    %shift_left3A_746 = arith.constant 13 : i32
    %shift_left3A_747 = vector.broadcast %shift_left3A_746 : i32 to vector<16xi32>
    %shift_left3A_748 = arith.shli %shift_right_logical3A_745, %shift_left3A_747 : vector<16xi32>
    %and3A_749 = arith.constant 4095 : i32
    %and3A_750 = vector.broadcast %and3A_749 : i32 to vector<16xi32>
    %and3A_751 = arith.andi %get3A_742, %and3A_750 : vector<16xi32>
    %shift_left3A_752 = arith.constant 1 : i32
    %shift_left3A_753 = vector.broadcast %shift_left3A_752 : i32 to vector<16xi32>
    %shift_left3A_754 = arith.shli %and3A_751, %shift_left3A_753 : vector<16xi32>
    %or3A_755 = arith.ori %shift_left3A_748, %shift_left3A_754 : vector<16xi32>
    %shift_right_logical3A_756 = arith.constant 12 : i32
    %shift_right_logical3A_757 = vector.broadcast %shift_right_logical3A_756 : i32 to vector<16xi32>
    %shift_right_logical3A_758 = arith.shrui %get3A_742, %shift_right_logical3A_757 : vector<16xi32>
    %and3A_759 = arith.constant 1 : i32
    %and3A_760 = vector.broadcast %and3A_759 : i32 to vector<16xi32>
    %and3A_761 = arith.andi %shift_right_logical3A_758, %and3A_760 : vector<16xi32>
    %or3A_762 = arith.ori %or3A_755, %and3A_761 : vector<16xi32>
    %swap3A_763 = arith.constant 1 : i32
    %swap3A_764 = arith.index_cast %swap3A_763 : i32 to index
    %swap3A_765 = arith.constant 112 : index
    %swap3A_766 = tpu.vector_load %arg6[%swap3A_764, %swap3A_765] {strides = array<i32>} : memref<4x128xi32, #tpu.memory_space<vmem>>, vector<16xi32>,
    tpu.vector_store %arg6[%swap3A_764, %swap3A_765], %or3A_762 {strides = array<i32>} : memref<4x128xi32, #tpu.memory_space<vmem>>, vector<16xi32>,
    %dma_start3A_767 = arith.constant 1 : i32
    %dma_start3A_768 = arith.constant 1 : i32
    %dma_start3A_769 = arith.constant 0 : i32
    %dma_start3A_770 = arith.constant 0 : i32
    %dma_start3A_771 = tpu.memref_slice %arg7[%dma_start3A_768, %dma_start3A_769, %dma_start3A_770] : memref<4x128x64xf32, #tpu.memory_space<vmem>> -> memref<1x128x64xf32, #tpu.memory_space<vmem>>
    %dma_start3A_772 = tpu.memref_squeeze %dma_start3A_771 : memref<1x128x64xf32, #tpu.memory_space<vmem>> -> memref<128x64xf32, #tpu.memory_space<vmem>>
    %dma_start3A_773 = arith.constant 0 : i32
    %dma_start3A_774 = tpu.memref_slice %arg6[%dma_start3A_767, %dma_start3A_773] : memref<4x128xi32, #tpu.memory_space<vmem>> -> memref<1x128xi32, #tpu.memory_space<vmem>>
    %dma_start3A_775 = tpu.memref_squeeze %dma_start3A_774 : memref<1x128xi32, #tpu.memory_space<vmem>> -> memref<128xi32, #tpu.memory_space<vmem>>
    %dma_start3A_776 = arith.constant 0 : i32
    %dma_start3A_777 = arith.constant 0 : i32
    %dma_start3A_778 = tpu.memref_slice %arg3[%dma_start3A_776, %dma_start3A_777] : memref<1007616x64xf32, #tpu.memory_space<hbm>> -> memref<1007616x64xf32, #tpu.memory_space<hbm>>
    tpu.enqueue_indirect_dma source(%dma_start3A_778 : memref<1007616x64xf32, #tpu.memory_space<hbm>>) target(%dma_start3A_772 : memref<128x64xf32, #tpu.memory_space<vmem>>) offsets(%dma_start3A_775 : memref<128xi32, #tpu.memory_space<vmem>>) semaphore(%arg10 : memref<!tpu.dma_semaphore, #tpu.memory_space<semaphore_mem>>)
    %jit3A_779 = arith.constant true
    %jit3A_780 = arith.constant 0 : i32
    %jit3A_781 = arith.constant -71 : i32
    %select_n3A_782 = arith.select %jit3A_779, %jit3A_780, %jit3A_781 : i32
    %jit3A_783 = arith.constant true
    %jit3A_784 = arith.constant 2 : i32
    %jit3A_785 = arith.constant 0 : i32
    %select_n3A_786 = arith.select %jit3A_783, %jit3A_784, %jit3A_785 : i32
    %mul3A_787 = arith.constant 32 : i32
    %mul3A_788 = arith.muli %select_n3A_782, %mul3A_787 : i32
    %add3A_789 = arith.addi %mul3A_788, %add3A : i32
    %jit3A_790 = arith.constant 128 : i32
    %div3A_791 = arith.divsi %add3A_789, %jit3A_790 : i32
    %sign3A_792 = arith.constant 0 : i32
    %sign3A_793 = arith.cmpi sgt, %add3A_789, %sign3A_792 : i32
    %sign3A_794 = arith.extui %sign3A_793 : i1 to i32
    %sign3A_795 = arith.constant 0 : i32
    %sign3A_796 = arith.cmpi slt, %add3A_789, %sign3A_795 : i32
    %sign3A_797 = arith.extui %sign3A_796 : i1 to i32
    %sign3A_798 = arith.subi %sign3A_794, %sign3A_797 : i32
    %sign3A_799 = arith.constant 0 : i32
    %sign3A_800 = arith.cmpi sgt, %jit3A_790, %sign3A_799 : i32
    %sign3A_801 = arith.extui %sign3A_800 : i1 to i32
    %sign3A_802 = arith.constant 0 : i32
    %sign3A_803 = arith.cmpi slt, %jit3A_790, %sign3A_802 : i32
    %sign3A_804 = arith.extui %sign3A_803 : i1 to i32
    %sign3A_805 = arith.subi %sign3A_801, %sign3A_804 : i32
    %ne3A_806 = arith.cmpi ne, %sign3A_798, %sign3A_805 : i32
    %rem3A_807 = arith.remsi %add3A_789, %jit3A_790 : i32
    %ne3A_808 = arith.constant 0 : i32
    %ne3A_809 = arith.cmpi ne, %rem3A_807, %ne3A_808 : i32
    %and3A_810 = arith.andi %ne3A_806, %ne3A_809 : i1
    %sub3A_811 = arith.constant 1 : i32
    %sub3A_812 = arith.subi %div3A_791, %sub3A_811 : i32
    %select_n3A_813 = arith.select %and3A_810, %sub3A_812, %div3A_791 : i32
    %mul3A_814 = arith.constant 8 : i32
    %mul3A_815 = arith.muli %select_n3A_813, %mul3A_814 : i32
    %jit3A_816 = arith.constant 128 : i32
    %eq3A_817 = arith.constant 0 : i32
    %eq3A_818 = arith.cmpi eq, %jit3A_816, %eq3A_817 : i32
    %jit3A_819 = arith.constant 1 : i32
    %select_n3A_820 = arith.select %eq3A_818, %jit3A_819, %jit3A_816 : i32
    %rem3A_821 = arith.remsi %add3A_789, %select_n3A_820 : i32
    %ne3A_822 = arith.constant 0 : i32
    %ne3A_823 = arith.cmpi ne, %rem3A_821, %ne3A_822 : i32
    %lt3A_824 = arith.constant 0 : i32
    %lt3A_825 = arith.cmpi slt, %rem3A_821, %lt3A_824 : i32
    %lt3A_826 = arith.constant 0 : i32
    %lt3A_827 = arith.cmpi slt, %select_n3A_820, %lt3A_826 : i32
    %ne3A_828 = arith.xori %lt3A_825, %lt3A_827 : i1
    %and3A_829 = arith.andi %ne3A_828, %ne3A_823 : i1
    %add3A_830 = arith.addi %rem3A_821, %select_n3A_820 : i32
    %select_n3A_831 = arith.select %and3A_829, %add3A_830, %rem3A_821 : i32
    %eq3A_832 = arith.constant 0 : i32
    %eq3A_833 = arith.cmpi eq, %select_n3A_786, %eq3A_832 : i32
    %convert_element_type3A_834 = arith.extui %eq3A_833 : i1 to i32
    %cond3A_835 = arith.constant 0 : i32
    %cond3A_836 = arith.cmpi ne, %convert_element_type3A_834, %cond3A_835 : i32
    scf.if %cond3A_836 {
      %mul3A_1162 = arith.constant 128 : i32
      %mul3A_1163 = arith.muli %select_n3A_831, %mul3A_1162 : i32
      "tpu.region"() ({
        %run_scoped3A = tpu.sem_alloc : memref<!tpu.dma_semaphore, #tpu.memory_space<semaphore_mem>>
        %dma_start3A_1164 = tpu.memref_slice %arg2[%mul3A_815, %mul3A_1163] : memref<56x16384xi32, #tpu.memory_space<hbm>> -> memref<8x128xi32, #tpu.memory_space<hbm>>
        %dma_start3A_1165 = tpu.memref_slice %arg2[%mul3A_815, %mul3A_1163] : memref<56x16384xi32, #tpu.memory_space<hbm>> -> memref<8x128xi32, #tpu.memory_space<hbm>>
        tpu.enqueue_dma source(%dma_start3A_1165 : memref<8x128xi32, #tpu.memory_space<hbm>>) target(%arg5 : memref<8x128xi32, #tpu.memory_space<vmem>>) target_semaphore(%run_scoped3A : memref<!tpu.dma_semaphore, #tpu.memory_space<semaphore_mem>>)
        %dma_wait3A_1166 = tpu.memref_slice %arg2[%mul3A_815, %mul3A_1163] : memref<56x16384xi32, #tpu.memory_space<hbm>> -> memref<8x128xi32, #tpu.memory_space<hbm>>
        %dma_wait3A_1167 = tpu.memref_slice %arg2[%mul3A_815, %mul3A_1163] : memref<56x16384xi32, #tpu.memory_space<hbm>> -> memref<8x128xi32, #tpu.memory_space<hbm>>
        tpu.wait_dma2 semaphore(%run_scoped3A : memref<!tpu.dma_semaphore, #tpu.memory_space<semaphore_mem>>) src(%dma_wait3A_1167 : memref<8x128xi32, #tpu.memory_space<hbm>>) dst(%arg5 : memref<8x128xi32, #tpu.memory_space<vmem>>)
        tpu.yield
      }) : () -> ()
    } else {
    }
    %get3A_837 = arith.index_cast %select_n3A_786 : i32 to index
    %get3A_838 = arith.constant 0 : index
    %get3A_839 = tpu.vector_load %arg5[%get3A_837, %get3A_838] {strides = array<i32>} : memref<8x128xi32, #tpu.memory_space<vmem>>, vector<16xi32>,
    %shift_right_logical3A_840 = arith.constant 13 : i32
    %shift_right_logical3A_841 = vector.broadcast %shift_right_logical3A_840 : i32 to vector<16xi32>
    %shift_right_logical3A_842 = arith.shrui %get3A_839, %shift_right_logical3A_841 : vector<16xi32>
    %shift_left3A_843 = arith.constant 13 : i32
    %shift_left3A_844 = vector.broadcast %shift_left3A_843 : i32 to vector<16xi32>
    %shift_left3A_845 = arith.shli %shift_right_logical3A_842, %shift_left3A_844 : vector<16xi32>
    %and3A_846 = arith.constant 4095 : i32
    %and3A_847 = vector.broadcast %and3A_846 : i32 to vector<16xi32>
    %and3A_848 = arith.andi %get3A_839, %and3A_847 : vector<16xi32>
    %shift_left3A_849 = arith.constant 1 : i32
    %shift_left3A_850 = vector.broadcast %shift_left3A_849 : i32 to vector<16xi32>
    %shift_left3A_851 = arith.shli %and3A_848, %shift_left3A_850 : vector<16xi32>
    %or3A_852 = arith.ori %shift_left3A_845, %shift_left3A_851 : vector<16xi32>
    %shift_right_logical3A_853 = arith.constant 12 : i32
    %shift_right_logical3A_854 = vector.broadcast %shift_right_logical3A_853 : i32 to vector<16xi32>
    %shift_right_logical3A_855 = arith.shrui %get3A_839, %shift_right_logical3A_854 : vector<16xi32>
    %and3A_856 = arith.constant 1 : i32
    %and3A_857 = vector.broadcast %and3A_856 : i32 to vector<16xi32>
    %and3A_858 = arith.andi %shift_right_logical3A_855, %and3A_857 : vector<16xi32>
    %or3A_859 = arith.ori %or3A_852, %and3A_858 : vector<16xi32>
    %swap3A_860 = arith.constant 2 : i32
    %swap3A_861 = arith.index_cast %swap3A_860 : i32 to index
    %swap3A_862 = arith.constant 0 : index
    %swap3A_863 = tpu.vector_load %arg6[%swap3A_861, %swap3A_862] {strides = array<i32>} : memref<4x128xi32, #tpu.memory_space<vmem>>, vector<16xi32>,
    tpu.vector_store %arg6[%swap3A_861, %swap3A_862], %or3A_859 {strides = array<i32>} : memref<4x128xi32, #tpu.memory_space<vmem>>, vector<16xi32>,
    %get3A_864 = arith.index_cast %select_n3A_786 : i32 to index
    %get3A_865 = arith.constant 16 : index
    %get3A_866 = tpu.vector_load %arg5[%get3A_864, %get3A_865] {strides = array<i32>} : memref<8x128xi32, #tpu.memory_space<vmem>>, vector<16xi32>,
    %shift_right_logical3A_867 = arith.constant 13 : i32
    %shift_right_logical3A_868 = vector.broadcast %shift_right_logical3A_867 : i32 to vector<16xi32>
    %shift_right_logical3A_869 = arith.shrui %get3A_866, %shift_right_logical3A_868 : vector<16xi32>
    %shift_left3A_870 = arith.constant 13 : i32
    %shift_left3A_871 = vector.broadcast %shift_left3A_870 : i32 to vector<16xi32>
    %shift_left3A_872 = arith.shli %shift_right_logical3A_869, %shift_left3A_871 : vector<16xi32>
    %and3A_873 = arith.constant 4095 : i32
    %and3A_874 = vector.broadcast %and3A_873 : i32 to vector<16xi32>
    %and3A_875 = arith.andi %get3A_866, %and3A_874 : vector<16xi32>
    %shift_left3A_876 = arith.constant 1 : i32
    %shift_left3A_877 = vector.broadcast %shift_left3A_876 : i32 to vector<16xi32>
    %shift_left3A_878 = arith.shli %and3A_875, %shift_left3A_877 : vector<16xi32>
    %or3A_879 = arith.ori %shift_left3A_872, %shift_left3A_878 : vector<16xi32>
    %shift_right_logical3A_880 = arith.constant 12 : i32
    %shift_right_logical3A_881 = vector.broadcast %shift_right_logical3A_880 : i32 to vector<16xi32>
    %shift_right_logical3A_882 = arith.shrui %get3A_866, %shift_right_logical3A_881 : vector<16xi32>
    %and3A_883 = arith.constant 1 : i32
    %and3A_884 = vector.broadcast %and3A_883 : i32 to vector<16xi32>
    %and3A_885 = arith.andi %shift_right_logical3A_882, %and3A_884 : vector<16xi32>
    %or3A_886 = arith.ori %or3A_879, %and3A_885 : vector<16xi32>
    %swap3A_887 = arith.constant 2 : i32
    %swap3A_888 = arith.index_cast %swap3A_887 : i32 to index
    %swap3A_889 = arith.constant 16 : index
    %swap3A_890 = tpu.vector_load %arg6[%swap3A_888, %swap3A_889] {strides = array<i32>} : memref<4x128xi32, #tpu.memory_space<vmem>>, vector<16xi32>,
    tpu.vector_store %arg6[%swap3A_888, %swap3A_889], %or3A_886 {strides = array<i32>} : memref<4x128xi32, #tpu.memory_space<vmem>>, vector<16xi32>,
    %get3A_891 = arith.index_cast %select_n3A_786 : i32 to index
    %get3A_892 = arith.constant 32 : index
    %get3A_893 = tpu.vector_load %arg5[%get3A_891, %get3A_892] {strides = array<i32>} : memref<8x128xi32, #tpu.memory_space<vmem>>, vector<16xi32>,
    %shift_right_logical3A_894 = arith.constant 13 : i32
    %shift_right_logical3A_895 = vector.broadcast %shift_right_logical3A_894 : i32 to vector<16xi32>
    %shift_right_logical3A_896 = arith.shrui %get3A_893, %shift_right_logical3A_895 : vector<16xi32>
    %shift_left3A_897 = arith.constant 13 : i32
    %shift_left3A_898 = vector.broadcast %shift_left3A_897 : i32 to vector<16xi32>
    %shift_left3A_899 = arith.shli %shift_right_logical3A_896, %shift_left3A_898 : vector<16xi32>
    %and3A_900 = arith.constant 4095 : i32
    %and3A_901 = vector.broadcast %and3A_900 : i32 to vector<16xi32>
    %and3A_902 = arith.andi %get3A_893, %and3A_901 : vector<16xi32>
    %shift_left3A_903 = arith.constant 1 : i32
    %shift_left3A_904 = vector.broadcast %shift_left3A_903 : i32 to vector<16xi32>
    %shift_left3A_905 = arith.shli %and3A_902, %shift_left3A_904 : vector<16xi32>
    %or3A_906 = arith.ori %shift_left3A_899, %shift_left3A_905 : vector<16xi32>
    %shift_right_logical3A_907 = arith.constant 12 : i32
    %shift_right_logical3A_908 = vector.broadcast %shift_right_logical3A_907 : i32 to vector<16xi32>
    %shift_right_logical3A_909 = arith.shrui %get3A_893, %shift_right_logical3A_908 : vector<16xi32>
    %and3A_910 = arith.constant 1 : i32
    %and3A_911 = vector.broadcast %and3A_910 : i32 to vector<16xi32>
    %and3A_912 = arith.andi %shift_right_logical3A_909, %and3A_911 : vector<16xi32>
    %or3A_913 = arith.ori %or3A_906, %and3A_912 : vector<16xi32>
    %swap3A_914 = arith.constant 2 : i32
    %swap3A_915 = arith.index_cast %swap3A_914 : i32 to index
    %swap3A_916 = arith.constant 32 : index
    %swap3A_917 = tpu.vector_load %arg6[%swap3A_915, %swap3A_916] {strides = array<i32>} : memref<4x128xi32, #tpu.memory_space<vmem>>, vector<16xi32>,
    tpu.vector_store %arg6[%swap3A_915, %swap3A_916], %or3A_913 {strides = array<i32>} : memref<4x128xi32, #tpu.memory_space<vmem>>, vector<16xi32>,
    %get3A_918 = arith.index_cast %select_n3A_786 : i32 to index
    %get3A_919 = arith.constant 48 : index
    %get3A_920 = tpu.vector_load %arg5[%get3A_918, %get3A_919] {strides = array<i32>} : memref<8x128xi32, #tpu.memory_space<vmem>>, vector<16xi32>,
    %shift_right_logical3A_921 = arith.constant 13 : i32
    %shift_right_logical3A_922 = vector.broadcast %shift_right_logical3A_921 : i32 to vector<16xi32>
    %shift_right_logical3A_923 = arith.shrui %get3A_920, %shift_right_logical3A_922 : vector<16xi32>
    %shift_left3A_924 = arith.constant 13 : i32
    %shift_left3A_925 = vector.broadcast %shift_left3A_924 : i32 to vector<16xi32>
    %shift_left3A_926 = arith.shli %shift_right_logical3A_923, %shift_left3A_925 : vector<16xi32>
    %and3A_927 = arith.constant 4095 : i32
    %and3A_928 = vector.broadcast %and3A_927 : i32 to vector<16xi32>
    %and3A_929 = arith.andi %get3A_920, %and3A_928 : vector<16xi32>
    %shift_left3A_930 = arith.constant 1 : i32
    %shift_left3A_931 = vector.broadcast %shift_left3A_930 : i32 to vector<16xi32>
    %shift_left3A_932 = arith.shli %and3A_929, %shift_left3A_931 : vector<16xi32>
    %or3A_933 = arith.ori %shift_left3A_926, %shift_left3A_932 : vector<16xi32>
    %shift_right_logical3A_934 = arith.constant 12 : i32
    %shift_right_logical3A_935 = vector.broadcast %shift_right_logical3A_934 : i32 to vector<16xi32>
    %shift_right_logical3A_936 = arith.shrui %get3A_920, %shift_right_logical3A_935 : vector<16xi32>
    %and3A_937 = arith.constant 1 : i32
    %and3A_938 = vector.broadcast %and3A_937 : i32 to vector<16xi32>
    %and3A_939 = arith.andi %shift_right_logical3A_936, %and3A_938 : vector<16xi32>
    %or3A_940 = arith.ori %or3A_933, %and3A_939 : vector<16xi32>
    %swap3A_941 = arith.constant 2 : i32
    %swap3A_942 = arith.index_cast %swap3A_941 : i32 to index
    %swap3A_943 = arith.constant 48 : index
    %swap3A_944 = tpu.vector_load %arg6[%swap3A_942, %swap3A_943] {strides = array<i32>} : memref<4x128xi32, #tpu.memory_space<vmem>>, vector<16xi32>,
    tpu.vector_store %arg6[%swap3A_942, %swap3A_943], %or3A_940 {strides = array<i32>} : memref<4x128xi32, #tpu.memory_space<vmem>>, vector<16xi32>,
    %get3A_945 = arith.index_cast %select_n3A_786 : i32 to index
    %get3A_946 = arith.constant 64 : index
    %get3A_947 = tpu.vector_load %arg5[%get3A_945, %get3A_946] {strides = array<i32>} : memref<8x128xi32, #tpu.memory_space<vmem>>, vector<16xi32>,
    %shift_right_logical3A_948 = arith.constant 13 : i32
    %shift_right_logical3A_949 = vector.broadcast %shift_right_logical3A_948 : i32 to vector<16xi32>
    %shift_right_logical3A_950 = arith.shrui %get3A_947, %shift_right_logical3A_949 : vector<16xi32>
    %shift_left3A_951 = arith.constant 13 : i32
    %shift_left3A_952 = vector.broadcast %shift_left3A_951 : i32 to vector<16xi32>
    %shift_left3A_953 = arith.shli %shift_right_logical3A_950, %shift_left3A_952 : vector<16xi32>
    %and3A_954 = arith.constant 4095 : i32
    %and3A_955 = vector.broadcast %and3A_954 : i32 to vector<16xi32>
    %and3A_956 = arith.andi %get3A_947, %and3A_955 : vector<16xi32>
    %shift_left3A_957 = arith.constant 1 : i32
    %shift_left3A_958 = vector.broadcast %shift_left3A_957 : i32 to vector<16xi32>
    %shift_left3A_959 = arith.shli %and3A_956, %shift_left3A_958 : vector<16xi32>
    %or3A_960 = arith.ori %shift_left3A_953, %shift_left3A_959 : vector<16xi32>
    %shift_right_logical3A_961 = arith.constant 12 : i32
    %shift_right_logical3A_962 = vector.broadcast %shift_right_logical3A_961 : i32 to vector<16xi32>
    %shift_right_logical3A_963 = arith.shrui %get3A_947, %shift_right_logical3A_962 : vector<16xi32>
    %and3A_964 = arith.constant 1 : i32
    %and3A_965 = vector.broadcast %and3A_964 : i32 to vector<16xi32>
    %and3A_966 = arith.andi %shift_right_logical3A_963, %and3A_965 : vector<16xi32>
    %or3A_967 = arith.ori %or3A_960, %and3A_966 : vector<16xi32>
    %swap3A_968 = arith.constant 2 : i32
    %swap3A_969 = arith.index_cast %swap3A_968 : i32 to index
    %swap3A_970 = arith.constant 64 : index
    %swap3A_971 = tpu.vector_load %arg6[%swap3A_969, %swap3A_970] {strides = array<i32>} : memref<4x128xi32, #tpu.memory_space<vmem>>, vector<16xi32>,
    tpu.vector_store %arg6[%swap3A_969, %swap3A_970], %or3A_967 {strides = array<i32>} : memref<4x128xi32, #tpu.memory_space<vmem>>, vector<16xi32>,
    %get3A_972 = arith.index_cast %select_n3A_786 : i32 to index
    %get3A_973 = arith.constant 80 : index
    %get3A_974 = tpu.vector_load %arg5[%get3A_972, %get3A_973] {strides = array<i32>} : memref<8x128xi32, #tpu.memory_space<vmem>>, vector<16xi32>,
    %shift_right_logical3A_975 = arith.constant 13 : i32
    %shift_right_logical3A_976 = vector.broadcast %shift_right_logical3A_975 : i32 to vector<16xi32>
    %shift_right_logical3A_977 = arith.shrui %get3A_974, %shift_right_logical3A_976 : vector<16xi32>
    %shift_left3A_978 = arith.constant 13 : i32
    %shift_left3A_979 = vector.broadcast %shift_left3A_978 : i32 to vector<16xi32>
    %shift_left3A_980 = arith.shli %shift_right_logical3A_977, %shift_left3A_979 : vector<16xi32>
    %and3A_981 = arith.constant 4095 : i32
    %and3A_982 = vector.broadcast %and3A_981 : i32 to vector<16xi32>
    %and3A_983 = arith.andi %get3A_974, %and3A_982 : vector<16xi32>
    %shift_left3A_984 = arith.constant 1 : i32
    %shift_left3A_985 = vector.broadcast %shift_left3A_984 : i32 to vector<16xi32>
    %shift_left3A_986 = arith.shli %and3A_983, %shift_left3A_985 : vector<16xi32>
    %or3A_987 = arith.ori %shift_left3A_980, %shift_left3A_986 : vector<16xi32>
    %shift_right_logical3A_988 = arith.constant 12 : i32
    %shift_right_logical3A_989 = vector.broadcast %shift_right_logical3A_988 : i32 to vector<16xi32>
    %shift_right_logical3A_990 = arith.shrui %get3A_974, %shift_right_logical3A_989 : vector<16xi32>
    %and3A_991 = arith.constant 1 : i32
    %and3A_992 = vector.broadcast %and3A_991 : i32 to vector<16xi32>
    %and3A_993 = arith.andi %shift_right_logical3A_990, %and3A_992 : vector<16xi32>
    %or3A_994 = arith.ori %or3A_987, %and3A_993 : vector<16xi32>
    %swap3A_995 = arith.constant 2 : i32
    %swap3A_996 = arith.index_cast %swap3A_995 : i32 to index
    %swap3A_997 = arith.constant 80 : index
    %swap3A_998 = tpu.vector_load %arg6[%swap3A_996, %swap3A_997] {strides = array<i32>} : memref<4x128xi32, #tpu.memory_space<vmem>>, vector<16xi32>,
    tpu.vector_store %arg6[%swap3A_996, %swap3A_997], %or3A_994 {strides = array<i32>} : memref<4x128xi32, #tpu.memory_space<vmem>>, vector<16xi32>,
    %get3A_999 = arith.index_cast %select_n3A_786 : i32 to index
    %get3A_1000 = arith.constant 96 : index
    %get3A_1001 = tpu.vector_load %arg5[%get3A_999, %get3A_1000] {strides = array<i32>} : memref<8x128xi32, #tpu.memory_space<vmem>>, vector<16xi32>,
    %shift_right_logical3A_1002 = arith.constant 13 : i32
    %shift_right_logical3A_1003 = vector.broadcast %shift_right_logical3A_1002 : i32 to vector<16xi32>
    %shift_right_logical3A_1004 = arith.shrui %get3A_1001, %shift_right_logical3A_1003 : vector<16xi32>
    %shift_left3A_1005 = arith.constant 13 : i32
    %shift_left3A_1006 = vector.broadcast %shift_left3A_1005 : i32 to vector<16xi32>
    %shift_left3A_1007 = arith.shli %shift_right_logical3A_1004, %shift_left3A_1006 : vector<16xi32>
    %and3A_1008 = arith.constant 4095 : i32
    %and3A_1009 = vector.broadcast %and3A_1008 : i32 to vector<16xi32>
    %and3A_1010 = arith.andi %get3A_1001, %and3A_1009 : vector<16xi32>
    %shift_left3A_1011 = arith.constant 1 : i32
    %shift_left3A_1012 = vector.broadcast %shift_left3A_1011 : i32 to vector<16xi32>
    %shift_left3A_1013 = arith.shli %and3A_1010, %shift_left3A_1012 : vector<16xi32>
    %or3A_1014 = arith.ori %shift_left3A_1007, %shift_left3A_1013 : vector<16xi32>
    %shift_right_logical3A_1015 = arith.constant 12 : i32
    %shift_right_logical3A_1016 = vector.broadcast %shift_right_logical3A_1015 : i32 to vector<16xi32>
    %shift_right_logical3A_1017 = arith.shrui %get3A_1001, %shift_right_logical3A_1016 : vector<16xi32>
    %and3A_1018 = arith.constant 1 : i32
    %and3A_1019 = vector.broadcast %and3A_1018 : i32 to vector<16xi32>
    %and3A_1020 = arith.andi %shift_right_logical3A_1017, %and3A_1019 : vector<16xi32>
    %or3A_1021 = arith.ori %or3A_1014, %and3A_1020 : vector<16xi32>
    %swap3A_1022 = arith.constant 2 : i32
    %swap3A_1023 = arith.index_cast %swap3A_1022 : i32 to index
    %swap3A_1024 = arith.constant 96 : index
    %swap3A_1025 = tpu.vector_load %arg6[%swap3A_1023, %swap3A_1024] {strides = array<i32>} : memref<4x128xi32, #tpu.memory_space<vmem>>, vector<16xi32>,
    tpu.vector_store %arg6[%swap3A_1023, %swap3A_1024], %or3A_1021 {strides = array<i32>} : memref<4x128xi32, #tpu.memory_space<vmem>>, vector<16xi32>,
    %get3A_1026 = arith.index_cast %select_n3A_786 : i32 to index
    %get3A_1027 = arith.constant 112 : index
    %get3A_1028 = tpu.vector_load %arg5[%get3A_1026, %get3A_1027] {strides = array<i32>} : memref<8x128xi32, #tpu.memory_space<vmem>>, vector<16xi32>,
    %shift_right_logical3A_1029 = arith.constant 13 : i32
    %shift_right_logical3A_1030 = vector.broadcast %shift_right_logical3A_1029 : i32 to vector<16xi32>
    %shift_right_logical3A_1031 = arith.shrui %get3A_1028, %shift_right_logical3A_1030 : vector<16xi32>
    %shift_left3A_1032 = arith.constant 13 : i32
    %shift_left3A_1033 = vector.broadcast %shift_left3A_1032 : i32 to vector<16xi32>
    %shift_left3A_1034 = arith.shli %shift_right_logical3A_1031, %shift_left3A_1033 : vector<16xi32>
    %and3A_1035 = arith.constant 4095 : i32
    %and3A_1036 = vector.broadcast %and3A_1035 : i32 to vector<16xi32>
    %and3A_1037 = arith.andi %get3A_1028, %and3A_1036 : vector<16xi32>
    %shift_left3A_1038 = arith.constant 1 : i32
    %shift_left3A_1039 = vector.broadcast %shift_left3A_1038 : i32 to vector<16xi32>
    %shift_left3A_1040 = arith.shli %and3A_1037, %shift_left3A_1039 : vector<16xi32>
    %or3A_1041 = arith.ori %shift_left3A_1034, %shift_left3A_1040 : vector<16xi32>
    %shift_right_logical3A_1042 = arith.constant 12 : i32
    %shift_right_logical3A_1043 = vector.broadcast %shift_right_logical3A_1042 : i32 to vector<16xi32>
    %shift_right_logical3A_1044 = arith.shrui %get3A_1028, %shift_right_logical3A_1043 : vector<16xi32>
    %and3A_1045 = arith.constant 1 : i32
    %and3A_1046 = vector.broadcast %and3A_1045 : i32 to vector<16xi32>
    %and3A_1047 = arith.andi %shift_right_logical3A_1044, %and3A_1046 : vector<16xi32>
    %or3A_1048 = arith.ori %or3A_1041, %and3A_1047 : vector<16xi32>
    %swap3A_1049 = arith.constant 2 : i32
    %swap3A_1050 = arith.index_cast %swap3A_1049 : i32 to index
    %swap3A_1051 = arith.constant 112 : index
    %swap3A_1052 = tpu.vector_load %arg6[%swap3A_1050, %swap3A_1051] {strides = array<i32>} : memref<4x128xi32, #tpu.memory_space<vmem>>, vector<16xi32>,
    tpu.vector_store %arg6[%swap3A_1050, %swap3A_1051], %or3A_1048 {strides = array<i32>} : memref<4x128xi32, #tpu.memory_space<vmem>>, vector<16xi32>,
    %dma_start3A_1053 = arith.constant 2 : i32
    %dma_start3A_1054 = arith.constant 2 : i32
    %dma_start3A_1055 = arith.constant 0 : i32
    %dma_start3A_1056 = arith.constant 0 : i32
    %dma_start3A_1057 = tpu.memref_slice %arg7[%dma_start3A_1054, %dma_start3A_1055, %dma_start3A_1056] : memref<4x128x64xf32, #tpu.memory_space<vmem>> -> memref<1x128x64xf32, #tpu.memory_space<vmem>>
    %dma_start3A_1058 = tpu.memref_squeeze %dma_start3A_1057 : memref<1x128x64xf32, #tpu.memory_space<vmem>> -> memref<128x64xf32, #tpu.memory_space<vmem>>
    %dma_start3A_1059 = arith.constant 0 : i32
    %dma_start3A_1060 = tpu.memref_slice %arg6[%dma_start3A_1053, %dma_start3A_1059] : memref<4x128xi32, #tpu.memory_space<vmem>> -> memref<1x128xi32, #tpu.memory_space<vmem>>
    %dma_start3A_1061 = tpu.memref_squeeze %dma_start3A_1060 : memref<1x128xi32, #tpu.memory_space<vmem>> -> memref<128xi32, #tpu.memory_space<vmem>>
    %dma_start3A_1062 = arith.constant 0 : i32
    %dma_start3A_1063 = arith.constant 0 : i32
    %dma_start3A_1064 = tpu.memref_slice %arg3[%dma_start3A_1062, %dma_start3A_1063] : memref<1007616x64xf32, #tpu.memory_space<hbm>> -> memref<1007616x64xf32, #tpu.memory_space<hbm>>
    tpu.enqueue_indirect_dma source(%dma_start3A_1064 : memref<1007616x64xf32, #tpu.memory_space<hbm>>) target(%dma_start3A_1058 : memref<128x64xf32, #tpu.memory_space<vmem>>) offsets(%dma_start3A_1061 : memref<128xi32, #tpu.memory_space<vmem>>) semaphore(%arg11 : memref<!tpu.dma_semaphore, #tpu.memory_space<semaphore_mem>>)
    %scan3A = arith.constant 0 : i32
    %scan3A_1065 = arith.constant 0 : i32
    %scan3A_1066 = arith.constant 50 : i32
    %scan3A_1067 = arith.addi %scan3A_1065, %scan3A_1066 : i32
    %scan3A_1068 = arith.constant 1 : i32
    %scan3A_1069 = scf.for %scan3A_1162 = %scan3A_1065 to %scan3A_1067 step %scan3A_1068 iter_args(%scan3A_1163 = %scan3A) -> (i32)  : i32 {
      %mul3A_1164 = arith.constant 4 : i32
      %mul3A_1165 = arith.muli %mul3A_1164, %scan3A_1162 : i32
      %add3A_1166 = arith.constant 0 : i32
      %add3A_1167 = arith.addi %mul3A_1165, %add3A_1166 : i32
      %dma_wait3A_1168 = arith.constant 0 : i32
      %dma_wait3A_1169 = arith.constant 0 : i32
      %dma_wait3A_1170 = arith.constant 0 : i32
      %dma_wait3A_1171 = arith.constant 0 : i32
      %dma_wait3A_1172 = tpu.memref_slice %arg7[%dma_wait3A_1169, %dma_wait3A_1170, %dma_wait3A_1171] : memref<4x128x64xf32, #tpu.memory_space<vmem>> -> memref<1x128x64xf32, #tpu.memory_space<vmem>>
      %dma_wait3A_1173 = tpu.memref_squeeze %dma_wait3A_1172 : memref<1x128x64xf32, #tpu.memory_space<vmem>> -> memref<128x64xf32, #tpu.memory_space<vmem>>
      %dma_wait3A_1174 = arith.constant 0 : i32
      %dma_wait3A_1175 = tpu.memref_slice %arg6[%dma_wait3A_1168, %dma_wait3A_1174] : memref<4x128xi32, #tpu.memory_space<vmem>> -> memref<1x128xi32, #tpu.memory_space<vmem>>
      %dma_wait3A_1176 = tpu.memref_squeeze %dma_wait3A_1175 : memref<1x128xi32, #tpu.memory_space<vmem>> -> memref<128xi32, #tpu.memory_space<vmem>>
      %dma_wait3A_1177 = arith.constant 0 : i32
      %dma_wait3A_1178 = arith.constant 0 : i32
      %dma_wait3A_1179 = tpu.memref_slice %arg3[%dma_wait3A_1177, %dma_wait3A_1178] : memref<1007616x64xf32, #tpu.memory_space<hbm>> -> memref<1007616x64xf32, #tpu.memory_space<hbm>>
      tpu.wait_indirect_dma semaphore(%arg9 : memref<!tpu.dma_semaphore, #tpu.memory_space<semaphore_mem>>) src(%dma_wait3A_1179 : memref<1007616x64xf32, #tpu.memory_space<hbm>>) dst(%dma_wait3A_1173 : memref<128x64xf32, #tpu.memory_space<vmem>>)
      %lt3A_1180 = arith.constant 192 : i32
      %lt3A_1181 = arith.cmpi slt, %add3A_1167, %lt3A_1180 : i32
      %jit3A_1182 = arith.constant 8 : i32
      %div3A_1183 = arith.divsi %add3A_1167, %jit3A_1182 : i32
      %sign3A_1184 = arith.constant 0 : i32
      %sign3A_1185 = arith.cmpi sgt, %add3A_1167, %sign3A_1184 : i32
      %sign3A_1186 = arith.extui %sign3A_1185 : i1 to i32
      %sign3A_1187 = arith.constant 0 : i32
      %sign3A_1188 = arith.cmpi slt, %add3A_1167, %sign3A_1187 : i32
      %sign3A_1189 = arith.extui %sign3A_1188 : i1 to i32
      %sign3A_1190 = arith.subi %sign3A_1186, %sign3A_1189 : i32
      %sign3A_1191 = arith.constant 0 : i32
      %sign3A_1192 = arith.cmpi sgt, %jit3A_1182, %sign3A_1191 : i32
      %sign3A_1193 = arith.extui %sign3A_1192 : i1 to i32
      %sign3A_1194 = arith.constant 0 : i32
      %sign3A_1195 = arith.cmpi slt, %jit3A_1182, %sign3A_1194 : i32
      %sign3A_1196 = arith.extui %sign3A_1195 : i1 to i32
      %sign3A_1197 = arith.subi %sign3A_1193, %sign3A_1196 : i32
      %ne3A_1198 = arith.cmpi ne, %sign3A_1190, %sign3A_1197 : i32
      %rem3A_1199 = arith.remsi %add3A_1167, %jit3A_1182 : i32
      %ne3A_1200 = arith.constant 0 : i32
      %ne3A_1201 = arith.cmpi ne, %rem3A_1199, %ne3A_1200 : i32
      %and3A_1202 = arith.andi %ne3A_1198, %ne3A_1201 : i1
      %sub3A_1203 = arith.constant 1 : i32
      %sub3A_1204 = arith.subi %div3A_1183, %sub3A_1203 : i32
      %select_n3A_1205 = arith.select %and3A_1202, %sub3A_1204, %div3A_1183 : i32
      %sub3A_1206 = arith.constant 192 : i32
      %sub3A_1207 = arith.subi %add3A_1167, %sub3A_1206 : i32
      %jit3A_1208 = arith.constant 2 : i32
      %div3A_1209 = arith.divsi %sub3A_1207, %jit3A_1208 : i32
      %sign3A_1210 = arith.constant 0 : i32
      %sign3A_1211 = arith.cmpi sgt, %sub3A_1207, %sign3A_1210 : i32
      %sign3A_1212 = arith.extui %sign3A_1211 : i1 to i32
      %sign3A_1213 = arith.constant 0 : i32
      %sign3A_1214 = arith.cmpi slt, %sub3A_1207, %sign3A_1213 : i32
      %sign3A_1215 = arith.extui %sign3A_1214 : i1 to i32
      %sign3A_1216 = arith.subi %sign3A_1212, %sign3A_1215 : i32
      %sign3A_1217 = arith.constant 0 : i32
      %sign3A_1218 = arith.cmpi sgt, %jit3A_1208, %sign3A_1217 : i32
      %sign3A_1219 = arith.extui %sign3A_1218 : i1 to i32
      %sign3A_1220 = arith.constant 0 : i32
      %sign3A_1221 = arith.cmpi slt, %jit3A_1208, %sign3A_1220 : i32
      %sign3A_1222 = arith.extui %sign3A_1221 : i1 to i32
      %sign3A_1223 = arith.subi %sign3A_1219, %sign3A_1222 : i32
      %ne3A_1224 = arith.cmpi ne, %sign3A_1216, %sign3A_1223 : i32
      %rem3A_1225 = arith.remsi %sub3A_1207, %jit3A_1208 : i32
      %ne3A_1226 = arith.constant 0 : i32
      %ne3A_1227 = arith.cmpi ne, %rem3A_1225, %ne3A_1226 : i32
      %and3A_1228 = arith.andi %ne3A_1224, %ne3A_1227 : i1
      %sub3A_1229 = arith.constant 1 : i32
      %sub3A_1230 = arith.subi %div3A_1209, %sub3A_1229 : i32
      %select_n3A_1231 = arith.select %and3A_1228, %sub3A_1230, %div3A_1209 : i32
      %add3A_1232 = arith.constant 24 : i32
      %add3A_1233 = arith.addi %add3A_1232, %select_n3A_1231 : i32
      %select_n3A_1234 = arith.select %lt3A_1181, %select_n3A_1205, %add3A_1233 : i32
      %lt3A_1235 = arith.constant 192 : i32
      %lt3A_1236 = arith.cmpi slt, %add3A_1167, %lt3A_1235 : i32
      %jit3A_1237 = arith.constant 8 : i32
      %eq3A_1238 = arith.constant 0 : i32
      %eq3A_1239 = arith.cmpi eq, %jit3A_1237, %eq3A_1238 : i32
      %jit3A_1240 = arith.constant 1 : i32
      %select_n3A_1241 = arith.select %eq3A_1239, %jit3A_1240, %jit3A_1237 : i32
      %rem3A_1242 = arith.remsi %add3A_1167, %select_n3A_1241 : i32
      %ne3A_1243 = arith.constant 0 : i32
      %ne3A_1244 = arith.cmpi ne, %rem3A_1242, %ne3A_1243 : i32
      %lt3A_1245 = arith.constant 0 : i32
      %lt3A_1246 = arith.cmpi slt, %rem3A_1242, %lt3A_1245 : i32
      %lt3A_1247 = arith.constant 0 : i32
      %lt3A_1248 = arith.cmpi slt, %select_n3A_1241, %lt3A_1247 : i32
      %ne3A_1249 = arith.xori %lt3A_1246, %lt3A_1248 : i1
      %and3A_1250 = arith.andi %ne3A_1249, %ne3A_1244 : i1
      %add3A_1251 = arith.addi %rem3A_1242, %select_n3A_1241 : i32
      %select_n3A_1252 = arith.select %and3A_1250, %add3A_1251, %rem3A_1242 : i32
      %sub3A_1253 = arith.constant 192 : i32
      %sub3A_1254 = arith.subi %add3A_1167, %sub3A_1253 : i32
      %jit3A_1255 = arith.constant 2 : i32
      %eq3A_1256 = arith.constant 0 : i32
      %eq3A_1257 = arith.cmpi eq, %jit3A_1255, %eq3A_1256 : i32
      %jit3A_1258 = arith.constant 1 : i32
      %select_n3A_1259 = arith.select %eq3A_1257, %jit3A_1258, %jit3A_1255 : i32
      %rem3A_1260 = arith.remsi %sub3A_1254, %select_n3A_1259 : i32
      %ne3A_1261 = arith.constant 0 : i32
      %ne3A_1262 = arith.cmpi ne, %rem3A_1260, %ne3A_1261 : i32
      %lt3A_1263 = arith.constant 0 : i32
      %lt3A_1264 = arith.cmpi slt, %rem3A_1260, %lt3A_1263 : i32
      %lt3A_1265 = arith.constant 0 : i32
      %lt3A_1266 = arith.cmpi slt, %select_n3A_1259, %lt3A_1265 : i32
      %ne3A_1267 = arith.xori %lt3A_1264, %lt3A_1266 : i1
      %and3A_1268 = arith.andi %ne3A_1267, %ne3A_1262 : i1
      %add3A_1269 = arith.addi %rem3A_1260, %select_n3A_1259 : i32
      %select_n3A_1270 = arith.select %and3A_1268, %add3A_1269, %rem3A_1260 : i32
      %select_n3A_1271 = arith.select %lt3A_1236, %select_n3A_1252, %select_n3A_1270 : i32
      %mul3A_1272 = arith.constant 32 : i32
      %mul3A_1273 = arith.muli %select_n3A_1234, %mul3A_1272 : i32
      %add3A_1274 = arith.addi %mul3A_1273, %add3A : i32
      %jit3A_1275 = arith.constant 128 : i32
      %div3A_1276 = arith.divsi %add3A_1274, %jit3A_1275 : i32
      %sign3A_1277 = arith.constant 0 : i32
      %sign3A_1278 = arith.cmpi sgt, %add3A_1274, %sign3A_1277 : i32
      %sign3A_1279 = arith.extui %sign3A_1278 : i1 to i32
      %sign3A_1280 = arith.constant 0 : i32
      %sign3A_1281 = arith.cmpi slt, %add3A_1274, %sign3A_1280 : i32
      %sign3A_1282 = arith.extui %sign3A_1281 : i1 to i32
      %sign3A_1283 = arith.subi %sign3A_1279, %sign3A_1282 : i32
      %sign3A_1284 = arith.constant 0 : i32
      %sign3A_1285 = arith.cmpi sgt, %jit3A_1275, %sign3A_1284 : i32
      %sign3A_1286 = arith.extui %sign3A_1285 : i1 to i32
      %sign3A_1287 = arith.constant 0 : i32
      %sign3A_1288 = arith.cmpi slt, %jit3A_1275, %sign3A_1287 : i32
      %sign3A_1289 = arith.extui %sign3A_1288 : i1 to i32
      %sign3A_1290 = arith.subi %sign3A_1286, %sign3A_1289 : i32
      %ne3A_1291 = arith.cmpi ne, %sign3A_1283, %sign3A_1290 : i32
      %rem3A_1292 = arith.remsi %add3A_1274, %jit3A_1275 : i32
      %ne3A_1293 = arith.constant 0 : i32
      %ne3A_1294 = arith.cmpi ne, %rem3A_1292, %ne3A_1293 : i32
      %and3A_1295 = arith.andi %ne3A_1291, %ne3A_1294 : i1
      %sub3A_1296 = arith.constant 1 : i32
      %sub3A_1297 = arith.subi %div3A_1276, %sub3A_1296 : i32
      %select_n3A_1298 = arith.select %and3A_1295, %sub3A_1297, %div3A_1276 : i32
      %mul3A_1299 = arith.constant 8 : i32
      %mul3A_1300 = arith.muli %select_n3A_1298, %mul3A_1299 : i32
      %jit3A_1301 = arith.constant 128 : i32
      %eq3A_1302 = arith.constant 0 : i32
      %eq3A_1303 = arith.cmpi eq, %jit3A_1301, %eq3A_1302 : i32
      %jit3A_1304 = arith.constant 1 : i32
      %select_n3A_1305 = arith.select %eq3A_1303, %jit3A_1304, %jit3A_1301 : i32
      %rem3A_1306 = arith.remsi %add3A_1274, %select_n3A_1305 : i32
      %ne3A_1307 = arith.constant 0 : i32
      %ne3A_1308 = arith.cmpi ne, %rem3A_1306, %ne3A_1307 : i32
      %lt3A_1309 = arith.constant 0 : i32
      %lt3A_1310 = arith.cmpi slt, %rem3A_1306, %lt3A_1309 : i32
      %lt3A_1311 = arith.constant 0 : i32
      %lt3A_1312 = arith.cmpi slt, %select_n3A_1305, %lt3A_1311 : i32
      %ne3A_1313 = arith.xori %lt3A_1310, %lt3A_1312 : i1
      %and3A_1314 = arith.andi %ne3A_1313, %ne3A_1308 : i1
      %add3A_1315 = arith.addi %rem3A_1306, %select_n3A_1305 : i32
      %select_n3A_1316 = arith.select %and3A_1314, %add3A_1315, %rem3A_1306 : i32
      %add3A_1317 = arith.addi %mul3A_1300, %select_n3A_1271 : i32
      %ge3A = arith.constant 4 : i32
      %ge3A_1318 = arith.cmpi sge, %add3A_1167, %ge3A : i32
      %convert_element_type3A_1319 = arith.extui %ge3A_1318 : i1 to i32
      %cond3A_1320 = arith.constant 0 : i32
      %cond3A_1321 = arith.cmpi ne, %convert_element_type3A_1319, %cond3A_1320 : i32
      scf.if %cond3A_1321 {
        %dma_wait3A_1923 = arith.constant 0 : i32
        %dma_wait3A_1924 = arith.constant 0 : i32
        %dma_wait3A_1925 = arith.constant 0 : i32
        %dma_wait3A_1926 = arith.constant 0 : i32
        %dma_wait3A_1927 = arith.constant 0 : i32
        %dma_wait3A_1928 = arith.constant 0 : i32
        %dma_wait3A_1929 = tpu.memref_slice %arg8[%dma_wait3A_1923, %dma_wait3A_1926, %dma_wait3A_1927, %dma_wait3A_1928] : memref<4x32x2x129xf32, #tpu.memory_space<vmem>> -> memref<1x32x2x128xf32, #tpu.memory_space<vmem>>
        %dma_wait3A_1930 = tpu.memref_squeeze %dma_wait3A_1929 : memref<1x32x2x128xf32, #tpu.memory_space<vmem>> -> memref<32x2x128xf32, #tpu.memory_space<vmem>>
        %dma_wait3A_1931 = arith.constant 0 : i32
        %dma_wait3A_1932 = arith.constant 0 : i32
        %dma_wait3A_1933 = arith.constant 0 : i32
        %dma_wait3A_1934 = tpu.memref_slice %arg4[%dma_wait3A_1924, %dma_wait3A_1931, %dma_wait3A_1925, %dma_wait3A_1932, %dma_wait3A_1933] : memref<50x32x128x2x128xf32, #tpu.memory_space<hbm>> -> memref<1x32x1x2x128xf32, #tpu.memory_space<hbm>>
        %dma_wait3A_1935 = tpu.memref_squeeze %dma_wait3A_1934 : memref<1x32x1x2x128xf32, #tpu.memory_space<hbm>> -> memref<32x2x128xf32, #tpu.memory_space<hbm>>
        %dma_wait3A_1936 = arith.constant 0 : i32
        %dma_wait3A_1937 = arith.constant 0 : i32
        %dma_wait3A_1938 = arith.constant 0 : i32
        %dma_wait3A_1939 = tpu.memref_slice %arg4[%dma_wait3A_1924, %dma_wait3A_1936, %dma_wait3A_1925, %dma_wait3A_1937, %dma_wait3A_1938] : memref<50x32x128x2x128xf32, #tpu.memory_space<hbm>> -> memref<1x32x1x2x128xf32, #tpu.memory_space<hbm>>
        %dma_wait3A_1940 = tpu.memref_squeeze %dma_wait3A_1939 : memref<1x32x1x2x128xf32, #tpu.memory_space<hbm>> -> memref<32x2x128xf32, #tpu.memory_space<hbm>>
        %dma_wait3A_1941 = arith.constant 0 : i32
        %dma_wait3A_1942 = arith.constant 0 : i32
        %dma_wait3A_1943 = arith.constant 0 : i32
        %dma_wait3A_1944 = tpu.memref_slice %arg8[%dma_wait3A_1923, %dma_wait3A_1941, %dma_wait3A_1942, %dma_wait3A_1943] : memref<4x32x2x129xf32, #tpu.memory_space<vmem>> -> memref<1x32x2x128xf32, #tpu.memory_space<vmem>>
        %dma_wait3A_1945 = tpu.memref_squeeze %dma_wait3A_1944 : memref<1x32x2x128xf32, #tpu.memory_space<vmem>> -> memref<32x2x128xf32, #tpu.memory_space<vmem>>
        tpu.wait_dma2 semaphore(%arg13 : memref<!tpu.dma_semaphore, #tpu.memory_space<semaphore_mem>>) src(%dma_wait3A_1945 : memref<32x2x128xf32, #tpu.memory_space<vmem>>) dst(%dma_wait3A_1940 : memref<32x2x128xf32, #tpu.memory_space<hbm>>)
      } else {
      }
      %parallel_loop3A = arith.constant 0 : i32
      %parallel_loop3A_1322 = arith.constant 128 : i32
      %parallel_loop3A_1323 = arith.constant 1 : i32
      scf.for %parallel_loop3A_1923 = %parallel_loop3A to %parallel_loop3A_1322 step %parallel_loop3A_1323  : i32 {
        %parallel_loop3A_1924 = arith.constant 0 : i32
        %parallel_loop3A_1925 = vector.broadcast %parallel_loop3A_1924 : i32 to vector<16xi32>
        %parallel_loop3A_1926 = vector.broadcast %parallel_loop3A_1923 : i32 to vector<16xi32>
        %parallel_loop3A_1927 = arith.addi %parallel_loop3A_1925, %parallel_loop3A_1926 : vector<16xi32>
        %parallel_loop3A_1928 = arith.constant 0 : i32
        %parallel_loop3A_1929 = arith.index_cast %parallel_loop3A_1928 : i32 to index
        %parallel_loop3A_1930 = arith.index_cast %parallel_loop3A_1923 : i32 to index
        %parallel_loop3A_1931 = arith.constant 0 : index
        %parallel_loop3A_1932 = tpu.vector_load %arg7[%parallel_loop3A_1929, %parallel_loop3A_1930, %parallel_loop3A_1931] {strides = array<i32>} : memref<4x128x64xf32, #tpu.memory_space<vmem>>, vector<16xf32>,
        %parallel_loop3A_1933 = arith.constant 0 : i32
        %parallel_loop3A_1934 = arith.constant 0 : i32
        %parallel_loop3A_1935 = arith.constant 0 : i32
        %parallel_loop3A_1936 = arith.constant 0 : i32
        %parallel_loop3A_1937 = tpu.memref_slice %arg8[%parallel_loop3A_1933, %parallel_loop3A_1934, %parallel_loop3A_1935, %parallel_loop3A_1936] : memref<4x32x2x129xf32, #tpu.memory_space<vmem>> -> memref<1x32x2x129xf32, #tpu.memory_space<vmem>>
        %parallel_loop3A_1938 = tpu.memref_squeeze %parallel_loop3A_1937 : memref<1x32x2x129xf32, #tpu.memory_space<vmem>> -> memref<32x2x129xf32, #tpu.memory_space<vmem>>
        tpu.vector_store_idx %parallel_loop3A_1938[%select_n3A_18, %select_n3A_46, %parallel_loop3A_1927], %parallel_loop3A_1932 : memref<32x2x129xf32, #tpu.memory_space<vmem>>[vector<16xi32>, vector<16xi32>, vector<16xi32>], vector<16xf32>,
        %parallel_loop3A_1939 = arith.constant 0 : i32
        %parallel_loop3A_1940 = arith.index_cast %parallel_loop3A_1939 : i32 to index
        %parallel_loop3A_1941 = arith.index_cast %parallel_loop3A_1923 : i32 to index
        %parallel_loop3A_1942 = arith.constant 16 : index
        %parallel_loop3A_1943 = tpu.vector_load %arg7[%parallel_loop3A_1940, %parallel_loop3A_1941, %parallel_loop3A_1942] {strides = array<i32>} : memref<4x128x64xf32, #tpu.memory_space<vmem>>, vector<16xf32>,
        %parallel_loop3A_1944 = arith.constant 0 : i32
        %parallel_loop3A_1945 = arith.constant 0 : i32
        %parallel_loop3A_1946 = arith.constant 0 : i32
        %parallel_loop3A_1947 = arith.constant 0 : i32
        %parallel_loop3A_1948 = tpu.memref_slice %arg8[%parallel_loop3A_1944, %parallel_loop3A_1945, %parallel_loop3A_1946, %parallel_loop3A_1947] : memref<4x32x2x129xf32, #tpu.memory_space<vmem>> -> memref<1x32x2x129xf32, #tpu.memory_space<vmem>>
        %parallel_loop3A_1949 = tpu.memref_squeeze %parallel_loop3A_1948 : memref<1x32x2x129xf32, #tpu.memory_space<vmem>> -> memref<32x2x129xf32, #tpu.memory_space<vmem>>
        tpu.vector_store_idx %parallel_loop3A_1949[%select_n3A_71, %select_n3A_102, %parallel_loop3A_1927], %parallel_loop3A_1943 : memref<32x2x129xf32, #tpu.memory_space<vmem>>[vector<16xi32>, vector<16xi32>, vector<16xi32>], vector<16xf32>,
        %parallel_loop3A_1950 = arith.constant 0 : i32
        %parallel_loop3A_1951 = arith.index_cast %parallel_loop3A_1950 : i32 to index
        %parallel_loop3A_1952 = arith.index_cast %parallel_loop3A_1923 : i32 to index
        %parallel_loop3A_1953 = arith.constant 32 : index
        %parallel_loop3A_1954 = tpu.vector_load %arg7[%parallel_loop3A_1951, %parallel_loop3A_1952, %parallel_loop3A_1953] {strides = array<i32>} : memref<4x128x64xf32, #tpu.memory_space<vmem>>, vector<16xf32>,
        %parallel_loop3A_1955 = arith.constant 0 : i32
        %parallel_loop3A_1956 = arith.constant 0 : i32
        %parallel_loop3A_1957 = arith.constant 0 : i32
        %parallel_loop3A_1958 = arith.constant 0 : i32
        %parallel_loop3A_1959 = tpu.memref_slice %arg8[%parallel_loop3A_1955, %parallel_loop3A_1956, %parallel_loop3A_1957, %parallel_loop3A_1958] : memref<4x32x2x129xf32, #tpu.memory_space<vmem>> -> memref<1x32x2x129xf32, #tpu.memory_space<vmem>>
        %parallel_loop3A_1960 = tpu.memref_squeeze %parallel_loop3A_1959 : memref<1x32x2x129xf32, #tpu.memory_space<vmem>> -> memref<32x2x129xf32, #tpu.memory_space<vmem>>
        tpu.vector_store_idx %parallel_loop3A_1960[%select_n3A_127, %select_n3A_158, %parallel_loop3A_1927], %parallel_loop3A_1954 : memref<32x2x129xf32, #tpu.memory_space<vmem>>[vector<16xi32>, vector<16xi32>, vector<16xi32>], vector<16xf32>,
        %parallel_loop3A_1961 = arith.constant 0 : i32
        %parallel_loop3A_1962 = arith.index_cast %parallel_loop3A_1961 : i32 to index
        %parallel_loop3A_1963 = arith.index_cast %parallel_loop3A_1923 : i32 to index
        %parallel_loop3A_1964 = arith.constant 48 : index
        %parallel_loop3A_1965 = tpu.vector_load %arg7[%parallel_loop3A_1962, %parallel_loop3A_1963, %parallel_loop3A_1964] {strides = array<i32>} : memref<4x128x64xf32, #tpu.memory_space<vmem>>, vector<16xf32>,
        %parallel_loop3A_1966 = arith.constant 0 : i32
        %parallel_loop3A_1967 = arith.constant 0 : i32
        %parallel_loop3A_1968 = arith.constant 0 : i32
        %parallel_loop3A_1969 = arith.constant 0 : i32
        %parallel_loop3A_1970 = tpu.memref_slice %arg8[%parallel_loop3A_1966, %parallel_loop3A_1967, %parallel_loop3A_1968, %parallel_loop3A_1969] : memref<4x32x2x129xf32, #tpu.memory_space<vmem>> -> memref<1x32x2x129xf32, #tpu.memory_space<vmem>>
        %parallel_loop3A_1971 = tpu.memref_squeeze %parallel_loop3A_1970 : memref<1x32x2x129xf32, #tpu.memory_space<vmem>> -> memref<32x2x129xf32, #tpu.memory_space<vmem>>
        tpu.vector_store_idx %parallel_loop3A_1971[%select_n3A_183, %select_n3A_214, %parallel_loop3A_1927], %parallel_loop3A_1965 : memref<32x2x129xf32, #tpu.memory_space<vmem>>[vector<16xi32>, vector<16xi32>, vector<16xi32>], vector<16xf32>,
      } {sc.loop_unroll_factor = 2 : i64, sc.parallel_access}
      %dma_start3A_1324 = arith.constant 0 : i32
      %dma_start3A_1325 = arith.constant 0 : i32
      %dma_start3A_1326 = arith.constant 0 : i32
      %dma_start3A_1327 = arith.constant 0 : i32
      %dma_start3A_1328 = tpu.memref_slice %arg8[%dma_start3A_1324, %dma_start3A_1325, %dma_start3A_1326, %dma_start3A_1327] : memref<4x32x2x129xf32, #tpu.memory_space<vmem>> -> memref<1x32x2x128xf32, #tpu.memory_space<vmem>>
      %dma_start3A_1329 = tpu.memref_squeeze %dma_start3A_1328 : memref<1x32x2x128xf32, #tpu.memory_space<vmem>> -> memref<32x2x128xf32, #tpu.memory_space<vmem>>
      %dma_start3A_1330 = arith.constant 0 : i32
      %dma_start3A_1331 = arith.constant 0 : i32
      %dma_start3A_1332 = arith.constant 0 : i32
      %dma_start3A_1333 = tpu.memref_slice %arg4[%add3A_1317, %dma_start3A_1330, %select_n3A_1316, %dma_start3A_1331, %dma_start3A_1332] : memref<50x32x128x2x128xf32, #tpu.memory_space<hbm>> -> memref<1x32x1x2x128xf32, #tpu.memory_space<hbm>>
      %dma_start3A_1334 = tpu.memref_squeeze %dma_start3A_1333 : memref<1x32x1x2x128xf32, #tpu.memory_space<hbm>> -> memref<32x2x128xf32, #tpu.memory_space<hbm>>
      %dma_start3A_1335 = arith.constant 0 : i32
      %dma_start3A_1336 = arith.constant 0 : i32
      %dma_start3A_1337 = arith.constant 0 : i32
      %dma_start3A_1338 = tpu.memref_slice %arg4[%add3A_1317, %dma_start3A_1335, %select_n3A_1316, %dma_start3A_1336, %dma_start3A_1337] : memref<50x32x128x2x128xf32, #tpu.memory_space<hbm>> -> memref<1x32x1x2x128xf32, #tpu.memory_space<hbm>>
      %dma_start3A_1339 = tpu.memref_squeeze %dma_start3A_1338 : memref<1x32x1x2x128xf32, #tpu.memory_space<hbm>> -> memref<32x2x128xf32, #tpu.memory_space<hbm>>
      %dma_start3A_1340 = arith.constant 0 : i32
      %dma_start3A_1341 = arith.constant 0 : i32
      %dma_start3A_1342 = arith.constant 0 : i32
      %dma_start3A_1343 = tpu.memref_slice %arg8[%dma_start3A_1324, %dma_start3A_1340, %dma_start3A_1341, %dma_start3A_1342] : memref<4x32x2x129xf32, #tpu.memory_space<vmem>> -> memref<1x32x2x128xf32, #tpu.memory_space<vmem>>
      %dma_start3A_1344 = tpu.memref_squeeze %dma_start3A_1343 : memref<1x32x2x128xf32, #tpu.memory_space<vmem>> -> memref<32x2x128xf32, #tpu.memory_space<vmem>>
      tpu.enqueue_dma source(%dma_start3A_1344 : memref<32x2x128xf32, #tpu.memory_space<vmem>>) target(%dma_start3A_1339 : memref<32x2x128xf32, #tpu.memory_space<hbm>>) target_semaphore(%arg13 : memref<!tpu.dma_semaphore, #tpu.memory_space<semaphore_mem>>)
      %add3A_1345 = arith.constant 3 : i32
      %add3A_1346 = arith.addi %add3A_1167, %add3A_1345 : i32
      %lt3A_1347 = arith.constant 200 : i32
      %lt3A_1348 = arith.cmpi slt, %add3A_1346, %lt3A_1347 : i32
      %convert_element_type3A_1349 = arith.extui %lt3A_1348 : i1 to i32
      %cond3A_1350 = arith.constant 0 : i32
      %cond3A_1351 = arith.cmpi ne, %convert_element_type3A_1349, %cond3A_1350 : i32
      scf.if %cond3A_1351 {
        %add3A_1923 = arith.constant 3 : i32
        %add3A_1924 = arith.addi %add3A_1167, %add3A_1923 : i32
        %lt3A_1925 = arith.constant 192 : i32
        %lt3A_1926 = arith.cmpi slt, %add3A_1924, %lt3A_1925 : i32
        %jit3A_1927 = arith.constant 8 : i32
        %div3A_1928 = arith.divsi %add3A_1924, %jit3A_1927 : i32
        %sign3A_1929 = arith.constant 0 : i32
        %sign3A_1930 = arith.cmpi sgt, %add3A_1924, %sign3A_1929 : i32
        %sign3A_1931 = arith.extui %sign3A_1930 : i1 to i32
        %sign3A_1932 = arith.constant 0 : i32
        %sign3A_1933 = arith.cmpi slt, %add3A_1924, %sign3A_1932 : i32
        %sign3A_1934 = arith.extui %sign3A_1933 : i1 to i32
        %sign3A_1935 = arith.subi %sign3A_1931, %sign3A_1934 : i32
        %sign3A_1936 = arith.constant 0 : i32
        %sign3A_1937 = arith.cmpi sgt, %jit3A_1927, %sign3A_1936 : i32
        %sign3A_1938 = arith.extui %sign3A_1937 : i1 to i32
        %sign3A_1939 = arith.constant 0 : i32
        %sign3A_1940 = arith.cmpi slt, %jit3A_1927, %sign3A_1939 : i32
        %sign3A_1941 = arith.extui %sign3A_1940 : i1 to i32
        %sign3A_1942 = arith.subi %sign3A_1938, %sign3A_1941 : i32
        %ne3A_1943 = arith.cmpi ne, %sign3A_1935, %sign3A_1942 : i32
        %rem3A_1944 = arith.remsi %add3A_1924, %jit3A_1927 : i32
        %ne3A_1945 = arith.constant 0 : i32
        %ne3A_1946 = arith.cmpi ne, %rem3A_1944, %ne3A_1945 : i32
        %and3A_1947 = arith.andi %ne3A_1943, %ne3A_1946 : i1
        %sub3A_1948 = arith.constant 1 : i32
        %sub3A_1949 = arith.subi %div3A_1928, %sub3A_1948 : i32
        %select_n3A_1950 = arith.select %and3A_1947, %sub3A_1949, %div3A_1928 : i32
        %sub3A_1951 = arith.constant 192 : i32
        %sub3A_1952 = arith.subi %add3A_1924, %sub3A_1951 : i32
        %jit3A_1953 = arith.constant 2 : i32
        %div3A_1954 = arith.divsi %sub3A_1952, %jit3A_1953 : i32
        %sign3A_1955 = arith.constant 0 : i32
        %sign3A_1956 = arith.cmpi sgt, %sub3A_1952, %sign3A_1955 : i32
        %sign3A_1957 = arith.extui %sign3A_1956 : i1 to i32
        %sign3A_1958 = arith.constant 0 : i32
        %sign3A_1959 = arith.cmpi slt, %sub3A_1952, %sign3A_1958 : i32
        %sign3A_1960 = arith.extui %sign3A_1959 : i1 to i32
        %sign3A_1961 = arith.subi %sign3A_1957, %sign3A_1960 : i32
        %sign3A_1962 = arith.constant 0 : i32
        %sign3A_1963 = arith.cmpi sgt, %jit3A_1953, %sign3A_1962 : i32
        %sign3A_1964 = arith.extui %sign3A_1963 : i1 to i32
        %sign3A_1965 = arith.constant 0 : i32
        %sign3A_1966 = arith.cmpi slt, %jit3A_1953, %sign3A_1965 : i32
        %sign3A_1967 = arith.extui %sign3A_1966 : i1 to i32
        %sign3A_1968 = arith.subi %sign3A_1964, %sign3A_1967 : i32
        %ne3A_1969 = arith.cmpi ne, %sign3A_1961, %sign3A_1968 : i32
        %rem3A_1970 = arith.remsi %sub3A_1952, %jit3A_1953 : i32
        %ne3A_1971 = arith.constant 0 : i32
        %ne3A_1972 = arith.cmpi ne, %rem3A_1970, %ne3A_1971 : i32
        %and3A_1973 = arith.andi %ne3A_1969, %ne3A_1972 : i1
        %sub3A_1974 = arith.constant 1 : i32
        %sub3A_1975 = arith.subi %div3A_1954, %sub3A_1974 : i32
        %select_n3A_1976 = arith.select %and3A_1973, %sub3A_1975, %div3A_1954 : i32
        %add3A_1977 = arith.constant 24 : i32
        %add3A_1978 = arith.addi %add3A_1977, %select_n3A_1976 : i32
        %select_n3A_1979 = arith.select %lt3A_1926, %select_n3A_1950, %add3A_1978 : i32
        %lt3A_1980 = arith.constant 192 : i32
        %lt3A_1981 = arith.cmpi slt, %add3A_1924, %lt3A_1980 : i32
        %jit3A_1982 = arith.constant 8 : i32
        %eq3A_1983 = arith.constant 0 : i32
        %eq3A_1984 = arith.cmpi eq, %jit3A_1982, %eq3A_1983 : i32
        %jit3A_1985 = arith.constant 1 : i32
        %select_n3A_1986 = arith.select %eq3A_1984, %jit3A_1985, %jit3A_1982 : i32
        %rem3A_1987 = arith.remsi %add3A_1924, %select_n3A_1986 : i32
        %ne3A_1988 = arith.constant 0 : i32
        %ne3A_1989 = arith.cmpi ne, %rem3A_1987, %ne3A_1988 : i32
        %lt3A_1990 = arith.constant 0 : i32
        %lt3A_1991 = arith.cmpi slt, %rem3A_1987, %lt3A_1990 : i32
        %lt3A_1992 = arith.constant 0 : i32
        %lt3A_1993 = arith.cmpi slt, %select_n3A_1986, %lt3A_1992 : i32
        %ne3A_1994 = arith.xori %lt3A_1991, %lt3A_1993 : i1
        %and3A_1995 = arith.andi %ne3A_1994, %ne3A_1989 : i1
        %add3A_1996 = arith.addi %rem3A_1987, %select_n3A_1986 : i32
        %select_n3A_1997 = arith.select %and3A_1995, %add3A_1996, %rem3A_1987 : i32
        %sub3A_1998 = arith.constant 192 : i32
        %sub3A_1999 = arith.subi %add3A_1924, %sub3A_1998 : i32
        %jit3A_2000 = arith.constant 2 : i32
        %eq3A_2001 = arith.constant 0 : i32
        %eq3A_2002 = arith.cmpi eq, %jit3A_2000, %eq3A_2001 : i32
        %jit3A_2003 = arith.constant 1 : i32
        %select_n3A_2004 = arith.select %eq3A_2002, %jit3A_2003, %jit3A_2000 : i32
        %rem3A_2005 = arith.remsi %sub3A_1999, %select_n3A_2004 : i32
        %ne3A_2006 = arith.constant 0 : i32
        %ne3A_2007 = arith.cmpi ne, %rem3A_2005, %ne3A_2006 : i32
        %lt3A_2008 = arith.constant 0 : i32
        %lt3A_2009 = arith.cmpi slt, %rem3A_2005, %lt3A_2008 : i32
        %lt3A_2010 = arith.constant 0 : i32
        %lt3A_2011 = arith.cmpi slt, %select_n3A_2004, %lt3A_2010 : i32
        %ne3A_2012 = arith.xori %lt3A_2009, %lt3A_2011 : i1
        %and3A_2013 = arith.andi %ne3A_2012, %ne3A_2007 : i1
        %add3A_2014 = arith.addi %rem3A_2005, %select_n3A_2004 : i32
        %select_n3A_2015 = arith.select %and3A_2013, %add3A_2014, %rem3A_2005 : i32
        %select_n3A_2016 = arith.select %lt3A_1981, %select_n3A_1997, %select_n3A_2015 : i32
        %mul3A_2017 = arith.constant 32 : i32
        %mul3A_2018 = arith.muli %select_n3A_1979, %mul3A_2017 : i32
        %add3A_2019 = arith.addi %mul3A_2018, %add3A : i32
        %jit3A_2020 = arith.constant 128 : i32
        %div3A_2021 = arith.divsi %add3A_2019, %jit3A_2020 : i32
        %sign3A_2022 = arith.constant 0 : i32
        %sign3A_2023 = arith.cmpi sgt, %add3A_2019, %sign3A_2022 : i32
        %sign3A_2024 = arith.extui %sign3A_2023 : i1 to i32
        %sign3A_2025 = arith.constant 0 : i32
        %sign3A_2026 = arith.cmpi slt, %add3A_2019, %sign3A_2025 : i32
        %sign3A_2027 = arith.extui %sign3A_2026 : i1 to i32
        %sign3A_2028 = arith.subi %sign3A_2024, %sign3A_2027 : i32
        %sign3A_2029 = arith.constant 0 : i32
        %sign3A_2030 = arith.cmpi sgt, %jit3A_2020, %sign3A_2029 : i32
        %sign3A_2031 = arith.extui %sign3A_2030 : i1 to i32
        %sign3A_2032 = arith.constant 0 : i32
        %sign3A_2033 = arith.cmpi slt, %jit3A_2020, %sign3A_2032 : i32
        %sign3A_2034 = arith.extui %sign3A_2033 : i1 to i32
        %sign3A_2035 = arith.subi %sign3A_2031, %sign3A_2034 : i32
        %ne3A_2036 = arith.cmpi ne, %sign3A_2028, %sign3A_2035 : i32
        %rem3A_2037 = arith.remsi %add3A_2019, %jit3A_2020 : i32
        %ne3A_2038 = arith.constant 0 : i32
        %ne3A_2039 = arith.cmpi ne, %rem3A_2037, %ne3A_2038 : i32
        %and3A_2040 = arith.andi %ne3A_2036, %ne3A_2039 : i1
        %sub3A_2041 = arith.constant 1 : i32
        %sub3A_2042 = arith.subi %div3A_2021, %sub3A_2041 : i32
        %select_n3A_2043 = arith.select %and3A_2040, %sub3A_2042, %div3A_2021 : i32
        %mul3A_2044 = arith.constant 8 : i32
        %mul3A_2045 = arith.muli %select_n3A_2043, %mul3A_2044 : i32
        %jit3A_2046 = arith.constant 128 : i32
        %eq3A_2047 = arith.constant 0 : i32
        %eq3A_2048 = arith.cmpi eq, %jit3A_2046, %eq3A_2047 : i32
        %jit3A_2049 = arith.constant 1 : i32
        %select_n3A_2050 = arith.select %eq3A_2048, %jit3A_2049, %jit3A_2046 : i32
        %rem3A_2051 = arith.remsi %add3A_2019, %select_n3A_2050 : i32
        %ne3A_2052 = arith.constant 0 : i32
        %ne3A_2053 = arith.cmpi ne, %rem3A_2051, %ne3A_2052 : i32
        %lt3A_2054 = arith.constant 0 : i32
        %lt3A_2055 = arith.cmpi slt, %rem3A_2051, %lt3A_2054 : i32
        %lt3A_2056 = arith.constant 0 : i32
        %lt3A_2057 = arith.cmpi slt, %select_n3A_2050, %lt3A_2056 : i32
        %ne3A_2058 = arith.xori %lt3A_2055, %lt3A_2057 : i1
        %and3A_2059 = arith.andi %ne3A_2058, %ne3A_2053 : i1
        %add3A_2060 = arith.addi %rem3A_2051, %select_n3A_2050 : i32
        %select_n3A_2061 = arith.select %and3A_2059, %add3A_2060, %rem3A_2051 : i32
        %eq3A_2062 = arith.constant 0 : i32
        %eq3A_2063 = arith.cmpi eq, %select_n3A_2016, %eq3A_2062 : i32
        %convert_element_type3A_2064 = arith.extui %eq3A_2063 : i1 to i32
        %cond3A_2065 = arith.constant 0 : i32
        %cond3A_2066 = arith.cmpi ne, %convert_element_type3A_2064, %cond3A_2065 : i32
        scf.if %cond3A_2066 {
          %mul3A_2295 = arith.constant 128 : i32
          %mul3A_2296 = arith.muli %select_n3A_2061, %mul3A_2295 : i32
          "tpu.region"() ({
            %run_scoped3A = tpu.sem_alloc : memref<!tpu.dma_semaphore, #tpu.memory_space<semaphore_mem>>
            %dma_start3A_2297 = tpu.memref_slice %arg2[%mul3A_2045, %mul3A_2296] : memref<56x16384xi32, #tpu.memory_space<hbm>> -> memref<8x128xi32, #tpu.memory_space<hbm>>
            %dma_start3A_2298 = tpu.memref_slice %arg2[%mul3A_2045, %mul3A_2296] : memref<56x16384xi32, #tpu.memory_space<hbm>> -> memref<8x128xi32, #tpu.memory_space<hbm>>
            tpu.enqueue_dma source(%dma_start3A_2298 : memref<8x128xi32, #tpu.memory_space<hbm>>) target(%arg5 : memref<8x128xi32, #tpu.memory_space<vmem>>) target_semaphore(%run_scoped3A : memref<!tpu.dma_semaphore, #tpu.memory_space<semaphore_mem>>)
            %dma_wait3A_2299 = tpu.memref_slice %arg2[%mul3A_2045, %mul3A_2296] : memref<56x16384xi32, #tpu.memory_space<hbm>> -> memref<8x128xi32, #tpu.memory_space<hbm>>
            %dma_wait3A_2300 = tpu.memref_slice %arg2[%mul3A_2045, %mul3A_2296] : memref<56x16384xi32, #tpu.memory_space<hbm>> -> memref<8x128xi32, #tpu.memory_space<hbm>>
            tpu.wait_dma2 semaphore(%run_scoped3A : memref<!tpu.dma_semaphore, #tpu.memory_space<semaphore_mem>>) src(%dma_wait3A_2300 : memref<8x128xi32, #tpu.memory_space<hbm>>) dst(%arg5 : memref<8x128xi32, #tpu.memory_space<vmem>>)
            tpu.yield
          }) : () -> ()
        } else {
        }
        %get3A_2067 = arith.index_cast %select_n3A_2016 : i32 to index
        %get3A_2068 = arith.constant 0 : index
        %get3A_2069 = tpu.vector_load %arg5[%get3A_2067, %get3A_2068] {strides = array<i32>} : memref<8x128xi32, #tpu.memory_space<vmem>>, vector<16xi32>,
        %shift_right_logical3A_2070 = arith.constant 13 : i32
        %shift_right_logical3A_2071 = vector.broadcast %shift_right_logical3A_2070 : i32 to vector<16xi32>
        %shift_right_logical3A_2072 = arith.shrui %get3A_2069, %shift_right_logical3A_2071 : vector<16xi32>
        %shift_left3A_2073 = arith.constant 13 : i32
        %shift_left3A_2074 = vector.broadcast %shift_left3A_2073 : i32 to vector<16xi32>
        %shift_left3A_2075 = arith.shli %shift_right_logical3A_2072, %shift_left3A_2074 : vector<16xi32>
        %and3A_2076 = arith.constant 4095 : i32
        %and3A_2077 = vector.broadcast %and3A_2076 : i32 to vector<16xi32>
        %and3A_2078 = arith.andi %get3A_2069, %and3A_2077 : vector<16xi32>
        %shift_left3A_2079 = arith.constant 1 : i32
        %shift_left3A_2080 = vector.broadcast %shift_left3A_2079 : i32 to vector<16xi32>
        %shift_left3A_2081 = arith.shli %and3A_2078, %shift_left3A_2080 : vector<16xi32>
        %or3A_2082 = arith.ori %shift_left3A_2075, %shift_left3A_2081 : vector<16xi32>
        %shift_right_logical3A_2083 = arith.constant 12 : i32
        %shift_right_logical3A_2084 = vector.broadcast %shift_right_logical3A_2083 : i32 to vector<16xi32>
        %shift_right_logical3A_2085 = arith.shrui %get3A_2069, %shift_right_logical3A_2084 : vector<16xi32>
        %and3A_2086 = arith.constant 1 : i32
        %and3A_2087 = vector.broadcast %and3A_2086 : i32 to vector<16xi32>
        %and3A_2088 = arith.andi %shift_right_logical3A_2085, %and3A_2087 : vector<16xi32>
        %or3A_2089 = arith.ori %or3A_2082, %and3A_2088 : vector<16xi32>
        %swap3A_2090 = arith.constant 3 : i32
        %swap3A_2091 = arith.index_cast %swap3A_2090 : i32 to index
        %swap3A_2092 = arith.constant 0 : index
        %swap3A_2093 = tpu.vector_load %arg6[%swap3A_2091, %swap3A_2092] {strides = array<i32>} : memref<4x128xi32, #tpu.memory_space<vmem>>, vector<16xi32>,
        tpu.vector_store %arg6[%swap3A_2091, %swap3A_2092], %or3A_2089 {strides = array<i32>} : memref<4x128xi32, #tpu.memory_space<vmem>>, vector<16xi32>,
        %get3A_2094 = arith.index_cast %select_n3A_2016 : i32 to index
        %get3A_2095 = arith.constant 16 : index
        %get3A_2096 = tpu.vector_load %arg5[%get3A_2094, %get3A_2095] {strides = array<i32>} : memref<8x128xi32, #tpu.memory_space<vmem>>, vector<16xi32>,
        %shift_right_logical3A_2097 = arith.constant 13 : i32
        %shift_right_logical3A_2098 = vector.broadcast %shift_right_logical3A_2097 : i32 to vector<16xi32>
        %shift_right_logical3A_2099 = arith.shrui %get3A_2096, %shift_right_logical3A_2098 : vector<16xi32>
        %shift_left3A_2100 = arith.constant 13 : i32
        %shift_left3A_2101 = vector.broadcast %shift_left3A_2100 : i32 to vector<16xi32>
        %shift_left3A_2102 = arith.shli %shift_right_logical3A_2099, %shift_left3A_2101 : vector<16xi32>
        %and3A_2103 = arith.constant 4095 : i32
        %and3A_2104 = vector.broadcast %and3A_2103 : i32 to vector<16xi32>
        %and3A_2105 = arith.andi %get3A_2096, %and3A_2104 : vector<16xi32>
        %shift_left3A_2106 = arith.constant 1 : i32
        %shift_left3A_2107 = vector.broadcast %shift_left3A_2106 : i32 to vector<16xi32>
        %shift_left3A_2108 = arith.shli %and3A_2105, %shift_left3A_2107 : vector<16xi32>
        %or3A_2109 = arith.ori %shift_left3A_2102, %shift_left3A_2108 : vector<16xi32>
        %shift_right_logical3A_2110 = arith.constant 12 : i32
        %shift_right_logical3A_2111 = vector.broadcast %shift_right_logical3A_2110 : i32 to vector<16xi32>
        %shift_right_logical3A_2112 = arith.shrui %get3A_2096, %shift_right_logical3A_2111 : vector<16xi32>
        %and3A_2113 = arith.constant 1 : i32
        %and3A_2114 = vector.broadcast %and3A_2113 : i32 to vector<16xi32>
        %and3A_2115 = arith.andi %shift_right_logical3A_2112, %and3A_2114 : vector<16xi32>
        %or3A_2116 = arith.ori %or3A_2109, %and3A_2115 : vector<16xi32>
        %swap3A_2117 = arith.constant 3 : i32
        %swap3A_2118 = arith.index_cast %swap3A_2117 : i32 to index
        %swap3A_2119 = arith.constant 16 : index
        %swap3A_2120 = tpu.vector_load %arg6[%swap3A_2118, %swap3A_2119] {strides = array<i32>} : memref<4x128xi32, #tpu.memory_space<vmem>>, vector<16xi32>,
        tpu.vector_store %arg6[%swap3A_2118, %swap3A_2119], %or3A_2116 {strides = array<i32>} : memref<4x128xi32, #tpu.memory_space<vmem>>, vector<16xi32>,
        %get3A_2121 = arith.index_cast %select_n3A_2016 : i32 to index
        %get3A_2122 = arith.constant 32 : index
        %get3A_2123 = tpu.vector_load %arg5[%get3A_2121, %get3A_2122] {strides = array<i32>} : memref<8x128xi32, #tpu.memory_space<vmem>>, vector<16xi32>,
        %shift_right_logical3A_2124 = arith.constant 13 : i32
        %shift_right_logical3A_2125 = vector.broadcast %shift_right_logical3A_2124 : i32 to vector<16xi32>
        %shift_right_logical3A_2126 = arith.shrui %get3A_2123, %shift_right_logical3A_2125 : vector<16xi32>
        %shift_left3A_2127 = arith.constant 13 : i32
        %shift_left3A_2128 = vector.broadcast %shift_left3A_2127 : i32 to vector<16xi32>
        %shift_left3A_2129 = arith.shli %shift_right_logical3A_2126, %shift_left3A_2128 : vector<16xi32>
        %and3A_2130 = arith.constant 4095 : i32
        %and3A_2131 = vector.broadcast %and3A_2130 : i32 to vector<16xi32>
        %and3A_2132 = arith.andi %get3A_2123, %and3A_2131 : vector<16xi32>
        %shift_left3A_2133 = arith.constant 1 : i32
        %shift_left3A_2134 = vector.broadcast %shift_left3A_2133 : i32 to vector<16xi32>
        %shift_left3A_2135 = arith.shli %and3A_2132, %shift_left3A_2134 : vector<16xi32>
        %or3A_2136 = arith.ori %shift_left3A_2129, %shift_left3A_2135 : vector<16xi32>
        %shift_right_logical3A_2137 = arith.constant 12 : i32
        %shift_right_logical3A_2138 = vector.broadcast %shift_right_logical3A_2137 : i32 to vector<16xi32>
        %shift_right_logical3A_2139 = arith.shrui %get3A_2123, %shift_right_logical3A_2138 : vector<16xi32>
        %and3A_2140 = arith.constant 1 : i32
        %and3A_2141 = vector.broadcast %and3A_2140 : i32 to vector<16xi32>
        %and3A_2142 = arith.andi %shift_right_logical3A_2139, %and3A_2141 : vector<16xi32>
        %or3A_2143 = arith.ori %or3A_2136, %and3A_2142 : vector<16xi32>
        %swap3A_2144 = arith.constant 3 : i32
        %swap3A_2145 = arith.index_cast %swap3A_2144 : i32 to index
        %swap3A_2146 = arith.constant 32 : index
        %swap3A_2147 = tpu.vector_load %arg6[%swap3A_2145, %swap3A_2146] {strides = array<i32>} : memref<4x128xi32, #tpu.memory_space<vmem>>, vector<16xi32>,
        tpu.vector_store %arg6[%swap3A_2145, %swap3A_2146], %or3A_2143 {strides = array<i32>} : memref<4x128xi32, #tpu.memory_space<vmem>>, vector<16xi32>,
        %get3A_2148 = arith.index_cast %select_n3A_2016 : i32 to index
        %get3A_2149 = arith.constant 48 : index
        %get3A_2150 = tpu.vector_load %arg5[%get3A_2148, %get3A_2149] {strides = array<i32>} : memref<8x128xi32, #tpu.memory_space<vmem>>, vector<16xi32>,
        %shift_right_logical3A_2151 = arith.constant 13 : i32
        %shift_right_logical3A_2152 = vector.broadcast %shift_right_logical3A_2151 : i32 to vector<16xi32>
        %shift_right_logical3A_2153 = arith.shrui %get3A_2150, %shift_right_logical3A_2152 : vector<16xi32>
        %shift_left3A_2154 = arith.constant 13 : i32
        %shift_left3A_2155 = vector.broadcast %shift_left3A_2154 : i32 to vector<16xi32>
        %shift_left3A_2156 = arith.shli %shift_right_logical3A_2153, %shift_left3A_2155 : vector<16xi32>
        %and3A_2157 = arith.constant 4095 : i32
        %and3A_2158 = vector.broadcast %and3A_2157 : i32 to vector<16xi32>
        %and3A_2159 = arith.andi %get3A_2150, %and3A_2158 : vector<16xi32>
        %shift_left3A_2160 = arith.constant 1 : i32
        %shift_left3A_2161 = vector.broadcast %shift_left3A_2160 : i32 to vector<16xi32>
        %shift_left3A_2162 = arith.shli %and3A_2159, %shift_left3A_2161 : vector<16xi32>
        %or3A_2163 = arith.ori %shift_left3A_2156, %shift_left3A_2162 : vector<16xi32>
        %shift_right_logical3A_2164 = arith.constant 12 : i32
        %shift_right_logical3A_2165 = vector.broadcast %shift_right_logical3A_2164 : i32 to vector<16xi32>
        %shift_right_logical3A_2166 = arith.shrui %get3A_2150, %shift_right_logical3A_2165 : vector<16xi32>
        %and3A_2167 = arith.constant 1 : i32
        %and3A_2168 = vector.broadcast %and3A_2167 : i32 to vector<16xi32>
        %and3A_2169 = arith.andi %shift_right_logical3A_2166, %and3A_2168 : vector<16xi32>
        %or3A_2170 = arith.ori %or3A_2163, %and3A_2169 : vector<16xi32>
        %swap3A_2171 = arith.constant 3 : i32
        %swap3A_2172 = arith.index_cast %swap3A_2171 : i32 to index
        %swap3A_2173 = arith.constant 48 : index
        %swap3A_2174 = tpu.vector_load %arg6[%swap3A_2172, %swap3A_2173] {strides = array<i32>} : memref<4x128xi32, #tpu.memory_space<vmem>>, vector<16xi32>,
        tpu.vector_store %arg6[%swap3A_2172, %swap3A_2173], %or3A_2170 {strides = array<i32>} : memref<4x128xi32, #tpu.memory_space<vmem>>, vector<16xi32>,
        %get3A_2175 = arith.index_cast %select_n3A_2016 : i32 to index
        %get3A_2176 = arith.constant 64 : index
        %get3A_2177 = tpu.vector_load %arg5[%get3A_2175, %get3A_2176] {strides = array<i32>} : memref<8x128xi32, #tpu.memory_space<vmem>>, vector<16xi32>,
        %shift_right_logical3A_2178 = arith.constant 13 : i32
        %shift_right_logical3A_2179 = vector.broadcast %shift_right_logical3A_2178 : i32 to vector<16xi32>
        %shift_right_logical3A_2180 = arith.shrui %get3A_2177, %shift_right_logical3A_2179 : vector<16xi32>
        %shift_left3A_2181 = arith.constant 13 : i32
        %shift_left3A_2182 = vector.broadcast %shift_left3A_2181 : i32 to vector<16xi32>
        %shift_left3A_2183 = arith.shli %shift_right_logical3A_2180, %shift_left3A_2182 : vector<16xi32>
        %and3A_2184 = arith.constant 4095 : i32
        %and3A_2185 = vector.broadcast %and3A_2184 : i32 to vector<16xi32>
        %and3A_2186 = arith.andi %get3A_2177, %and3A_2185 : vector<16xi32>
        %shift_left3A_2187 = arith.constant 1 : i32
        %shift_left3A_2188 = vector.broadcast %shift_left3A_2187 : i32 to vector<16xi32>
        %shift_left3A_2189 = arith.shli %and3A_2186, %shift_left3A_2188 : vector<16xi32>
        %or3A_2190 = arith.ori %shift_left3A_2183, %shift_left3A_2189 : vector<16xi32>
        %shift_right_logical3A_2191 = arith.constant 12 : i32
        %shift_right_logical3A_2192 = vector.broadcast %shift_right_logical3A_2191 : i32 to vector<16xi32>
        %shift_right_logical3A_2193 = arith.shrui %get3A_2177, %shift_right_logical3A_2192 : vector<16xi32>
        %and3A_2194 = arith.constant 1 : i32
        %and3A_2195 = vector.broadcast %and3A_2194 : i32 to vector<16xi32>
        %and3A_2196 = arith.andi %shift_right_logical3A_2193, %and3A_2195 : vector<16xi32>
        %or3A_2197 = arith.ori %or3A_2190, %and3A_2196 : vector<16xi32>
        %swap3A_2198 = arith.constant 3 : i32
        %swap3A_2199 = arith.index_cast %swap3A_2198 : i32 to index
        %swap3A_2200 = arith.constant 64 : index
        %swap3A_2201 = tpu.vector_load %arg6[%swap3A_2199, %swap3A_2200] {strides = array<i32>} : memref<4x128xi32, #tpu.memory_space<vmem>>, vector<16xi32>,
        tpu.vector_store %arg6[%swap3A_2199, %swap3A_2200], %or3A_2197 {strides = array<i32>} : memref<4x128xi32, #tpu.memory_space<vmem>>, vector<16xi32>,
        %get3A_2202 = arith.index_cast %select_n3A_2016 : i32 to index
        %get3A_2203 = arith.constant 80 : index
        %get3A_2204 = tpu.vector_load %arg5[%get3A_2202, %get3A_2203] {strides = array<i32>} : memref<8x128xi32, #tpu.memory_space<vmem>>, vector<16xi32>,
        %shift_right_logical3A_2205 = arith.constant 13 : i32
        %shift_right_logical3A_2206 = vector.broadcast %shift_right_logical3A_2205 : i32 to vector<16xi32>
        %shift_right_logical3A_2207 = arith.shrui %get3A_2204, %shift_right_logical3A_2206 : vector<16xi32>
        %shift_left3A_2208 = arith.constant 13 : i32
        %shift_left3A_2209 = vector.broadcast %shift_left3A_2208 : i32 to vector<16xi32>
        %shift_left3A_2210 = arith.shli %shift_right_logical3A_2207, %shift_left3A_2209 : vector<16xi32>
        %and3A_2211 = arith.constant 4095 : i32
        %and3A_2212 = vector.broadcast %and3A_2211 : i32 to vector<16xi32>
        %and3A_2213 = arith.andi %get3A_2204, %and3A_2212 : vector<16xi32>
        %shift_left3A_2214 = arith.constant 1 : i32
        %shift_left3A_2215 = vector.broadcast %shift_left3A_2214 : i32 to vector<16xi32>
        %shift_left3A_2216 = arith.shli %and3A_2213, %shift_left3A_2215 : vector<16xi32>
        %or3A_2217 = arith.ori %shift_left3A_2210, %shift_left3A_2216 : vector<16xi32>
        %shift_right_logical3A_2218 = arith.constant 12 : i32
        %shift_right_logical3A_2219 = vector.broadcast %shift_right_logical3A_2218 : i32 to vector<16xi32>
        %shift_right_logical3A_2220 = arith.shrui %get3A_2204, %shift_right_logical3A_2219 : vector<16xi32>
        %and3A_2221 = arith.constant 1 : i32
        %and3A_2222 = vector.broadcast %and3A_2221 : i32 to vector<16xi32>
        %and3A_2223 = arith.andi %shift_right_logical3A_2220, %and3A_2222 : vector<16xi32>
        %or3A_2224 = arith.ori %or3A_2217, %and3A_2223 : vector<16xi32>
        %swap3A_2225 = arith.constant 3 : i32
        %swap3A_2226 = arith.index_cast %swap3A_2225 : i32 to index
        %swap3A_2227 = arith.constant 80 : index
        %swap3A_2228 = tpu.vector_load %arg6[%swap3A_2226, %swap3A_2227] {strides = array<i32>} : memref<4x128xi32, #tpu.memory_space<vmem>>, vector<16xi32>,
        tpu.vector_store %arg6[%swap3A_2226, %swap3A_2227], %or3A_2224 {strides = array<i32>} : memref<4x128xi32, #tpu.memory_space<vmem>>, vector<16xi32>,
        %get3A_2229 = arith.index_cast %select_n3A_2016 : i32 to index
        %get3A_2230 = arith.constant 96 : index
        %get3A_2231 = tpu.vector_load %arg5[%get3A_2229, %get3A_2230] {strides = array<i32>} : memref<8x128xi32, #tpu.memory_space<vmem>>, vector<16xi32>,
        %shift_right_logical3A_2232 = arith.constant 13 : i32
        %shift_right_logical3A_2233 = vector.broadcast %shift_right_logical3A_2232 : i32 to vector<16xi32>
        %shift_right_logical3A_2234 = arith.shrui %get3A_2231, %shift_right_logical3A_2233 : vector<16xi32>
        %shift_left3A_2235 = arith.constant 13 : i32
        %shift_left3A_2236 = vector.broadcast %shift_left3A_2235 : i32 to vector<16xi32>
        %shift_left3A_2237 = arith.shli %shift_right_logical3A_2234, %shift_left3A_2236 : vector<16xi32>
        %and3A_2238 = arith.constant 4095 : i32
        %and3A_2239 = vector.broadcast %and3A_2238 : i32 to vector<16xi32>
        %and3A_2240 = arith.andi %get3A_2231, %and3A_2239 : vector<16xi32>
        %shift_left3A_2241 = arith.constant 1 : i32
        %shift_left3A_2242 = vector.broadcast %shift_left3A_2241 : i32 to vector<16xi32>
        %shift_left3A_2243 = arith.shli %and3A_2240, %shift_left3A_2242 : vector<16xi32>
        %or3A_2244 = arith.ori %shift_left3A_2237, %shift_left3A_2243 : vector<16xi32>
        %shift_right_logical3A_2245 = arith.constant 12 : i32
        %shift_right_logical3A_2246 = vector.broadcast %shift_right_logical3A_2245 : i32 to vector<16xi32>
        %shift_right_logical3A_2247 = arith.shrui %get3A_2231, %shift_right_logical3A_2246 : vector<16xi32>
        %and3A_2248 = arith.constant 1 : i32
        %and3A_2249 = vector.broadcast %and3A_2248 : i32 to vector<16xi32>
        %and3A_2250 = arith.andi %shift_right_logical3A_2247, %and3A_2249 : vector<16xi32>
        %or3A_2251 = arith.ori %or3A_2244, %and3A_2250 : vector<16xi32>
        %swap3A_2252 = arith.constant 3 : i32
        %swap3A_2253 = arith.index_cast %swap3A_2252 : i32 to index
        %swap3A_2254 = arith.constant 96 : index
        %swap3A_2255 = tpu.vector_load %arg6[%swap3A_2253, %swap3A_2254] {strides = array<i32>} : memref<4x128xi32, #tpu.memory_space<vmem>>, vector<16xi32>,
        tpu.vector_store %arg6[%swap3A_2253, %swap3A_2254], %or3A_2251 {strides = array<i32>} : memref<4x128xi32, #tpu.memory_space<vmem>>, vector<16xi32>,
        %get3A_2256 = arith.index_cast %select_n3A_2016 : i32 to index
        %get3A_2257 = arith.constant 112 : index
        %get3A_2258 = tpu.vector_load %arg5[%get3A_2256, %get3A_2257] {strides = array<i32>} : memref<8x128xi32, #tpu.memory_space<vmem>>, vector<16xi32>,
        %shift_right_logical3A_2259 = arith.constant 13 : i32
        %shift_right_logical3A_2260 = vector.broadcast %shift_right_logical3A_2259 : i32 to vector<16xi32>
        %shift_right_logical3A_2261 = arith.shrui %get3A_2258, %shift_right_logical3A_2260 : vector<16xi32>
        %shift_left3A_2262 = arith.constant 13 : i32
        %shift_left3A_2263 = vector.broadcast %shift_left3A_2262 : i32 to vector<16xi32>
        %shift_left3A_2264 = arith.shli %shift_right_logical3A_2261, %shift_left3A_2263 : vector<16xi32>
        %and3A_2265 = arith.constant 4095 : i32
        %and3A_2266 = vector.broadcast %and3A_2265 : i32 to vector<16xi32>
        %and3A_2267 = arith.andi %get3A_2258, %and3A_2266 : vector<16xi32>
        %shift_left3A_2268 = arith.constant 1 : i32
        %shift_left3A_2269 = vector.broadcast %shift_left3A_2268 : i32 to vector<16xi32>
        %shift_left3A_2270 = arith.shli %and3A_2267, %shift_left3A_2269 : vector<16xi32>
        %or3A_2271 = arith.ori %shift_left3A_2264, %shift_left3A_2270 : vector<16xi32>
        %shift_right_logical3A_2272 = arith.constant 12 : i32
        %shift_right_logical3A_2273 = vector.broadcast %shift_right_logical3A_2272 : i32 to vector<16xi32>
        %shift_right_logical3A_2274 = arith.shrui %get3A_2258, %shift_right_logical3A_2273 : vector<16xi32>
        %and3A_2275 = arith.constant 1 : i32
        %and3A_2276 = vector.broadcast %and3A_2275 : i32 to vector<16xi32>
        %and3A_2277 = arith.andi %shift_right_logical3A_2274, %and3A_2276 : vector<16xi32>
        %or3A_2278 = arith.ori %or3A_2271, %and3A_2277 : vector<16xi32>
        %swap3A_2279 = arith.constant 3 : i32
        %swap3A_2280 = arith.index_cast %swap3A_2279 : i32 to index
        %swap3A_2281 = arith.constant 112 : index
        %swap3A_2282 = tpu.vector_load %arg6[%swap3A_2280, %swap3A_2281] {strides = array<i32>} : memref<4x128xi32, #tpu.memory_space<vmem>>, vector<16xi32>,
        tpu.vector_store %arg6[%swap3A_2280, %swap3A_2281], %or3A_2278 {strides = array<i32>} : memref<4x128xi32, #tpu.memory_space<vmem>>, vector<16xi32>,
        %dma_start3A_2283 = arith.constant 3 : i32
        %dma_start3A_2284 = arith.constant 3 : i32
        %dma_start3A_2285 = arith.constant 0 : i32
        %dma_start3A_2286 = arith.constant 0 : i32
        %dma_start3A_2287 = tpu.memref_slice %arg7[%dma_start3A_2284, %dma_start3A_2285, %dma_start3A_2286] : memref<4x128x64xf32, #tpu.memory_space<vmem>> -> memref<1x128x64xf32, #tpu.memory_space<vmem>>
        %dma_start3A_2288 = tpu.memref_squeeze %dma_start3A_2287 : memref<1x128x64xf32, #tpu.memory_space<vmem>> -> memref<128x64xf32, #tpu.memory_space<vmem>>
        %dma_start3A_2289 = arith.constant 0 : i32
        %dma_start3A_2290 = tpu.memref_slice %arg6[%dma_start3A_2283, %dma_start3A_2289] : memref<4x128xi32, #tpu.memory_space<vmem>> -> memref<1x128xi32, #tpu.memory_space<vmem>>
        %dma_start3A_2291 = tpu.memref_squeeze %dma_start3A_2290 : memref<1x128xi32, #tpu.memory_space<vmem>> -> memref<128xi32, #tpu.memory_space<vmem>>
        %dma_start3A_2292 = arith.constant 0 : i32
        %dma_start3A_2293 = arith.constant 0 : i32
        %dma_start3A_2294 = tpu.memref_slice %arg3[%dma_start3A_2292, %dma_start3A_2293] : memref<1007616x64xf32, #tpu.memory_space<hbm>> -> memref<1007616x64xf32, #tpu.memory_space<hbm>>
        tpu.enqueue_indirect_dma source(%dma_start3A_2294 : memref<1007616x64xf32, #tpu.memory_space<hbm>>) target(%dma_start3A_2288 : memref<128x64xf32, #tpu.memory_space<vmem>>) offsets(%dma_start3A_2291 : memref<128xi32, #tpu.memory_space<vmem>>) semaphore(%arg12 : memref<!tpu.dma_semaphore, #tpu.memory_space<semaphore_mem>>)
      } else {
      }
      %mul3A_1352 = arith.constant 4 : i32
      %mul3A_1353 = arith.muli %mul3A_1352, %scan3A_1162 : i32
      %add3A_1354 = arith.constant 1 : i32
      %add3A_1355 = arith.addi %mul3A_1353, %add3A_1354 : i32
      %dma_wait3A_1356 = arith.constant 1 : i32
      %dma_wait3A_1357 = arith.constant 1 : i32
      %dma_wait3A_1358 = arith.constant 0 : i32
      %dma_wait3A_1359 = arith.constant 0 : i32
      %dma_wait3A_1360 = tpu.memref_slice %arg7[%dma_wait3A_1357, %dma_wait3A_1358, %dma_wait3A_1359] : memref<4x128x64xf32, #tpu.memory_space<vmem>> -> memref<1x128x64xf32, #tpu.memory_space<vmem>>
      %dma_wait3A_1361 = tpu.memref_squeeze %dma_wait3A_1360 : memref<1x128x64xf32, #tpu.memory_space<vmem>> -> memref<128x64xf32, #tpu.memory_space<vmem>>
      %dma_wait3A_1362 = arith.constant 0 : i32
      %dma_wait3A_1363 = tpu.memref_slice %arg6[%dma_wait3A_1356, %dma_wait3A_1362] : memref<4x128xi32, #tpu.memory_space<vmem>> -> memref<1x128xi32, #tpu.memory_space<vmem>>
      %dma_wait3A_1364 = tpu.memref_squeeze %dma_wait3A_1363 : memref<1x128xi32, #tpu.memory_space<vmem>> -> memref<128xi32, #tpu.memory_space<vmem>>
      %dma_wait3A_1365 = arith.constant 0 : i32
      %dma_wait3A_1366 = arith.constant 0 : i32
      %dma_wait3A_1367 = tpu.memref_slice %arg3[%dma_wait3A_1365, %dma_wait3A_1366] : memref<1007616x64xf32, #tpu.memory_space<hbm>> -> memref<1007616x64xf32, #tpu.memory_space<hbm>>
      tpu.wait_indirect_dma semaphore(%arg10 : memref<!tpu.dma_semaphore, #tpu.memory_space<semaphore_mem>>) src(%dma_wait3A_1367 : memref<1007616x64xf32, #tpu.memory_space<hbm>>) dst(%dma_wait3A_1361 : memref<128x64xf32, #tpu.memory_space<vmem>>)
      %lt3A_1368 = arith.constant 192 : i32
      %lt3A_1369 = arith.cmpi slt, %add3A_1355, %lt3A_1368 : i32
      %jit3A_1370 = arith.constant 8 : i32
      %div3A_1371 = arith.divsi %add3A_1355, %jit3A_1370 : i32
      %sign3A_1372 = arith.constant 0 : i32
      %sign3A_1373 = arith.cmpi sgt, %add3A_1355, %sign3A_1372 : i32
      %sign3A_1374 = arith.extui %sign3A_1373 : i1 to i32
      %sign3A_1375 = arith.constant 0 : i32
      %sign3A_1376 = arith.cmpi slt, %add3A_1355, %sign3A_1375 : i32
      %sign3A_1377 = arith.extui %sign3A_1376 : i1 to i32
      %sign3A_1378 = arith.subi %sign3A_1374, %sign3A_1377 : i32
      %sign3A_1379 = arith.constant 0 : i32
      %sign3A_1380 = arith.cmpi sgt, %jit3A_1370, %sign3A_1379 : i32
      %sign3A_1381 = arith.extui %sign3A_1380 : i1 to i32
      %sign3A_1382 = arith.constant 0 : i32
      %sign3A_1383 = arith.cmpi slt, %jit3A_1370, %sign3A_1382 : i32
      %sign3A_1384 = arith.extui %sign3A_1383 : i1 to i32
      %sign3A_1385 = arith.subi %sign3A_1381, %sign3A_1384 : i32
      %ne3A_1386 = arith.cmpi ne, %sign3A_1378, %sign3A_1385 : i32
      %rem3A_1387 = arith.remsi %add3A_1355, %jit3A_1370 : i32
      %ne3A_1388 = arith.constant 0 : i32
      %ne3A_1389 = arith.cmpi ne, %rem3A_1387, %ne3A_1388 : i32
      %and3A_1390 = arith.andi %ne3A_1386, %ne3A_1389 : i1
      %sub3A_1391 = arith.constant 1 : i32
      %sub3A_1392 = arith.subi %div3A_1371, %sub3A_1391 : i32
      %select_n3A_1393 = arith.select %and3A_1390, %sub3A_1392, %div3A_1371 : i32
      %sub3A_1394 = arith.constant 192 : i32
      %sub3A_1395 = arith.subi %add3A_1355, %sub3A_1394 : i32
      %jit3A_1396 = arith.constant 2 : i32
      %div3A_1397 = arith.divsi %sub3A_1395, %jit3A_1396 : i32
      %sign3A_1398 = arith.constant 0 : i32
      %sign3A_1399 = arith.cmpi sgt, %sub3A_1395, %sign3A_1398 : i32
      %sign3A_1400 = arith.extui %sign3A_1399 : i1 to i32
      %sign3A_1401 = arith.constant 0 : i32
      %sign3A_1402 = arith.cmpi slt, %sub3A_1395, %sign3A_1401 : i32
      %sign3A_1403 = arith.extui %sign3A_1402 : i1 to i32
      %sign3A_1404 = arith.subi %sign3A_1400, %sign3A_1403 : i32
      %sign3A_1405 = arith.constant 0 : i32
      %sign3A_1406 = arith.cmpi sgt, %jit3A_1396, %sign3A_1405 : i32
      %sign3A_1407 = arith.extui %sign3A_1406 : i1 to i32
      %sign3A_1408 = arith.constant 0 : i32
      %sign3A_1409 = arith.cmpi slt, %jit3A_1396, %sign3A_1408 : i32
      %sign3A_1410 = arith.extui %sign3A_1409 : i1 to i32
      %sign3A_1411 = arith.subi %sign3A_1407, %sign3A_1410 : i32
      %ne3A_1412 = arith.cmpi ne, %sign3A_1404, %sign3A_1411 : i32
      %rem3A_1413 = arith.remsi %sub3A_1395, %jit3A_1396 : i32
      %ne3A_1414 = arith.constant 0 : i32
      %ne3A_1415 = arith.cmpi ne, %rem3A_1413, %ne3A_1414 : i32
      %and3A_1416 = arith.andi %ne3A_1412, %ne3A_1415 : i1
      %sub3A_1417 = arith.constant 1 : i32
      %sub3A_1418 = arith.subi %div3A_1397, %sub3A_1417 : i32
      %select_n3A_1419 = arith.select %and3A_1416, %sub3A_1418, %div3A_1397 : i32
      %add3A_1420 = arith.constant 24 : i32
      %add3A_1421 = arith.addi %add3A_1420, %select_n3A_1419 : i32
      %select_n3A_1422 = arith.select %lt3A_1369, %select_n3A_1393, %add3A_1421 : i32
      %lt3A_1423 = arith.constant 192 : i32
      %lt3A_1424 = arith.cmpi slt, %add3A_1355, %lt3A_1423 : i32
      %jit3A_1425 = arith.constant 8 : i32
      %eq3A_1426 = arith.constant 0 : i32
      %eq3A_1427 = arith.cmpi eq, %jit3A_1425, %eq3A_1426 : i32
      %jit3A_1428 = arith.constant 1 : i32
      %select_n3A_1429 = arith.select %eq3A_1427, %jit3A_1428, %jit3A_1425 : i32
      %rem3A_1430 = arith.remsi %add3A_1355, %select_n3A_1429 : i32
      %ne3A_1431 = arith.constant 0 : i32
      %ne3A_1432 = arith.cmpi ne, %rem3A_1430, %ne3A_1431 : i32
      %lt3A_1433 = arith.constant 0 : i32
      %lt3A_1434 = arith.cmpi slt, %rem3A_1430, %lt3A_1433 : i32
      %lt3A_1435 = arith.constant 0 : i32
      %lt3A_1436 = arith.cmpi slt, %select_n3A_1429, %lt3A_1435 : i32
      %ne3A_1437 = arith.xori %lt3A_1434, %lt3A_1436 : i1
      %and3A_1438 = arith.andi %ne3A_1437, %ne3A_1432 : i1
      %add3A_1439 = arith.addi %rem3A_1430, %select_n3A_1429 : i32
      %select_n3A_1440 = arith.select %and3A_1438, %add3A_1439, %rem3A_1430 : i32
      %sub3A_1441 = arith.constant 192 : i32
      %sub3A_1442 = arith.subi %add3A_1355, %sub3A_1441 : i32
      %jit3A_1443 = arith.constant 2 : i32
      %eq3A_1444 = arith.constant 0 : i32
      %eq3A_1445 = arith.cmpi eq, %jit3A_1443, %eq3A_1444 : i32
      %jit3A_1446 = arith.constant 1 : i32
      %select_n3A_1447 = arith.select %eq3A_1445, %jit3A_1446, %jit3A_1443 : i32
      %rem3A_1448 = arith.remsi %sub3A_1442, %select_n3A_1447 : i32
      %ne3A_1449 = arith.constant 0 : i32
      %ne3A_1450 = arith.cmpi ne, %rem3A_1448, %ne3A_1449 : i32
      %lt3A_1451 = arith.constant 0 : i32
      %lt3A_1452 = arith.cmpi slt, %rem3A_1448, %lt3A_1451 : i32
      %lt3A_1453 = arith.constant 0 : i32
      %lt3A_1454 = arith.cmpi slt, %select_n3A_1447, %lt3A_1453 : i32
      %ne3A_1455 = arith.xori %lt3A_1452, %lt3A_1454 : i1
      %and3A_1456 = arith.andi %ne3A_1455, %ne3A_1450 : i1
      %add3A_1457 = arith.addi %rem3A_1448, %select_n3A_1447 : i32
      %select_n3A_1458 = arith.select %and3A_1456, %add3A_1457, %rem3A_1448 : i32
      %select_n3A_1459 = arith.select %lt3A_1424, %select_n3A_1440, %select_n3A_1458 : i32
      %mul3A_1460 = arith.constant 32 : i32
      %mul3A_1461 = arith.muli %select_n3A_1422, %mul3A_1460 : i32
      %add3A_1462 = arith.addi %mul3A_1461, %add3A : i32
      %jit3A_1463 = arith.constant 128 : i32
      %div3A_1464 = arith.divsi %add3A_1462, %jit3A_1463 : i32
      %sign3A_1465 = arith.constant 0 : i32
      %sign3A_1466 = arith.cmpi sgt, %add3A_1462, %sign3A_1465 : i32
      %sign3A_1467 = arith.extui %sign3A_1466 : i1 to i32
      %sign3A_1468 = arith.constant 0 : i32
      %sign3A_1469 = arith.cmpi slt, %add3A_1462, %sign3A_1468 : i32
      %sign3A_1470 = arith.extui %sign3A_1469 : i1 to i32
      %sign3A_1471 = arith.subi %sign3A_1467, %sign3A_1470 : i32
      %sign3A_1472 = arith.constant 0 : i32
      %sign3A_1473 = arith.cmpi sgt, %jit3A_1463, %sign3A_1472 : i32
      %sign3A_1474 = arith.extui %sign3A_1473 : i1 to i32
      %sign3A_1475 = arith.constant 0 : i32
      %sign3A_1476 = arith.cmpi slt, %jit3A_1463, %sign3A_1475 : i32
      %sign3A_1477 = arith.extui %sign3A_1476 : i1 to i32
      %sign3A_1478 = arith.subi %sign3A_1474, %sign3A_1477 : i32
      %ne3A_1479 = arith.cmpi ne, %sign3A_1471, %sign3A_1478 : i32
      %rem3A_1480 = arith.remsi %add3A_1462, %jit3A_1463 : i32
      %ne3A_1481 = arith.constant 0 : i32
      %ne3A_1482 = arith.cmpi ne, %rem3A_1480, %ne3A_1481 : i32
      %and3A_1483 = arith.andi %ne3A_1479, %ne3A_1482 : i1
      %sub3A_1484 = arith.constant 1 : i32
      %sub3A_1485 = arith.subi %div3A_1464, %sub3A_1484 : i32
      %select_n3A_1486 = arith.select %and3A_1483, %sub3A_1485, %div3A_1464 : i32
      %mul3A_1487 = arith.constant 8 : i32
      %mul3A_1488 = arith.muli %select_n3A_1486, %mul3A_1487 : i32
      %jit3A_1489 = arith.constant 128 : i32
      %eq3A_1490 = arith.constant 0 : i32
      %eq3A_1491 = arith.cmpi eq, %jit3A_1489, %eq3A_1490 : i32
      %jit3A_1492 = arith.constant 1 : i32
      %select_n3A_1493 = arith.select %eq3A_1491, %jit3A_1492, %jit3A_1489 : i32
      %rem3A_1494 = arith.remsi %add3A_1462, %select_n3A_1493 : i32
      %ne3A_1495 = arith.constant 0 : i32
      %ne3A_1496 = arith.cmpi ne, %rem3A_1494, %ne3A_1495 : i32
      %lt3A_1497 = arith.constant 0 : i32
      %lt3A_1498 = arith.cmpi slt, %rem3A_1494, %lt3A_1497 : i32
      %lt3A_1499 = arith.constant 0 : i32
      %lt3A_1500 = arith.cmpi slt, %select_n3A_1493, %lt3A_1499 : i32
      %ne3A_1501 = arith.xori %lt3A_1498, %lt3A_1500 : i1
      %and3A_1502 = arith.andi %ne3A_1501, %ne3A_1496 : i1
      %add3A_1503 = arith.addi %rem3A_1494, %select_n3A_1493 : i32
      %select_n3A_1504 = arith.select %and3A_1502, %add3A_1503, %rem3A_1494 : i32
      %add3A_1505 = arith.addi %mul3A_1488, %select_n3A_1459 : i32
      %ge3A_1506 = arith.constant 4 : i32
      %ge3A_1507 = arith.cmpi sge, %add3A_1355, %ge3A_1506 : i32
      %convert_element_type3A_1508 = arith.extui %ge3A_1507 : i1 to i32
      %cond3A_1509 = arith.constant 0 : i32
      %cond3A_1510 = arith.cmpi ne, %convert_element_type3A_1508, %cond3A_1509 : i32
      scf.if %cond3A_1510 {
        %dma_wait3A_1923 = arith.constant 1 : i32
        %dma_wait3A_1924 = arith.constant 0 : i32
        %dma_wait3A_1925 = arith.constant 0 : i32
        %dma_wait3A_1926 = arith.constant 0 : i32
        %dma_wait3A_1927 = arith.constant 0 : i32
        %dma_wait3A_1928 = arith.constant 0 : i32
        %dma_wait3A_1929 = tpu.memref_slice %arg8[%dma_wait3A_1923, %dma_wait3A_1926, %dma_wait3A_1927, %dma_wait3A_1928] : memref<4x32x2x129xf32, #tpu.memory_space<vmem>> -> memref<1x32x2x128xf32, #tpu.memory_space<vmem>>
        %dma_wait3A_1930 = tpu.memref_squeeze %dma_wait3A_1929 : memref<1x32x2x128xf32, #tpu.memory_space<vmem>> -> memref<32x2x128xf32, #tpu.memory_space<vmem>>
        %dma_wait3A_1931 = arith.constant 0 : i32
        %dma_wait3A_1932 = arith.constant 0 : i32
        %dma_wait3A_1933 = arith.constant 0 : i32
        %dma_wait3A_1934 = tpu.memref_slice %arg4[%dma_wait3A_1924, %dma_wait3A_1931, %dma_wait3A_1925, %dma_wait3A_1932, %dma_wait3A_1933] : memref<50x32x128x2x128xf32, #tpu.memory_space<hbm>> -> memref<1x32x1x2x128xf32, #tpu.memory_space<hbm>>
        %dma_wait3A_1935 = tpu.memref_squeeze %dma_wait3A_1934 : memref<1x32x1x2x128xf32, #tpu.memory_space<hbm>> -> memref<32x2x128xf32, #tpu.memory_space<hbm>>
        %dma_wait3A_1936 = arith.constant 0 : i32
        %dma_wait3A_1937 = arith.constant 0 : i32
        %dma_wait3A_1938 = arith.constant 0 : i32
        %dma_wait3A_1939 = tpu.memref_slice %arg4[%dma_wait3A_1924, %dma_wait3A_1936, %dma_wait3A_1925, %dma_wait3A_1937, %dma_wait3A_1938] : memref<50x32x128x2x128xf32, #tpu.memory_space<hbm>> -> memref<1x32x1x2x128xf32, #tpu.memory_space<hbm>>
        %dma_wait3A_1940 = tpu.memref_squeeze %dma_wait3A_1939 : memref<1x32x1x2x128xf32, #tpu.memory_space<hbm>> -> memref<32x2x128xf32, #tpu.memory_space<hbm>>
        %dma_wait3A_1941 = arith.constant 0 : i32
        %dma_wait3A_1942 = arith.constant 0 : i32
        %dma_wait3A_1943 = arith.constant 0 : i32
        %dma_wait3A_1944 = tpu.memref_slice %arg8[%dma_wait3A_1923, %dma_wait3A_1941, %dma_wait3A_1942, %dma_wait3A_1943] : memref<4x32x2x129xf32, #tpu.memory_space<vmem>> -> memref<1x32x2x128xf32, #tpu.memory_space<vmem>>
        %dma_wait3A_1945 = tpu.memref_squeeze %dma_wait3A_1944 : memref<1x32x2x128xf32, #tpu.memory_space<vmem>> -> memref<32x2x128xf32, #tpu.memory_space<vmem>>
        tpu.wait_dma2 semaphore(%arg14 : memref<!tpu.dma_semaphore, #tpu.memory_space<semaphore_mem>>) src(%dma_wait3A_1945 : memref<32x2x128xf32, #tpu.memory_space<vmem>>) dst(%dma_wait3A_1940 : memref<32x2x128xf32, #tpu.memory_space<hbm>>)
      } else {
      }
      %parallel_loop3A_1511 = arith.constant 0 : i32
      %parallel_loop3A_1512 = arith.constant 128 : i32
      %parallel_loop3A_1513 = arith.constant 1 : i32
      scf.for %parallel_loop3A_1923 = %parallel_loop3A_1511 to %parallel_loop3A_1512 step %parallel_loop3A_1513  : i32 {
        %parallel_loop3A_1924 = arith.constant 0 : i32
        %parallel_loop3A_1925 = vector.broadcast %parallel_loop3A_1924 : i32 to vector<16xi32>
        %parallel_loop3A_1926 = vector.broadcast %parallel_loop3A_1923 : i32 to vector<16xi32>
        %parallel_loop3A_1927 = arith.addi %parallel_loop3A_1925, %parallel_loop3A_1926 : vector<16xi32>
        %parallel_loop3A_1928 = arith.constant 1 : i32
        %parallel_loop3A_1929 = arith.index_cast %parallel_loop3A_1928 : i32 to index
        %parallel_loop3A_1930 = arith.index_cast %parallel_loop3A_1923 : i32 to index
        %parallel_loop3A_1931 = arith.constant 0 : index
        %parallel_loop3A_1932 = tpu.vector_load %arg7[%parallel_loop3A_1929, %parallel_loop3A_1930, %parallel_loop3A_1931] {strides = array<i32>} : memref<4x128x64xf32, #tpu.memory_space<vmem>>, vector<16xf32>,
        %parallel_loop3A_1933 = arith.constant 1 : i32
        %parallel_loop3A_1934 = arith.constant 0 : i32
        %parallel_loop3A_1935 = arith.constant 0 : i32
        %parallel_loop3A_1936 = arith.constant 0 : i32
        %parallel_loop3A_1937 = tpu.memref_slice %arg8[%parallel_loop3A_1933, %parallel_loop3A_1934, %parallel_loop3A_1935, %parallel_loop3A_1936] : memref<4x32x2x129xf32, #tpu.memory_space<vmem>> -> memref<1x32x2x129xf32, #tpu.memory_space<vmem>>
        %parallel_loop3A_1938 = tpu.memref_squeeze %parallel_loop3A_1937 : memref<1x32x2x129xf32, #tpu.memory_space<vmem>> -> memref<32x2x129xf32, #tpu.memory_space<vmem>>
        tpu.vector_store_idx %parallel_loop3A_1938[%select_n3A_18, %select_n3A_46, %parallel_loop3A_1927], %parallel_loop3A_1932 : memref<32x2x129xf32, #tpu.memory_space<vmem>>[vector<16xi32>, vector<16xi32>, vector<16xi32>], vector<16xf32>,
        %parallel_loop3A_1939 = arith.constant 1 : i32
        %parallel_loop3A_1940 = arith.index_cast %parallel_loop3A_1939 : i32 to index
        %parallel_loop3A_1941 = arith.index_cast %parallel_loop3A_1923 : i32 to index
        %parallel_loop3A_1942 = arith.constant 16 : index
        %parallel_loop3A_1943 = tpu.vector_load %arg7[%parallel_loop3A_1940, %parallel_loop3A_1941, %parallel_loop3A_1942] {strides = array<i32>} : memref<4x128x64xf32, #tpu.memory_space<vmem>>, vector<16xf32>,
        %parallel_loop3A_1944 = arith.constant 1 : i32
        %parallel_loop3A_1945 = arith.constant 0 : i32
        %parallel_loop3A_1946 = arith.constant 0 : i32
        %parallel_loop3A_1947 = arith.constant 0 : i32
        %parallel_loop3A_1948 = tpu.memref_slice %arg8[%parallel_loop3A_1944, %parallel_loop3A_1945, %parallel_loop3A_1946, %parallel_loop3A_1947] : memref<4x32x2x129xf32, #tpu.memory_space<vmem>> -> memref<1x32x2x129xf32, #tpu.memory_space<vmem>>
        %parallel_loop3A_1949 = tpu.memref_squeeze %parallel_loop3A_1948 : memref<1x32x2x129xf32, #tpu.memory_space<vmem>> -> memref<32x2x129xf32, #tpu.memory_space<vmem>>
        tpu.vector_store_idx %parallel_loop3A_1949[%select_n3A_71, %select_n3A_102, %parallel_loop3A_1927], %parallel_loop3A_1943 : memref<32x2x129xf32, #tpu.memory_space<vmem>>[vector<16xi32>, vector<16xi32>, vector<16xi32>], vector<16xf32>,
        %parallel_loop3A_1950 = arith.constant 1 : i32
        %parallel_loop3A_1951 = arith.index_cast %parallel_loop3A_1950 : i32 to index
        %parallel_loop3A_1952 = arith.index_cast %parallel_loop3A_1923 : i32 to index
        %parallel_loop3A_1953 = arith.constant 32 : index
        %parallel_loop3A_1954 = tpu.vector_load %arg7[%parallel_loop3A_1951, %parallel_loop3A_1952, %parallel_loop3A_1953] {strides = array<i32>} : memref<4x128x64xf32, #tpu.memory_space<vmem>>, vector<16xf32>,
        %parallel_loop3A_1955 = arith.constant 1 : i32
        %parallel_loop3A_1956 = arith.constant 0 : i32
        %parallel_loop3A_1957 = arith.constant 0 : i32
        %parallel_loop3A_1958 = arith.constant 0 : i32
        %parallel_loop3A_1959 = tpu.memref_slice %arg8[%parallel_loop3A_1955, %parallel_loop3A_1956, %parallel_loop3A_1957, %parallel_loop3A_1958] : memref<4x32x2x129xf32, #tpu.memory_space<vmem>> -> memref<1x32x2x129xf32, #tpu.memory_space<vmem>>
        %parallel_loop3A_1960 = tpu.memref_squeeze %parallel_loop3A_1959 : memref<1x32x2x129xf32, #tpu.memory_space<vmem>> -> memref<32x2x129xf32, #tpu.memory_space<vmem>>
        tpu.vector_store_idx %parallel_loop3A_1960[%select_n3A_127, %select_n3A_158, %parallel_loop3A_1927], %parallel_loop3A_1954 : memref<32x2x129xf32, #tpu.memory_space<vmem>>[vector<16xi32>, vector<16xi32>, vector<16xi32>], vector<16xf32>,
        %parallel_loop3A_1961 = arith.constant 1 : i32
        %parallel_loop3A_1962 = arith.index_cast %parallel_loop3A_1961 : i32 to index
        %parallel_loop3A_1963 = arith.index_cast %parallel_loop3A_1923 : i32 to index
        %parallel_loop3A_1964 = arith.constant 48 : index
        %parallel_loop3A_1965 = tpu.vector_load %arg7[%parallel_loop3A_1962, %parallel_loop3A_1963, %parallel_loop3A_1964] {strides = array<i32>} : memref<4x128x64xf32, #tpu.memory_space<vmem>>, vector<16xf32>,
        %parallel_loop3A_1966 = arith.constant 1 : i32
        %parallel_loop3A_1967 = arith.constant 0 : i32
        %parallel_loop3A_1968 = arith.constant 0 : i32
        %parallel_loop3A_1969 = arith.constant 0 : i32
        %parallel_loop3A_1970 = tpu.memref_slice %arg8[%parallel_loop3A_1966, %parallel_loop3A_1967, %parallel_loop3A_1968, %parallel_loop3A_1969] : memref<4x32x2x129xf32, #tpu.memory_space<vmem>> -> memref<1x32x2x129xf32, #tpu.memory_space<vmem>>
        %parallel_loop3A_1971 = tpu.memref_squeeze %parallel_loop3A_1970 : memref<1x32x2x129xf32, #tpu.memory_space<vmem>> -> memref<32x2x129xf32, #tpu.memory_space<vmem>>
        tpu.vector_store_idx %parallel_loop3A_1971[%select_n3A_183, %select_n3A_214, %parallel_loop3A_1927], %parallel_loop3A_1965 : memref<32x2x129xf32, #tpu.memory_space<vmem>>[vector<16xi32>, vector<16xi32>, vector<16xi32>], vector<16xf32>,
      } {sc.loop_unroll_factor = 2 : i64, sc.parallel_access}
      %dma_start3A_1514 = arith.constant 1 : i32
      %dma_start3A_1515 = arith.constant 0 : i32
      %dma_start3A_1516 = arith.constant 0 : i32
      %dma_start3A_1517 = arith.constant 0 : i32
      %dma_start3A_1518 = tpu.memref_slice %arg8[%dma_start3A_1514, %dma_start3A_1515, %dma_start3A_1516, %dma_start3A_1517] : memref<4x32x2x129xf32, #tpu.memory_space<vmem>> -> memref<1x32x2x128xf32, #tpu.memory_space<vmem>>
      %dma_start3A_1519 = tpu.memref_squeeze %dma_start3A_1518 : memref<1x32x2x128xf32, #tpu.memory_space<vmem>> -> memref<32x2x128xf32, #tpu.memory_space<vmem>>
      %dma_start3A_1520 = arith.constant 0 : i32
      %dma_start3A_1521 = arith.constant 0 : i32
      %dma_start3A_1522 = arith.constant 0 : i32
      %dma_start3A_1523 = tpu.memref_slice %arg4[%add3A_1505, %dma_start3A_1520, %select_n3A_1504, %dma_start3A_1521, %dma_start3A_1522] : memref<50x32x128x2x128xf32, #tpu.memory_space<hbm>> -> memref<1x32x1x2x128xf32, #tpu.memory_space<hbm>>
      %dma_start3A_1524 = tpu.memref_squeeze %dma_start3A_1523 : memref<1x32x1x2x128xf32, #tpu.memory_space<hbm>> -> memref<32x2x128xf32, #tpu.memory_space<hbm>>
      %dma_start3A_1525 = arith.constant 0 : i32
      %dma_start3A_1526 = arith.constant 0 : i32
      %dma_start3A_1527 = arith.constant 0 : i32
      %dma_start3A_1528 = tpu.memref_slice %arg4[%add3A_1505, %dma_start3A_1525, %select_n3A_1504, %dma_start3A_1526, %dma_start3A_1527] : memref<50x32x128x2x128xf32, #tpu.memory_space<hbm>> -> memref<1x32x1x2x128xf32, #tpu.memory_space<hbm>>
      %dma_start3A_1529 = tpu.memref_squeeze %dma_start3A_1528 : memref<1x32x1x2x128xf32, #tpu.memory_space<hbm>> -> memref<32x2x128xf32, #tpu.memory_space<hbm>>
      %dma_start3A_1530 = arith.constant 0 : i32
      %dma_start3A_1531 = arith.constant 0 : i32
      %dma_start3A_1532 = arith.constant 0 : i32
      %dma_start3A_1533 = tpu.memref_slice %arg8[%dma_start3A_1514, %dma_start3A_1530, %dma_start3A_1531, %dma_start3A_1532] : memref<4x32x2x129xf32, #tpu.memory_space<vmem>> -> memref<1x32x2x128xf32, #tpu.memory_space<vmem>>
      %dma_start3A_1534 = tpu.memref_squeeze %dma_start3A_1533 : memref<1x32x2x128xf32, #tpu.memory_space<vmem>> -> memref<32x2x128xf32, #tpu.memory_space<vmem>>
      tpu.enqueue_dma source(%dma_start3A_1534 : memref<32x2x128xf32, #tpu.memory_space<vmem>>) target(%dma_start3A_1529 : memref<32x2x128xf32, #tpu.memory_space<hbm>>) target_semaphore(%arg14 : memref<!tpu.dma_semaphore, #tpu.memory_space<semaphore_mem>>)
      %add3A_1535 = arith.constant 3 : i32
      %add3A_1536 = arith.addi %add3A_1355, %add3A_1535 : i32
      %lt3A_1537 = arith.constant 200 : i32
      %lt3A_1538 = arith.cmpi slt, %add3A_1536, %lt3A_1537 : i32
      %convert_element_type3A_1539 = arith.extui %lt3A_1538 : i1 to i32
      %cond3A_1540 = arith.constant 0 : i32
      %cond3A_1541 = arith.cmpi ne, %convert_element_type3A_1539, %cond3A_1540 : i32
      scf.if %cond3A_1541 {
        %add3A_1923 = arith.constant 3 : i32
        %add3A_1924 = arith.addi %add3A_1355, %add3A_1923 : i32
        %lt3A_1925 = arith.constant 192 : i32
        %lt3A_1926 = arith.cmpi slt, %add3A_1924, %lt3A_1925 : i32
        %jit3A_1927 = arith.constant 8 : i32
        %div3A_1928 = arith.divsi %add3A_1924, %jit3A_1927 : i32
        %sign3A_1929 = arith.constant 0 : i32
        %sign3A_1930 = arith.cmpi sgt, %add3A_1924, %sign3A_1929 : i32
        %sign3A_1931 = arith.extui %sign3A_1930 : i1 to i32
        %sign3A_1932 = arith.constant 0 : i32
        %sign3A_1933 = arith.cmpi slt, %add3A_1924, %sign3A_1932 : i32
        %sign3A_1934 = arith.extui %sign3A_1933 : i1 to i32
        %sign3A_1935 = arith.subi %sign3A_1931, %sign3A_1934 : i32
        %sign3A_1936 = arith.constant 0 : i32
        %sign3A_1937 = arith.cmpi sgt, %jit3A_1927, %sign3A_1936 : i32
        %sign3A_1938 = arith.extui %sign3A_1937 : i1 to i32
        %sign3A_1939 = arith.constant 0 : i32
        %sign3A_1940 = arith.cmpi slt, %jit3A_1927, %sign3A_1939 : i32
        %sign3A_1941 = arith.extui %sign3A_1940 : i1 to i32
        %sign3A_1942 = arith.subi %sign3A_1938, %sign3A_1941 : i32
        %ne3A_1943 = arith.cmpi ne, %sign3A_1935, %sign3A_1942 : i32
        %rem3A_1944 = arith.remsi %add3A_1924, %jit3A_1927 : i32
        %ne3A_1945 = arith.constant 0 : i32
        %ne3A_1946 = arith.cmpi ne, %rem3A_1944, %ne3A_1945 : i32
        %and3A_1947 = arith.andi %ne3A_1943, %ne3A_1946 : i1
        %sub3A_1948 = arith.constant 1 : i32
        %sub3A_1949 = arith.subi %div3A_1928, %sub3A_1948 : i32
        %select_n3A_1950 = arith.select %and3A_1947, %sub3A_1949, %div3A_1928 : i32
        %sub3A_1951 = arith.constant 192 : i32
        %sub3A_1952 = arith.subi %add3A_1924, %sub3A_1951 : i32
        %jit3A_1953 = arith.constant 2 : i32
        %div3A_1954 = arith.divsi %sub3A_1952, %jit3A_1953 : i32
        %sign3A_1955 = arith.constant 0 : i32
        %sign3A_1956 = arith.cmpi sgt, %sub3A_1952, %sign3A_1955 : i32
        %sign3A_1957 = arith.extui %sign3A_1956 : i1 to i32
        %sign3A_1958 = arith.constant 0 : i32
        %sign3A_1959 = arith.cmpi slt, %sub3A_1952, %sign3A_1958 : i32
        %sign3A_1960 = arith.extui %sign3A_1959 : i1 to i32
        %sign3A_1961 = arith.subi %sign3A_1957, %sign3A_1960 : i32
        %sign3A_1962 = arith.constant 0 : i32
        %sign3A_1963 = arith.cmpi sgt, %jit3A_1953, %sign3A_1962 : i32
        %sign3A_1964 = arith.extui %sign3A_1963 : i1 to i32
        %sign3A_1965 = arith.constant 0 : i32
        %sign3A_1966 = arith.cmpi slt, %jit3A_1953, %sign3A_1965 : i32
        %sign3A_1967 = arith.extui %sign3A_1966 : i1 to i32
        %sign3A_1968 = arith.subi %sign3A_1964, %sign3A_1967 : i32
        %ne3A_1969 = arith.cmpi ne, %sign3A_1961, %sign3A_1968 : i32
        %rem3A_1970 = arith.remsi %sub3A_1952, %jit3A_1953 : i32
        %ne3A_1971 = arith.constant 0 : i32
        %ne3A_1972 = arith.cmpi ne, %rem3A_1970, %ne3A_1971 : i32
        %and3A_1973 = arith.andi %ne3A_1969, %ne3A_1972 : i1
        %sub3A_1974 = arith.constant 1 : i32
        %sub3A_1975 = arith.subi %div3A_1954, %sub3A_1974 : i32
        %select_n3A_1976 = arith.select %and3A_1973, %sub3A_1975, %div3A_1954 : i32
        %add3A_1977 = arith.constant 24 : i32
        %add3A_1978 = arith.addi %add3A_1977, %select_n3A_1976 : i32
        %select_n3A_1979 = arith.select %lt3A_1926, %select_n3A_1950, %add3A_1978 : i32
        %lt3A_1980 = arith.constant 192 : i32
        %lt3A_1981 = arith.cmpi slt, %add3A_1924, %lt3A_1980 : i32
        %jit3A_1982 = arith.constant 8 : i32
        %eq3A_1983 = arith.constant 0 : i32
        %eq3A_1984 = arith.cmpi eq, %jit3A_1982, %eq3A_1983 : i32
        %jit3A_1985 = arith.constant 1 : i32
        %select_n3A_1986 = arith.select %eq3A_1984, %jit3A_1985, %jit3A_1982 : i32
        %rem3A_1987 = arith.remsi %add3A_1924, %select_n3A_1986 : i32
        %ne3A_1988 = arith.constant 0 : i32
        %ne3A_1989 = arith.cmpi ne, %rem3A_1987, %ne3A_1988 : i32
        %lt3A_1990 = arith.constant 0 : i32
        %lt3A_1991 = arith.cmpi slt, %rem3A_1987, %lt3A_1990 : i32
        %lt3A_1992 = arith.constant 0 : i32
        %lt3A_1993 = arith.cmpi slt, %select_n3A_1986, %lt3A_1992 : i32
        %ne3A_1994 = arith.xori %lt3A_1991, %lt3A_1993 : i1
        %and3A_1995 = arith.andi %ne3A_1994, %ne3A_1989 : i1
        %add3A_1996 = arith.addi %rem3A_1987, %select_n3A_1986 : i32
        %select_n3A_1997 = arith.select %and3A_1995, %add3A_1996, %rem3A_1987 : i32
        %sub3A_1998 = arith.constant 192 : i32
        %sub3A_1999 = arith.subi %add3A_1924, %sub3A_1998 : i32
        %jit3A_2000 = arith.constant 2 : i32
        %eq3A_2001 = arith.constant 0 : i32
        %eq3A_2002 = arith.cmpi eq, %jit3A_2000, %eq3A_2001 : i32
        %jit3A_2003 = arith.constant 1 : i32
        %select_n3A_2004 = arith.select %eq3A_2002, %jit3A_2003, %jit3A_2000 : i32
        %rem3A_2005 = arith.remsi %sub3A_1999, %select_n3A_2004 : i32
        %ne3A_2006 = arith.constant 0 : i32
        %ne3A_2007 = arith.cmpi ne, %rem3A_2005, %ne3A_2006 : i32
        %lt3A_2008 = arith.constant 0 : i32
        %lt3A_2009 = arith.cmpi slt, %rem3A_2005, %lt3A_2008 : i32
        %lt3A_2010 = arith.constant 0 : i32
        %lt3A_2011 = arith.cmpi slt, %select_n3A_2004, %lt3A_2010 : i32
        %ne3A_2012 = arith.xori %lt3A_2009, %lt3A_2011 : i1
        %and3A_2013 = arith.andi %ne3A_2012, %ne3A_2007 : i1
        %add3A_2014 = arith.addi %rem3A_2005, %select_n3A_2004 : i32
        %select_n3A_2015 = arith.select %and3A_2013, %add3A_2014, %rem3A_2005 : i32
        %select_n3A_2016 = arith.select %lt3A_1981, %select_n3A_1997, %select_n3A_2015 : i32
        %mul3A_2017 = arith.constant 32 : i32
        %mul3A_2018 = arith.muli %select_n3A_1979, %mul3A_2017 : i32
        %add3A_2019 = arith.addi %mul3A_2018, %add3A : i32
        %jit3A_2020 = arith.constant 128 : i32
        %div3A_2021 = arith.divsi %add3A_2019, %jit3A_2020 : i32
        %sign3A_2022 = arith.constant 0 : i32
        %sign3A_2023 = arith.cmpi sgt, %add3A_2019, %sign3A_2022 : i32
        %sign3A_2024 = arith.extui %sign3A_2023 : i1 to i32
        %sign3A_2025 = arith.constant 0 : i32
        %sign3A_2026 = arith.cmpi slt, %add3A_2019, %sign3A_2025 : i32
        %sign3A_2027 = arith.extui %sign3A_2026 : i1 to i32
        %sign3A_2028 = arith.subi %sign3A_2024, %sign3A_2027 : i32
        %sign3A_2029 = arith.constant 0 : i32
        %sign3A_2030 = arith.cmpi sgt, %jit3A_2020, %sign3A_2029 : i32
        %sign3A_2031 = arith.extui %sign3A_2030 : i1 to i32
        %sign3A_2032 = arith.constant 0 : i32
        %sign3A_2033 = arith.cmpi slt, %jit3A_2020, %sign3A_2032 : i32
        %sign3A_2034 = arith.extui %sign3A_2033 : i1 to i32
        %sign3A_2035 = arith.subi %sign3A_2031, %sign3A_2034 : i32
        %ne3A_2036 = arith.cmpi ne, %sign3A_2028, %sign3A_2035 : i32
        %rem3A_2037 = arith.remsi %add3A_2019, %jit3A_2020 : i32
        %ne3A_2038 = arith.constant 0 : i32
        %ne3A_2039 = arith.cmpi ne, %rem3A_2037, %ne3A_2038 : i32
        %and3A_2040 = arith.andi %ne3A_2036, %ne3A_2039 : i1
        %sub3A_2041 = arith.constant 1 : i32
        %sub3A_2042 = arith.subi %div3A_2021, %sub3A_2041 : i32
        %select_n3A_2043 = arith.select %and3A_2040, %sub3A_2042, %div3A_2021 : i32
        %mul3A_2044 = arith.constant 8 : i32
        %mul3A_2045 = arith.muli %select_n3A_2043, %mul3A_2044 : i32
        %jit3A_2046 = arith.constant 128 : i32
        %eq3A_2047 = arith.constant 0 : i32
        %eq3A_2048 = arith.cmpi eq, %jit3A_2046, %eq3A_2047 : i32
        %jit3A_2049 = arith.constant 1 : i32
        %select_n3A_2050 = arith.select %eq3A_2048, %jit3A_2049, %jit3A_2046 : i32
        %rem3A_2051 = arith.remsi %add3A_2019, %select_n3A_2050 : i32
        %ne3A_2052 = arith.constant 0 : i32
        %ne3A_2053 = arith.cmpi ne, %rem3A_2051, %ne3A_2052 : i32
        %lt3A_2054 = arith.constant 0 : i32
        %lt3A_2055 = arith.cmpi slt, %rem3A_2051, %lt3A_2054 : i32
        %lt3A_2056 = arith.constant 0 : i32
        %lt3A_2057 = arith.cmpi slt, %select_n3A_2050, %lt3A_2056 : i32
        %ne3A_2058 = arith.xori %lt3A_2055, %lt3A_2057 : i1
        %and3A_2059 = arith.andi %ne3A_2058, %ne3A_2053 : i1
        %add3A_2060 = arith.addi %rem3A_2051, %select_n3A_2050 : i32
        %select_n3A_2061 = arith.select %and3A_2059, %add3A_2060, %rem3A_2051 : i32
        %eq3A_2062 = arith.constant 0 : i32
        %eq3A_2063 = arith.cmpi eq, %select_n3A_2016, %eq3A_2062 : i32
        %convert_element_type3A_2064 = arith.extui %eq3A_2063 : i1 to i32
        %cond3A_2065 = arith.constant 0 : i32
        %cond3A_2066 = arith.cmpi ne, %convert_element_type3A_2064, %cond3A_2065 : i32
        scf.if %cond3A_2066 {
          %mul3A_2295 = arith.constant 128 : i32
          %mul3A_2296 = arith.muli %select_n3A_2061, %mul3A_2295 : i32
          "tpu.region"() ({
            %run_scoped3A = tpu.sem_alloc : memref<!tpu.dma_semaphore, #tpu.memory_space<semaphore_mem>>
            %dma_start3A_2297 = tpu.memref_slice %arg2[%mul3A_2045, %mul3A_2296] : memref<56x16384xi32, #tpu.memory_space<hbm>> -> memref<8x128xi32, #tpu.memory_space<hbm>>
            %dma_start3A_2298 = tpu.memref_slice %arg2[%mul3A_2045, %mul3A_2296] : memref<56x16384xi32, #tpu.memory_space<hbm>> -> memref<8x128xi32, #tpu.memory_space<hbm>>
            tpu.enqueue_dma source(%dma_start3A_2298 : memref<8x128xi32, #tpu.memory_space<hbm>>) target(%arg5 : memref<8x128xi32, #tpu.memory_space<vmem>>) target_semaphore(%run_scoped3A : memref<!tpu.dma_semaphore, #tpu.memory_space<semaphore_mem>>)
            %dma_wait3A_2299 = tpu.memref_slice %arg2[%mul3A_2045, %mul3A_2296] : memref<56x16384xi32, #tpu.memory_space<hbm>> -> memref<8x128xi32, #tpu.memory_space<hbm>>
            %dma_wait3A_2300 = tpu.memref_slice %arg2[%mul3A_2045, %mul3A_2296] : memref<56x16384xi32, #tpu.memory_space<hbm>> -> memref<8x128xi32, #tpu.memory_space<hbm>>
            tpu.wait_dma2 semaphore(%run_scoped3A : memref<!tpu.dma_semaphore, #tpu.memory_space<semaphore_mem>>) src(%dma_wait3A_2300 : memref<8x128xi32, #tpu.memory_space<hbm>>) dst(%arg5 : memref<8x128xi32, #tpu.memory_space<vmem>>)
            tpu.yield
          }) : () -> ()
        } else {
        }
        %get3A_2067 = arith.index_cast %select_n3A_2016 : i32 to index
        %get3A_2068 = arith.constant 0 : index
        %get3A_2069 = tpu.vector_load %arg5[%get3A_2067, %get3A_2068] {strides = array<i32>} : memref<8x128xi32, #tpu.memory_space<vmem>>, vector<16xi32>,
        %shift_right_logical3A_2070 = arith.constant 13 : i32
        %shift_right_logical3A_2071 = vector.broadcast %shift_right_logical3A_2070 : i32 to vector<16xi32>
        %shift_right_logical3A_2072 = arith.shrui %get3A_2069, %shift_right_logical3A_2071 : vector<16xi32>
        %shift_left3A_2073 = arith.constant 13 : i32
        %shift_left3A_2074 = vector.broadcast %shift_left3A_2073 : i32 to vector<16xi32>
        %shift_left3A_2075 = arith.shli %shift_right_logical3A_2072, %shift_left3A_2074 : vector<16xi32>
        %and3A_2076 = arith.constant 4095 : i32
        %and3A_2077 = vector.broadcast %and3A_2076 : i32 to vector<16xi32>
        %and3A_2078 = arith.andi %get3A_2069, %and3A_2077 : vector<16xi32>
        %shift_left3A_2079 = arith.constant 1 : i32
        %shift_left3A_2080 = vector.broadcast %shift_left3A_2079 : i32 to vector<16xi32>
        %shift_left3A_2081 = arith.shli %and3A_2078, %shift_left3A_2080 : vector<16xi32>
        %or3A_2082 = arith.ori %shift_left3A_2075, %shift_left3A_2081 : vector<16xi32>
        %shift_right_logical3A_2083 = arith.constant 12 : i32
        %shift_right_logical3A_2084 = vector.broadcast %shift_right_logical3A_2083 : i32 to vector<16xi32>
        %shift_right_logical3A_2085 = arith.shrui %get3A_2069, %shift_right_logical3A_2084 : vector<16xi32>
        %and3A_2086 = arith.constant 1 : i32
        %and3A_2087 = vector.broadcast %and3A_2086 : i32 to vector<16xi32>
        %and3A_2088 = arith.andi %shift_right_logical3A_2085, %and3A_2087 : vector<16xi32>
        %or3A_2089 = arith.ori %or3A_2082, %and3A_2088 : vector<16xi32>
        %swap3A_2090 = arith.constant 0 : i32
        %swap3A_2091 = arith.index_cast %swap3A_2090 : i32 to index
        %swap3A_2092 = arith.constant 0 : index
        %swap3A_2093 = tpu.vector_load %arg6[%swap3A_2091, %swap3A_2092] {strides = array<i32>} : memref<4x128xi32, #tpu.memory_space<vmem>>, vector<16xi32>,
        tpu.vector_store %arg6[%swap3A_2091, %swap3A_2092], %or3A_2089 {strides = array<i32>} : memref<4x128xi32, #tpu.memory_space<vmem>>, vector<16xi32>,
        %get3A_2094 = arith.index_cast %select_n3A_2016 : i32 to index
        %get3A_2095 = arith.constant 16 : index
        %get3A_2096 = tpu.vector_load %arg5[%get3A_2094, %get3A_2095] {strides = array<i32>} : memref<8x128xi32, #tpu.memory_space<vmem>>, vector<16xi32>,
        %shift_right_logical3A_2097 = arith.constant 13 : i32
        %shift_right_logical3A_2098 = vector.broadcast %shift_right_logical3A_2097 : i32 to vector<16xi32>
        %shift_right_logical3A_2099 = arith.shrui %get3A_2096, %shift_right_logical3A_2098 : vector<16xi32>
        %shift_left3A_2100 = arith.constant 13 : i32
        %shift_left3A_2101 = vector.broadcast %shift_left3A_2100 : i32 to vector<16xi32>
        %shift_left3A_2102 = arith.shli %shift_right_logical3A_2099, %shift_left3A_2101 : vector<16xi32>
        %and3A_2103 = arith.constant 4095 : i32
        %and3A_2104 = vector.broadcast %and3A_2103 : i32 to vector<16xi32>
        %and3A_2105 = arith.andi %get3A_2096, %and3A_2104 : vector<16xi32>
        %shift_left3A_2106 = arith.constant 1 : i32
        %shift_left3A_2107 = vector.broadcast %shift_left3A_2106 : i32 to vector<16xi32>
        %shift_left3A_2108 = arith.shli %and3A_2105, %shift_left3A_2107 : vector<16xi32>
        %or3A_2109 = arith.ori %shift_left3A_2102, %shift_left3A_2108 : vector<16xi32>
        %shift_right_logical3A_2110 = arith.constant 12 : i32
        %shift_right_logical3A_2111 = vector.broadcast %shift_right_logical3A_2110 : i32 to vector<16xi32>
        %shift_right_logical3A_2112 = arith.shrui %get3A_2096, %shift_right_logical3A_2111 : vector<16xi32>
        %and3A_2113 = arith.constant 1 : i32
        %and3A_2114 = vector.broadcast %and3A_2113 : i32 to vector<16xi32>
        %and3A_2115 = arith.andi %shift_right_logical3A_2112, %and3A_2114 : vector<16xi32>
        %or3A_2116 = arith.ori %or3A_2109, %and3A_2115 : vector<16xi32>
        %swap3A_2117 = arith.constant 0 : i32
        %swap3A_2118 = arith.index_cast %swap3A_2117 : i32 to index
        %swap3A_2119 = arith.constant 16 : index
        %swap3A_2120 = tpu.vector_load %arg6[%swap3A_2118, %swap3A_2119] {strides = array<i32>} : memref<4x128xi32, #tpu.memory_space<vmem>>, vector<16xi32>,
        tpu.vector_store %arg6[%swap3A_2118, %swap3A_2119], %or3A_2116 {strides = array<i32>} : memref<4x128xi32, #tpu.memory_space<vmem>>, vector<16xi32>,
        %get3A_2121 = arith.index_cast %select_n3A_2016 : i32 to index
        %get3A_2122 = arith.constant 32 : index
        %get3A_2123 = tpu.vector_load %arg5[%get3A_2121, %get3A_2122] {strides = array<i32>} : memref<8x128xi32, #tpu.memory_space<vmem>>, vector<16xi32>,
        %shift_right_logical3A_2124 = arith.constant 13 : i32
        %shift_right_logical3A_2125 = vector.broadcast %shift_right_logical3A_2124 : i32 to vector<16xi32>
        %shift_right_logical3A_2126 = arith.shrui %get3A_2123, %shift_right_logical3A_2125 : vector<16xi32>
        %shift_left3A_2127 = arith.constant 13 : i32
        %shift_left3A_2128 = vector.broadcast %shift_left3A_2127 : i32 to vector<16xi32>
        %shift_left3A_2129 = arith.shli %shift_right_logical3A_2126, %shift_left3A_2128 : vector<16xi32>
        %and3A_2130 = arith.constant 4095 : i32
        %and3A_2131 = vector.broadcast %and3A_2130 : i32 to vector<16xi32>
        %and3A_2132 = arith.andi %get3A_2123, %and3A_2131 : vector<16xi32>
        %shift_left3A_2133 = arith.constant 1 : i32
        %shift_left3A_2134 = vector.broadcast %shift_left3A_2133 : i32 to vector<16xi32>
        %shift_left3A_2135 = arith.shli %and3A_2132, %shift_left3A_2134 : vector<16xi32>
        %or3A_2136 = arith.ori %shift_left3A_2129, %shift_left3A_2135 : vector<16xi32>
        %shift_right_logical3A_2137 = arith.constant 12 : i32
        %shift_right_logical3A_2138 = vector.broadcast %shift_right_logical3A_2137 : i32 to vector<16xi32>
        %shift_right_logical3A_2139 = arith.shrui %get3A_2123, %shift_right_logical3A_2138 : vector<16xi32>
        %and3A_2140 = arith.constant 1 : i32
        %and3A_2141 = vector.broadcast %and3A_2140 : i32 to vector<16xi32>
        %and3A_2142 = arith.andi %shift_right_logical3A_2139, %and3A_2141 : vector<16xi32>
        %or3A_2143 = arith.ori %or3A_2136, %and3A_2142 : vector<16xi32>
        %swap3A_2144 = arith.constant 0 : i32
        %swap3A_2145 = arith.index_cast %swap3A_2144 : i32 to index
        %swap3A_2146 = arith.constant 32 : index
        %swap3A_2147 = tpu.vector_load %arg6[%swap3A_2145, %swap3A_2146] {strides = array<i32>} : memref<4x128xi32, #tpu.memory_space<vmem>>, vector<16xi32>,
        tpu.vector_store %arg6[%swap3A_2145, %swap3A_2146], %or3A_2143 {strides = array<i32>} : memref<4x128xi32, #tpu.memory_space<vmem>>, vector<16xi32>,
        %get3A_2148 = arith.index_cast %select_n3A_2016 : i32 to index
        %get3A_2149 = arith.constant 48 : index
        %get3A_2150 = tpu.vector_load %arg5[%get3A_2148, %get3A_2149] {strides = array<i32>} : memref<8x128xi32, #tpu.memory_space<vmem>>, vector<16xi32>,
        %shift_right_logical3A_2151 = arith.constant 13 : i32
        %shift_right_logical3A_2152 = vector.broadcast %shift_right_logical3A_2151 : i32 to vector<16xi32>
        %shift_right_logical3A_2153 = arith.shrui %get3A_2150, %shift_right_logical3A_2152 : vector<16xi32>
        %shift_left3A_2154 = arith.constant 13 : i32
        %shift_left3A_2155 = vector.broadcast %shift_left3A_2154 : i32 to vector<16xi32>
        %shift_left3A_2156 = arith.shli %shift_right_logical3A_2153, %shift_left3A_2155 : vector<16xi32>
        %and3A_2157 = arith.constant 4095 : i32
        %and3A_2158 = vector.broadcast %and3A_2157 : i32 to vector<16xi32>
        %and3A_2159 = arith.andi %get3A_2150, %and3A_2158 : vector<16xi32>
        %shift_left3A_2160 = arith.constant 1 : i32
        %shift_left3A_2161 = vector.broadcast %shift_left3A_2160 : i32 to vector<16xi32>
        %shift_left3A_2162 = arith.shli %and3A_2159, %shift_left3A_2161 : vector<16xi32>
        %or3A_2163 = arith.ori %shift_left3A_2156, %shift_left3A_2162 : vector<16xi32>
        %shift_right_logical3A_2164 = arith.constant 12 : i32
        %shift_right_logical3A_2165 = vector.broadcast %shift_right_logical3A_2164 : i32 to vector<16xi32>
        %shift_right_logical3A_2166 = arith.shrui %get3A_2150, %shift_right_logical3A_2165 : vector<16xi32>
        %and3A_2167 = arith.constant 1 : i32
        %and3A_2168 = vector.broadcast %and3A_2167 : i32 to vector<16xi32>
        %and3A_2169 = arith.andi %shift_right_logical3A_2166, %and3A_2168 : vector<16xi32>
        %or3A_2170 = arith.ori %or3A_2163, %and3A_2169 : vector<16xi32>
        %swap3A_2171 = arith.constant 0 : i32
        %swap3A_2172 = arith.index_cast %swap3A_2171 : i32 to index
        %swap3A_2173 = arith.constant 48 : index
        %swap3A_2174 = tpu.vector_load %arg6[%swap3A_2172, %swap3A_2173] {strides = array<i32>} : memref<4x128xi32, #tpu.memory_space<vmem>>, vector<16xi32>,
        tpu.vector_store %arg6[%swap3A_2172, %swap3A_2173], %or3A_2170 {strides = array<i32>} : memref<4x128xi32, #tpu.memory_space<vmem>>, vector<16xi32>,
        %get3A_2175 = arith.index_cast %select_n3A_2016 : i32 to index
        %get3A_2176 = arith.constant 64 : index
        %get3A_2177 = tpu.vector_load %arg5[%get3A_2175, %get3A_2176] {strides = array<i32>} : memref<8x128xi32, #tpu.memory_space<vmem>>, vector<16xi32>,
        %shift_right_logical3A_2178 = arith.constant 13 : i32
        %shift_right_logical3A_2179 = vector.broadcast %shift_right_logical3A_2178 : i32 to vector<16xi32>
        %shift_right_logical3A_2180 = arith.shrui %get3A_2177, %shift_right_logical3A_2179 : vector<16xi32>
        %shift_left3A_2181 = arith.constant 13 : i32
        %shift_left3A_2182 = vector.broadcast %shift_left3A_2181 : i32 to vector<16xi32>
        %shift_left3A_2183 = arith.shli %shift_right_logical3A_2180, %shift_left3A_2182 : vector<16xi32>
        %and3A_2184 = arith.constant 4095 : i32
        %and3A_2185 = vector.broadcast %and3A_2184 : i32 to vector<16xi32>
        %and3A_2186 = arith.andi %get3A_2177, %and3A_2185 : vector<16xi32>
        %shift_left3A_2187 = arith.constant 1 : i32
        %shift_left3A_2188 = vector.broadcast %shift_left3A_2187 : i32 to vector<16xi32>
        %shift_left3A_2189 = arith.shli %and3A_2186, %shift_left3A_2188 : vector<16xi32>
        %or3A_2190 = arith.ori %shift_left3A_2183, %shift_left3A_2189 : vector<16xi32>
        %shift_right_logical3A_2191 = arith.constant 12 : i32
        %shift_right_logical3A_2192 = vector.broadcast %shift_right_logical3A_2191 : i32 to vector<16xi32>
        %shift_right_logical3A_2193 = arith.shrui %get3A_2177, %shift_right_logical3A_2192 : vector<16xi32>
        %and3A_2194 = arith.constant 1 : i32
        %and3A_2195 = vector.broadcast %and3A_2194 : i32 to vector<16xi32>
        %and3A_2196 = arith.andi %shift_right_logical3A_2193, %and3A_2195 : vector<16xi32>
        %or3A_2197 = arith.ori %or3A_2190, %and3A_2196 : vector<16xi32>
        %swap3A_2198 = arith.constant 0 : i32
        %swap3A_2199 = arith.index_cast %swap3A_2198 : i32 to index
        %swap3A_2200 = arith.constant 64 : index
        %swap3A_2201 = tpu.vector_load %arg6[%swap3A_2199, %swap3A_2200] {strides = array<i32>} : memref<4x128xi32, #tpu.memory_space<vmem>>, vector<16xi32>,
        tpu.vector_store %arg6[%swap3A_2199, %swap3A_2200], %or3A_2197 {strides = array<i32>} : memref<4x128xi32, #tpu.memory_space<vmem>>, vector<16xi32>,
        %get3A_2202 = arith.index_cast %select_n3A_2016 : i32 to index
        %get3A_2203 = arith.constant 80 : index
        %get3A_2204 = tpu.vector_load %arg5[%get3A_2202, %get3A_2203] {strides = array<i32>} : memref<8x128xi32, #tpu.memory_space<vmem>>, vector<16xi32>,
        %shift_right_logical3A_2205 = arith.constant 13 : i32
        %shift_right_logical3A_2206 = vector.broadcast %shift_right_logical3A_2205 : i32 to vector<16xi32>
        %shift_right_logical3A_2207 = arith.shrui %get3A_2204, %shift_right_logical3A_2206 : vector<16xi32>
        %shift_left3A_2208 = arith.constant 13 : i32
        %shift_left3A_2209 = vector.broadcast %shift_left3A_2208 : i32 to vector<16xi32>
        %shift_left3A_2210 = arith.shli %shift_right_logical3A_2207, %shift_left3A_2209 : vector<16xi32>
        %and3A_2211 = arith.constant 4095 : i32
        %and3A_2212 = vector.broadcast %and3A_2211 : i32 to vector<16xi32>
        %and3A_2213 = arith.andi %get3A_2204, %and3A_2212 : vector<16xi32>
        %shift_left3A_2214 = arith.constant 1 : i32
        %shift_left3A_2215 = vector.broadcast %shift_left3A_2214 : i32 to vector<16xi32>
        %shift_left3A_2216 = arith.shli %and3A_2213, %shift_left3A_2215 : vector<16xi32>
        %or3A_2217 = arith.ori %shift_left3A_2210, %shift_left3A_2216 : vector<16xi32>
        %shift_right_logical3A_2218 = arith.constant 12 : i32
        %shift_right_logical3A_2219 = vector.broadcast %shift_right_logical3A_2218 : i32 to vector<16xi32>
        %shift_right_logical3A_2220 = arith.shrui %get3A_2204, %shift_right_logical3A_2219 : vector<16xi32>
        %and3A_2221 = arith.constant 1 : i32
        %and3A_2222 = vector.broadcast %and3A_2221 : i32 to vector<16xi32>
        %and3A_2223 = arith.andi %shift_right_logical3A_2220, %and3A_2222 : vector<16xi32>
        %or3A_2224 = arith.ori %or3A_2217, %and3A_2223 : vector<16xi32>
        %swap3A_2225 = arith.constant 0 : i32
        %swap3A_2226 = arith.index_cast %swap3A_2225 : i32 to index
        %swap3A_2227 = arith.constant 80 : index
        %swap3A_2228 = tpu.vector_load %arg6[%swap3A_2226, %swap3A_2227] {strides = array<i32>} : memref<4x128xi32, #tpu.memory_space<vmem>>, vector<16xi32>,
        tpu.vector_store %arg6[%swap3A_2226, %swap3A_2227], %or3A_2224 {strides = array<i32>} : memref<4x128xi32, #tpu.memory_space<vmem>>, vector<16xi32>,
        %get3A_2229 = arith.index_cast %select_n3A_2016 : i32 to index
        %get3A_2230 = arith.constant 96 : index
        %get3A_2231 = tpu.vector_load %arg5[%get3A_2229, %get3A_2230] {strides = array<i32>} : memref<8x128xi32, #tpu.memory_space<vmem>>, vector<16xi32>,
        %shift_right_logical3A_2232 = arith.constant 13 : i32
        %shift_right_logical3A_2233 = vector.broadcast %shift_right_logical3A_2232 : i32 to vector<16xi32>
        %shift_right_logical3A_2234 = arith.shrui %get3A_2231, %shift_right_logical3A_2233 : vector<16xi32>
        %shift_left3A_2235 = arith.constant 13 : i32
        %shift_left3A_2236 = vector.broadcast %shift_left3A_2235 : i32 to vector<16xi32>
        %shift_left3A_2237 = arith.shli %shift_right_logical3A_2234, %shift_left3A_2236 : vector<16xi32>
        %and3A_2238 = arith.constant 4095 : i32
        %and3A_2239 = vector.broadcast %and3A_2238 : i32 to vector<16xi32>
        %and3A_2240 = arith.andi %get3A_2231, %and3A_2239 : vector<16xi32>
        %shift_left3A_2241 = arith.constant 1 : i32
        %shift_left3A_2242 = vector.broadcast %shift_left3A_2241 : i32 to vector<16xi32>
        %shift_left3A_2243 = arith.shli %and3A_2240, %shift_left3A_2242 : vector<16xi32>
        %or3A_2244 = arith.ori %shift_left3A_2237, %shift_left3A_2243 : vector<16xi32>
        %shift_right_logical3A_2245 = arith.constant 12 : i32
        %shift_right_logical3A_2246 = vector.broadcast %shift_right_logical3A_2245 : i32 to vector<16xi32>
        %shift_right_logical3A_2247 = arith.shrui %get3A_2231, %shift_right_logical3A_2246 : vector<16xi32>
        %and3A_2248 = arith.constant 1 : i32
        %and3A_2249 = vector.broadcast %and3A_2248 : i32 to vector<16xi32>
        %and3A_2250 = arith.andi %shift_right_logical3A_2247, %and3A_2249 : vector<16xi32>
        %or3A_2251 = arith.ori %or3A_2244, %and3A_2250 : vector<16xi32>
        %swap3A_2252 = arith.constant 0 : i32
        %swap3A_2253 = arith.index_cast %swap3A_2252 : i32 to index
        %swap3A_2254 = arith.constant 96 : index
        %swap3A_2255 = tpu.vector_load %arg6[%swap3A_2253, %swap3A_2254] {strides = array<i32>} : memref<4x128xi32, #tpu.memory_space<vmem>>, vector<16xi32>,
        tpu.vector_store %arg6[%swap3A_2253, %swap3A_2254], %or3A_2251 {strides = array<i32>} : memref<4x128xi32, #tpu.memory_space<vmem>>, vector<16xi32>,
        %get3A_2256 = arith.index_cast %select_n3A_2016 : i32 to index
        %get3A_2257 = arith.constant 112 : index
        %get3A_2258 = tpu.vector_load %arg5[%get3A_2256, %get3A_2257] {strides = array<i32>} : memref<8x128xi32, #tpu.memory_space<vmem>>, vector<16xi32>,
        %shift_right_logical3A_2259 = arith.constant 13 : i32
        %shift_right_logical3A_2260 = vector.broadcast %shift_right_logical3A_2259 : i32 to vector<16xi32>
        %shift_right_logical3A_2261 = arith.shrui %get3A_2258, %shift_right_logical3A_2260 : vector<16xi32>
        %shift_left3A_2262 = arith.constant 13 : i32
        %shift_left3A_2263 = vector.broadcast %shift_left3A_2262 : i32 to vector<16xi32>
        %shift_left3A_2264 = arith.shli %shift_right_logical3A_2261, %shift_left3A_2263 : vector<16xi32>
        %and3A_2265 = arith.constant 4095 : i32
        %and3A_2266 = vector.broadcast %and3A_2265 : i32 to vector<16xi32>
        %and3A_2267 = arith.andi %get3A_2258, %and3A_2266 : vector<16xi32>
        %shift_left3A_2268 = arith.constant 1 : i32
        %shift_left3A_2269 = vector.broadcast %shift_left3A_2268 : i32 to vector<16xi32>
        %shift_left3A_2270 = arith.shli %and3A_2267, %shift_left3A_2269 : vector<16xi32>
        %or3A_2271 = arith.ori %shift_left3A_2264, %shift_left3A_2270 : vector<16xi32>
        %shift_right_logical3A_2272 = arith.constant 12 : i32
        %shift_right_logical3A_2273 = vector.broadcast %shift_right_logical3A_2272 : i32 to vector<16xi32>
        %shift_right_logical3A_2274 = arith.shrui %get3A_2258, %shift_right_logical3A_2273 : vector<16xi32>
        %and3A_2275 = arith.constant 1 : i32
        %and3A_2276 = vector.broadcast %and3A_2275 : i32 to vector<16xi32>
        %and3A_2277 = arith.andi %shift_right_logical3A_2274, %and3A_2276 : vector<16xi32>
        %or3A_2278 = arith.ori %or3A_2271, %and3A_2277 : vector<16xi32>
        %swap3A_2279 = arith.constant 0 : i32
        %swap3A_2280 = arith.index_cast %swap3A_2279 : i32 to index
        %swap3A_2281 = arith.constant 112 : index
        %swap3A_2282 = tpu.vector_load %arg6[%swap3A_2280, %swap3A_2281] {strides = array<i32>} : memref<4x128xi32, #tpu.memory_space<vmem>>, vector<16xi32>,
        tpu.vector_store %arg6[%swap3A_2280, %swap3A_2281], %or3A_2278 {strides = array<i32>} : memref<4x128xi32, #tpu.memory_space<vmem>>, vector<16xi32>,
        %dma_start3A_2283 = arith.constant 0 : i32
        %dma_start3A_2284 = arith.constant 0 : i32
        %dma_start3A_2285 = arith.constant 0 : i32
        %dma_start3A_2286 = arith.constant 0 : i32
        %dma_start3A_2287 = tpu.memref_slice %arg7[%dma_start3A_2284, %dma_start3A_2285, %dma_start3A_2286] : memref<4x128x64xf32, #tpu.memory_space<vmem>> -> memref<1x128x64xf32, #tpu.memory_space<vmem>>
        %dma_start3A_2288 = tpu.memref_squeeze %dma_start3A_2287 : memref<1x128x64xf32, #tpu.memory_space<vmem>> -> memref<128x64xf32, #tpu.memory_space<vmem>>
        %dma_start3A_2289 = arith.constant 0 : i32
        %dma_start3A_2290 = tpu.memref_slice %arg6[%dma_start3A_2283, %dma_start3A_2289] : memref<4x128xi32, #tpu.memory_space<vmem>> -> memref<1x128xi32, #tpu.memory_space<vmem>>
        %dma_start3A_2291 = tpu.memref_squeeze %dma_start3A_2290 : memref<1x128xi32, #tpu.memory_space<vmem>> -> memref<128xi32, #tpu.memory_space<vmem>>
        %dma_start3A_2292 = arith.constant 0 : i32
        %dma_start3A_2293 = arith.constant 0 : i32
        %dma_start3A_2294 = tpu.memref_slice %arg3[%dma_start3A_2292, %dma_start3A_2293] : memref<1007616x64xf32, #tpu.memory_space<hbm>> -> memref<1007616x64xf32, #tpu.memory_space<hbm>>
        tpu.enqueue_indirect_dma source(%dma_start3A_2294 : memref<1007616x64xf32, #tpu.memory_space<hbm>>) target(%dma_start3A_2288 : memref<128x64xf32, #tpu.memory_space<vmem>>) offsets(%dma_start3A_2291 : memref<128xi32, #tpu.memory_space<vmem>>) semaphore(%arg9 : memref<!tpu.dma_semaphore, #tpu.memory_space<semaphore_mem>>)
      } else {
      }
      %mul3A_1542 = arith.constant 4 : i32
      %mul3A_1543 = arith.muli %mul3A_1542, %scan3A_1162 : i32
      %add3A_1544 = arith.constant 2 : i32
      %add3A_1545 = arith.addi %mul3A_1543, %add3A_1544 : i32
      %dma_wait3A_1546 = arith.constant 2 : i32
      %dma_wait3A_1547 = arith.constant 2 : i32
      %dma_wait3A_1548 = arith.constant 0 : i32
      %dma_wait3A_1549 = arith.constant 0 : i32
      %dma_wait3A_1550 = tpu.memref_slice %arg7[%dma_wait3A_1547, %dma_wait3A_1548, %dma_wait3A_1549] : memref<4x128x64xf32, #tpu.memory_space<vmem>> -> memref<1x128x64xf32, #tpu.memory_space<vmem>>
      %dma_wait3A_1551 = tpu.memref_squeeze %dma_wait3A_1550 : memref<1x128x64xf32, #tpu.memory_space<vmem>> -> memref<128x64xf32, #tpu.memory_space<vmem>>
      %dma_wait3A_1552 = arith.constant 0 : i32
      %dma_wait3A_1553 = tpu.memref_slice %arg6[%dma_wait3A_1546, %dma_wait3A_1552] : memref<4x128xi32, #tpu.memory_space<vmem>> -> memref<1x128xi32, #tpu.memory_space<vmem>>
      %dma_wait3A_1554 = tpu.memref_squeeze %dma_wait3A_1553 : memref<1x128xi32, #tpu.memory_space<vmem>> -> memref<128xi32, #tpu.memory_space<vmem>>
      %dma_wait3A_1555 = arith.constant 0 : i32
      %dma_wait3A_1556 = arith.constant 0 : i32
      %dma_wait3A_1557 = tpu.memref_slice %arg3[%dma_wait3A_1555, %dma_wait3A_1556] : memref<1007616x64xf32, #tpu.memory_space<hbm>> -> memref<1007616x64xf32, #tpu.memory_space<hbm>>
      tpu.wait_indirect_dma semaphore(%arg11 : memref<!tpu.dma_semaphore, #tpu.memory_space<semaphore_mem>>) src(%dma_wait3A_1557 : memref<1007616x64xf32, #tpu.memory_space<hbm>>) dst(%dma_wait3A_1551 : memref<128x64xf32, #tpu.memory_space<vmem>>)
      %lt3A_1558 = arith.constant 192 : i32
      %lt3A_1559 = arith.cmpi slt, %add3A_1545, %lt3A_1558 : i32
      %jit3A_1560 = arith.constant 8 : i32
      %div3A_1561 = arith.divsi %add3A_1545, %jit3A_1560 : i32
      %sign3A_1562 = arith.constant 0 : i32
      %sign3A_1563 = arith.cmpi sgt, %add3A_1545, %sign3A_1562 : i32
      %sign3A_1564 = arith.extui %sign3A_1563 : i1 to i32
      %sign3A_1565 = arith.constant 0 : i32
      %sign3A_1566 = arith.cmpi slt, %add3A_1545, %sign3A_1565 : i32
      %sign3A_1567 = arith.extui %sign3A_1566 : i1 to i32
      %sign3A_1568 = arith.subi %sign3A_1564, %sign3A_1567 : i32
      %sign3A_1569 = arith.constant 0 : i32
      %sign3A_1570 = arith.cmpi sgt, %jit3A_1560, %sign3A_1569 : i32
      %sign3A_1571 = arith.extui %sign3A_1570 : i1 to i32
      %sign3A_1572 = arith.constant 0 : i32
      %sign3A_1573 = arith.cmpi slt, %jit3A_1560, %sign3A_1572 : i32
      %sign3A_1574 = arith.extui %sign3A_1573 : i1 to i32
      %sign3A_1575 = arith.subi %sign3A_1571, %sign3A_1574 : i32
      %ne3A_1576 = arith.cmpi ne, %sign3A_1568, %sign3A_1575 : i32
      %rem3A_1577 = arith.remsi %add3A_1545, %jit3A_1560 : i32
      %ne3A_1578 = arith.constant 0 : i32
      %ne3A_1579 = arith.cmpi ne, %rem3A_1577, %ne3A_1578 : i32
      %and3A_1580 = arith.andi %ne3A_1576, %ne3A_1579 : i1
      %sub3A_1581 = arith.constant 1 : i32
      %sub3A_1582 = arith.subi %div3A_1561, %sub3A_1581 : i32
      %select_n3A_1583 = arith.select %and3A_1580, %sub3A_1582, %div3A_1561 : i32
      %sub3A_1584 = arith.constant 192 : i32
      %sub3A_1585 = arith.subi %add3A_1545, %sub3A_1584 : i32
      %jit3A_1586 = arith.constant 2 : i32
      %div3A_1587 = arith.divsi %sub3A_1585, %jit3A_1586 : i32
      %sign3A_1588 = arith.constant 0 : i32
      %sign3A_1589 = arith.cmpi sgt, %sub3A_1585, %sign3A_1588 : i32
      %sign3A_1590 = arith.extui %sign3A_1589 : i1 to i32
      %sign3A_1591 = arith.constant 0 : i32
      %sign3A_1592 = arith.cmpi slt, %sub3A_1585, %sign3A_1591 : i32
      %sign3A_1593 = arith.extui %sign3A_1592 : i1 to i32
      %sign3A_1594 = arith.subi %sign3A_1590, %sign3A_1593 : i32
      %sign3A_1595 = arith.constant 0 : i32
      %sign3A_1596 = arith.cmpi sgt, %jit3A_1586, %sign3A_1595 : i32
      %sign3A_1597 = arith.extui %sign3A_1596 : i1 to i32
      %sign3A_1598 = arith.constant 0 : i32
      %sign3A_1599 = arith.cmpi slt, %jit3A_1586, %sign3A_1598 : i32
      %sign3A_1600 = arith.extui %sign3A_1599 : i1 to i32
      %sign3A_1601 = arith.subi %sign3A_1597, %sign3A_1600 : i32
      %ne3A_1602 = arith.cmpi ne, %sign3A_1594, %sign3A_1601 : i32
      %rem3A_1603 = arith.remsi %sub3A_1585, %jit3A_1586 : i32
      %ne3A_1604 = arith.constant 0 : i32
      %ne3A_1605 = arith.cmpi ne, %rem3A_1603, %ne3A_1604 : i32
      %and3A_1606 = arith.andi %ne3A_1602, %ne3A_1605 : i1
      %sub3A_1607 = arith.constant 1 : i32
      %sub3A_1608 = arith.subi %div3A_1587, %sub3A_1607 : i32
      %select_n3A_1609 = arith.select %and3A_1606, %sub3A_1608, %div3A_1587 : i32
      %add3A_1610 = arith.constant 24 : i32
      %add3A_1611 = arith.addi %add3A_1610, %select_n3A_1609 : i32
      %select_n3A_1612 = arith.select %lt3A_1559, %select_n3A_1583, %add3A_1611 : i32
      %lt3A_1613 = arith.constant 192 : i32
      %lt3A_1614 = arith.cmpi slt, %add3A_1545, %lt3A_1613 : i32
      %jit3A_1615 = arith.constant 8 : i32
      %eq3A_1616 = arith.constant 0 : i32
      %eq3A_1617 = arith.cmpi eq, %jit3A_1615, %eq3A_1616 : i32
      %jit3A_1618 = arith.constant 1 : i32
      %select_n3A_1619 = arith.select %eq3A_1617, %jit3A_1618, %jit3A_1615 : i32
      %rem3A_1620 = arith.remsi %add3A_1545, %select_n3A_1619 : i32
      %ne3A_1621 = arith.constant 0 : i32
      %ne3A_1622 = arith.cmpi ne, %rem3A_1620, %ne3A_1621 : i32
      %lt3A_1623 = arith.constant 0 : i32
      %lt3A_1624 = arith.cmpi slt, %rem3A_1620, %lt3A_1623 : i32
      %lt3A_1625 = arith.constant 0 : i32
      %lt3A_1626 = arith.cmpi slt, %select_n3A_1619, %lt3A_1625 : i32
      %ne3A_1627 = arith.xori %lt3A_1624, %lt3A_1626 : i1
      %and3A_1628 = arith.andi %ne3A_1627, %ne3A_1622 : i1
      %add3A_1629 = arith.addi %rem3A_1620, %select_n3A_1619 : i32
      %select_n3A_1630 = arith.select %and3A_1628, %add3A_1629, %rem3A_1620 : i32
      %sub3A_1631 = arith.constant 192 : i32
      %sub3A_1632 = arith.subi %add3A_1545, %sub3A_1631 : i32
      %jit3A_1633 = arith.constant 2 : i32
      %eq3A_1634 = arith.constant 0 : i32
      %eq3A_1635 = arith.cmpi eq, %jit3A_1633, %eq3A_1634 : i32
      %jit3A_1636 = arith.constant 1 : i32
      %select_n3A_1637 = arith.select %eq3A_1635, %jit3A_1636, %jit3A_1633 : i32
      %rem3A_1638 = arith.remsi %sub3A_1632, %select_n3A_1637 : i32
      %ne3A_1639 = arith.constant 0 : i32
      %ne3A_1640 = arith.cmpi ne, %rem3A_1638, %ne3A_1639 : i32
      %lt3A_1641 = arith.constant 0 : i32
      %lt3A_1642 = arith.cmpi slt, %rem3A_1638, %lt3A_1641 : i32
      %lt3A_1643 = arith.constant 0 : i32
      %lt3A_1644 = arith.cmpi slt, %select_n3A_1637, %lt3A_1643 : i32
      %ne3A_1645 = arith.xori %lt3A_1642, %lt3A_1644 : i1
      %and3A_1646 = arith.andi %ne3A_1645, %ne3A_1640 : i1
      %add3A_1647 = arith.addi %rem3A_1638, %select_n3A_1637 : i32
      %select_n3A_1648 = arith.select %and3A_1646, %add3A_1647, %rem3A_1638 : i32
      %select_n3A_1649 = arith.select %lt3A_1614, %select_n3A_1630, %select_n3A_1648 : i32
      %mul3A_1650 = arith.constant 32 : i32
      %mul3A_1651 = arith.muli %select_n3A_1612, %mul3A_1650 : i32
      %add3A_1652 = arith.addi %mul3A_1651, %add3A : i32
      %jit3A_1653 = arith.constant 128 : i32
      %div3A_1654 = arith.divsi %add3A_1652, %jit3A_1653 : i32
      %sign3A_1655 = arith.constant 0 : i32
      %sign3A_1656 = arith.cmpi sgt, %add3A_1652, %sign3A_1655 : i32
      %sign3A_1657 = arith.extui %sign3A_1656 : i1 to i32
      %sign3A_1658 = arith.constant 0 : i32
      %sign3A_1659 = arith.cmpi slt, %add3A_1652, %sign3A_1658 : i32
      %sign3A_1660 = arith.extui %sign3A_1659 : i1 to i32
      %sign3A_1661 = arith.subi %sign3A_1657, %sign3A_1660 : i32
      %sign3A_1662 = arith.constant 0 : i32
      %sign3A_1663 = arith.cmpi sgt, %jit3A_1653, %sign3A_1662 : i32
      %sign3A_1664 = arith.extui %sign3A_1663 : i1 to i32
      %sign3A_1665 = arith.constant 0 : i32
      %sign3A_1666 = arith.cmpi slt, %jit3A_1653, %sign3A_1665 : i32
      %sign3A_1667 = arith.extui %sign3A_1666 : i1 to i32
      %sign3A_1668 = arith.subi %sign3A_1664, %sign3A_1667 : i32
      %ne3A_1669 = arith.cmpi ne, %sign3A_1661, %sign3A_1668 : i32
      %rem3A_1670 = arith.remsi %add3A_1652, %jit3A_1653 : i32
      %ne3A_1671 = arith.constant 0 : i32
      %ne3A_1672 = arith.cmpi ne, %rem3A_1670, %ne3A_1671 : i32
      %and3A_1673 = arith.andi %ne3A_1669, %ne3A_1672 : i1
      %sub3A_1674 = arith.constant 1 : i32
      %sub3A_1675 = arith.subi %div3A_1654, %sub3A_1674 : i32
      %select_n3A_1676 = arith.select %and3A_1673, %sub3A_1675, %div3A_1654 : i32
      %mul3A_1677 = arith.constant 8 : i32
      %mul3A_1678 = arith.muli %select_n3A_1676, %mul3A_1677 : i32
      %jit3A_1679 = arith.constant 128 : i32
      %eq3A_1680 = arith.constant 0 : i32
      %eq3A_1681 = arith.cmpi eq, %jit3A_1679, %eq3A_1680 : i32
      %jit3A_1682 = arith.constant 1 : i32
      %select_n3A_1683 = arith.select %eq3A_1681, %jit3A_1682, %jit3A_1679 : i32
      %rem3A_1684 = arith.remsi %add3A_1652, %select_n3A_1683 : i32
      %ne3A_1685 = arith.constant 0 : i32
      %ne3A_1686 = arith.cmpi ne, %rem3A_1684, %ne3A_1685 : i32
      %lt3A_1687 = arith.constant 0 : i32
      %lt3A_1688 = arith.cmpi slt, %rem3A_1684, %lt3A_1687 : i32
      %lt3A_1689 = arith.constant 0 : i32
      %lt3A_1690 = arith.cmpi slt, %select_n3A_1683, %lt3A_1689 : i32
      %ne3A_1691 = arith.xori %lt3A_1688, %lt3A_1690 : i1
      %and3A_1692 = arith.andi %ne3A_1691, %ne3A_1686 : i1
      %add3A_1693 = arith.addi %rem3A_1684, %select_n3A_1683 : i32
      %select_n3A_1694 = arith.select %and3A_1692, %add3A_1693, %rem3A_1684 : i32
      %add3A_1695 = arith.addi %mul3A_1678, %select_n3A_1649 : i32
      %ge3A_1696 = arith.constant 4 : i32
      %ge3A_1697 = arith.cmpi sge, %add3A_1545, %ge3A_1696 : i32
      %convert_element_type3A_1698 = arith.extui %ge3A_1697 : i1 to i32
      %cond3A_1699 = arith.constant 0 : i32
      %cond3A_1700 = arith.cmpi ne, %convert_element_type3A_1698, %cond3A_1699 : i32
      scf.if %cond3A_1700 {
        %dma_wait3A_1923 = arith.constant 2 : i32
        %dma_wait3A_1924 = arith.constant 0 : i32
        %dma_wait3A_1925 = arith.constant 0 : i32
        %dma_wait3A_1926 = arith.constant 0 : i32
        %dma_wait3A_1927 = arith.constant 0 : i32
        %dma_wait3A_1928 = arith.constant 0 : i32
        %dma_wait3A_1929 = tpu.memref_slice %arg8[%dma_wait3A_1923, %dma_wait3A_1926, %dma_wait3A_1927, %dma_wait3A_1928] : memref<4x32x2x129xf32, #tpu.memory_space<vmem>> -> memref<1x32x2x128xf32, #tpu.memory_space<vmem>>
        %dma_wait3A_1930 = tpu.memref_squeeze %dma_wait3A_1929 : memref<1x32x2x128xf32, #tpu.memory_space<vmem>> -> memref<32x2x128xf32, #tpu.memory_space<vmem>>
        %dma_wait3A_1931 = arith.constant 0 : i32
        %dma_wait3A_1932 = arith.constant 0 : i32
        %dma_wait3A_1933 = arith.constant 0 : i32
        %dma_wait3A_1934 = tpu.memref_slice %arg4[%dma_wait3A_1924, %dma_wait3A_1931, %dma_wait3A_1925, %dma_wait3A_1932, %dma_wait3A_1933] : memref<50x32x128x2x128xf32, #tpu.memory_space<hbm>> -> memref<1x32x1x2x128xf32, #tpu.memory_space<hbm>>
        %dma_wait3A_1935 = tpu.memref_squeeze %dma_wait3A_1934 : memref<1x32x1x2x128xf32, #tpu.memory_space<hbm>> -> memref<32x2x128xf32, #tpu.memory_space<hbm>>
        %dma_wait3A_1936 = arith.constant 0 : i32
        %dma_wait3A_1937 = arith.constant 0 : i32
        %dma_wait3A_1938 = arith.constant 0 : i32
        %dma_wait3A_1939 = tpu.memref_slice %arg4[%dma_wait3A_1924, %dma_wait3A_1936, %dma_wait3A_1925, %dma_wait3A_1937, %dma_wait3A_1938] : memref<50x32x128x2x128xf32, #tpu.memory_space<hbm>> -> memref<1x32x1x2x128xf32, #tpu.memory_space<hbm>>
        %dma_wait3A_1940 = tpu.memref_squeeze %dma_wait3A_1939 : memref<1x32x1x2x128xf32, #tpu.memory_space<hbm>> -> memref<32x2x128xf32, #tpu.memory_space<hbm>>
        %dma_wait3A_1941 = arith.constant 0 : i32
        %dma_wait3A_1942 = arith.constant 0 : i32
        %dma_wait3A_1943 = arith.constant 0 : i32
        %dma_wait3A_1944 = tpu.memref_slice %arg8[%dma_wait3A_1923, %dma_wait3A_1941, %dma_wait3A_1942, %dma_wait3A_1943] : memref<4x32x2x129xf32, #tpu.memory_space<vmem>> -> memref<1x32x2x128xf32, #tpu.memory_space<vmem>>
        %dma_wait3A_1945 = tpu.memref_squeeze %dma_wait3A_1944 : memref<1x32x2x128xf32, #tpu.memory_space<vmem>> -> memref<32x2x128xf32, #tpu.memory_space<vmem>>
        tpu.wait_dma2 semaphore(%arg15 : memref<!tpu.dma_semaphore, #tpu.memory_space<semaphore_mem>>) src(%dma_wait3A_1945 : memref<32x2x128xf32, #tpu.memory_space<vmem>>) dst(%dma_wait3A_1940 : memref<32x2x128xf32, #tpu.memory_space<hbm>>)
      } else {
      }
      %parallel_loop3A_1701 = arith.constant 0 : i32
      %parallel_loop3A_1702 = arith.constant 128 : i32
      %parallel_loop3A_1703 = arith.constant 1 : i32
      scf.for %parallel_loop3A_1923 = %parallel_loop3A_1701 to %parallel_loop3A_1702 step %parallel_loop3A_1703  : i32 {
        %parallel_loop3A_1924 = arith.constant 0 : i32
        %parallel_loop3A_1925 = vector.broadcast %parallel_loop3A_1924 : i32 to vector<16xi32>
        %parallel_loop3A_1926 = vector.broadcast %parallel_loop3A_1923 : i32 to vector<16xi32>
        %parallel_loop3A_1927 = arith.addi %parallel_loop3A_1925, %parallel_loop3A_1926 : vector<16xi32>
        %parallel_loop3A_1928 = arith.constant 2 : i32
        %parallel_loop3A_1929 = arith.index_cast %parallel_loop3A_1928 : i32 to index
        %parallel_loop3A_1930 = arith.index_cast %parallel_loop3A_1923 : i32 to index
        %parallel_loop3A_1931 = arith.constant 0 : index
        %parallel_loop3A_1932 = tpu.vector_load %arg7[%parallel_loop3A_1929, %parallel_loop3A_1930, %parallel_loop3A_1931] {strides = array<i32>} : memref<4x128x64xf32, #tpu.memory_space<vmem>>, vector<16xf32>,
        %parallel_loop3A_1933 = arith.constant 2 : i32
        %parallel_loop3A_1934 = arith.constant 0 : i32
        %parallel_loop3A_1935 = arith.constant 0 : i32
        %parallel_loop3A_1936 = arith.constant 0 : i32
        %parallel_loop3A_1937 = tpu.memref_slice %arg8[%parallel_loop3A_1933, %parallel_loop3A_1934, %parallel_loop3A_1935, %parallel_loop3A_1936] : memref<4x32x2x129xf32, #tpu.memory_space<vmem>> -> memref<1x32x2x129xf32, #tpu.memory_space<vmem>>
        %parallel_loop3A_1938 = tpu.memref_squeeze %parallel_loop3A_1937 : memref<1x32x2x129xf32, #tpu.memory_space<vmem>> -> memref<32x2x129xf32, #tpu.memory_space<vmem>>
        tpu.vector_store_idx %parallel_loop3A_1938[%select_n3A_18, %select_n3A_46, %parallel_loop3A_1927], %parallel_loop3A_1932 : memref<32x2x129xf32, #tpu.memory_space<vmem>>[vector<16xi32>, vector<16xi32>, vector<16xi32>], vector<16xf32>,
        %parallel_loop3A_1939 = arith.constant 2 : i32
        %parallel_loop3A_1940 = arith.index_cast %parallel_loop3A_1939 : i32 to index
        %parallel_loop3A_1941 = arith.index_cast %parallel_loop3A_1923 : i32 to index
        %parallel_loop3A_1942 = arith.constant 16 : index
        %parallel_loop3A_1943 = tpu.vector_load %arg7[%parallel_loop3A_1940, %parallel_loop3A_1941, %parallel_loop3A_1942] {strides = array<i32>} : memref<4x128x64xf32, #tpu.memory_space<vmem>>, vector<16xf32>,
        %parallel_loop3A_1944 = arith.constant 2 : i32
        %parallel_loop3A_1945 = arith.constant 0 : i32
        %parallel_loop3A_1946 = arith.constant 0 : i32
        %parallel_loop3A_1947 = arith.constant 0 : i32
        %parallel_loop3A_1948 = tpu.memref_slice %arg8[%parallel_loop3A_1944, %parallel_loop3A_1945, %parallel_loop3A_1946, %parallel_loop3A_1947] : memref<4x32x2x129xf32, #tpu.memory_space<vmem>> -> memref<1x32x2x129xf32, #tpu.memory_space<vmem>>
        %parallel_loop3A_1949 = tpu.memref_squeeze %parallel_loop3A_1948 : memref<1x32x2x129xf32, #tpu.memory_space<vmem>> -> memref<32x2x129xf32, #tpu.memory_space<vmem>>
        tpu.vector_store_idx %parallel_loop3A_1949[%select_n3A_71, %select_n3A_102, %parallel_loop3A_1927], %parallel_loop3A_1943 : memref<32x2x129xf32, #tpu.memory_space<vmem>>[vector<16xi32>, vector<16xi32>, vector<16xi32>], vector<16xf32>,
        %parallel_loop3A_1950 = arith.constant 2 : i32
        %parallel_loop3A_1951 = arith.index_cast %parallel_loop3A_1950 : i32 to index
        %parallel_loop3A_1952 = arith.index_cast %parallel_loop3A_1923 : i32 to index
        %parallel_loop3A_1953 = arith.constant 32 : index
        %parallel_loop3A_1954 = tpu.vector_load %arg7[%parallel_loop3A_1951, %parallel_loop3A_1952, %parallel_loop3A_1953] {strides = array<i32>} : memref<4x128x64xf32, #tpu.memory_space<vmem>>, vector<16xf32>,
        %parallel_loop3A_1955 = arith.constant 2 : i32
        %parallel_loop3A_1956 = arith.constant 0 : i32
        %parallel_loop3A_1957 = arith.constant 0 : i32
        %parallel_loop3A_1958 = arith.constant 0 : i32
        %parallel_loop3A_1959 = tpu.memref_slice %arg8[%parallel_loop3A_1955, %parallel_loop3A_1956, %parallel_loop3A_1957, %parallel_loop3A_1958] : memref<4x32x2x129xf32, #tpu.memory_space<vmem>> -> memref<1x32x2x129xf32, #tpu.memory_space<vmem>>
        %parallel_loop3A_1960 = tpu.memref_squeeze %parallel_loop3A_1959 : memref<1x32x2x129xf32, #tpu.memory_space<vmem>> -> memref<32x2x129xf32, #tpu.memory_space<vmem>>
        tpu.vector_store_idx %parallel_loop3A_1960[%select_n3A_127, %select_n3A_158, %parallel_loop3A_1927], %parallel_loop3A_1954 : memref<32x2x129xf32, #tpu.memory_space<vmem>>[vector<16xi32>, vector<16xi32>, vector<16xi32>], vector<16xf32>,
        %parallel_loop3A_1961 = arith.constant 2 : i32
        %parallel_loop3A_1962 = arith.index_cast %parallel_loop3A_1961 : i32 to index
        %parallel_loop3A_1963 = arith.index_cast %parallel_loop3A_1923 : i32 to index
        %parallel_loop3A_1964 = arith.constant 48 : index
        %parallel_loop3A_1965 = tpu.vector_load %arg7[%parallel_loop3A_1962, %parallel_loop3A_1963, %parallel_loop3A_1964] {strides = array<i32>} : memref<4x128x64xf32, #tpu.memory_space<vmem>>, vector<16xf32>,
        %parallel_loop3A_1966 = arith.constant 2 : i32
        %parallel_loop3A_1967 = arith.constant 0 : i32
        %parallel_loop3A_1968 = arith.constant 0 : i32
        %parallel_loop3A_1969 = arith.constant 0 : i32
        %parallel_loop3A_1970 = tpu.memref_slice %arg8[%parallel_loop3A_1966, %parallel_loop3A_1967, %parallel_loop3A_1968, %parallel_loop3A_1969] : memref<4x32x2x129xf32, #tpu.memory_space<vmem>> -> memref<1x32x2x129xf32, #tpu.memory_space<vmem>>
        %parallel_loop3A_1971 = tpu.memref_squeeze %parallel_loop3A_1970 : memref<1x32x2x129xf32, #tpu.memory_space<vmem>> -> memref<32x2x129xf32, #tpu.memory_space<vmem>>
        tpu.vector_store_idx %parallel_loop3A_1971[%select_n3A_183, %select_n3A_214, %parallel_loop3A_1927], %parallel_loop3A_1965 : memref<32x2x129xf32, #tpu.memory_space<vmem>>[vector<16xi32>, vector<16xi32>, vector<16xi32>], vector<16xf32>,
      } {sc.loop_unroll_factor = 2 : i64, sc.parallel_access}
      %dma_start3A_1704 = arith.constant 2 : i32
      %dma_start3A_1705 = arith.constant 0 : i32
      %dma_start3A_1706 = arith.constant 0 : i32
      %dma_start3A_1707 = arith.constant 0 : i32
      %dma_start3A_1708 = tpu.memref_slice %arg8[%dma_start3A_1704, %dma_start3A_1705, %dma_start3A_1706, %dma_start3A_1707] : memref<4x32x2x129xf32, #tpu.memory_space<vmem>> -> memref<1x32x2x128xf32, #tpu.memory_space<vmem>>
      %dma_start3A_1709 = tpu.memref_squeeze %dma_start3A_1708 : memref<1x32x2x128xf32, #tpu.memory_space<vmem>> -> memref<32x2x128xf32, #tpu.memory_space<vmem>>
      %dma_start3A_1710 = arith.constant 0 : i32
      %dma_start3A_1711 = arith.constant 0 : i32
      %dma_start3A_1712 = arith.constant 0 : i32
      %dma_start3A_1713 = tpu.memref_slice %arg4[%add3A_1695, %dma_start3A_1710, %select_n3A_1694, %dma_start3A_1711, %dma_start3A_1712] : memref<50x32x128x2x128xf32, #tpu.memory_space<hbm>> -> memref<1x32x1x2x128xf32, #tpu.memory_space<hbm>>
      %dma_start3A_1714 = tpu.memref_squeeze %dma_start3A_1713 : memref<1x32x1x2x128xf32, #tpu.memory_space<hbm>> -> memref<32x2x128xf32, #tpu.memory_space<hbm>>
      %dma_start3A_1715 = arith.constant 0 : i32
      %dma_start3A_1716 = arith.constant 0 : i32
      %dma_start3A_1717 = arith.constant 0 : i32
      %dma_start3A_1718 = tpu.memref_slice %arg4[%add3A_1695, %dma_start3A_1715, %select_n3A_1694, %dma_start3A_1716, %dma_start3A_1717] : memref<50x32x128x2x128xf32, #tpu.memory_space<hbm>> -> memref<1x32x1x2x128xf32, #tpu.memory_space<hbm>>
      %dma_start3A_1719 = tpu.memref_squeeze %dma_start3A_1718 : memref<1x32x1x2x128xf32, #tpu.memory_space<hbm>> -> memref<32x2x128xf32, #tpu.memory_space<hbm>>
      %dma_start3A_1720 = arith.constant 0 : i32
      %dma_start3A_1721 = arith.constant 0 : i32
      %dma_start3A_1722 = arith.constant 0 : i32
      %dma_start3A_1723 = tpu.memref_slice %arg8[%dma_start3A_1704, %dma_start3A_1720, %dma_start3A_1721, %dma_start3A_1722] : memref<4x32x2x129xf32, #tpu.memory_space<vmem>> -> memref<1x32x2x128xf32, #tpu.memory_space<vmem>>
      %dma_start3A_1724 = tpu.memref_squeeze %dma_start3A_1723 : memref<1x32x2x128xf32, #tpu.memory_space<vmem>> -> memref<32x2x128xf32, #tpu.memory_space<vmem>>
      tpu.enqueue_dma source(%dma_start3A_1724 : memref<32x2x128xf32, #tpu.memory_space<vmem>>) target(%dma_start3A_1719 : memref<32x2x128xf32, #tpu.memory_space<hbm>>) target_semaphore(%arg15 : memref<!tpu.dma_semaphore, #tpu.memory_space<semaphore_mem>>)
      %add3A_1725 = arith.constant 3 : i32
      %add3A_1726 = arith.addi %add3A_1545, %add3A_1725 : i32
      %lt3A_1727 = arith.constant 200 : i32
      %lt3A_1728 = arith.cmpi slt, %add3A_1726, %lt3A_1727 : i32
      %convert_element_type3A_1729 = arith.extui %lt3A_1728 : i1 to i32
      %cond3A_1730 = arith.constant 0 : i32
      %cond3A_1731 = arith.cmpi ne, %convert_element_type3A_1729, %cond3A_1730 : i32
      scf.if %cond3A_1731 {
        %add3A_1923 = arith.constant 3 : i32
        %add3A_1924 = arith.addi %add3A_1545, %add3A_1923 : i32
        %lt3A_1925 = arith.constant 192 : i32
        %lt3A_1926 = arith.cmpi slt, %add3A_1924, %lt3A_1925 : i32
        %jit3A_1927 = arith.constant 8 : i32
        %div3A_1928 = arith.divsi %add3A_1924, %jit3A_1927 : i32
        %sign3A_1929 = arith.constant 0 : i32
        %sign3A_1930 = arith.cmpi sgt, %add3A_1924, %sign3A_1929 : i32
        %sign3A_1931 = arith.extui %sign3A_1930 : i1 to i32
        %sign3A_1932 = arith.constant 0 : i32
        %sign3A_1933 = arith.cmpi slt, %add3A_1924, %sign3A_1932 : i32
        %sign3A_1934 = arith.extui %sign3A_1933 : i1 to i32
        %sign3A_1935 = arith.subi %sign3A_1931, %sign3A_1934 : i32
        %sign3A_1936 = arith.constant 0 : i32
        %sign3A_1937 = arith.cmpi sgt, %jit3A_1927, %sign3A_1936 : i32
        %sign3A_1938 = arith.extui %sign3A_1937 : i1 to i32
        %sign3A_1939 = arith.constant 0 : i32
        %sign3A_1940 = arith.cmpi slt, %jit3A_1927, %sign3A_1939 : i32
        %sign3A_1941 = arith.extui %sign3A_1940 : i1 to i32
        %sign3A_1942 = arith.subi %sign3A_1938, %sign3A_1941 : i32
        %ne3A_1943 = arith.cmpi ne, %sign3A_1935, %sign3A_1942 : i32
        %rem3A_1944 = arith.remsi %add3A_1924, %jit3A_1927 : i32
        %ne3A_1945 = arith.constant 0 : i32
        %ne3A_1946 = arith.cmpi ne, %rem3A_1944, %ne3A_1945 : i32
        %and3A_1947 = arith.andi %ne3A_1943, %ne3A_1946 : i1
        %sub3A_1948 = arith.constant 1 : i32
        %sub3A_1949 = arith.subi %div3A_1928, %sub3A_1948 : i32
        %select_n3A_1950 = arith.select %and3A_1947, %sub3A_1949, %div3A_1928 : i32
        %sub3A_1951 = arith.constant 192 : i32
        %sub3A_1952 = arith.subi %add3A_1924, %sub3A_1951 : i32
        %jit3A_1953 = arith.constant 2 : i32
        %div3A_1954 = arith.divsi %sub3A_1952, %jit3A_1953 : i32
        %sign3A_1955 = arith.constant 0 : i32
        %sign3A_1956 = arith.cmpi sgt, %sub3A_1952, %sign3A_1955 : i32
        %sign3A_1957 = arith.extui %sign3A_1956 : i1 to i32
        %sign3A_1958 = arith.constant 0 : i32
        %sign3A_1959 = arith.cmpi slt, %sub3A_1952, %sign3A_1958 : i32
        %sign3A_1960 = arith.extui %sign3A_1959 : i1 to i32
        %sign3A_1961 = arith.subi %sign3A_1957, %sign3A_1960 : i32
        %sign3A_1962 = arith.constant 0 : i32
        %sign3A_1963 = arith.cmpi sgt, %jit3A_1953, %sign3A_1962 : i32
        %sign3A_1964 = arith.extui %sign3A_1963 : i1 to i32
        %sign3A_1965 = arith.constant 0 : i32
        %sign3A_1966 = arith.cmpi slt, %jit3A_1953, %sign3A_1965 : i32
        %sign3A_1967 = arith.extui %sign3A_1966 : i1 to i32
        %sign3A_1968 = arith.subi %sign3A_1964, %sign3A_1967 : i32
        %ne3A_1969 = arith.cmpi ne, %sign3A_1961, %sign3A_1968 : i32
        %rem3A_1970 = arith.remsi %sub3A_1952, %jit3A_1953 : i32
        %ne3A_1971 = arith.constant 0 : i32
        %ne3A_1972 = arith.cmpi ne, %rem3A_1970, %ne3A_1971 : i32
        %and3A_1973 = arith.andi %ne3A_1969, %ne3A_1972 : i1
        %sub3A_1974 = arith.constant 1 : i32
        %sub3A_1975 = arith.subi %div3A_1954, %sub3A_1974 : i32
        %select_n3A_1976 = arith.select %and3A_1973, %sub3A_1975, %div3A_1954 : i32
        %add3A_1977 = arith.constant 24 : i32
        %add3A_1978 = arith.addi %add3A_1977, %select_n3A_1976 : i32
        %select_n3A_1979 = arith.select %lt3A_1926, %select_n3A_1950, %add3A_1978 : i32
        %lt3A_1980 = arith.constant 192 : i32
        %lt3A_1981 = arith.cmpi slt, %add3A_1924, %lt3A_1980 : i32
        %jit3A_1982 = arith.constant 8 : i32
        %eq3A_1983 = arith.constant 0 : i32
        %eq3A_1984 = arith.cmpi eq, %jit3A_1982, %eq3A_1983 : i32
        %jit3A_1985 = arith.constant 1 : i32
        %select_n3A_1986 = arith.select %eq3A_1984, %jit3A_1985, %jit3A_1982 : i32
        %rem3A_1987 = arith.remsi %add3A_1924, %select_n3A_1986 : i32
        %ne3A_1988 = arith.constant 0 : i32
        %ne3A_1989 = arith.cmpi ne, %rem3A_1987, %ne3A_1988 : i32
        %lt3A_1990 = arith.constant 0 : i32
        %lt3A_1991 = arith.cmpi slt, %rem3A_1987, %lt3A_1990 : i32
        %lt3A_1992 = arith.constant 0 : i32
        %lt3A_1993 = arith.cmpi slt, %select_n3A_1986, %lt3A_1992 : i32
        %ne3A_1994 = arith.xori %lt3A_1991, %lt3A_1993 : i1
        %and3A_1995 = arith.andi %ne3A_1994, %ne3A_1989 : i1
        %add3A_1996 = arith.addi %rem3A_1987, %select_n3A_1986 : i32
        %select_n3A_1997 = arith.select %and3A_1995, %add3A_1996, %rem3A_1987 : i32
        %sub3A_1998 = arith.constant 192 : i32
        %sub3A_1999 = arith.subi %add3A_1924, %sub3A_1998 : i32
        %jit3A_2000 = arith.constant 2 : i32
        %eq3A_2001 = arith.constant 0 : i32
        %eq3A_2002 = arith.cmpi eq, %jit3A_2000, %eq3A_2001 : i32
        %jit3A_2003 = arith.constant 1 : i32
        %select_n3A_2004 = arith.select %eq3A_2002, %jit3A_2003, %jit3A_2000 : i32
        %rem3A_2005 = arith.remsi %sub3A_1999, %select_n3A_2004 : i32
        %ne3A_2006 = arith.constant 0 : i32
        %ne3A_2007 = arith.cmpi ne, %rem3A_2005, %ne3A_2006 : i32
        %lt3A_2008 = arith.constant 0 : i32
        %lt3A_2009 = arith.cmpi slt, %rem3A_2005, %lt3A_2008 : i32
        %lt3A_2010 = arith.constant 0 : i32
        %lt3A_2011 = arith.cmpi slt, %select_n3A_2004, %lt3A_2010 : i32
        %ne3A_2012 = arith.xori %lt3A_2009, %lt3A_2011 : i1
        %and3A_2013 = arith.andi %ne3A_2012, %ne3A_2007 : i1
        %add3A_2014 = arith.addi %rem3A_2005, %select_n3A_2004 : i32
        %select_n3A_2015 = arith.select %and3A_2013, %add3A_2014, %rem3A_2005 : i32
        %select_n3A_2016 = arith.select %lt3A_1981, %select_n3A_1997, %select_n3A_2015 : i32
        %mul3A_2017 = arith.constant 32 : i32
        %mul3A_2018 = arith.muli %select_n3A_1979, %mul3A_2017 : i32
        %add3A_2019 = arith.addi %mul3A_2018, %add3A : i32
        %jit3A_2020 = arith.constant 128 : i32
        %div3A_2021 = arith.divsi %add3A_2019, %jit3A_2020 : i32
        %sign3A_2022 = arith.constant 0 : i32
        %sign3A_2023 = arith.cmpi sgt, %add3A_2019, %sign3A_2022 : i32
        %sign3A_2024 = arith.extui %sign3A_2023 : i1 to i32
        %sign3A_2025 = arith.constant 0 : i32
        %sign3A_2026 = arith.cmpi slt, %add3A_2019, %sign3A_2025 : i32
        %sign3A_2027 = arith.extui %sign3A_2026 : i1 to i32
        %sign3A_2028 = arith.subi %sign3A_2024, %sign3A_2027 : i32
        %sign3A_2029 = arith.constant 0 : i32
        %sign3A_2030 = arith.cmpi sgt, %jit3A_2020, %sign3A_2029 : i32
        %sign3A_2031 = arith.extui %sign3A_2030 : i1 to i32
        %sign3A_2032 = arith.constant 0 : i32
        %sign3A_2033 = arith.cmpi slt, %jit3A_2020, %sign3A_2032 : i32
        %sign3A_2034 = arith.extui %sign3A_2033 : i1 to i32
        %sign3A_2035 = arith.subi %sign3A_2031, %sign3A_2034 : i32
        %ne3A_2036 = arith.cmpi ne, %sign3A_2028, %sign3A_2035 : i32
        %rem3A_2037 = arith.remsi %add3A_2019, %jit3A_2020 : i32
        %ne3A_2038 = arith.constant 0 : i32
        %ne3A_2039 = arith.cmpi ne, %rem3A_2037, %ne3A_2038 : i32
        %and3A_2040 = arith.andi %ne3A_2036, %ne3A_2039 : i1
        %sub3A_2041 = arith.constant 1 : i32
        %sub3A_2042 = arith.subi %div3A_2021, %sub3A_2041 : i32
        %select_n3A_2043 = arith.select %and3A_2040, %sub3A_2042, %div3A_2021 : i32
        %mul3A_2044 = arith.constant 8 : i32
        %mul3A_2045 = arith.muli %select_n3A_2043, %mul3A_2044 : i32
        %jit3A_2046 = arith.constant 128 : i32
        %eq3A_2047 = arith.constant 0 : i32
        %eq3A_2048 = arith.cmpi eq, %jit3A_2046, %eq3A_2047 : i32
        %jit3A_2049 = arith.constant 1 : i32
        %select_n3A_2050 = arith.select %eq3A_2048, %jit3A_2049, %jit3A_2046 : i32
        %rem3A_2051 = arith.remsi %add3A_2019, %select_n3A_2050 : i32
        %ne3A_2052 = arith.constant 0 : i32
        %ne3A_2053 = arith.cmpi ne, %rem3A_2051, %ne3A_2052 : i32
        %lt3A_2054 = arith.constant 0 : i32
        %lt3A_2055 = arith.cmpi slt, %rem3A_2051, %lt3A_2054 : i32
        %lt3A_2056 = arith.constant 0 : i32
        %lt3A_2057 = arith.cmpi slt, %select_n3A_2050, %lt3A_2056 : i32
        %ne3A_2058 = arith.xori %lt3A_2055, %lt3A_2057 : i1
        %and3A_2059 = arith.andi %ne3A_2058, %ne3A_2053 : i1
        %add3A_2060 = arith.addi %rem3A_2051, %select_n3A_2050 : i32
        %select_n3A_2061 = arith.select %and3A_2059, %add3A_2060, %rem3A_2051 : i32
        %eq3A_2062 = arith.constant 0 : i32
        %eq3A_2063 = arith.cmpi eq, %select_n3A_2016, %eq3A_2062 : i32
        %convert_element_type3A_2064 = arith.extui %eq3A_2063 : i1 to i32
        %cond3A_2065 = arith.constant 0 : i32
        %cond3A_2066 = arith.cmpi ne, %convert_element_type3A_2064, %cond3A_2065 : i32
        scf.if %cond3A_2066 {
          %mul3A_2295 = arith.constant 128 : i32
          %mul3A_2296 = arith.muli %select_n3A_2061, %mul3A_2295 : i32
          "tpu.region"() ({
            %run_scoped3A = tpu.sem_alloc : memref<!tpu.dma_semaphore, #tpu.memory_space<semaphore_mem>>
            %dma_start3A_2297 = tpu.memref_slice %arg2[%mul3A_2045, %mul3A_2296] : memref<56x16384xi32, #tpu.memory_space<hbm>> -> memref<8x128xi32, #tpu.memory_space<hbm>>
            %dma_start3A_2298 = tpu.memref_slice %arg2[%mul3A_2045, %mul3A_2296] : memref<56x16384xi32, #tpu.memory_space<hbm>> -> memref<8x128xi32, #tpu.memory_space<hbm>>
            tpu.enqueue_dma source(%dma_start3A_2298 : memref<8x128xi32, #tpu.memory_space<hbm>>) target(%arg5 : memref<8x128xi32, #tpu.memory_space<vmem>>) target_semaphore(%run_scoped3A : memref<!tpu.dma_semaphore, #tpu.memory_space<semaphore_mem>>)
            %dma_wait3A_2299 = tpu.memref_slice %arg2[%mul3A_2045, %mul3A_2296] : memref<56x16384xi32, #tpu.memory_space<hbm>> -> memref<8x128xi32, #tpu.memory_space<hbm>>
            %dma_wait3A_2300 = tpu.memref_slice %arg2[%mul3A_2045, %mul3A_2296] : memref<56x16384xi32, #tpu.memory_space<hbm>> -> memref<8x128xi32, #tpu.memory_space<hbm>>
            tpu.wait_dma2 semaphore(%run_scoped3A : memref<!tpu.dma_semaphore, #tpu.memory_space<semaphore_mem>>) src(%dma_wait3A_2300 : memref<8x128xi32, #tpu.memory_space<hbm>>) dst(%arg5 : memref<8x128xi32, #tpu.memory_space<vmem>>)
            tpu.yield
          }) : () -> ()
        } else {
        }
        %get3A_2067 = arith.index_cast %select_n3A_2016 : i32 to index
        %get3A_2068 = arith.constant 0 : index
        %get3A_2069 = tpu.vector_load %arg5[%get3A_2067, %get3A_2068] {strides = array<i32>} : memref<8x128xi32, #tpu.memory_space<vmem>>, vector<16xi32>,
        %shift_right_logical3A_2070 = arith.constant 13 : i32
        %shift_right_logical3A_2071 = vector.broadcast %shift_right_logical3A_2070 : i32 to vector<16xi32>
        %shift_right_logical3A_2072 = arith.shrui %get3A_2069, %shift_right_logical3A_2071 : vector<16xi32>
        %shift_left3A_2073 = arith.constant 13 : i32
        %shift_left3A_2074 = vector.broadcast %shift_left3A_2073 : i32 to vector<16xi32>
        %shift_left3A_2075 = arith.shli %shift_right_logical3A_2072, %shift_left3A_2074 : vector<16xi32>
        %and3A_2076 = arith.constant 4095 : i32
        %and3A_2077 = vector.broadcast %and3A_2076 : i32 to vector<16xi32>
        %and3A_2078 = arith.andi %get3A_2069, %and3A_2077 : vector<16xi32>
        %shift_left3A_2079 = arith.constant 1 : i32
        %shift_left3A_2080 = vector.broadcast %shift_left3A_2079 : i32 to vector<16xi32>
        %shift_left3A_2081 = arith.shli %and3A_2078, %shift_left3A_2080 : vector<16xi32>
        %or3A_2082 = arith.ori %shift_left3A_2075, %shift_left3A_2081 : vector<16xi32>
        %shift_right_logical3A_2083 = arith.constant 12 : i32
        %shift_right_logical3A_2084 = vector.broadcast %shift_right_logical3A_2083 : i32 to vector<16xi32>
        %shift_right_logical3A_2085 = arith.shrui %get3A_2069, %shift_right_logical3A_2084 : vector<16xi32>
        %and3A_2086 = arith.constant 1 : i32
        %and3A_2087 = vector.broadcast %and3A_2086 : i32 to vector<16xi32>
        %and3A_2088 = arith.andi %shift_right_logical3A_2085, %and3A_2087 : vector<16xi32>
        %or3A_2089 = arith.ori %or3A_2082, %and3A_2088 : vector<16xi32>
        %swap3A_2090 = arith.constant 1 : i32
        %swap3A_2091 = arith.index_cast %swap3A_2090 : i32 to index
        %swap3A_2092 = arith.constant 0 : index
        %swap3A_2093 = tpu.vector_load %arg6[%swap3A_2091, %swap3A_2092] {strides = array<i32>} : memref<4x128xi32, #tpu.memory_space<vmem>>, vector<16xi32>,
        tpu.vector_store %arg6[%swap3A_2091, %swap3A_2092], %or3A_2089 {strides = array<i32>} : memref<4x128xi32, #tpu.memory_space<vmem>>, vector<16xi32>,
        %get3A_2094 = arith.index_cast %select_n3A_2016 : i32 to index
        %get3A_2095 = arith.constant 16 : index
        %get3A_2096 = tpu.vector_load %arg5[%get3A_2094, %get3A_2095] {strides = array<i32>} : memref<8x128xi32, #tpu.memory_space<vmem>>, vector<16xi32>,
        %shift_right_logical3A_2097 = arith.constant 13 : i32
        %shift_right_logical3A_2098 = vector.broadcast %shift_right_logical3A_2097 : i32 to vector<16xi32>
        %shift_right_logical3A_2099 = arith.shrui %get3A_2096, %shift_right_logical3A_2098 : vector<16xi32>
        %shift_left3A_2100 = arith.constant 13 : i32
        %shift_left3A_2101 = vector.broadcast %shift_left3A_2100 : i32 to vector<16xi32>
        %shift_left3A_2102 = arith.shli %shift_right_logical3A_2099, %shift_left3A_2101 : vector<16xi32>
        %and3A_2103 = arith.constant 4095 : i32
        %and3A_2104 = vector.broadcast %and3A_2103 : i32 to vector<16xi32>
        %and3A_2105 = arith.andi %get3A_2096, %and3A_2104 : vector<16xi32>
        %shift_left3A_2106 = arith.constant 1 : i32
        %shift_left3A_2107 = vector.broadcast %shift_left3A_2106 : i32 to vector<16xi32>
        %shift_left3A_2108 = arith.shli %and3A_2105, %shift_left3A_2107 : vector<16xi32>
        %or3A_2109 = arith.ori %shift_left3A_2102, %shift_left3A_2108 : vector<16xi32>
        %shift_right_logical3A_2110 = arith.constant 12 : i32
        %shift_right_logical3A_2111 = vector.broadcast %shift_right_logical3A_2110 : i32 to vector<16xi32>
        %shift_right_logical3A_2112 = arith.shrui %get3A_2096, %shift_right_logical3A_2111 : vector<16xi32>
        %and3A_2113 = arith.constant 1 : i32
        %and3A_2114 = vector.broadcast %and3A_2113 : i32 to vector<16xi32>
        %and3A_2115 = arith.andi %shift_right_logical3A_2112, %and3A_2114 : vector<16xi32>
        %or3A_2116 = arith.ori %or3A_2109, %and3A_2115 : vector<16xi32>
        %swap3A_2117 = arith.constant 1 : i32
        %swap3A_2118 = arith.index_cast %swap3A_2117 : i32 to index
        %swap3A_2119 = arith.constant 16 : index
        %swap3A_2120 = tpu.vector_load %arg6[%swap3A_2118, %swap3A_2119] {strides = array<i32>} : memref<4x128xi32, #tpu.memory_space<vmem>>, vector<16xi32>,
        tpu.vector_store %arg6[%swap3A_2118, %swap3A_2119], %or3A_2116 {strides = array<i32>} : memref<4x128xi32, #tpu.memory_space<vmem>>, vector<16xi32>,
        %get3A_2121 = arith.index_cast %select_n3A_2016 : i32 to index
        %get3A_2122 = arith.constant 32 : index
        %get3A_2123 = tpu.vector_load %arg5[%get3A_2121, %get3A_2122] {strides = array<i32>} : memref<8x128xi32, #tpu.memory_space<vmem>>, vector<16xi32>,
        %shift_right_logical3A_2124 = arith.constant 13 : i32
        %shift_right_logical3A_2125 = vector.broadcast %shift_right_logical3A_2124 : i32 to vector<16xi32>
        %shift_right_logical3A_2126 = arith.shrui %get3A_2123, %shift_right_logical3A_2125 : vector<16xi32>
        %shift_left3A_2127 = arith.constant 13 : i32
        %shift_left3A_2128 = vector.broadcast %shift_left3A_2127 : i32 to vector<16xi32>
        %shift_left3A_2129 = arith.shli %shift_right_logical3A_2126, %shift_left3A_2128 : vector<16xi32>
        %and3A_2130 = arith.constant 4095 : i32
        %and3A_2131 = vector.broadcast %and3A_2130 : i32 to vector<16xi32>
        %and3A_2132 = arith.andi %get3A_2123, %and3A_2131 : vector<16xi32>
        %shift_left3A_2133 = arith.constant 1 : i32
        %shift_left3A_2134 = vector.broadcast %shift_left3A_2133 : i32 to vector<16xi32>
        %shift_left3A_2135 = arith.shli %and3A_2132, %shift_left3A_2134 : vector<16xi32>
        %or3A_2136 = arith.ori %shift_left3A_2129, %shift_left3A_2135 : vector<16xi32>
        %shift_right_logical3A_2137 = arith.constant 12 : i32
        %shift_right_logical3A_2138 = vector.broadcast %shift_right_logical3A_2137 : i32 to vector<16xi32>
        %shift_right_logical3A_2139 = arith.shrui %get3A_2123, %shift_right_logical3A_2138 : vector<16xi32>
        %and3A_2140 = arith.constant 1 : i32
        %and3A_2141 = vector.broadcast %and3A_2140 : i32 to vector<16xi32>
        %and3A_2142 = arith.andi %shift_right_logical3A_2139, %and3A_2141 : vector<16xi32>
        %or3A_2143 = arith.ori %or3A_2136, %and3A_2142 : vector<16xi32>
        %swap3A_2144 = arith.constant 1 : i32
        %swap3A_2145 = arith.index_cast %swap3A_2144 : i32 to index
        %swap3A_2146 = arith.constant 32 : index
        %swap3A_2147 = tpu.vector_load %arg6[%swap3A_2145, %swap3A_2146] {strides = array<i32>} : memref<4x128xi32, #tpu.memory_space<vmem>>, vector<16xi32>,
        tpu.vector_store %arg6[%swap3A_2145, %swap3A_2146], %or3A_2143 {strides = array<i32>} : memref<4x128xi32, #tpu.memory_space<vmem>>, vector<16xi32>,
        %get3A_2148 = arith.index_cast %select_n3A_2016 : i32 to index
        %get3A_2149 = arith.constant 48 : index
        %get3A_2150 = tpu.vector_load %arg5[%get3A_2148, %get3A_2149] {strides = array<i32>} : memref<8x128xi32, #tpu.memory_space<vmem>>, vector<16xi32>,
        %shift_right_logical3A_2151 = arith.constant 13 : i32
        %shift_right_logical3A_2152 = vector.broadcast %shift_right_logical3A_2151 : i32 to vector<16xi32>
        %shift_right_logical3A_2153 = arith.shrui %get3A_2150, %shift_right_logical3A_2152 : vector<16xi32>
        %shift_left3A_2154 = arith.constant 13 : i32
        %shift_left3A_2155 = vector.broadcast %shift_left3A_2154 : i32 to vector<16xi32>
        %shift_left3A_2156 = arith.shli %shift_right_logical3A_2153, %shift_left3A_2155 : vector<16xi32>
        %and3A_2157 = arith.constant 4095 : i32
        %and3A_2158 = vector.broadcast %and3A_2157 : i32 to vector<16xi32>
        %and3A_2159 = arith.andi %get3A_2150, %and3A_2158 : vector<16xi32>
        %shift_left3A_2160 = arith.constant 1 : i32
        %shift_left3A_2161 = vector.broadcast %shift_left3A_2160 : i32 to vector<16xi32>
        %shift_left3A_2162 = arith.shli %and3A_2159, %shift_left3A_2161 : vector<16xi32>
        %or3A_2163 = arith.ori %shift_left3A_2156, %shift_left3A_2162 : vector<16xi32>
        %shift_right_logical3A_2164 = arith.constant 12 : i32
        %shift_right_logical3A_2165 = vector.broadcast %shift_right_logical3A_2164 : i32 to vector<16xi32>
        %shift_right_logical3A_2166 = arith.shrui %get3A_2150, %shift_right_logical3A_2165 : vector<16xi32>
        %and3A_2167 = arith.constant 1 : i32
        %and3A_2168 = vector.broadcast %and3A_2167 : i32 to vector<16xi32>
        %and3A_2169 = arith.andi %shift_right_logical3A_2166, %and3A_2168 : vector<16xi32>
        %or3A_2170 = arith.ori %or3A_2163, %and3A_2169 : vector<16xi32>
        %swap3A_2171 = arith.constant 1 : i32
        %swap3A_2172 = arith.index_cast %swap3A_2171 : i32 to index
        %swap3A_2173 = arith.constant 48 : index
        %swap3A_2174 = tpu.vector_load %arg6[%swap3A_2172, %swap3A_2173] {strides = array<i32>} : memref<4x128xi32, #tpu.memory_space<vmem>>, vector<16xi32>,
        tpu.vector_store %arg6[%swap3A_2172, %swap3A_2173], %or3A_2170 {strides = array<i32>} : memref<4x128xi32, #tpu.memory_space<vmem>>, vector<16xi32>,
        %get3A_2175 = arith.index_cast %select_n3A_2016 : i32 to index
        %get3A_2176 = arith.constant 64 : index
        %get3A_2177 = tpu.vector_load %arg5[%get3A_2175, %get3A_2176] {strides = array<i32>} : memref<8x128xi32, #tpu.memory_space<vmem>>, vector<16xi32>,
        %shift_right_logical3A_2178 = arith.constant 13 : i32
        %shift_right_logical3A_2179 = vector.broadcast %shift_right_logical3A_2178 : i32 to vector<16xi32>
        %shift_right_logical3A_2180 = arith.shrui %get3A_2177, %shift_right_logical3A_2179 : vector<16xi32>
        %shift_left3A_2181 = arith.constant 13 : i32
        %shift_left3A_2182 = vector.broadcast %shift_left3A_2181 : i32 to vector<16xi32>
        %shift_left3A_2183 = arith.shli %shift_right_logical3A_2180, %shift_left3A_2182 : vector<16xi32>
        %and3A_2184 = arith.constant 4095 : i32
        %and3A_2185 = vector.broadcast %and3A_2184 : i32 to vector<16xi32>
        %and3A_2186 = arith.andi %get3A_2177, %and3A_2185 : vector<16xi32>
        %shift_left3A_2187 = arith.constant 1 : i32
        %shift_left3A_2188 = vector.broadcast %shift_left3A_2187 : i32 to vector<16xi32>
        %shift_left3A_2189 = arith.shli %and3A_2186, %shift_left3A_2188 : vector<16xi32>
        %or3A_2190 = arith.ori %shift_left3A_2183, %shift_left3A_2189 : vector<16xi32>
        %shift_right_logical3A_2191 = arith.constant 12 : i32
        %shift_right_logical3A_2192 = vector.broadcast %shift_right_logical3A_2191 : i32 to vector<16xi32>
        %shift_right_logical3A_2193 = arith.shrui %get3A_2177, %shift_right_logical3A_2192 : vector<16xi32>
        %and3A_2194 = arith.constant 1 : i32
        %and3A_2195 = vector.broadcast %and3A_2194 : i32 to vector<16xi32>
        %and3A_2196 = arith.andi %shift_right_logical3A_2193, %and3A_2195 : vector<16xi32>
        %or3A_2197 = arith.ori %or3A_2190, %and3A_2196 : vector<16xi32>
        %swap3A_2198 = arith.constant 1 : i32
        %swap3A_2199 = arith.index_cast %swap3A_2198 : i32 to index
        %swap3A_2200 = arith.constant 64 : index
        %swap3A_2201 = tpu.vector_load %arg6[%swap3A_2199, %swap3A_2200] {strides = array<i32>} : memref<4x128xi32, #tpu.memory_space<vmem>>, vector<16xi32>,
        tpu.vector_store %arg6[%swap3A_2199, %swap3A_2200], %or3A_2197 {strides = array<i32>} : memref<4x128xi32, #tpu.memory_space<vmem>>, vector<16xi32>,
        %get3A_2202 = arith.index_cast %select_n3A_2016 : i32 to index
        %get3A_2203 = arith.constant 80 : index
        %get3A_2204 = tpu.vector_load %arg5[%get3A_2202, %get3A_2203] {strides = array<i32>} : memref<8x128xi32, #tpu.memory_space<vmem>>, vector<16xi32>,
        %shift_right_logical3A_2205 = arith.constant 13 : i32
        %shift_right_logical3A_2206 = vector.broadcast %shift_right_logical3A_2205 : i32 to vector<16xi32>
        %shift_right_logical3A_2207 = arith.shrui %get3A_2204, %shift_right_logical3A_2206 : vector<16xi32>
        %shift_left3A_2208 = arith.constant 13 : i32
        %shift_left3A_2209 = vector.broadcast %shift_left3A_2208 : i32 to vector<16xi32>
        %shift_left3A_2210 = arith.shli %shift_right_logical3A_2207, %shift_left3A_2209 : vector<16xi32>
        %and3A_2211 = arith.constant 4095 : i32
        %and3A_2212 = vector.broadcast %and3A_2211 : i32 to vector<16xi32>
        %and3A_2213 = arith.andi %get3A_2204, %and3A_2212 : vector<16xi32>
        %shift_left3A_2214 = arith.constant 1 : i32
        %shift_left3A_2215 = vector.broadcast %shift_left3A_2214 : i32 to vector<16xi32>
        %shift_left3A_2216 = arith.shli %and3A_2213, %shift_left3A_2215 : vector<16xi32>
        %or3A_2217 = arith.ori %shift_left3A_2210, %shift_left3A_2216 : vector<16xi32>
        %shift_right_logical3A_2218 = arith.constant 12 : i32
        %shift_right_logical3A_2219 = vector.broadcast %shift_right_logical3A_2218 : i32 to vector<16xi32>
        %shift_right_logical3A_2220 = arith.shrui %get3A_2204, %shift_right_logical3A_2219 : vector<16xi32>
        %and3A_2221 = arith.constant 1 : i32
        %and3A_2222 = vector.broadcast %and3A_2221 : i32 to vector<16xi32>
        %and3A_2223 = arith.andi %shift_right_logical3A_2220, %and3A_2222 : vector<16xi32>
        %or3A_2224 = arith.ori %or3A_2217, %and3A_2223 : vector<16xi32>
        %swap3A_2225 = arith.constant 1 : i32
        %swap3A_2226 = arith.index_cast %swap3A_2225 : i32 to index
        %swap3A_2227 = arith.constant 80 : index
        %swap3A_2228 = tpu.vector_load %arg6[%swap3A_2226, %swap3A_2227] {strides = array<i32>} : memref<4x128xi32, #tpu.memory_space<vmem>>, vector<16xi32>,
        tpu.vector_store %arg6[%swap3A_2226, %swap3A_2227], %or3A_2224 {strides = array<i32>} : memref<4x128xi32, #tpu.memory_space<vmem>>, vector<16xi32>,
        %get3A_2229 = arith.index_cast %select_n3A_2016 : i32 to index
        %get3A_2230 = arith.constant 96 : index
        %get3A_2231 = tpu.vector_load %arg5[%get3A_2229, %get3A_2230] {strides = array<i32>} : memref<8x128xi32, #tpu.memory_space<vmem>>, vector<16xi32>,
        %shift_right_logical3A_2232 = arith.constant 13 : i32
        %shift_right_logical3A_2233 = vector.broadcast %shift_right_logical3A_2232 : i32 to vector<16xi32>
        %shift_right_logical3A_2234 = arith.shrui %get3A_2231, %shift_right_logical3A_2233 : vector<16xi32>
        %shift_left3A_2235 = arith.constant 13 : i32
        %shift_left3A_2236 = vector.broadcast %shift_left3A_2235 : i32 to vector<16xi32>
        %shift_left3A_2237 = arith.shli %shift_right_logical3A_2234, %shift_left3A_2236 : vector<16xi32>
        %and3A_2238 = arith.constant 4095 : i32
        %and3A_2239 = vector.broadcast %and3A_2238 : i32 to vector<16xi32>
        %and3A_2240 = arith.andi %get3A_2231, %and3A_2239 : vector<16xi32>
        %shift_left3A_2241 = arith.constant 1 : i32
        %shift_left3A_2242 = vector.broadcast %shift_left3A_2241 : i32 to vector<16xi32>
        %shift_left3A_2243 = arith.shli %and3A_2240, %shift_left3A_2242 : vector<16xi32>
        %or3A_2244 = arith.ori %shift_left3A_2237, %shift_left3A_2243 : vector<16xi32>
        %shift_right_logical3A_2245 = arith.constant 12 : i32
        %shift_right_logical3A_2246 = vector.broadcast %shift_right_logical3A_2245 : i32 to vector<16xi32>
        %shift_right_logical3A_2247 = arith.shrui %get3A_2231, %shift_right_logical3A_2246 : vector<16xi32>
        %and3A_2248 = arith.constant 1 : i32
        %and3A_2249 = vector.broadcast %and3A_2248 : i32 to vector<16xi32>
        %and3A_2250 = arith.andi %shift_right_logical3A_2247, %and3A_2249 : vector<16xi32>
        %or3A_2251 = arith.ori %or3A_2244, %and3A_2250 : vector<16xi32>
        %swap3A_2252 = arith.constant 1 : i32
        %swap3A_2253 = arith.index_cast %swap3A_2252 : i32 to index
        %swap3A_2254 = arith.constant 96 : index
        %swap3A_2255 = tpu.vector_load %arg6[%swap3A_2253, %swap3A_2254] {strides = array<i32>} : memref<4x128xi32, #tpu.memory_space<vmem>>, vector<16xi32>,
        tpu.vector_store %arg6[%swap3A_2253, %swap3A_2254], %or3A_2251 {strides = array<i32>} : memref<4x128xi32, #tpu.memory_space<vmem>>, vector<16xi32>,
        %get3A_2256 = arith.index_cast %select_n3A_2016 : i32 to index
        %get3A_2257 = arith.constant 112 : index
        %get3A_2258 = tpu.vector_load %arg5[%get3A_2256, %get3A_2257] {strides = array<i32>} : memref<8x128xi32, #tpu.memory_space<vmem>>, vector<16xi32>,
        %shift_right_logical3A_2259 = arith.constant 13 : i32
        %shift_right_logical3A_2260 = vector.broadcast %shift_right_logical3A_2259 : i32 to vector<16xi32>
        %shift_right_logical3A_2261 = arith.shrui %get3A_2258, %shift_right_logical3A_2260 : vector<16xi32>
        %shift_left3A_2262 = arith.constant 13 : i32
        %shift_left3A_2263 = vector.broadcast %shift_left3A_2262 : i32 to vector<16xi32>
        %shift_left3A_2264 = arith.shli %shift_right_logical3A_2261, %shift_left3A_2263 : vector<16xi32>
        %and3A_2265 = arith.constant 4095 : i32
        %and3A_2266 = vector.broadcast %and3A_2265 : i32 to vector<16xi32>
        %and3A_2267 = arith.andi %get3A_2258, %and3A_2266 : vector<16xi32>
        %shift_left3A_2268 = arith.constant 1 : i32
        %shift_left3A_2269 = vector.broadcast %shift_left3A_2268 : i32 to vector<16xi32>
        %shift_left3A_2270 = arith.shli %and3A_2267, %shift_left3A_2269 : vector<16xi32>
        %or3A_2271 = arith.ori %shift_left3A_2264, %shift_left3A_2270 : vector<16xi32>
        %shift_right_logical3A_2272 = arith.constant 12 : i32
        %shift_right_logical3A_2273 = vector.broadcast %shift_right_logical3A_2272 : i32 to vector<16xi32>
        %shift_right_logical3A_2274 = arith.shrui %get3A_2258, %shift_right_logical3A_2273 : vector<16xi32>
        %and3A_2275 = arith.constant 1 : i32
        %and3A_2276 = vector.broadcast %and3A_2275 : i32 to vector<16xi32>
        %and3A_2277 = arith.andi %shift_right_logical3A_2274, %and3A_2276 : vector<16xi32>
        %or3A_2278 = arith.ori %or3A_2271, %and3A_2277 : vector<16xi32>
        %swap3A_2279 = arith.constant 1 : i32
        %swap3A_2280 = arith.index_cast %swap3A_2279 : i32 to index
        %swap3A_2281 = arith.constant 112 : index
        %swap3A_2282 = tpu.vector_load %arg6[%swap3A_2280, %swap3A_2281] {strides = array<i32>} : memref<4x128xi32, #tpu.memory_space<vmem>>, vector<16xi32>,
        tpu.vector_store %arg6[%swap3A_2280, %swap3A_2281], %or3A_2278 {strides = array<i32>} : memref<4x128xi32, #tpu.memory_space<vmem>>, vector<16xi32>,
        %dma_start3A_2283 = arith.constant 1 : i32
        %dma_start3A_2284 = arith.constant 1 : i32
        %dma_start3A_2285 = arith.constant 0 : i32
        %dma_start3A_2286 = arith.constant 0 : i32
        %dma_start3A_2287 = tpu.memref_slice %arg7[%dma_start3A_2284, %dma_start3A_2285, %dma_start3A_2286] : memref<4x128x64xf32, #tpu.memory_space<vmem>> -> memref<1x128x64xf32, #tpu.memory_space<vmem>>
        %dma_start3A_2288 = tpu.memref_squeeze %dma_start3A_2287 : memref<1x128x64xf32, #tpu.memory_space<vmem>> -> memref<128x64xf32, #tpu.memory_space<vmem>>
        %dma_start3A_2289 = arith.constant 0 : i32
        %dma_start3A_2290 = tpu.memref_slice %arg6[%dma_start3A_2283, %dma_start3A_2289] : memref<4x128xi32, #tpu.memory_space<vmem>> -> memref<1x128xi32, #tpu.memory_space<vmem>>
        %dma_start3A_2291 = tpu.memref_squeeze %dma_start3A_2290 : memref<1x128xi32, #tpu.memory_space<vmem>> -> memref<128xi32, #tpu.memory_space<vmem>>
        %dma_start3A_2292 = arith.constant 0 : i32
        %dma_start3A_2293 = arith.constant 0 : i32
        %dma_start3A_2294 = tpu.memref_slice %arg3[%dma_start3A_2292, %dma_start3A_2293] : memref<1007616x64xf32, #tpu.memory_space<hbm>> -> memref<1007616x64xf32, #tpu.memory_space<hbm>>
        tpu.enqueue_indirect_dma source(%dma_start3A_2294 : memref<1007616x64xf32, #tpu.memory_space<hbm>>) target(%dma_start3A_2288 : memref<128x64xf32, #tpu.memory_space<vmem>>) offsets(%dma_start3A_2291 : memref<128xi32, #tpu.memory_space<vmem>>) semaphore(%arg10 : memref<!tpu.dma_semaphore, #tpu.memory_space<semaphore_mem>>)
      } else {
      }
      %mul3A_1732 = arith.constant 4 : i32
      %mul3A_1733 = arith.muli %mul3A_1732, %scan3A_1162 : i32
      %add3A_1734 = arith.constant 3 : i32
      %add3A_1735 = arith.addi %mul3A_1733, %add3A_1734 : i32
      %dma_wait3A_1736 = arith.constant 3 : i32
      %dma_wait3A_1737 = arith.constant 3 : i32
      %dma_wait3A_1738 = arith.constant 0 : i32
      %dma_wait3A_1739 = arith.constant 0 : i32
      %dma_wait3A_1740 = tpu.memref_slice %arg7[%dma_wait3A_1737, %dma_wait3A_1738, %dma_wait3A_1739] : memref<4x128x64xf32, #tpu.memory_space<vmem>> -> memref<1x128x64xf32, #tpu.memory_space<vmem>>
      %dma_wait3A_1741 = tpu.memref_squeeze %dma_wait3A_1740 : memref<1x128x64xf32, #tpu.memory_space<vmem>> -> memref<128x64xf32, #tpu.memory_space<vmem>>
      %dma_wait3A_1742 = arith.constant 0 : i32
      %dma_wait3A_1743 = tpu.memref_slice %arg6[%dma_wait3A_1736, %dma_wait3A_1742] : memref<4x128xi32, #tpu.memory_space<vmem>> -> memref<1x128xi32, #tpu.memory_space<vmem>>
      %dma_wait3A_1744 = tpu.memref_squeeze %dma_wait3A_1743 : memref<1x128xi32, #tpu.memory_space<vmem>> -> memref<128xi32, #tpu.memory_space<vmem>>
      %dma_wait3A_1745 = arith.constant 0 : i32
      %dma_wait3A_1746 = arith.constant 0 : i32
      %dma_wait3A_1747 = tpu.memref_slice %arg3[%dma_wait3A_1745, %dma_wait3A_1746] : memref<1007616x64xf32, #tpu.memory_space<hbm>> -> memref<1007616x64xf32, #tpu.memory_space<hbm>>
      tpu.wait_indirect_dma semaphore(%arg12 : memref<!tpu.dma_semaphore, #tpu.memory_space<semaphore_mem>>) src(%dma_wait3A_1747 : memref<1007616x64xf32, #tpu.memory_space<hbm>>) dst(%dma_wait3A_1741 : memref<128x64xf32, #tpu.memory_space<vmem>>)
      %lt3A_1748 = arith.constant 192 : i32
      %lt3A_1749 = arith.cmpi slt, %add3A_1735, %lt3A_1748 : i32
      %jit3A_1750 = arith.constant 8 : i32
      %div3A_1751 = arith.divsi %add3A_1735, %jit3A_1750 : i32
      %sign3A_1752 = arith.constant 0 : i32
      %sign3A_1753 = arith.cmpi sgt, %add3A_1735, %sign3A_1752 : i32
      %sign3A_1754 = arith.extui %sign3A_1753 : i1 to i32
      %sign3A_1755 = arith.constant 0 : i32
      %sign3A_1756 = arith.cmpi slt, %add3A_1735, %sign3A_1755 : i32
      %sign3A_1757 = arith.extui %sign3A_1756 : i1 to i32
      %sign3A_1758 = arith.subi %sign3A_1754, %sign3A_1757 : i32
      %sign3A_1759 = arith.constant 0 : i32
      %sign3A_1760 = arith.cmpi sgt, %jit3A_1750, %sign3A_1759 : i32
      %sign3A_1761 = arith.extui %sign3A_1760 : i1 to i32
      %sign3A_1762 = arith.constant 0 : i32
      %sign3A_1763 = arith.cmpi slt, %jit3A_1750, %sign3A_1762 : i32
      %sign3A_1764 = arith.extui %sign3A_1763 : i1 to i32
      %sign3A_1765 = arith.subi %sign3A_1761, %sign3A_1764 : i32
      %ne3A_1766 = arith.cmpi ne, %sign3A_1758, %sign3A_1765 : i32
      %rem3A_1767 = arith.remsi %add3A_1735, %jit3A_1750 : i32
      %ne3A_1768 = arith.constant 0 : i32
      %ne3A_1769 = arith.cmpi ne, %rem3A_1767, %ne3A_1768 : i32
      %and3A_1770 = arith.andi %ne3A_1766, %ne3A_1769 : i1
      %sub3A_1771 = arith.constant 1 : i32
      %sub3A_1772 = arith.subi %div3A_1751, %sub3A_1771 : i32
      %select_n3A_1773 = arith.select %and3A_1770, %sub3A_1772, %div3A_1751 : i32
      %sub3A_1774 = arith.constant 192 : i32
      %sub3A_1775 = arith.subi %add3A_1735, %sub3A_1774 : i32
      %jit3A_1776 = arith.constant 2 : i32
      %div3A_1777 = arith.divsi %sub3A_1775, %jit3A_1776 : i32
      %sign3A_1778 = arith.constant 0 : i32
      %sign3A_1779 = arith.cmpi sgt, %sub3A_1775, %sign3A_1778 : i32
      %sign3A_1780 = arith.extui %sign3A_1779 : i1 to i32
      %sign3A_1781 = arith.constant 0 : i32
      %sign3A_1782 = arith.cmpi slt, %sub3A_1775, %sign3A_1781 : i32
      %sign3A_1783 = arith.extui %sign3A_1782 : i1 to i32
      %sign3A_1784 = arith.subi %sign3A_1780, %sign3A_1783 : i32
      %sign3A_1785 = arith.constant 0 : i32
      %sign3A_1786 = arith.cmpi sgt, %jit3A_1776, %sign3A_1785 : i32
      %sign3A_1787 = arith.extui %sign3A_1786 : i1 to i32
      %sign3A_1788 = arith.constant 0 : i32
      %sign3A_1789 = arith.cmpi slt, %jit3A_1776, %sign3A_1788 : i32
      %sign3A_1790 = arith.extui %sign3A_1789 : i1 to i32
      %sign3A_1791 = arith.subi %sign3A_1787, %sign3A_1790 : i32
      %ne3A_1792 = arith.cmpi ne, %sign3A_1784, %sign3A_1791 : i32
      %rem3A_1793 = arith.remsi %sub3A_1775, %jit3A_1776 : i32
      %ne3A_1794 = arith.constant 0 : i32
      %ne3A_1795 = arith.cmpi ne, %rem3A_1793, %ne3A_1794 : i32
      %and3A_1796 = arith.andi %ne3A_1792, %ne3A_1795 : i1
      %sub3A_1797 = arith.constant 1 : i32
      %sub3A_1798 = arith.subi %div3A_1777, %sub3A_1797 : i32
      %select_n3A_1799 = arith.select %and3A_1796, %sub3A_1798, %div3A_1777 : i32
      %add3A_1800 = arith.constant 24 : i32
      %add3A_1801 = arith.addi %add3A_1800, %select_n3A_1799 : i32
      %select_n3A_1802 = arith.select %lt3A_1749, %select_n3A_1773, %add3A_1801 : i32
      %lt3A_1803 = arith.constant 192 : i32
      %lt3A_1804 = arith.cmpi slt, %add3A_1735, %lt3A_1803 : i32
      %jit3A_1805 = arith.constant 8 : i32
      %eq3A_1806 = arith.constant 0 : i32
      %eq3A_1807 = arith.cmpi eq, %jit3A_1805, %eq3A_1806 : i32
      %jit3A_1808 = arith.constant 1 : i32
      %select_n3A_1809 = arith.select %eq3A_1807, %jit3A_1808, %jit3A_1805 : i32
      %rem3A_1810 = arith.remsi %add3A_1735, %select_n3A_1809 : i32
      %ne3A_1811 = arith.constant 0 : i32
      %ne3A_1812 = arith.cmpi ne, %rem3A_1810, %ne3A_1811 : i32
      %lt3A_1813 = arith.constant 0 : i32
      %lt3A_1814 = arith.cmpi slt, %rem3A_1810, %lt3A_1813 : i32
      %lt3A_1815 = arith.constant 0 : i32
      %lt3A_1816 = arith.cmpi slt, %select_n3A_1809, %lt3A_1815 : i32
      %ne3A_1817 = arith.xori %lt3A_1814, %lt3A_1816 : i1
      %and3A_1818 = arith.andi %ne3A_1817, %ne3A_1812 : i1
      %add3A_1819 = arith.addi %rem3A_1810, %select_n3A_1809 : i32
      %select_n3A_1820 = arith.select %and3A_1818, %add3A_1819, %rem3A_1810 : i32
      %sub3A_1821 = arith.constant 192 : i32
      %sub3A_1822 = arith.subi %add3A_1735, %sub3A_1821 : i32
      %jit3A_1823 = arith.constant 2 : i32
      %eq3A_1824 = arith.constant 0 : i32
      %eq3A_1825 = arith.cmpi eq, %jit3A_1823, %eq3A_1824 : i32
      %jit3A_1826 = arith.constant 1 : i32
      %select_n3A_1827 = arith.select %eq3A_1825, %jit3A_1826, %jit3A_1823 : i32
      %rem3A_1828 = arith.remsi %sub3A_1822, %select_n3A_1827 : i32
      %ne3A_1829 = arith.constant 0 : i32
      %ne3A_1830 = arith.cmpi ne, %rem3A_1828, %ne3A_1829 : i32
      %lt3A_1831 = arith.constant 0 : i32
      %lt3A_1832 = arith.cmpi slt, %rem3A_1828, %lt3A_1831 : i32
      %lt3A_1833 = arith.constant 0 : i32
      %lt3A_1834 = arith.cmpi slt, %select_n3A_1827, %lt3A_1833 : i32
      %ne3A_1835 = arith.xori %lt3A_1832, %lt3A_1834 : i1
      %and3A_1836 = arith.andi %ne3A_1835, %ne3A_1830 : i1
      %add3A_1837 = arith.addi %rem3A_1828, %select_n3A_1827 : i32
      %select_n3A_1838 = arith.select %and3A_1836, %add3A_1837, %rem3A_1828 : i32
      %select_n3A_1839 = arith.select %lt3A_1804, %select_n3A_1820, %select_n3A_1838 : i32
      %mul3A_1840 = arith.constant 32 : i32
      %mul3A_1841 = arith.muli %select_n3A_1802, %mul3A_1840 : i32
      %add3A_1842 = arith.addi %mul3A_1841, %add3A : i32
      %jit3A_1843 = arith.constant 128 : i32
      %div3A_1844 = arith.divsi %add3A_1842, %jit3A_1843 : i32
      %sign3A_1845 = arith.constant 0 : i32
      %sign3A_1846 = arith.cmpi sgt, %add3A_1842, %sign3A_1845 : i32
      %sign3A_1847 = arith.extui %sign3A_1846 : i1 to i32
      %sign3A_1848 = arith.constant 0 : i32
      %sign3A_1849 = arith.cmpi slt, %add3A_1842, %sign3A_1848 : i32
      %sign3A_1850 = arith.extui %sign3A_1849 : i1 to i32
      %sign3A_1851 = arith.subi %sign3A_1847, %sign3A_1850 : i32
      %sign3A_1852 = arith.constant 0 : i32
      %sign3A_1853 = arith.cmpi sgt, %jit3A_1843, %sign3A_1852 : i32
      %sign3A_1854 = arith.extui %sign3A_1853 : i1 to i32
      %sign3A_1855 = arith.constant 0 : i32
      %sign3A_1856 = arith.cmpi slt, %jit3A_1843, %sign3A_1855 : i32
      %sign3A_1857 = arith.extui %sign3A_1856 : i1 to i32
      %sign3A_1858 = arith.subi %sign3A_1854, %sign3A_1857 : i32
      %ne3A_1859 = arith.cmpi ne, %sign3A_1851, %sign3A_1858 : i32
      %rem3A_1860 = arith.remsi %add3A_1842, %jit3A_1843 : i32
      %ne3A_1861 = arith.constant 0 : i32
      %ne3A_1862 = arith.cmpi ne, %rem3A_1860, %ne3A_1861 : i32
      %and3A_1863 = arith.andi %ne3A_1859, %ne3A_1862 : i1
      %sub3A_1864 = arith.constant 1 : i32
      %sub3A_1865 = arith.subi %div3A_1844, %sub3A_1864 : i32
      %select_n3A_1866 = arith.select %and3A_1863, %sub3A_1865, %div3A_1844 : i32
      %mul3A_1867 = arith.constant 8 : i32
      %mul3A_1868 = arith.muli %select_n3A_1866, %mul3A_1867 : i32
      %jit3A_1869 = arith.constant 128 : i32
      %eq3A_1870 = arith.constant 0 : i32
      %eq3A_1871 = arith.cmpi eq, %jit3A_1869, %eq3A_1870 : i32
      %jit3A_1872 = arith.constant 1 : i32
      %select_n3A_1873 = arith.select %eq3A_1871, %jit3A_1872, %jit3A_1869 : i32
      %rem3A_1874 = arith.remsi %add3A_1842, %select_n3A_1873 : i32
      %ne3A_1875 = arith.constant 0 : i32
      %ne3A_1876 = arith.cmpi ne, %rem3A_1874, %ne3A_1875 : i32
      %lt3A_1877 = arith.constant 0 : i32
      %lt3A_1878 = arith.cmpi slt, %rem3A_1874, %lt3A_1877 : i32
      %lt3A_1879 = arith.constant 0 : i32
      %lt3A_1880 = arith.cmpi slt, %select_n3A_1873, %lt3A_1879 : i32
      %ne3A_1881 = arith.xori %lt3A_1878, %lt3A_1880 : i1
      %and3A_1882 = arith.andi %ne3A_1881, %ne3A_1876 : i1
      %add3A_1883 = arith.addi %rem3A_1874, %select_n3A_1873 : i32
      %select_n3A_1884 = arith.select %and3A_1882, %add3A_1883, %rem3A_1874 : i32
      %add3A_1885 = arith.addi %mul3A_1868, %select_n3A_1839 : i32
      %ge3A_1886 = arith.constant 4 : i32
      %ge3A_1887 = arith.cmpi sge, %add3A_1735, %ge3A_1886 : i32
      %convert_element_type3A_1888 = arith.extui %ge3A_1887 : i1 to i32
      %cond3A_1889 = arith.constant 0 : i32
      %cond3A_1890 = arith.cmpi ne, %convert_element_type3A_1888, %cond3A_1889 : i32
      scf.if %cond3A_1890 {
        %dma_wait3A_1923 = arith.constant 3 : i32
        %dma_wait3A_1924 = arith.constant 0 : i32
        %dma_wait3A_1925 = arith.constant 0 : i32
        %dma_wait3A_1926 = arith.constant 0 : i32
        %dma_wait3A_1927 = arith.constant 0 : i32
        %dma_wait3A_1928 = arith.constant 0 : i32
        %dma_wait3A_1929 = tpu.memref_slice %arg8[%dma_wait3A_1923, %dma_wait3A_1926, %dma_wait3A_1927, %dma_wait3A_1928] : memref<4x32x2x129xf32, #tpu.memory_space<vmem>> -> memref<1x32x2x128xf32, #tpu.memory_space<vmem>>
        %dma_wait3A_1930 = tpu.memref_squeeze %dma_wait3A_1929 : memref<1x32x2x128xf32, #tpu.memory_space<vmem>> -> memref<32x2x128xf32, #tpu.memory_space<vmem>>
        %dma_wait3A_1931 = arith.constant 0 : i32
        %dma_wait3A_1932 = arith.constant 0 : i32
        %dma_wait3A_1933 = arith.constant 0 : i32
        %dma_wait3A_1934 = tpu.memref_slice %arg4[%dma_wait3A_1924, %dma_wait3A_1931, %dma_wait3A_1925, %dma_wait3A_1932, %dma_wait3A_1933] : memref<50x32x128x2x128xf32, #tpu.memory_space<hbm>> -> memref<1x32x1x2x128xf32, #tpu.memory_space<hbm>>
        %dma_wait3A_1935 = tpu.memref_squeeze %dma_wait3A_1934 : memref<1x32x1x2x128xf32, #tpu.memory_space<hbm>> -> memref<32x2x128xf32, #tpu.memory_space<hbm>>
        %dma_wait3A_1936 = arith.constant 0 : i32
        %dma_wait3A_1937 = arith.constant 0 : i32
        %dma_wait3A_1938 = arith.constant 0 : i32
        %dma_wait3A_1939 = tpu.memref_slice %arg4[%dma_wait3A_1924, %dma_wait3A_1936, %dma_wait3A_1925, %dma_wait3A_1937, %dma_wait3A_1938] : memref<50x32x128x2x128xf32, #tpu.memory_space<hbm>> -> memref<1x32x1x2x128xf32, #tpu.memory_space<hbm>>
        %dma_wait3A_1940 = tpu.memref_squeeze %dma_wait3A_1939 : memref<1x32x1x2x128xf32, #tpu.memory_space<hbm>> -> memref<32x2x128xf32, #tpu.memory_space<hbm>>
        %dma_wait3A_1941 = arith.constant 0 : i32
        %dma_wait3A_1942 = arith.constant 0 : i32
        %dma_wait3A_1943 = arith.constant 0 : i32
        %dma_wait3A_1944 = tpu.memref_slice %arg8[%dma_wait3A_1923, %dma_wait3A_1941, %dma_wait3A_1942, %dma_wait3A_1943] : memref<4x32x2x129xf32, #tpu.memory_space<vmem>> -> memref<1x32x2x128xf32, #tpu.memory_space<vmem>>
        %dma_wait3A_1945 = tpu.memref_squeeze %dma_wait3A_1944 : memref<1x32x2x128xf32, #tpu.memory_space<vmem>> -> memref<32x2x128xf32, #tpu.memory_space<vmem>>
        tpu.wait_dma2 semaphore(%arg16 : memref<!tpu.dma_semaphore, #tpu.memory_space<semaphore_mem>>) src(%dma_wait3A_1945 : memref<32x2x128xf32, #tpu.memory_space<vmem>>) dst(%dma_wait3A_1940 : memref<32x2x128xf32, #tpu.memory_space<hbm>>)
      } else {
      }
      %parallel_loop3A_1891 = arith.constant 0 : i32
      %parallel_loop3A_1892 = arith.constant 128 : i32
      %parallel_loop3A_1893 = arith.constant 1 : i32
      scf.for %parallel_loop3A_1923 = %parallel_loop3A_1891 to %parallel_loop3A_1892 step %parallel_loop3A_1893  : i32 {
        %parallel_loop3A_1924 = arith.constant 0 : i32
        %parallel_loop3A_1925 = vector.broadcast %parallel_loop3A_1924 : i32 to vector<16xi32>
        %parallel_loop3A_1926 = vector.broadcast %parallel_loop3A_1923 : i32 to vector<16xi32>
        %parallel_loop3A_1927 = arith.addi %parallel_loop3A_1925, %parallel_loop3A_1926 : vector<16xi32>
        %parallel_loop3A_1928 = arith.constant 3 : i32
        %parallel_loop3A_1929 = arith.index_cast %parallel_loop3A_1928 : i32 to index
        %parallel_loop3A_1930 = arith.index_cast %parallel_loop3A_1923 : i32 to index
        %parallel_loop3A_1931 = arith.constant 0 : index
        %parallel_loop3A_1932 = tpu.vector_load %arg7[%parallel_loop3A_1929, %parallel_loop3A_1930, %parallel_loop3A_1931] {strides = array<i32>} : memref<4x128x64xf32, #tpu.memory_space<vmem>>, vector<16xf32>,
        %parallel_loop3A_1933 = arith.constant 3 : i32
        %parallel_loop3A_1934 = arith.constant 0 : i32
        %parallel_loop3A_1935 = arith.constant 0 : i32
        %parallel_loop3A_1936 = arith.constant 0 : i32
        %parallel_loop3A_1937 = tpu.memref_slice %arg8[%parallel_loop3A_1933, %parallel_loop3A_1934, %parallel_loop3A_1935, %parallel_loop3A_1936] : memref<4x32x2x129xf32, #tpu.memory_space<vmem>> -> memref<1x32x2x129xf32, #tpu.memory_space<vmem>>
        %parallel_loop3A_1938 = tpu.memref_squeeze %parallel_loop3A_1937 : memref<1x32x2x129xf32, #tpu.memory_space<vmem>> -> memref<32x2x129xf32, #tpu.memory_space<vmem>>
        tpu.vector_store_idx %parallel_loop3A_1938[%select_n3A_18, %select_n3A_46, %parallel_loop3A_1927], %parallel_loop3A_1932 : memref<32x2x129xf32, #tpu.memory_space<vmem>>[vector<16xi32>, vector<16xi32>, vector<16xi32>], vector<16xf32>,
        %parallel_loop3A_1939 = arith.constant 3 : i32
        %parallel_loop3A_1940 = arith.index_cast %parallel_loop3A_1939 : i32 to index
        %parallel_loop3A_1941 = arith.index_cast %parallel_loop3A_1923 : i32 to index
        %parallel_loop3A_1942 = arith.constant 16 : index
        %parallel_loop3A_1943 = tpu.vector_load %arg7[%parallel_loop3A_1940, %parallel_loop3A_1941, %parallel_loop3A_1942] {strides = array<i32>} : memref<4x128x64xf32, #tpu.memory_space<vmem>>, vector<16xf32>,
        %parallel_loop3A_1944 = arith.constant 3 : i32
        %parallel_loop3A_1945 = arith.constant 0 : i32
        %parallel_loop3A_1946 = arith.constant 0 : i32
        %parallel_loop3A_1947 = arith.constant 0 : i32
        %parallel_loop3A_1948 = tpu.memref_slice %arg8[%parallel_loop3A_1944, %parallel_loop3A_1945, %parallel_loop3A_1946, %parallel_loop3A_1947] : memref<4x32x2x129xf32, #tpu.memory_space<vmem>> -> memref<1x32x2x129xf32, #tpu.memory_space<vmem>>
        %parallel_loop3A_1949 = tpu.memref_squeeze %parallel_loop3A_1948 : memref<1x32x2x129xf32, #tpu.memory_space<vmem>> -> memref<32x2x129xf32, #tpu.memory_space<vmem>>
        tpu.vector_store_idx %parallel_loop3A_1949[%select_n3A_71, %select_n3A_102, %parallel_loop3A_1927], %parallel_loop3A_1943 : memref<32x2x129xf32, #tpu.memory_space<vmem>>[vector<16xi32>, vector<16xi32>, vector<16xi32>], vector<16xf32>,
        %parallel_loop3A_1950 = arith.constant 3 : i32
        %parallel_loop3A_1951 = arith.index_cast %parallel_loop3A_1950 : i32 to index
        %parallel_loop3A_1952 = arith.index_cast %parallel_loop3A_1923 : i32 to index
        %parallel_loop3A_1953 = arith.constant 32 : index
        %parallel_loop3A_1954 = tpu.vector_load %arg7[%parallel_loop3A_1951, %parallel_loop3A_1952, %parallel_loop3A_1953] {strides = array<i32>} : memref<4x128x64xf32, #tpu.memory_space<vmem>>, vector<16xf32>,
        %parallel_loop3A_1955 = arith.constant 3 : i32
        %parallel_loop3A_1956 = arith.constant 0 : i32
        %parallel_loop3A_1957 = arith.constant 0 : i32
        %parallel_loop3A_1958 = arith.constant 0 : i32
        %parallel_loop3A_1959 = tpu.memref_slice %arg8[%parallel_loop3A_1955, %parallel_loop3A_1956, %parallel_loop3A_1957, %parallel_loop3A_1958] : memref<4x32x2x129xf32, #tpu.memory_space<vmem>> -> memref<1x32x2x129xf32, #tpu.memory_space<vmem>>
        %parallel_loop3A_1960 = tpu.memref_squeeze %parallel_loop3A_1959 : memref<1x32x2x129xf32, #tpu.memory_space<vmem>> -> memref<32x2x129xf32, #tpu.memory_space<vmem>>
        tpu.vector_store_idx %parallel_loop3A_1960[%select_n3A_127, %select_n3A_158, %parallel_loop3A_1927], %parallel_loop3A_1954 : memref<32x2x129xf32, #tpu.memory_space<vmem>>[vector<16xi32>, vector<16xi32>, vector<16xi32>], vector<16xf32>,
        %parallel_loop3A_1961 = arith.constant 3 : i32
        %parallel_loop3A_1962 = arith.index_cast %parallel_loop3A_1961 : i32 to index
        %parallel_loop3A_1963 = arith.index_cast %parallel_loop3A_1923 : i32 to index
        %parallel_loop3A_1964 = arith.constant 48 : index
        %parallel_loop3A_1965 = tpu.vector_load %arg7[%parallel_loop3A_1962, %parallel_loop3A_1963, %parallel_loop3A_1964] {strides = array<i32>} : memref<4x128x64xf32, #tpu.memory_space<vmem>>, vector<16xf32>,
        %parallel_loop3A_1966 = arith.constant 3 : i32
        %parallel_loop3A_1967 = arith.constant 0 : i32
        %parallel_loop3A_1968 = arith.constant 0 : i32
        %parallel_loop3A_1969 = arith.constant 0 : i32
        %parallel_loop3A_1970 = tpu.memref_slice %arg8[%parallel_loop3A_1966, %parallel_loop3A_1967, %parallel_loop3A_1968, %parallel_loop3A_1969] : memref<4x32x2x129xf32, #tpu.memory_space<vmem>> -> memref<1x32x2x129xf32, #tpu.memory_space<vmem>>
        %parallel_loop3A_1971 = tpu.memref_squeeze %parallel_loop3A_1970 : memref<1x32x2x129xf32, #tpu.memory_space<vmem>> -> memref<32x2x129xf32, #tpu.memory_space<vmem>>
        tpu.vector_store_idx %parallel_loop3A_1971[%select_n3A_183, %select_n3A_214, %parallel_loop3A_1927], %parallel_loop3A_1965 : memref<32x2x129xf32, #tpu.memory_space<vmem>>[vector<16xi32>, vector<16xi32>, vector<16xi32>], vector<16xf32>,
      } {sc.loop_unroll_factor = 2 : i64, sc.parallel_access}
      %dma_start3A_1894 = arith.constant 3 : i32
      %dma_start3A_1895 = arith.constant 0 : i32
      %dma_start3A_1896 = arith.constant 0 : i32
      %dma_start3A_1897 = arith.constant 0 : i32
      %dma_start3A_1898 = tpu.memref_slice %arg8[%dma_start3A_1894, %dma_start3A_1895, %dma_start3A_1896, %dma_start3A_1897] : memref<4x32x2x129xf32, #tpu.memory_space<vmem>> -> memref<1x32x2x128xf32, #tpu.memory_space<vmem>>
      %dma_start3A_1899 = tpu.memref_squeeze %dma_start3A_1898 : memref<1x32x2x128xf32, #tpu.memory_space<vmem>> -> memref<32x2x128xf32, #tpu.memory_space<vmem>>
      %dma_start3A_1900 = arith.constant 0 : i32
      %dma_start3A_1901 = arith.constant 0 : i32
      %dma_start3A_1902 = arith.constant 0 : i32
      %dma_start3A_1903 = tpu.memref_slice %arg4[%add3A_1885, %dma_start3A_1900, %select_n3A_1884, %dma_start3A_1901, %dma_start3A_1902] : memref<50x32x128x2x128xf32, #tpu.memory_space<hbm>> -> memref<1x32x1x2x128xf32, #tpu.memory_space<hbm>>
      %dma_start3A_1904 = tpu.memref_squeeze %dma_start3A_1903 : memref<1x32x1x2x128xf32, #tpu.memory_space<hbm>> -> memref<32x2x128xf32, #tpu.memory_space<hbm>>
      %dma_start3A_1905 = arith.constant 0 : i32
      %dma_start3A_1906 = arith.constant 0 : i32
      %dma_start3A_1907 = arith.constant 0 : i32
      %dma_start3A_1908 = tpu.memref_slice %arg4[%add3A_1885, %dma_start3A_1905, %select_n3A_1884, %dma_start3A_1906, %dma_start3A_1907] : memref<50x32x128x2x128xf32, #tpu.memory_space<hbm>> -> memref<1x32x1x2x128xf32, #tpu.memory_space<hbm>>
      %dma_start3A_1909 = tpu.memref_squeeze %dma_start3A_1908 : memref<1x32x1x2x128xf32, #tpu.memory_space<hbm>> -> memref<32x2x128xf32, #tpu.memory_space<hbm>>
      %dma_start3A_1910 = arith.constant 0 : i32
      %dma_start3A_1911 = arith.constant 0 : i32
      %dma_start3A_1912 = arith.constant 0 : i32
      %dma_start3A_1913 = tpu.memref_slice %arg8[%dma_start3A_1894, %dma_start3A_1910, %dma_start3A_1911, %dma_start3A_1912] : memref<4x32x2x129xf32, #tpu.memory_space<vmem>> -> memref<1x32x2x128xf32, #tpu.memory_space<vmem>>
      %dma_start3A_1914 = tpu.memref_squeeze %dma_start3A_1913 : memref<1x32x2x128xf32, #tpu.memory_space<vmem>> -> memref<32x2x128xf32, #tpu.memory_space<vmem>>
      tpu.enqueue_dma source(%dma_start3A_1914 : memref<32x2x128xf32, #tpu.memory_space<vmem>>) target(%dma_start3A_1909 : memref<32x2x128xf32, #tpu.memory_space<hbm>>) target_semaphore(%arg16 : memref<!tpu.dma_semaphore, #tpu.memory_space<semaphore_mem>>)
      %add3A_1915 = arith.constant 3 : i32
      %add3A_1916 = arith.addi %add3A_1735, %add3A_1915 : i32
      %lt3A_1917 = arith.constant 200 : i32
      %lt3A_1918 = arith.cmpi slt, %add3A_1916, %lt3A_1917 : i32
      %convert_element_type3A_1919 = arith.extui %lt3A_1918 : i1 to i32
      %cond3A_1920 = arith.constant 0 : i32
      %cond3A_1921 = arith.cmpi ne, %convert_element_type3A_1919, %cond3A_1920 : i32
      scf.if %cond3A_1921 {
        %add3A_1923 = arith.constant 3 : i32
        %add3A_1924 = arith.addi %add3A_1735, %add3A_1923 : i32
        %lt3A_1925 = arith.constant 192 : i32
        %lt3A_1926 = arith.cmpi slt, %add3A_1924, %lt3A_1925 : i32
        %jit3A_1927 = arith.constant 8 : i32
        %div3A_1928 = arith.divsi %add3A_1924, %jit3A_1927 : i32
        %sign3A_1929 = arith.constant 0 : i32
        %sign3A_1930 = arith.cmpi sgt, %add3A_1924, %sign3A_1929 : i32
        %sign3A_1931 = arith.extui %sign3A_1930 : i1 to i32
        %sign3A_1932 = arith.constant 0 : i32
        %sign3A_1933 = arith.cmpi slt, %add3A_1924, %sign3A_1932 : i32
        %sign3A_1934 = arith.extui %sign3A_1933 : i1 to i32
        %sign3A_1935 = arith.subi %sign3A_1931, %sign3A_1934 : i32
        %sign3A_1936 = arith.constant 0 : i32
        %sign3A_1937 = arith.cmpi sgt, %jit3A_1927, %sign3A_1936 : i32
        %sign3A_1938 = arith.extui %sign3A_1937 : i1 to i32
        %sign3A_1939 = arith.constant 0 : i32
        %sign3A_1940 = arith.cmpi slt, %jit3A_1927, %sign3A_1939 : i32
        %sign3A_1941 = arith.extui %sign3A_1940 : i1 to i32
        %sign3A_1942 = arith.subi %sign3A_1938, %sign3A_1941 : i32
        %ne3A_1943 = arith.cmpi ne, %sign3A_1935, %sign3A_1942 : i32
        %rem3A_1944 = arith.remsi %add3A_1924, %jit3A_1927 : i32
        %ne3A_1945 = arith.constant 0 : i32
        %ne3A_1946 = arith.cmpi ne, %rem3A_1944, %ne3A_1945 : i32
        %and3A_1947 = arith.andi %ne3A_1943, %ne3A_1946 : i1
        %sub3A_1948 = arith.constant 1 : i32
        %sub3A_1949 = arith.subi %div3A_1928, %sub3A_1948 : i32
        %select_n3A_1950 = arith.select %and3A_1947, %sub3A_1949, %div3A_1928 : i32
        %sub3A_1951 = arith.constant 192 : i32
        %sub3A_1952 = arith.subi %add3A_1924, %sub3A_1951 : i32
        %jit3A_1953 = arith.constant 2 : i32
        %div3A_1954 = arith.divsi %sub3A_1952, %jit3A_1953 : i32
        %sign3A_1955 = arith.constant 0 : i32
        %sign3A_1956 = arith.cmpi sgt, %sub3A_1952, %sign3A_1955 : i32
        %sign3A_1957 = arith.extui %sign3A_1956 : i1 to i32
        %sign3A_1958 = arith.constant 0 : i32
        %sign3A_1959 = arith.cmpi slt, %sub3A_1952, %sign3A_1958 : i32
        %sign3A_1960 = arith.extui %sign3A_1959 : i1 to i32
        %sign3A_1961 = arith.subi %sign3A_1957, %sign3A_1960 : i32
        %sign3A_1962 = arith.constant 0 : i32
        %sign3A_1963 = arith.cmpi sgt, %jit3A_1953, %sign3A_1962 : i32
        %sign3A_1964 = arith.extui %sign3A_1963 : i1 to i32
        %sign3A_1965 = arith.constant 0 : i32
        %sign3A_1966 = arith.cmpi slt, %jit3A_1953, %sign3A_1965 : i32
        %sign3A_1967 = arith.extui %sign3A_1966 : i1 to i32
        %sign3A_1968 = arith.subi %sign3A_1964, %sign3A_1967 : i32
        %ne3A_1969 = arith.cmpi ne, %sign3A_1961, %sign3A_1968 : i32
        %rem3A_1970 = arith.remsi %sub3A_1952, %jit3A_1953 : i32
        %ne3A_1971 = arith.constant 0 : i32
        %ne3A_1972 = arith.cmpi ne, %rem3A_1970, %ne3A_1971 : i32
        %and3A_1973 = arith.andi %ne3A_1969, %ne3A_1972 : i1
        %sub3A_1974 = arith.constant 1 : i32
        %sub3A_1975 = arith.subi %div3A_1954, %sub3A_1974 : i32
        %select_n3A_1976 = arith.select %and3A_1973, %sub3A_1975, %div3A_1954 : i32
        %add3A_1977 = arith.constant 24 : i32
        %add3A_1978 = arith.addi %add3A_1977, %select_n3A_1976 : i32
        %select_n3A_1979 = arith.select %lt3A_1926, %select_n3A_1950, %add3A_1978 : i32
        %lt3A_1980 = arith.constant 192 : i32
        %lt3A_1981 = arith.cmpi slt, %add3A_1924, %lt3A_1980 : i32
        %jit3A_1982 = arith.constant 8 : i32
        %eq3A_1983 = arith.constant 0 : i32
        %eq3A_1984 = arith.cmpi eq, %jit3A_1982, %eq3A_1983 : i32
        %jit3A_1985 = arith.constant 1 : i32
        %select_n3A_1986 = arith.select %eq3A_1984, %jit3A_1985, %jit3A_1982 : i32
        %rem3A_1987 = arith.remsi %add3A_1924, %select_n3A_1986 : i32
        %ne3A_1988 = arith.constant 0 : i32
        %ne3A_1989 = arith.cmpi ne, %rem3A_1987, %ne3A_1988 : i32
        %lt3A_1990 = arith.constant 0 : i32
        %lt3A_1991 = arith.cmpi slt, %rem3A_1987, %lt3A_1990 : i32
        %lt3A_1992 = arith.constant 0 : i32
        %lt3A_1993 = arith.cmpi slt, %select_n3A_1986, %lt3A_1992 : i32
        %ne3A_1994 = arith.xori %lt3A_1991, %lt3A_1993 : i1
        %and3A_1995 = arith.andi %ne3A_1994, %ne3A_1989 : i1
        %add3A_1996 = arith.addi %rem3A_1987, %select_n3A_1986 : i32
        %select_n3A_1997 = arith.select %and3A_1995, %add3A_1996, %rem3A_1987 : i32
        %sub3A_1998 = arith.constant 192 : i32
        %sub3A_1999 = arith.subi %add3A_1924, %sub3A_1998 : i32
        %jit3A_2000 = arith.constant 2 : i32
        %eq3A_2001 = arith.constant 0 : i32
        %eq3A_2002 = arith.cmpi eq, %jit3A_2000, %eq3A_2001 : i32
        %jit3A_2003 = arith.constant 1 : i32
        %select_n3A_2004 = arith.select %eq3A_2002, %jit3A_2003, %jit3A_2000 : i32
        %rem3A_2005 = arith.remsi %sub3A_1999, %select_n3A_2004 : i32
        %ne3A_2006 = arith.constant 0 : i32
        %ne3A_2007 = arith.cmpi ne, %rem3A_2005, %ne3A_2006 : i32
        %lt3A_2008 = arith.constant 0 : i32
        %lt3A_2009 = arith.cmpi slt, %rem3A_2005, %lt3A_2008 : i32
        %lt3A_2010 = arith.constant 0 : i32
        %lt3A_2011 = arith.cmpi slt, %select_n3A_2004, %lt3A_2010 : i32
        %ne3A_2012 = arith.xori %lt3A_2009, %lt3A_2011 : i1
        %and3A_2013 = arith.andi %ne3A_2012, %ne3A_2007 : i1
        %add3A_2014 = arith.addi %rem3A_2005, %select_n3A_2004 : i32
        %select_n3A_2015 = arith.select %and3A_2013, %add3A_2014, %rem3A_2005 : i32
        %select_n3A_2016 = arith.select %lt3A_1981, %select_n3A_1997, %select_n3A_2015 : i32
        %mul3A_2017 = arith.constant 32 : i32
        %mul3A_2018 = arith.muli %select_n3A_1979, %mul3A_2017 : i32
        %add3A_2019 = arith.addi %mul3A_2018, %add3A : i32
        %jit3A_2020 = arith.constant 128 : i32
        %div3A_2021 = arith.divsi %add3A_2019, %jit3A_2020 : i32
        %sign3A_2022 = arith.constant 0 : i32
        %sign3A_2023 = arith.cmpi sgt, %add3A_2019, %sign3A_2022 : i32
        %sign3A_2024 = arith.extui %sign3A_2023 : i1 to i32
        %sign3A_2025 = arith.constant 0 : i32
        %sign3A_2026 = arith.cmpi slt, %add3A_2019, %sign3A_2025 : i32
        %sign3A_2027 = arith.extui %sign3A_2026 : i1 to i32
        %sign3A_2028 = arith.subi %sign3A_2024, %sign3A_2027 : i32
        %sign3A_2029 = arith.constant 0 : i32
        %sign3A_2030 = arith.cmpi sgt, %jit3A_2020, %sign3A_2029 : i32
        %sign3A_2031 = arith.extui %sign3A_2030 : i1 to i32
        %sign3A_2032 = arith.constant 0 : i32
        %sign3A_2033 = arith.cmpi slt, %jit3A_2020, %sign3A_2032 : i32
        %sign3A_2034 = arith.extui %sign3A_2033 : i1 to i32
        %sign3A_2035 = arith.subi %sign3A_2031, %sign3A_2034 : i32
        %ne3A_2036 = arith.cmpi ne, %sign3A_2028, %sign3A_2035 : i32
        %rem3A_2037 = arith.remsi %add3A_2019, %jit3A_2020 : i32
        %ne3A_2038 = arith.constant 0 : i32
        %ne3A_2039 = arith.cmpi ne, %rem3A_2037, %ne3A_2038 : i32
        %and3A_2040 = arith.andi %ne3A_2036, %ne3A_2039 : i1
        %sub3A_2041 = arith.constant 1 : i32
        %sub3A_2042 = arith.subi %div3A_2021, %sub3A_2041 : i32
        %select_n3A_2043 = arith.select %and3A_2040, %sub3A_2042, %div3A_2021 : i32
        %mul3A_2044 = arith.constant 8 : i32
        %mul3A_2045 = arith.muli %select_n3A_2043, %mul3A_2044 : i32
        %jit3A_2046 = arith.constant 128 : i32
        %eq3A_2047 = arith.constant 0 : i32
        %eq3A_2048 = arith.cmpi eq, %jit3A_2046, %eq3A_2047 : i32
        %jit3A_2049 = arith.constant 1 : i32
        %select_n3A_2050 = arith.select %eq3A_2048, %jit3A_2049, %jit3A_2046 : i32
        %rem3A_2051 = arith.remsi %add3A_2019, %select_n3A_2050 : i32
        %ne3A_2052 = arith.constant 0 : i32
        %ne3A_2053 = arith.cmpi ne, %rem3A_2051, %ne3A_2052 : i32
        %lt3A_2054 = arith.constant 0 : i32
        %lt3A_2055 = arith.cmpi slt, %rem3A_2051, %lt3A_2054 : i32
        %lt3A_2056 = arith.constant 0 : i32
        %lt3A_2057 = arith.cmpi slt, %select_n3A_2050, %lt3A_2056 : i32
        %ne3A_2058 = arith.xori %lt3A_2055, %lt3A_2057 : i1
        %and3A_2059 = arith.andi %ne3A_2058, %ne3A_2053 : i1
        %add3A_2060 = arith.addi %rem3A_2051, %select_n3A_2050 : i32
        %select_n3A_2061 = arith.select %and3A_2059, %add3A_2060, %rem3A_2051 : i32
        %eq3A_2062 = arith.constant 0 : i32
        %eq3A_2063 = arith.cmpi eq, %select_n3A_2016, %eq3A_2062 : i32
        %convert_element_type3A_2064 = arith.extui %eq3A_2063 : i1 to i32
        %cond3A_2065 = arith.constant 0 : i32
        %cond3A_2066 = arith.cmpi ne, %convert_element_type3A_2064, %cond3A_2065 : i32
        scf.if %cond3A_2066 {
          %mul3A_2295 = arith.constant 128 : i32
          %mul3A_2296 = arith.muli %select_n3A_2061, %mul3A_2295 : i32
          "tpu.region"() ({
            %run_scoped3A = tpu.sem_alloc : memref<!tpu.dma_semaphore, #tpu.memory_space<semaphore_mem>>
            %dma_start3A_2297 = tpu.memref_slice %arg2[%mul3A_2045, %mul3A_2296] : memref<56x16384xi32, #tpu.memory_space<hbm>> -> memref<8x128xi32, #tpu.memory_space<hbm>>
            %dma_start3A_2298 = tpu.memref_slice %arg2[%mul3A_2045, %mul3A_2296] : memref<56x16384xi32, #tpu.memory_space<hbm>> -> memref<8x128xi32, #tpu.memory_space<hbm>>
            tpu.enqueue_dma source(%dma_start3A_2298 : memref<8x128xi32, #tpu.memory_space<hbm>>) target(%arg5 : memref<8x128xi32, #tpu.memory_space<vmem>>) target_semaphore(%run_scoped3A : memref<!tpu.dma_semaphore, #tpu.memory_space<semaphore_mem>>)
            %dma_wait3A_2299 = tpu.memref_slice %arg2[%mul3A_2045, %mul3A_2296] : memref<56x16384xi32, #tpu.memory_space<hbm>> -> memref<8x128xi32, #tpu.memory_space<hbm>>
            %dma_wait3A_2300 = tpu.memref_slice %arg2[%mul3A_2045, %mul3A_2296] : memref<56x16384xi32, #tpu.memory_space<hbm>> -> memref<8x128xi32, #tpu.memory_space<hbm>>
            tpu.wait_dma2 semaphore(%run_scoped3A : memref<!tpu.dma_semaphore, #tpu.memory_space<semaphore_mem>>) src(%dma_wait3A_2300 : memref<8x128xi32, #tpu.memory_space<hbm>>) dst(%arg5 : memref<8x128xi32, #tpu.memory_space<vmem>>)
            tpu.yield
          }) : () -> ()
        } else {
        }
        %get3A_2067 = arith.index_cast %select_n3A_2016 : i32 to index
        %get3A_2068 = arith.constant 0 : index
        %get3A_2069 = tpu.vector_load %arg5[%get3A_2067, %get3A_2068] {strides = array<i32>} : memref<8x128xi32, #tpu.memory_space<vmem>>, vector<16xi32>,
        %shift_right_logical3A_2070 = arith.constant 13 : i32
        %shift_right_logical3A_2071 = vector.broadcast %shift_right_logical3A_2070 : i32 to vector<16xi32>
        %shift_right_logical3A_2072 = arith.shrui %get3A_2069, %shift_right_logical3A_2071 : vector<16xi32>
        %shift_left3A_2073 = arith.constant 13 : i32
        %shift_left3A_2074 = vector.broadcast %shift_left3A_2073 : i32 to vector<16xi32>
        %shift_left3A_2075 = arith.shli %shift_right_logical3A_2072, %shift_left3A_2074 : vector<16xi32>
        %and3A_2076 = arith.constant 4095 : i32
        %and3A_2077 = vector.broadcast %and3A_2076 : i32 to vector<16xi32>
        %and3A_2078 = arith.andi %get3A_2069, %and3A_2077 : vector<16xi32>
        %shift_left3A_2079 = arith.constant 1 : i32
        %shift_left3A_2080 = vector.broadcast %shift_left3A_2079 : i32 to vector<16xi32>
        %shift_left3A_2081 = arith.shli %and3A_2078, %shift_left3A_2080 : vector<16xi32>
        %or3A_2082 = arith.ori %shift_left3A_2075, %shift_left3A_2081 : vector<16xi32>
        %shift_right_logical3A_2083 = arith.constant 12 : i32
        %shift_right_logical3A_2084 = vector.broadcast %shift_right_logical3A_2083 : i32 to vector<16xi32>
        %shift_right_logical3A_2085 = arith.shrui %get3A_2069, %shift_right_logical3A_2084 : vector<16xi32>
        %and3A_2086 = arith.constant 1 : i32
        %and3A_2087 = vector.broadcast %and3A_2086 : i32 to vector<16xi32>
        %and3A_2088 = arith.andi %shift_right_logical3A_2085, %and3A_2087 : vector<16xi32>
        %or3A_2089 = arith.ori %or3A_2082, %and3A_2088 : vector<16xi32>
        %swap3A_2090 = arith.constant 2 : i32
        %swap3A_2091 = arith.index_cast %swap3A_2090 : i32 to index
        %swap3A_2092 = arith.constant 0 : index
        %swap3A_2093 = tpu.vector_load %arg6[%swap3A_2091, %swap3A_2092] {strides = array<i32>} : memref<4x128xi32, #tpu.memory_space<vmem>>, vector<16xi32>,
        tpu.vector_store %arg6[%swap3A_2091, %swap3A_2092], %or3A_2089 {strides = array<i32>} : memref<4x128xi32, #tpu.memory_space<vmem>>, vector<16xi32>,
        %get3A_2094 = arith.index_cast %select_n3A_2016 : i32 to index
        %get3A_2095 = arith.constant 16 : index
        %get3A_2096 = tpu.vector_load %arg5[%get3A_2094, %get3A_2095] {strides = array<i32>} : memref<8x128xi32, #tpu.memory_space<vmem>>, vector<16xi32>,
        %shift_right_logical3A_2097 = arith.constant 13 : i32
        %shift_right_logical3A_2098 = vector.broadcast %shift_right_logical3A_2097 : i32 to vector<16xi32>
        %shift_right_logical3A_2099 = arith.shrui %get3A_2096, %shift_right_logical3A_2098 : vector<16xi32>
        %shift_left3A_2100 = arith.constant 13 : i32
        %shift_left3A_2101 = vector.broadcast %shift_left3A_2100 : i32 to vector<16xi32>
        %shift_left3A_2102 = arith.shli %shift_right_logical3A_2099, %shift_left3A_2101 : vector<16xi32>
        %and3A_2103 = arith.constant 4095 : i32
        %and3A_2104 = vector.broadcast %and3A_2103 : i32 to vector<16xi32>
        %and3A_2105 = arith.andi %get3A_2096, %and3A_2104 : vector<16xi32>
        %shift_left3A_2106 = arith.constant 1 : i32
        %shift_left3A_2107 = vector.broadcast %shift_left3A_2106 : i32 to vector<16xi32>
        %shift_left3A_2108 = arith.shli %and3A_2105, %shift_left3A_2107 : vector<16xi32>
        %or3A_2109 = arith.ori %shift_left3A_2102, %shift_left3A_2108 : vector<16xi32>
        %shift_right_logical3A_2110 = arith.constant 12 : i32
        %shift_right_logical3A_2111 = vector.broadcast %shift_right_logical3A_2110 : i32 to vector<16xi32>
        %shift_right_logical3A_2112 = arith.shrui %get3A_2096, %shift_right_logical3A_2111 : vector<16xi32>
        %and3A_2113 = arith.constant 1 : i32
        %and3A_2114 = vector.broadcast %and3A_2113 : i32 to vector<16xi32>
        %and3A_2115 = arith.andi %shift_right_logical3A_2112, %and3A_2114 : vector<16xi32>
        %or3A_2116 = arith.ori %or3A_2109, %and3A_2115 : vector<16xi32>
        %swap3A_2117 = arith.constant 2 : i32
        %swap3A_2118 = arith.index_cast %swap3A_2117 : i32 to index
        %swap3A_2119 = arith.constant 16 : index
        %swap3A_2120 = tpu.vector_load %arg6[%swap3A_2118, %swap3A_2119] {strides = array<i32>} : memref<4x128xi32, #tpu.memory_space<vmem>>, vector<16xi32>,
        tpu.vector_store %arg6[%swap3A_2118, %swap3A_2119], %or3A_2116 {strides = array<i32>} : memref<4x128xi32, #tpu.memory_space<vmem>>, vector<16xi32>,
        %get3A_2121 = arith.index_cast %select_n3A_2016 : i32 to index
        %get3A_2122 = arith.constant 32 : index
        %get3A_2123 = tpu.vector_load %arg5[%get3A_2121, %get3A_2122] {strides = array<i32>} : memref<8x128xi32, #tpu.memory_space<vmem>>, vector<16xi32>,
        %shift_right_logical3A_2124 = arith.constant 13 : i32
        %shift_right_logical3A_2125 = vector.broadcast %shift_right_logical3A_2124 : i32 to vector<16xi32>
        %shift_right_logical3A_2126 = arith.shrui %get3A_2123, %shift_right_logical3A_2125 : vector<16xi32>
        %shift_left3A_2127 = arith.constant 13 : i32
        %shift_left3A_2128 = vector.broadcast %shift_left3A_2127 : i32 to vector<16xi32>
        %shift_left3A_2129 = arith.shli %shift_right_logical3A_2126, %shift_left3A_2128 : vector<16xi32>
        %and3A_2130 = arith.constant 4095 : i32
        %and3A_2131 = vector.broadcast %and3A_2130 : i32 to vector<16xi32>
        %and3A_2132 = arith.andi %get3A_2123, %and3A_2131 : vector<16xi32>
        %shift_left3A_2133 = arith.constant 1 : i32
        %shift_left3A_2134 = vector.broadcast %shift_left3A_2133 : i32 to vector<16xi32>
        %shift_left3A_2135 = arith.shli %and3A_2132, %shift_left3A_2134 : vector<16xi32>
        %or3A_2136 = arith.ori %shift_left3A_2129, %shift_left3A_2135 : vector<16xi32>
        %shift_right_logical3A_2137 = arith.constant 12 : i32
        %shift_right_logical3A_2138 = vector.broadcast %shift_right_logical3A_2137 : i32 to vector<16xi32>
        %shift_right_logical3A_2139 = arith.shrui %get3A_2123, %shift_right_logical3A_2138 : vector<16xi32>
        %and3A_2140 = arith.constant 1 : i32
        %and3A_2141 = vector.broadcast %and3A_2140 : i32 to vector<16xi32>
        %and3A_2142 = arith.andi %shift_right_logical3A_2139, %and3A_2141 : vector<16xi32>
        %or3A_2143 = arith.ori %or3A_2136, %and3A_2142 : vector<16xi32>
        %swap3A_2144 = arith.constant 2 : i32
        %swap3A_2145 = arith.index_cast %swap3A_2144 : i32 to index
        %swap3A_2146 = arith.constant 32 : index
        %swap3A_2147 = tpu.vector_load %arg6[%swap3A_2145, %swap3A_2146] {strides = array<i32>} : memref<4x128xi32, #tpu.memory_space<vmem>>, vector<16xi32>,
        tpu.vector_store %arg6[%swap3A_2145, %swap3A_2146], %or3A_2143 {strides = array<i32>} : memref<4x128xi32, #tpu.memory_space<vmem>>, vector<16xi32>,
        %get3A_2148 = arith.index_cast %select_n3A_2016 : i32 to index
        %get3A_2149 = arith.constant 48 : index
        %get3A_2150 = tpu.vector_load %arg5[%get3A_2148, %get3A_2149] {strides = array<i32>} : memref<8x128xi32, #tpu.memory_space<vmem>>, vector<16xi32>,
        %shift_right_logical3A_2151 = arith.constant 13 : i32
        %shift_right_logical3A_2152 = vector.broadcast %shift_right_logical3A_2151 : i32 to vector<16xi32>
        %shift_right_logical3A_2153 = arith.shrui %get3A_2150, %shift_right_logical3A_2152 : vector<16xi32>
        %shift_left3A_2154 = arith.constant 13 : i32
        %shift_left3A_2155 = vector.broadcast %shift_left3A_2154 : i32 to vector<16xi32>
        %shift_left3A_2156 = arith.shli %shift_right_logical3A_2153, %shift_left3A_2155 : vector<16xi32>
        %and3A_2157 = arith.constant 4095 : i32
        %and3A_2158 = vector.broadcast %and3A_2157 : i32 to vector<16xi32>
        %and3A_2159 = arith.andi %get3A_2150, %and3A_2158 : vector<16xi32>
        %shift_left3A_2160 = arith.constant 1 : i32
        %shift_left3A_2161 = vector.broadcast %shift_left3A_2160 : i32 to vector<16xi32>
        %shift_left3A_2162 = arith.shli %and3A_2159, %shift_left3A_2161 : vector<16xi32>
        %or3A_2163 = arith.ori %shift_left3A_2156, %shift_left3A_2162 : vector<16xi32>
        %shift_right_logical3A_2164 = arith.constant 12 : i32
        %shift_right_logical3A_2165 = vector.broadcast %shift_right_logical3A_2164 : i32 to vector<16xi32>
        %shift_right_logical3A_2166 = arith.shrui %get3A_2150, %shift_right_logical3A_2165 : vector<16xi32>
        %and3A_2167 = arith.constant 1 : i32
        %and3A_2168 = vector.broadcast %and3A_2167 : i32 to vector<16xi32>
        %and3A_2169 = arith.andi %shift_right_logical3A_2166, %and3A_2168 : vector<16xi32>
        %or3A_2170 = arith.ori %or3A_2163, %and3A_2169 : vector<16xi32>
        %swap3A_2171 = arith.constant 2 : i32
        %swap3A_2172 = arith.index_cast %swap3A_2171 : i32 to index
        %swap3A_2173 = arith.constant 48 : index
        %swap3A_2174 = tpu.vector_load %arg6[%swap3A_2172, %swap3A_2173] {strides = array<i32>} : memref<4x128xi32, #tpu.memory_space<vmem>>, vector<16xi32>,
        tpu.vector_store %arg6[%swap3A_2172, %swap3A_2173], %or3A_2170 {strides = array<i32>} : memref<4x128xi32, #tpu.memory_space<vmem>>, vector<16xi32>,
        %get3A_2175 = arith.index_cast %select_n3A_2016 : i32 to index
        %get3A_2176 = arith.constant 64 : index
        %get3A_2177 = tpu.vector_load %arg5[%get3A_2175, %get3A_2176] {strides = array<i32>} : memref<8x128xi32, #tpu.memory_space<vmem>>, vector<16xi32>,
        %shift_right_logical3A_2178 = arith.constant 13 : i32
        %shift_right_logical3A_2179 = vector.broadcast %shift_right_logical3A_2178 : i32 to vector<16xi32>
        %shift_right_logical3A_2180 = arith.shrui %get3A_2177, %shift_right_logical3A_2179 : vector<16xi32>
        %shift_left3A_2181 = arith.constant 13 : i32
        %shift_left3A_2182 = vector.broadcast %shift_left3A_2181 : i32 to vector<16xi32>
        %shift_left3A_2183 = arith.shli %shift_right_logical3A_2180, %shift_left3A_2182 : vector<16xi32>
        %and3A_2184 = arith.constant 4095 : i32
        %and3A_2185 = vector.broadcast %and3A_2184 : i32 to vector<16xi32>
        %and3A_2186 = arith.andi %get3A_2177, %and3A_2185 : vector<16xi32>
        %shift_left3A_2187 = arith.constant 1 : i32
        %shift_left3A_2188 = vector.broadcast %shift_left3A_2187 : i32 to vector<16xi32>
        %shift_left3A_2189 = arith.shli %and3A_2186, %shift_left3A_2188 : vector<16xi32>
        %or3A_2190 = arith.ori %shift_left3A_2183, %shift_left3A_2189 : vector<16xi32>
        %shift_right_logical3A_2191 = arith.constant 12 : i32
        %shift_right_logical3A_2192 = vector.broadcast %shift_right_logical3A_2191 : i32 to vector<16xi32>
        %shift_right_logical3A_2193 = arith.shrui %get3A_2177, %shift_right_logical3A_2192 : vector<16xi32>
        %and3A_2194 = arith.constant 1 : i32
        %and3A_2195 = vector.broadcast %and3A_2194 : i32 to vector<16xi32>
        %and3A_2196 = arith.andi %shift_right_logical3A_2193, %and3A_2195 : vector<16xi32>
        %or3A_2197 = arith.ori %or3A_2190, %and3A_2196 : vector<16xi32>
        %swap3A_2198 = arith.constant 2 : i32
        %swap3A_2199 = arith.index_cast %swap3A_2198 : i32 to index
        %swap3A_2200 = arith.constant 64 : index
        %swap3A_2201 = tpu.vector_load %arg6[%swap3A_2199, %swap3A_2200] {strides = array<i32>} : memref<4x128xi32, #tpu.memory_space<vmem>>, vector<16xi32>,
        tpu.vector_store %arg6[%swap3A_2199, %swap3A_2200], %or3A_2197 {strides = array<i32>} : memref<4x128xi32, #tpu.memory_space<vmem>>, vector<16xi32>,
        %get3A_2202 = arith.index_cast %select_n3A_2016 : i32 to index
        %get3A_2203 = arith.constant 80 : index
        %get3A_2204 = tpu.vector_load %arg5[%get3A_2202, %get3A_2203] {strides = array<i32>} : memref<8x128xi32, #tpu.memory_space<vmem>>, vector<16xi32>,
        %shift_right_logical3A_2205 = arith.constant 13 : i32
        %shift_right_logical3A_2206 = vector.broadcast %shift_right_logical3A_2205 : i32 to vector<16xi32>
        %shift_right_logical3A_2207 = arith.shrui %get3A_2204, %shift_right_logical3A_2206 : vector<16xi32>
        %shift_left3A_2208 = arith.constant 13 : i32
        %shift_left3A_2209 = vector.broadcast %shift_left3A_2208 : i32 to vector<16xi32>
        %shift_left3A_2210 = arith.shli %shift_right_logical3A_2207, %shift_left3A_2209 : vector<16xi32>
        %and3A_2211 = arith.constant 4095 : i32
        %and3A_2212 = vector.broadcast %and3A_2211 : i32 to vector<16xi32>
        %and3A_2213 = arith.andi %get3A_2204, %and3A_2212 : vector<16xi32>
        %shift_left3A_2214 = arith.constant 1 : i32
        %shift_left3A_2215 = vector.broadcast %shift_left3A_2214 : i32 to vector<16xi32>
        %shift_left3A_2216 = arith.shli %and3A_2213, %shift_left3A_2215 : vector<16xi32>
        %or3A_2217 = arith.ori %shift_left3A_2210, %shift_left3A_2216 : vector<16xi32>
        %shift_right_logical3A_2218 = arith.constant 12 : i32
        %shift_right_logical3A_2219 = vector.broadcast %shift_right_logical3A_2218 : i32 to vector<16xi32>
        %shift_right_logical3A_2220 = arith.shrui %get3A_2204, %shift_right_logical3A_2219 : vector<16xi32>
        %and3A_2221 = arith.constant 1 : i32
        %and3A_2222 = vector.broadcast %and3A_2221 : i32 to vector<16xi32>
        %and3A_2223 = arith.andi %shift_right_logical3A_2220, %and3A_2222 : vector<16xi32>
        %or3A_2224 = arith.ori %or3A_2217, %and3A_2223 : vector<16xi32>
        %swap3A_2225 = arith.constant 2 : i32
        %swap3A_2226 = arith.index_cast %swap3A_2225 : i32 to index
        %swap3A_2227 = arith.constant 80 : index
        %swap3A_2228 = tpu.vector_load %arg6[%swap3A_2226, %swap3A_2227] {strides = array<i32>} : memref<4x128xi32, #tpu.memory_space<vmem>>, vector<16xi32>,
        tpu.vector_store %arg6[%swap3A_2226, %swap3A_2227], %or3A_2224 {strides = array<i32>} : memref<4x128xi32, #tpu.memory_space<vmem>>, vector<16xi32>,
        %get3A_2229 = arith.index_cast %select_n3A_2016 : i32 to index
        %get3A_2230 = arith.constant 96 : index
        %get3A_2231 = tpu.vector_load %arg5[%get3A_2229, %get3A_2230] {strides = array<i32>} : memref<8x128xi32, #tpu.memory_space<vmem>>, vector<16xi32>,
        %shift_right_logical3A_2232 = arith.constant 13 : i32
        %shift_right_logical3A_2233 = vector.broadcast %shift_right_logical3A_2232 : i32 to vector<16xi32>
        %shift_right_logical3A_2234 = arith.shrui %get3A_2231, %shift_right_logical3A_2233 : vector<16xi32>
        %shift_left3A_2235 = arith.constant 13 : i32
        %shift_left3A_2236 = vector.broadcast %shift_left3A_2235 : i32 to vector<16xi32>
        %shift_left3A_2237 = arith.shli %shift_right_logical3A_2234, %shift_left3A_2236 : vector<16xi32>
        %and3A_2238 = arith.constant 4095 : i32
        %and3A_2239 = vector.broadcast %and3A_2238 : i32 to vector<16xi32>
        %and3A_2240 = arith.andi %get3A_2231, %and3A_2239 : vector<16xi32>
        %shift_left3A_2241 = arith.constant 1 : i32
        %shift_left3A_2242 = vector.broadcast %shift_left3A_2241 : i32 to vector<16xi32>
        %shift_left3A_2243 = arith.shli %and3A_2240, %shift_left3A_2242 : vector<16xi32>
        %or3A_2244 = arith.ori %shift_left3A_2237, %shift_left3A_2243 : vector<16xi32>
        %shift_right_logical3A_2245 = arith.constant 12 : i32
        %shift_right_logical3A_2246 = vector.broadcast %shift_right_logical3A_2245 : i32 to vector<16xi32>
        %shift_right_logical3A_2247 = arith.shrui %get3A_2231, %shift_right_logical3A_2246 : vector<16xi32>
        %and3A_2248 = arith.constant 1 : i32
        %and3A_2249 = vector.broadcast %and3A_2248 : i32 to vector<16xi32>
        %and3A_2250 = arith.andi %shift_right_logical3A_2247, %and3A_2249 : vector<16xi32>
        %or3A_2251 = arith.ori %or3A_2244, %and3A_2250 : vector<16xi32>
        %swap3A_2252 = arith.constant 2 : i32
        %swap3A_2253 = arith.index_cast %swap3A_2252 : i32 to index
        %swap3A_2254 = arith.constant 96 : index
        %swap3A_2255 = tpu.vector_load %arg6[%swap3A_2253, %swap3A_2254] {strides = array<i32>} : memref<4x128xi32, #tpu.memory_space<vmem>>, vector<16xi32>,
        tpu.vector_store %arg6[%swap3A_2253, %swap3A_2254], %or3A_2251 {strides = array<i32>} : memref<4x128xi32, #tpu.memory_space<vmem>>, vector<16xi32>,
        %get3A_2256 = arith.index_cast %select_n3A_2016 : i32 to index
        %get3A_2257 = arith.constant 112 : index
        %get3A_2258 = tpu.vector_load %arg5[%get3A_2256, %get3A_2257] {strides = array<i32>} : memref<8x128xi32, #tpu.memory_space<vmem>>, vector<16xi32>,
        %shift_right_logical3A_2259 = arith.constant 13 : i32
        %shift_right_logical3A_2260 = vector.broadcast %shift_right_logical3A_2259 : i32 to vector<16xi32>
        %shift_right_logical3A_2261 = arith.shrui %get3A_2258, %shift_right_logical3A_2260 : vector<16xi32>
        %shift_left3A_2262 = arith.constant 13 : i32
        %shift_left3A_2263 = vector.broadcast %shift_left3A_2262 : i32 to vector<16xi32>
        %shift_left3A_2264 = arith.shli %shift_right_logical3A_2261, %shift_left3A_2263 : vector<16xi32>
        %and3A_2265 = arith.constant 4095 : i32
        %and3A_2266 = vector.broadcast %and3A_2265 : i32 to vector<16xi32>
        %and3A_2267 = arith.andi %get3A_2258, %and3A_2266 : vector<16xi32>
        %shift_left3A_2268 = arith.constant 1 : i32
        %shift_left3A_2269 = vector.broadcast %shift_left3A_2268 : i32 to vector<16xi32>
        %shift_left3A_2270 = arith.shli %and3A_2267, %shift_left3A_2269 : vector<16xi32>
        %or3A_2271 = arith.ori %shift_left3A_2264, %shift_left3A_2270 : vector<16xi32>
        %shift_right_logical3A_2272 = arith.constant 12 : i32
        %shift_right_logical3A_2273 = vector.broadcast %shift_right_logical3A_2272 : i32 to vector<16xi32>
        %shift_right_logical3A_2274 = arith.shrui %get3A_2258, %shift_right_logical3A_2273 : vector<16xi32>
        %and3A_2275 = arith.constant 1 : i32
        %and3A_2276 = vector.broadcast %and3A_2275 : i32 to vector<16xi32>
        %and3A_2277 = arith.andi %shift_right_logical3A_2274, %and3A_2276 : vector<16xi32>
        %or3A_2278 = arith.ori %or3A_2271, %and3A_2277 : vector<16xi32>
        %swap3A_2279 = arith.constant 2 : i32
        %swap3A_2280 = arith.index_cast %swap3A_2279 : i32 to index
        %swap3A_2281 = arith.constant 112 : index
        %swap3A_2282 = tpu.vector_load %arg6[%swap3A_2280, %swap3A_2281] {strides = array<i32>} : memref<4x128xi32, #tpu.memory_space<vmem>>, vector<16xi32>,
        tpu.vector_store %arg6[%swap3A_2280, %swap3A_2281], %or3A_2278 {strides = array<i32>} : memref<4x128xi32, #tpu.memory_space<vmem>>, vector<16xi32>,
        %dma_start3A_2283 = arith.constant 2 : i32
        %dma_start3A_2284 = arith.constant 2 : i32
        %dma_start3A_2285 = arith.constant 0 : i32
        %dma_start3A_2286 = arith.constant 0 : i32
        %dma_start3A_2287 = tpu.memref_slice %arg7[%dma_start3A_2284, %dma_start3A_2285, %dma_start3A_2286] : memref<4x128x64xf32, #tpu.memory_space<vmem>> -> memref<1x128x64xf32, #tpu.memory_space<vmem>>
        %dma_start3A_2288 = tpu.memref_squeeze %dma_start3A_2287 : memref<1x128x64xf32, #tpu.memory_space<vmem>> -> memref<128x64xf32, #tpu.memory_space<vmem>>
        %dma_start3A_2289 = arith.constant 0 : i32
        %dma_start3A_2290 = tpu.memref_slice %arg6[%dma_start3A_2283, %dma_start3A_2289] : memref<4x128xi32, #tpu.memory_space<vmem>> -> memref<1x128xi32, #tpu.memory_space<vmem>>
        %dma_start3A_2291 = tpu.memref_squeeze %dma_start3A_2290 : memref<1x128xi32, #tpu.memory_space<vmem>> -> memref<128xi32, #tpu.memory_space<vmem>>
        %dma_start3A_2292 = arith.constant 0 : i32
        %dma_start3A_2293 = arith.constant 0 : i32
        %dma_start3A_2294 = tpu.memref_slice %arg3[%dma_start3A_2292, %dma_start3A_2293] : memref<1007616x64xf32, #tpu.memory_space<hbm>> -> memref<1007616x64xf32, #tpu.memory_space<hbm>>
        tpu.enqueue_indirect_dma source(%dma_start3A_2294 : memref<1007616x64xf32, #tpu.memory_space<hbm>>) target(%dma_start3A_2288 : memref<128x64xf32, #tpu.memory_space<vmem>>) offsets(%dma_start3A_2291 : memref<128xi32, #tpu.memory_space<vmem>>) semaphore(%arg11 : memref<!tpu.dma_semaphore, #tpu.memory_space<semaphore_mem>>)
      } else {
      }
      %scan3A_1922 = arith.constant 0 : i32
      scf.yield %scan3A_1922 : i32
    }
    %scan3A_1070 = arith.constant 50 : i32
    %dma_wait3A = arith.constant 0 : i32
    %dma_wait3A_1071 = arith.constant 0 : i32
    %dma_wait3A_1072 = arith.constant 0 : i32
    %dma_wait3A_1073 = arith.constant 0 : i32
    %dma_wait3A_1074 = arith.constant 0 : i32
    %dma_wait3A_1075 = arith.constant 0 : i32
    %dma_wait3A_1076 = tpu.memref_slice %arg8[%dma_wait3A, %dma_wait3A_1073, %dma_wait3A_1074, %dma_wait3A_1075] : memref<4x32x2x129xf32, #tpu.memory_space<vmem>> -> memref<1x32x2x128xf32, #tpu.memory_space<vmem>>
    %dma_wait3A_1077 = tpu.memref_squeeze %dma_wait3A_1076 : memref<1x32x2x128xf32, #tpu.memory_space<vmem>> -> memref<32x2x128xf32, #tpu.memory_space<vmem>>
    %dma_wait3A_1078 = arith.constant 0 : i32
    %dma_wait3A_1079 = arith.constant 0 : i32
    %dma_wait3A_1080 = arith.constant 0 : i32
    %dma_wait3A_1081 = tpu.memref_slice %arg4[%dma_wait3A_1071, %dma_wait3A_1078, %dma_wait3A_1072, %dma_wait3A_1079, %dma_wait3A_1080] : memref<50x32x128x2x128xf32, #tpu.memory_space<hbm>> -> memref<1x32x1x2x128xf32, #tpu.memory_space<hbm>>
    %dma_wait3A_1082 = tpu.memref_squeeze %dma_wait3A_1081 : memref<1x32x1x2x128xf32, #tpu.memory_space<hbm>> -> memref<32x2x128xf32, #tpu.memory_space<hbm>>
    %dma_wait3A_1083 = arith.constant 0 : i32
    %dma_wait3A_1084 = arith.constant 0 : i32
    %dma_wait3A_1085 = arith.constant 0 : i32
    %dma_wait3A_1086 = tpu.memref_slice %arg4[%dma_wait3A_1071, %dma_wait3A_1083, %dma_wait3A_1072, %dma_wait3A_1084, %dma_wait3A_1085] : memref<50x32x128x2x128xf32, #tpu.memory_space<hbm>> -> memref<1x32x1x2x128xf32, #tpu.memory_space<hbm>>
    %dma_wait3A_1087 = tpu.memref_squeeze %dma_wait3A_1086 : memref<1x32x1x2x128xf32, #tpu.memory_space<hbm>> -> memref<32x2x128xf32, #tpu.memory_space<hbm>>
    %dma_wait3A_1088 = arith.constant 0 : i32
    %dma_wait3A_1089 = arith.constant 0 : i32
    %dma_wait3A_1090 = arith.constant 0 : i32
    %dma_wait3A_1091 = tpu.memref_slice %arg8[%dma_wait3A, %dma_wait3A_1088, %dma_wait3A_1089, %dma_wait3A_1090] : memref<4x32x2x129xf32, #tpu.memory_space<vmem>> -> memref<1x32x2x128xf32, #tpu.memory_space<vmem>>
    %dma_wait3A_1092 = tpu.memref_squeeze %dma_wait3A_1091 : memref<1x32x2x128xf32, #tpu.memory_space<vmem>> -> memref<32x2x128xf32, #tpu.memory_space<vmem>>
    tpu.wait_dma2 semaphore(%arg13 : memref<!tpu.dma_semaphore, #tpu.memory_space<semaphore_mem>>) src(%dma_wait3A_1092 : memref<32x2x128xf32, #tpu.memory_space<vmem>>) dst(%dma_wait3A_1087 : memref<32x2x128xf32, #tpu.memory_space<hbm>>)
    %dma_wait3A_1093 = arith.constant 1 : i32
    %dma_wait3A_1094 = arith.constant 0 : i32
    %dma_wait3A_1095 = arith.constant 0 : i32
    %dma_wait3A_1096 = arith.constant 0 : i32
    %dma_wait3A_1097 = arith.constant 0 : i32
    %dma_wait3A_1098 = arith.constant 0 : i32
    %dma_wait3A_1099 = tpu.memref_slice %arg8[%dma_wait3A_1093, %dma_wait3A_1096, %dma_wait3A_1097, %dma_wait3A_1098] : memref<4x32x2x129xf32, #tpu.memory_space<vmem>> -> memref<1x32x2x128xf32, #tpu.memory_space<vmem>>
    %dma_wait3A_1100 = tpu.memref_squeeze %dma_wait3A_1099 : memref<1x32x2x128xf32, #tpu.memory_space<vmem>> -> memref<32x2x128xf32, #tpu.memory_space<vmem>>
    %dma_wait3A_1101 = arith.constant 0 : i32
    %dma_wait3A_1102 = arith.constant 0 : i32
    %dma_wait3A_1103 = arith.constant 0 : i32
    %dma_wait3A_1104 = tpu.memref_slice %arg4[%dma_wait3A_1094, %dma_wait3A_1101, %dma_wait3A_1095, %dma_wait3A_1102, %dma_wait3A_1103] : memref<50x32x128x2x128xf32, #tpu.memory_space<hbm>> -> memref<1x32x1x2x128xf32, #tpu.memory_space<hbm>>
    %dma_wait3A_1105 = tpu.memref_squeeze %dma_wait3A_1104 : memref<1x32x1x2x128xf32, #tpu.memory_space<hbm>> -> memref<32x2x128xf32, #tpu.memory_space<hbm>>
    %dma_wait3A_1106 = arith.constant 0 : i32
    %dma_wait3A_1107 = arith.constant 0 : i32
    %dma_wait3A_1108 = arith.constant 0 : i32
    %dma_wait3A_1109 = tpu.memref_slice %arg4[%dma_wait3A_1094, %dma_wait3A_1106, %dma_wait3A_1095, %dma_wait3A_1107, %dma_wait3A_1108] : memref<50x32x128x2x128xf32, #tpu.memory_space<hbm>> -> memref<1x32x1x2x128xf32, #tpu.memory_space<hbm>>
    %dma_wait3A_1110 = tpu.memref_squeeze %dma_wait3A_1109 : memref<1x32x1x2x128xf32, #tpu.memory_space<hbm>> -> memref<32x2x128xf32, #tpu.memory_space<hbm>>
    %dma_wait3A_1111 = arith.constant 0 : i32
    %dma_wait3A_1112 = arith.constant 0 : i32
    %dma_wait3A_1113 = arith.constant 0 : i32
    %dma_wait3A_1114 = tpu.memref_slice %arg8[%dma_wait3A_1093, %dma_wait3A_1111, %dma_wait3A_1112, %dma_wait3A_1113] : memref<4x32x2x129xf32, #tpu.memory_space<vmem>> -> memref<1x32x2x128xf32, #tpu.memory_space<vmem>>
    %dma_wait3A_1115 = tpu.memref_squeeze %dma_wait3A_1114 : memref<1x32x2x128xf32, #tpu.memory_space<vmem>> -> memref<32x2x128xf32, #tpu.memory_space<vmem>>
    tpu.wait_dma2 semaphore(%arg14 : memref<!tpu.dma_semaphore, #tpu.memory_space<semaphore_mem>>) src(%dma_wait3A_1115 : memref<32x2x128xf32, #tpu.memory_space<vmem>>) dst(%dma_wait3A_1110 : memref<32x2x128xf32, #tpu.memory_space<hbm>>)
    %dma_wait3A_1116 = arith.constant 2 : i32
    %dma_wait3A_1117 = arith.constant 0 : i32
    %dma_wait3A_1118 = arith.constant 0 : i32
    %dma_wait3A_1119 = arith.constant 0 : i32
    %dma_wait3A_1120 = arith.constant 0 : i32
    %dma_wait3A_1121 = arith.constant 0 : i32
    %dma_wait3A_1122 = tpu.memref_slice %arg8[%dma_wait3A_1116, %dma_wait3A_1119, %dma_wait3A_1120, %dma_wait3A_1121] : memref<4x32x2x129xf32, #tpu.memory_space<vmem>> -> memref<1x32x2x128xf32, #tpu.memory_space<vmem>>
    %dma_wait3A_1123 = tpu.memref_squeeze %dma_wait3A_1122 : memref<1x32x2x128xf32, #tpu.memory_space<vmem>> -> memref<32x2x128xf32, #tpu.memory_space<vmem>>
    %dma_wait3A_1124 = arith.constant 0 : i32
    %dma_wait3A_1125 = arith.constant 0 : i32
    %dma_wait3A_1126 = arith.constant 0 : i32
    %dma_wait3A_1127 = tpu.memref_slice %arg4[%dma_wait3A_1117, %dma_wait3A_1124, %dma_wait3A_1118, %dma_wait3A_1125, %dma_wait3A_1126] : memref<50x32x128x2x128xf32, #tpu.memory_space<hbm>> -> memref<1x32x1x2x128xf32, #tpu.memory_space<hbm>>
    %dma_wait3A_1128 = tpu.memref_squeeze %dma_wait3A_1127 : memref<1x32x1x2x128xf32, #tpu.memory_space<hbm>> -> memref<32x2x128xf32, #tpu.memory_space<hbm>>
    %dma_wait3A_1129 = arith.constant 0 : i32
    %dma_wait3A_1130 = arith.constant 0 : i32
    %dma_wait3A_1131 = arith.constant 0 : i32
    %dma_wait3A_1132 = tpu.memref_slice %arg4[%dma_wait3A_1117, %dma_wait3A_1129, %dma_wait3A_1118, %dma_wait3A_1130, %dma_wait3A_1131] : memref<50x32x128x2x128xf32, #tpu.memory_space<hbm>> -> memref<1x32x1x2x128xf32, #tpu.memory_space<hbm>>
    %dma_wait3A_1133 = tpu.memref_squeeze %dma_wait3A_1132 : memref<1x32x1x2x128xf32, #tpu.memory_space<hbm>> -> memref<32x2x128xf32, #tpu.memory_space<hbm>>
    %dma_wait3A_1134 = arith.constant 0 : i32
    %dma_wait3A_1135 = arith.constant 0 : i32
    %dma_wait3A_1136 = arith.constant 0 : i32
    %dma_wait3A_1137 = tpu.memref_slice %arg8[%dma_wait3A_1116, %dma_wait3A_1134, %dma_wait3A_1135, %dma_wait3A_1136] : memref<4x32x2x129xf32, #tpu.memory_space<vmem>> -> memref<1x32x2x128xf32, #tpu.memory_space<vmem>>
    %dma_wait3A_1138 = tpu.memref_squeeze %dma_wait3A_1137 : memref<1x32x2x128xf32, #tpu.memory_space<vmem>> -> memref<32x2x128xf32, #tpu.memory_space<vmem>>
    tpu.wait_dma2 semaphore(%arg15 : memref<!tpu.dma_semaphore, #tpu.memory_space<semaphore_mem>>) src(%dma_wait3A_1138 : memref<32x2x128xf32, #tpu.memory_space<vmem>>) dst(%dma_wait3A_1133 : memref<32x2x128xf32, #tpu.memory_space<hbm>>)
    %dma_wait3A_1139 = arith.constant 3 : i32
    %dma_wait3A_1140 = arith.constant 0 : i32
    %dma_wait3A_1141 = arith.constant 0 : i32
    %dma_wait3A_1142 = arith.constant 0 : i32
    %dma_wait3A_1143 = arith.constant 0 : i32
    %dma_wait3A_1144 = arith.constant 0 : i32
    %dma_wait3A_1145 = tpu.memref_slice %arg8[%dma_wait3A_1139, %dma_wait3A_1142, %dma_wait3A_1143, %dma_wait3A_1144] : memref<4x32x2x129xf32, #tpu.memory_space<vmem>> -> memref<1x32x2x128xf32, #tpu.memory_space<vmem>>
    %dma_wait3A_1146 = tpu.memref_squeeze %dma_wait3A_1145 : memref<1x32x2x128xf32, #tpu.memory_space<vmem>> -> memref<32x2x128xf32, #tpu.memory_space<vmem>>
    %dma_wait3A_1147 = arith.constant 0 : i32
    %dma_wait3A_1148 = arith.constant 0 : i32
    %dma_wait3A_1149 = arith.constant 0 : i32
    %dma_wait3A_1150 = tpu.memref_slice %arg4[%dma_wait3A_1140, %dma_wait3A_1147, %dma_wait3A_1141, %dma_wait3A_1148, %dma_wait3A_1149] : memref<50x32x128x2x128xf32, #tpu.memory_space<hbm>> -> memref<1x32x1x2x128xf32, #tpu.memory_space<hbm>>
    %dma_wait3A_1151 = tpu.memref_squeeze %dma_wait3A_1150 : memref<1x32x1x2x128xf32, #tpu.memory_space<hbm>> -> memref<32x2x128xf32, #tpu.memory_space<hbm>>
    %dma_wait3A_1152 = arith.constant 0 : i32
    %dma_wait3A_1153 = arith.constant 0 : i32
    %dma_wait3A_1154 = arith.constant 0 : i32
    %dma_wait3A_1155 = tpu.memref_slice %arg4[%dma_wait3A_1140, %dma_wait3A_1152, %dma_wait3A_1141, %dma_wait3A_1153, %dma_wait3A_1154] : memref<50x32x128x2x128xf32, #tpu.memory_space<hbm>> -> memref<1x32x1x2x128xf32, #tpu.memory_space<hbm>>
    %dma_wait3A_1156 = tpu.memref_squeeze %dma_wait3A_1155 : memref<1x32x1x2x128xf32, #tpu.memory_space<hbm>> -> memref<32x2x128xf32, #tpu.memory_space<hbm>>
    %dma_wait3A_1157 = arith.constant 0 : i32
    %dma_wait3A_1158 = arith.constant 0 : i32
    %dma_wait3A_1159 = arith.constant 0 : i32
    %dma_wait3A_1160 = tpu.memref_slice %arg8[%dma_wait3A_1139, %dma_wait3A_1157, %dma_wait3A_1158, %dma_wait3A_1159] : memref<4x32x2x129xf32, #tpu.memory_space<vmem>> -> memref<1x32x2x128xf32, #tpu.memory_space<vmem>>
    %dma_wait3A_1161 = tpu.memref_squeeze %dma_wait3A_1160 : memref<1x32x2x128xf32, #tpu.memory_space<vmem>> -> memref<32x2x128xf32, #tpu.memory_space<vmem>>
    tpu.wait_dma2 semaphore(%arg16 : memref<!tpu.dma_semaphore, #tpu.memory_space<semaphore_mem>>) src(%dma_wait3A_1161 : memref<32x2x128xf32, #tpu.memory_space<vmem>>) dst(%dma_wait3A_1156 : memref<32x2x128xf32, #tpu.memory_space<hbm>>)
    return
  }
}

module attributes {stable_mosaic.version = 14 : i64} {
  func.func @_pack_body(%arg0: i32, %arg1: memref<32x4096xf32, #tpu.memory_space<vmem>>, %arg2: memref<32x4096xf32, #tpu.memory_space<vmem>>, %arg3: memref<32x4096xf32, #tpu.memory_space<vmem>>, %arg4: memref<32x4096xf32, #tpu.memory_space<vmem>>, %arg5: memref<4096x128xf32, #tpu.memory_space<vmem>>) attributes {dimension_semantics = [#tpu.dimension_semantics<arbitrary>], iteration_bounds = array<i64: 123>, scalar_prefetch = 0 : i64, scratch_operands = 0 : i64, tpu.core_type = #tpu.core_type<tc>, window_params = [{transform_indices = @transform_0, window_bounds = array<i64: 32, 4096>}, {transform_indices = @transform_1, window_bounds = array<i64: 32, 4096>}, {transform_indices = @transform_2, window_bounds = array<i64: 32, 4096>}, {transform_indices = @transform_3, window_bounds = array<i64: 32, 4096>}, {transform_indices = @transform_4, window_bounds = array<i64: 4096, 128>}]} {
    %get3A = arith.constant 0 : index
    %get3A_0 = arith.constant 0 : index
    %get3A_1 = vector.load %arg1[%get3A, %get3A_0] : memref<32x4096xf32, #tpu.memory_space<vmem>>, vector<32x4096xf32>
    %transpose3A = tpu.transpose %get3A_1, [1, 0] : vector<32x4096xf32> -> vector<4096x32xf32>
    %get3A_2 = arith.constant 0 : index
    %get3A_3 = arith.constant 0 : index
    %get3A_4 = vector.load %arg3[%get3A_2, %get3A_3] : memref<32x4096xf32, #tpu.memory_space<vmem>>, vector<32x4096xf32>
    %transpose3A_5 = tpu.transpose %get3A_4, [1, 0] : vector<32x4096xf32> -> vector<4096x32xf32>
    %get3A_6 = arith.constant 0 : index
    %get3A_7 = arith.constant 0 : index
    %get3A_8 = vector.load %arg2[%get3A_6, %get3A_7] : memref<32x4096xf32, #tpu.memory_space<vmem>>, vector<32x4096xf32>
    %transpose3A_9 = tpu.transpose %get3A_8, [1, 0] : vector<32x4096xf32> -> vector<4096x32xf32>
    %get3A_10 = arith.constant 0 : index
    %get3A_11 = arith.constant 0 : index
    %get3A_12 = vector.load %arg4[%get3A_10, %get3A_11] : memref<32x4096xf32, #tpu.memory_space<vmem>>, vector<32x4096xf32>
    %transpose3A_13 = tpu.transpose %get3A_12, [1, 0] : vector<32x4096xf32> -> vector<4096x32xf32>
    %concatenate3A = tpu.concatenate %transpose3A, %transpose3A_5, %transpose3A_9, %transpose3A_13 in 1 : vector<4096x32xf32>, vector<4096x32xf32>, vector<4096x32xf32>, vector<4096x32xf32> -> vector<4096x128xf32>
    %swap3A = arith.constant 0 : index
    %swap3A_14 = arith.constant 0 : index
    %swap3A_15 = vector.load %arg5[%swap3A, %swap3A_14] : memref<4096x128xf32, #tpu.memory_space<vmem>>, vector<4096x128xf32>
    tpu.vector_store %arg5[%swap3A, %swap3A_14], %concatenate3A {strides = array<i32>} : memref<4096x128xf32, #tpu.memory_space<vmem>>, vector<4096x128xf32>,
    return
  }
  func.func @transform_0(%arg0: i32) -> (i32, i32) {
    %mul3A = arith.constant 2 : i32
    %mul3A_0 = arith.muli %mul3A, %arg0 : i32
    %c0_i32 = arith.constant 0 : i32
    %c0_i32_1 = arith.constant 0 : i32
    return %c0_i32, %mul3A_0 : i32, i32
  }
  func.func @transform_1(%arg0: i32) -> (i32, i32) {
    %mul3A = arith.constant 2 : i32
    %mul3A_0 = arith.muli %mul3A, %arg0 : i32
    %add3A = arith.constant 1 : i32
    %add3A_1 = arith.addi %mul3A_0, %add3A : i32
    %min3A = arith.constant 244 : i32
    %min3A_2 = arith.minsi %add3A_1, %min3A : i32
    %c0_i32 = arith.constant 0 : i32
    %c0_i32_3 = arith.constant 0 : i32
    return %c0_i32, %min3A_2 : i32, i32
  }
  func.func @transform_2(%arg0: i32) -> (i32, i32) {
    %mul3A = arith.constant 2 : i32
    %mul3A_0 = arith.muli %mul3A, %arg0 : i32
    %c0_i32 = arith.constant 0 : i32
    %c0_i32_1 = arith.constant 0 : i32
    return %c0_i32, %mul3A_0 : i32, i32
  }
  func.func @transform_3(%arg0: i32) -> (i32, i32) {
    %mul3A = arith.constant 2 : i32
    %mul3A_0 = arith.muli %mul3A, %arg0 : i32
    %add3A = arith.constant 1 : i32
    %add3A_1 = arith.addi %mul3A_0, %add3A : i32
    %min3A = arith.constant 244 : i32
    %min3A_2 = arith.minsi %add3A_1, %min3A : i32
    %c0_i32 = arith.constant 0 : i32
    %c0_i32_3 = arith.constant 0 : i32
    return %c0_i32, %min3A_2 : i32, i32
  }
  func.func @transform_4(%arg0: i32) -> (i32, i32) {
    %c0_i32 = arith.constant 0 : i32
    %c0_i32_0 = arith.constant 0 : i32
    return %arg0, %c0_i32 : i32, i32
  }
}

</mosaic_0001>

<sc_bundles>
// kernel: _embed_call.4.cloned.1.call-start
scs
__scs_entry_jumppad:
0x0: {  	(pc) =	sbr.rel $0x88, $3  }
0x1: {  	(tag) =	ssettag $0x0;
	lr =	simm.s32 $0x1  }
0x2: {  	[smem:$0x3F9E] =	sst lr;
	_ =	strace $0xD0000000  }
0x3: {  	_ = 	snop  }
0x4: {  	_ = 	snop  }
0x5: {  	_ = 	snop  }
0x6: {  	_ = 	snop  }
0x7: {  	_ = 	snop  }
__scs_overlays_trampoline_lowered:
0x8: {  	[smem:$0x3FAD] =	sst s0  }
0x9: {  	[smem:$0x3FAE] =	sst s1  }
0xa: {  	[smem:$0x3FAF] =	sst s2  }
0xb: {  	[smem:$0x3FB0] =	sst s3  }
0xc: {  	[smem:$0x3FB1] =	sst s4  }
0xd: {  	[smem:$0x3FB2] =	sst s5  }
0xe: {  	[smem:$0x3FB3] =	sst s6  }
0xf: {  	[smem:$0x3FB4] =	sst s7  }
0x10: {  	[smem:$0x3FB5] =	sst s8  }
0x11: {  	[smem:$0x3FB6] =	sst s9;
	s0 =	simm.s32 @!p0 $0x0  }
0x12: {  	s1 =	sld [smem:$0x3F9C];
	s0 =	simm.s32 @p0 $0x1  }
0x13: {  	[smem:$0x3FB7] =	sst s0;
	s0 =	simm.s32 @!p1 $0x0  }
0x14: {  	s2 =	sld [smem:$0x3F9B];
	s0 =	simm.s32 @p1 $0x1  }
0x15: {  	[smem:$0x3FB8] =	sst s0;
	s0 =	simm.s32 @!p2 $0x0  }
0x16: {  	s3 =	sld [smem:$0x3FDB];
	s0 =	simm.s32 @p2 $0x1  }
0x17: {  	s4 =	simm.s32 $0x1BF5;
	[smem:$0x3FBA] =	sst s0  }
0x18: {  	s0 =	sld [smem:$0x3F9D];
	_ =	swait.ge [sflag:s4], $0x0  }
0x19: {  	s7 =	sld [smem:$0x3F9E]  }
0x1a: {  	s8 =	sadd.s32 $0xFFFFE003, lr  }
0x1b: {  	s9 =	sadd.s32 $0xFFFFFEF7, lr;
	s5 =	simm.s32 $0xFFFFFFFF;
	p2 =	slt.u32 s8, $0xFFFFF086  }
0x1c: {  	p1 =	slt.u32 s9, $0xF7A;
	s5 =	simm.s32 @!p2 $0x0  }
0x1d: {  	s5 =	simm.s32 @p1 $0x1;
	p0 =	seq.s32 s7, s2  }
0x1e: {  	s7 =	smul.u32 @!p0 $0xF7A, s2;
	p2 =	seq.s32 @!p0 s5, $0x0  }
0x1f: {  	s9 =	smul.u32 $0xF7A, s1;
	s8 =	simm.s32 @!p0 $0x1BF5;
	p2 =	por !p2, p0  }
0x20: {  	[sflag:s8] =	ssyncset.s32 @!p0 $0xFFFFF086;
	s6 =	sadd.s32 @!p0 s3, s7;
	s7 =	simm.s32 @!p0 $0x108  }
0x21: {  	s3 =	sadd.s32 s3, s9;
	s6 =	sadd.s32 @!p0 $0x88, s6;
	s7 =	simm.s32 @p2 $0x1082  }
0x22: {  	[simem:s7], [sflag:s8] =	dma.local @!p0 [hbm:s6], $0xF7A  }
0x23: {  	s9 =	sor.u32 $0xD0000000, s2;
	s6 =	simm.s32 $0x108;
	_ =	swait.ge @!p0 [sflag:s8], $0x0  }
0x24: {  	s3 =	sadd.s32 $0x88, s3;
	s6 =	simm.s32 @!p1 $0x1082;
	[sflag:s4] =	ssyncset.s32 $0xFFFFF086  }
0x25: {  	[simem:s6], [sflag:s4] =	dma.local [hbm:s3], $0xF7A  }
0x26: {  	[smem:$0x3F9E] =	sst s1;
	(tag) =	ssettag s2;
	_ =	strace s9  }
0x27: {  	s1 =	sld [smem:$0x3FAE]  }
0x28: {  	s2 =	sld [smem:$0x3FAF]  }
0x29: {  	s4 =	sld [smem:$0x3FB1]  }
0x2a: {  	p0 =	seq.s32 s5, $0x0;
	s5 =	sld [smem:$0x3FB2]  }
0x2b: {  	s6 =	sld [smem:$0x3FB3]  }
0x2c: {  	s7 =	sld [smem:$0x3FB4]  }
0x2d: {  	s3 =	simm.s32 $0x108;
	s8 =	sld [smem:$0x3FB5]  }
0x2e: {  	s3 =	simm.s32 @!p0 $0x1082;
	s9 =	sld [smem:$0x3FB6]  }
0x2f: {  	lr =	sadd.s32 s0, s3;
	s0 =	sld [smem:$0x3FAD]  }
0x30: {  	s3 =	sld [smem:$0x3FB0]  }
0x31: {  	[smem:$0x3FB9] =	sst s10  }
0x32: {  	s10 =	sld [smem:$0x3FB7];
	_ =	sdelay $0x3  }
0x33: {  	p0 =	seq.s32 s10, $0x1;
	s10 =	sld [smem:$0x3FB9];
	_ =	sdelay $0x3  }
0x34: {  	[smem:$0x3FB9] =	sst s10  }
0x35: {  	s10 =	sld [smem:$0x3FB8];
	_ =	sdelay $0x3  }
0x36: {  	p1 =	seq.s32 s10, $0x1;
	s10 =	sld [smem:$0x3FB9];
	_ =	sdelay $0x3  }
0x37: {  	[smem:$0x3FB9] =	sst s10  }
0x38: {  	s10 =	sld [smem:$0x3FBA]  }
0x39: {  	_ = 	snop;
	(pc) =	sbr.ind lr, $3  }
0x3a: {  	_ = 	snop  }
0x3b: {  	_ = 	snop  }
0x3c: {  	p2 =	seq.s32 s10, $0x1;
	s10 =	sld [smem:$0x3FB9]  }
0x3d: {  	_ =	shalt  }
0x3e: {  	_ =	shalt  }
0x3f: {  	_ =	shalt  }
0x40: {  	_ =	shalt  }
0x41: {  	_ =	shalt  }
0x42: {  	_ =	shalt  }
0x43: {  	_ =	shalt  }
0x44: {  	_ =	shalt  }
0x45: {  	_ =	shalt  }
0x46: {  	_ =	shalt  }
0x47: {  	_ =	shalt  }
0x48: {  	_ =	shalt  }
0x49: {  	_ =	shalt  }
0x4a: {  	_ =	shalt  }
0x4b: {  	_ =	shalt  }
0x4c: {  	_ =	shalt  }
0x4d: {  	_ =	shalt  }
0x4e: {  	_ =	shalt  }
0x4f: {  	_ =	shalt  }
0x50: {  	_ =	shalt  }
0x51: {  	_ =	shalt  }
0x52: {  	_ =	shalt  }
0x53: {  	_ =	shalt  }
0x54: {  	_ =	shalt  }
0x55: {  	_ =	shalt  }
0x56: {  	_ =	shalt  }
0x57: {  	_ =	shalt  }
0x58: {  	_ =	shalt  }
0x59: {  	_ =	shalt  }
0x5a: {  	_ =	shalt  }
0x5b: {  	_ =	shalt  }
0x5c: {  	_ =	shalt  }
0x5d: {  	_ =	shalt  }
0x5e: {  	_ =	shalt  }
0x5f: {  	_ =	shalt  }
0x60: {  	_ =	shalt  }
0x61: {  	_ =	shalt  }
0x62: {  	_ =	shalt  }
0x63: {  	_ =	shalt  }
0x64: {  	_ =	shalt  }
0x65: {  	_ =	shalt  }
0x66: {  	_ =	shalt  }
0x67: {  	_ =	shalt  }
0x68: {  	_ =	shalt  }
0x69: {  	_ =	shalt  }
0x6a: {  	_ =	shalt  }
0x6b: {  	_ =	shalt  }
0x6c: {  	_ =	shalt  }
0x6d: {  	_ =	shalt  }
0x6e: {  	_ =	shalt  }
0x6f: {  	_ =	shalt  }
0x70: {  	_ =	shalt  }
0x71: {  	_ =	shalt  }
0x72: {  	_ =	shalt  }
0x73: {  	_ =	shalt  }
0x74: {  	_ =	shalt  }
0x75: {  	_ =	shalt  }
0x76: {  	_ =	shalt  }
0x77: {  	_ =	shalt  }
0x78: {  	_ =	shalt  }
0x79: {  	_ =	shalt  }
0x7a: {  	_ =	shalt  }
0x7b: {  	_ =	shalt  }
0x7c: {  	_ =	shalt  }
0x7d: {  	_ =	shalt  }
0x7e: {  	_ =	shalt  }
0x7f: {  	_ =	shalt  }
0x80: {  	_ =	shalt  }
0x81: {  	_ =	shalt  }
0x82: {  	_ =	shalt  }
0x83: {  	_ =	shalt  }
0x84: {  	_ =	shalt  }
0x85: {  	_ =	shalt  }
0x86: {  	_ =	shalt  }
0x87: {  	_ =	shalt  }
.Lfunc_end0:
.L_simem_size_0:
called_computation_lowered:
.L_overlay_start_0:
0x88: {  	s2 =	sld [smem:$0x3FD9]  }
0x89: {  	s3 =	sld [smem:$0x3FFE];
	_ =	sdelay $0x1  }
0x8a: {  	s1 =	srdreg.scid  }
0x8b: {  	s0 =	sand.u32 $0x1, s1  }
0x8c: {  	s17 =	sshll.u32 s0, $0xA;
	s2 =	sadd.s32 s3, s2  }
0x8d: {  	s2 =	sadd.s32 s2, s17  }
0x8e: {  	[smem:$0x3FC5] =	sst s2  }
0x8f: {  	_ = 	snop  }
0x90: {  	s2 =	sld [smem:$0x3FD0];
	(tm) =	ssettm $0x1  }
0x91: {  	s18 =	sld [smem:$0x3FFB];
	_ =	sdelay $0x3  }
0x92: {  	_ =	strace s18  }
0x93: {  	s3 =	sld [smem:$0x3FFC];
	_ =	sdelay $0x3  }
0x94: {  	_ =	strace s3  }
0x95: {  	s3 =	sld [smem:$0x3FFD];
	_ =	sdelay $0x3  }
0x96: {  	_ =	strace s3  }
0x97: {  	_ =	strace $0x8FFFFFFF  }
0x98: {  	s19 =	sld [smem:$0x3FDB];
	_ =	sdelay $0x1  }
0x99: {  	s4 =	simm.s32 $_scs_section_size  }
0x9a: {  	s5 =	simm.s32 $_size__tile_overlayer_lowered;
	s6 =	simm.s32 $_tile_overlayer_lowered  }
0x9b: {  	s22 =	simm.s32 $0x1BFF;
	s21 =	sshll.u32 s6, $0x1;
	s3 =	sadd.s32 s4, s19  }
0x9c: {  	s7 =	simm.s32 $0x0;
	s20 =	sshll.u32 s5, $0x1;
	s5 =	sadd.s32 s21, s3  }
0x9d: {  	[timem:s7], [sflag:s22] =	dma.local [hbm:s5], s20  }
0x9e: {  	_ =	swait.ge [sflag:s22], s20  }
0x9f: {  	s4 =	ssub.s32 $0x0, s20;
	[sflag:s22] =	ssyncset.done $0x0  }
0xa0: {  	[sflag:s22] =	ssyncadd.s32 s4;
	_ =	sdelay $0x1  }
0xa1: {  	s23 =	simm.s32 $0x1B8B  }
0xa2: {  	_ =	swait.ge [sflag:s23], $0x1  }
0xa3: {  	[sflag:s23] =	ssyncset.done $0x0  }
0xa4: {  	s25 =	simm.s32 $0x1B8E;
	s24 =	sld [smem:$0x3FFE];
	[sflag:s23] =	ssyncadd.s32 $0xFFFFFFFF  }
0xa5: {  	s26 =	simm.s32 $execute0_lowered;
	[smem:$0x3FD2] =	sst s25  }
0xa6: {  	s5 =	sshll.u32 s26, $0x1;
	_ =	strace $0x80000046;
	[dreg:$0x1] =	wrdreg $0xFFFFFFFF  }
0xa7: {  	s28 =	simm.s32 $_size_execute0_lowered;
	s3 =	sadd.s32 s3, s5;
	[dreg:$0x0] =	wrdreg $0x0  }
0xa8: {  	s5 =	sshll.u32 s28, $0x1;
	[dreg:$0x2] =	wrdreg s3  }
0xa9: {  	[dreg:$0x3] =	wrdreg s5  }
0xaa: {  	[dreg:$0x4] =	wrdreg $0xC0  }
0xab: {  	_ =	task [dreg:s7], $0x5FFFF  }
0xac: {  	[dreg:$0x1] =	wrdreg $0xFFFFFFFF  }
0xad: {  	[dreg:$0x0] =	wrdreg $0x60  }
0xae: {  	[dreg:$0x2] =	wrdreg s24  }
0xaf: {  	[dreg:$0x3] =	wrdreg s2  }
0xb0: {  	[dreg:$0x4] =	wrdreg $0x9  }
0xb1: {  	_ =	task.clear_ibuf [dreg:s7], $0x5FFFF;
	_ =	strace $0x90000046  }
0xb2: {  	s29 =	simm.s32 $0x9;
	_ =	strace $0x80000048  }
0xb3: {  	_ =	swait.ge [sflag:s29], $0x1  }
0xb4: {  	[sflag:s29] =	ssyncadd.s32 $0xFFFFFFFF  }
0xb5: {  	_ =	strace $0x90000048  }
0xb6: {  	_ =	sfence  }
0xb7: {  	s30 =	sld [smem:$0x0];
	_ =	sdelay $0x2  }
0xb8: {  	s31 =	sshll.u32 s1, $0xD;
	s1 =	sshrl.u32 s1, $0x2  }
0xb9: {  	s3 =	sand.u32 $0x4000, s31;
	s1 =	sadd.s32 s1, s30  }
0xba: {  	s0 =	sor.u32 s3, s0;
	s1 =	sshll.u32 s1, $0x11  }
0xbb: {  	s0 =	sor.u32 s1, s0  }
0xbc: {  	s0 =	sadd.s32 $0x8F2B, s0  }
0xbd: {  	[sflag:s0] =	ssyncadd.remote.s32 $0x1  }
0xbe: {  	_ =	sfence.sel $0xFFFF  }
0xbf: {  	[dreg:$0x0] =	wrdreg $0xFFFFFFFF;
	(pc) =	sbr.abs _section_cstart, $3  }
0xc0: {  	[dreg:$0x1] =	wrdreg $0xFFFFFFFF  }
0xc1: {  	_ =	task.clear_ibuf [dreg:s7], $0x2FFFF;
	_ =	strace $0x9FFFFFFF  }
0xc2: {  	(tm) =	ssettm $0x7FFFFFFF  }
0xc3: {  	_ =	shalt  }
tec
execute0_lowered:
.L_overlay_start_1:
0x0: {  	(tag) =	ssettag $0x1  }
0x1: {  	s0 =	rddreg [dreg:$0x0]  }
0x2: {  	s2 =	rddreg [dreg:$0x1];
	s1 =	srdreg.scid;
	s3 =	simm.s32 $0x0  }
0x3: {  	s4 =	stileid.u32;
	s9 =	simm.s32 $0x80;
	s17 =	simm.s32 $0x4600  }
0x4: {  	s18 =	simm.s32 $0x1;
	s19 =	simm.s32 $0x8600;
	s20 =	simm.s32 $0x580  }
0x5: {  	s21 =	simm.s32 $0x6600;
	s22 =	simm.s32 $0x2;
	s23 =	simm.s32 $0xA800  }
0x6: {  	s24 =	simm.s32 $0x3;
	s25 =	simm.s32 $0xCA00;
	s28 =	simm.s32 $0xEC00  }
0x7: {  	s1 =	sand.u32 $0x1, s1;
	[smem:$0x7FF] =	sst s3;
	s4 =	sshll.u32 s4, $0x1  }
.Ltmp0:
0x8: {  	s6 =	ssub.s32 $0x2, s1;
	s4 =	sor.u32 s1, s4;
	(pc) =	sbr.rel .LBB2_1-.Ltmp0, $4  }
0x9: {  	v0 =	vlaneseq.u32;
	s5 =	sadd.s32 $0x400, s0;
	s7 =	sshrl.u32 s6, $0x1;
	s29 =	sshll.u32 s4, $0x4  }
0xa: {  	v0 =	vmul.u32 $0x110, v0;
	_ =	strace $0x80000047;
	s26 =	ssub.s32 s6, s7;
	s30 =	sadd.s32 s5, s29  }
0xb: {  	s6 =	sadd.s32 $0x1C400, s0;
	[dreg:$0x3] =	wrdreg s30;
	s31 =	smax.u32 s26, $0x1  }
0xc: {  	v1 =	vadd.s32 $0x1100, v0;
	v2 =	vadd.s32 $0x88, v0;
	v3 =	vadd.s32 $0x1188, v0;
	s7 =	simm.s32 $0x0;
	s26 =	simm.s32 $0x4;
	[dreg:$0x4] =	wrdreg s31  }
.LBB2_24:
0xd: {  	s0 =	simm.s32 $0x5  }
0xe: {  	_ =	swait.ge [sflag:s0], $0x2000  }
0xf: {  	[sflag:s0] =	ssyncset.done $0x0  }
0x10: {  	s29 =	simm.s32 $0x6;
	[sflag:s0] =	ssyncadd.s32 $0xFFFFE000  }
0x11: {  	_ =	swait.ge [sflag:s29], $0x2000  }
0x12: {  	[sflag:s29] =	ssyncset.done $0x0  }
0x13: {  	s30 =	simm.s32 $0x7;
	[sflag:s29] =	ssyncadd.s32 $0xFFFFE000  }
0x14: {  	_ =	swait.ge [sflag:s30], $0x2000  }
0x15: {  	[sflag:s30] =	ssyncset.done $0x0  }
0x16: {  	s1 =	simm.s32 $0x8;
	[sflag:s30] =	ssyncadd.s32 $0xFFFFE000  }
0x17: {  	_ =	swait.ge [sflag:s1], $0x2000  }
0x18: {  	s7 =	rddreg [dreg:$0x5]  }
0x19: {  	s31 =	rddreg [dreg:$0x4];
	s7 =	sadd.s32 $0x1, s7  }
0x1a: {  	p0 =	sne.s32 s7, s31  }
.Ltmp1:
0x1b: {  	_ = 	snop;
	(pc) =	sbr.rel @!p0 .LBB2_25-.Ltmp1, $3  }
0x1c: {  	_ =	sdelay $0x1  }
0x1d: {  	[sflag:s1] =	ssyncset.done $0x0  }
0x1e: {  	[sflag:s1] =	ssyncadd.s32 $0xFFFFE000  }
.LBB2_1:
0x1f: {  	[dreg:$0x5] =	wrdreg s7  }
0x20: {  	s0 =	rddreg [dreg:$0x3];
	s1 =	simm.s32 $0x4000;
	s14 =	simm.s32 $0x9  }
0x21: {  	[tilespmem:s3], [sflag:$0x9] =	stream.strided.gather [hbm4b:s0+s9], $0x400, s1, s9, $0x38;
	[tilespmem:$0x10E00] =	vst v63  }
0x22: {  	_ =	swait.ge [sflag:s14], $0x400  }
0x23: {  	[sflag:s14] =	ssyncset.done $0x0  }
0x24: {  	[sflag:s14] =	ssyncadd.s32 $0xFFFFFC00  }
0x25: {  	v4 =	vld [tilespmem:$0x0]  }
0x26: {  	v5 =	vld [tilespmem:$0x10]  }
0x27: {  	v6 =	vld [tilespmem:$0x20]  }
0x28: {  	v9 =	vld [tilespmem:$0x30]  }
0x29: {  	v10 =	vld [tilespmem:$0x40]  }
0x2a: {  	v39 =	vld [tilespmem:$0x50];
	v7 =	vshll.u32 v4, $0x1  }
0x2b: {  	v12 =	vld [tilespmem:$0x60];
	v8 =	vand.u32 $0xFFFFE000, v4;
	v4 =	vshrl.u32 v4, $0xC;
	v36 =	vshll.u32 v5, $0x1  }
0x2c: {  	v13 =	vld [tilespmem:$0x70];
	v37 =	vand.u32 $0xFFFFE000, v5;
	v5 =	vshrl.u32 v5, $0xC;
	v38 =	vshll.u32 v6, $0x1  }
0x2d: {  	v11 =	vand.u32 $0xFFFFE000, v6;
	v6 =	vshrl.u32 v6, $0xC;
	v40 =	vshll.u32 v9, $0x1  }
0x2e: {  	v41 =	vand.u32 $0xFFFFE000, v9;
	v9 =	vshrl.u32 v9, $0xC;
	v43 =	vshll.u32 v10, $0x1  }
0x2f: {  	v44 =	vand.u32 $0xFFFFE000, v10;
	v45 =	vshrl.u32 v10, $0xC;
	v46 =	vshll.u32 v39, $0x1  }
0x30: {  	v14 =	vand.u32 $0xFFFFE000, v39;
	v49 =	vshll.u32 v12, $0x1;
	v50 =	vand.u32 $0xFFFFE000, v12  }
0x31: {  	v51 =	vshrl.u32 v12, $0xC;
	v53 =	vshll.u32 v13, $0x1;
	v54 =	vshrl.u32 v13, $0xC  }
0x32: {  	v7 =	vand.u32 $0x1FFE, v7;
	v4 =	vand.u32 $0x1, v4;
	v5 =	vand.u32 $0x1, v5  }
0x33: {  	v6 =	vand.u32 $0x1, v6;
	v42 =	vand.u32 $0x1, v9;
	v9 =	vand.u32 $0x1FFE, v43  }
0x34: {  	v10 =	vand.u32 $0x1FFE, v46;
	v7 =	vor.u32 v8, v7;
	v8 =	vand.u32 $0x1FFE, v36  }
0x35: {  	v4 =	vor.u32 v4, v7;
	v7 =	vor.u32 v37, v8;
	v8 =	vand.u32 $0x1FFE, v38  }
0x36: {  	v52 =	vand.u32 $0x1, v51;
	v47 =	vor.u32 v14, v10;
	v8 =	vor.u32 v11, v8  }
0x37: {  	v5 =	vor.u32 v5, v7;
	v7 =	vand.u32 $0x1FFE, v40;
	v11 =	vshrl.u32 v39, $0xC;
	[tilespmem:$0x400] =	vst v4  }
0x38: {  	v4 =	vand.u32 $0x1, v45;
	v6 =	vor.u32 v6, v8;
	v7 =	vor.u32 v41, v7;
	[tilespmem:$0x410] =	vst v5  }
0x39: {  	v8 =	vor.u32 v44, v9;
	v48 =	vand.u32 $0x1, v11;
	v7 =	vor.u32 v42, v7;
	[tilespmem:$0x420] =	vst v6  }
0x3a: {  	v4 =	vor.u32 v4, v8;
	v5 =	vor.u32 v48, v47;
	v8 =	vand.u32 $0x1FFE, v49;
	[tilespmem:$0x430] =	vst v7  }
0x3b: {  	v6 =	vor.u32 v50, v8;
	[tilespmem:$0x440] =	vst v4;
	v4 =	vand.u32 $0xFFFFE000, v13;
	v8 =	vand.u32 $0x1FFE, v53  }
0x3c: {  	v55 =	vand.u32 $0x1, v54;
	[tilespmem:$0x450] =	vst v5;
	v5 =	vor.u32 v52, v6;
	v4 =	vor.u32 v4, v8  }
0x3d: {  	[tilespmem:$0x460] =	vst v5;
	v4 =	vor.u32 v55, v4  }
0x3e: {  	s15 =	simm.s32 $0x400;
	s16 =	simm.s32 $0x600;
	[tilespmem:$0x470] =	vst v4  }
0x3f: {  	[tilespmem:s16], [sflag:$0x1] =	stream.indirect.gather [hbm4b:s6+s9], $0x40, s15, s9, $0xb8;
	[tilespmem:$0x10E00] =	vst v63  }
0x40: {  	v4 =	vld [tilespmem:$0x80]  }
0x41: {  	v5 =	vld [tilespmem:$0x90]  }
0x42: {  	v56 =	vld [tilespmem:$0xA0]  }
0x43: {  	v60 =	vld [tilespmem:$0xB0]  }
0x44: {  	v63 =	vld [tilespmem:$0xC0]  }
0x45: {  	v16 =	vld [tilespmem:$0xD0];
	v57 =	vshll.u32 v4, $0x1  }
0x46: {  	v21 =	vld [tilespmem:$0xE0];
	v58 =	vand.u32 $0xFFFFE000, v4;
	v4 =	vshrl.u32 v4, $0xC;
	v59 =	vshll.u32 v5, $0x1  }
0x47: {  	v25 =	vld [tilespmem:$0xF0];
	v61 =	vand.u32 $0xFFFFE000, v5;
	v5 =	vshrl.u32 v5, $0xC;
	v62 =	vshll.u32 v56, $0x1  }
0x48: {  	v15 =	vand.u32 $0xFFFFE000, v56;
	v6 =	vshrl.u32 v56, $0xC;
	v17 =	vshll.u32 v60, $0x1  }
0x49: {  	v18 =	vand.u32 $0xFFFFE000, v60;
	v9 =	vshrl.u32 v60, $0xC;
	v20 =	vshll.u32 v63, $0x1  }
0x4a: {  	v22 =	vand.u32 $0xFFFFE000, v63;
	v23 =	vshrl.u32 v63, $0xC;
	v24 =	vshll.u32 v16, $0x1  }
0x4b: {  	v26 =	vand.u32 $0xFFFFE000, v16;
	v11 =	vshrl.u32 v16, $0xC;
	v29 =	vshll.u32 v21, $0x1  }
0x4c: {  	v30 =	vand.u32 $0xFFFFE000, v21;
	v31 =	vshrl.u32 v21, $0xC;
	v33 =	vshll.u32 v25, $0x1  }
0x4d: {  	v34 =	vshrl.u32 v25, $0xC;
	v7 =	vand.u32 $0x1FFE, v57;
	v4 =	vand.u32 $0x1, v4  }
0x4e: {  	v8 =	vand.u32 $0x1FFE, v59;
	v5 =	vand.u32 $0x1, v5;
	v6 =	vand.u32 $0x1, v6  }
0x4f: {  	v19 =	vand.u32 $0x1, v9;
	v9 =	vand.u32 $0x1FFE, v20;
	v10 =	vand.u32 $0x1FFE, v24  }
0x50: {  	v28 =	vand.u32 $0x1, v11;
	v32 =	vand.u32 $0x1, v31;
	v7 =	vor.u32 v58, v7  }
0x51: {  	v4 =	vor.u32 v4, v7;
	v7 =	vor.u32 v61, v8;
	v8 =	vand.u32 $0x1FFE, v62  }
0x52: {  	v27 =	vor.u32 v26, v10;
	v8 =	vor.u32 v15, v8;
	v5 =	vor.u32 v5, v7;
	[tilespmem:$0x480] =	vst v4  }
0x53: {  	v7 =	vand.u32 $0x1FFE, v17;
	v4 =	vand.u32 $0x1, v23;
	v6 =	vor.u32 v6, v8;
	[tilespmem:$0x490] =	vst v5  }
0x54: {  	v7 =	vor.u32 v18, v7;
	v8 =	vor.u32 v22, v9;
	v5 =	vor.u32 v28, v27;
	[tilespmem:$0x4A0] =	vst v6  }
0x55: {  	v7 =	vor.u32 v19, v7;
	v4 =	vor.u32 v4, v8;
	v8 =	vand.u32 $0x1FFE, v29;
	[tilespmem:$0x4D0] =	vst v5  }
0x56: {  	v6 =	vor.u32 v30, v8;
	[tilespmem:$0x4C0] =	vst v4;
	v4 =	vand.u32 $0xFFFFE000, v25;
	v8 =	vand.u32 $0x1FFE, v33  }
0x57: {  	v35 =	vand.u32 $0x1, v34;
	[tilespmem:$0x4B0] =	vst v7;
	v5 =	vor.u32 v32, v6;
	v4 =	vor.u32 v4, v8  }
0x58: {  	[tilespmem:$0x4E0] =	vst v5;
	v4 =	vor.u32 v35, v4  }
0x59: {  	s29 =	simm.s32 $0x480;
	s30 =	simm.s32 $0x2600;
	[tilespmem:$0x4F0] =	vst v4  }
0x5a: {  	[tilespmem:s30], [sflag:$0x2] =	stream.indirect.gather [hbm4b:s6+s9], $0x40, s29, s9, $0xb8;
	[tilespmem:$0x10E00] =	vst v63  }
0x5b: {  	v4 =	vld [tilespmem:$0x100]  }
0x5c: {  	v5 =	vld [tilespmem:$0x110]  }
0x5d: {  	v36 =	vld [tilespmem:$0x120]  }
0x5e: {  	v40 =	vld [tilespmem:$0x130]  }
0x5f: {  	v43 =	vld [tilespmem:$0x140]  }
0x60: {  	v45 =	vld [tilespmem:$0x150];
	v37 =	vshll.u32 v4, $0x1  }
0x61: {  	v50 =	vld [tilespmem:$0x160];
	v38 =	vand.u32 $0xFFFFE000, v4;
	v4 =	vshrl.u32 v4, $0xC;
	v39 =	vshll.u32 v5, $0x1  }
0x62: {  	v54 =	vld [tilespmem:$0x170];
	v41 =	vand.u32 $0xFFFFE000, v5;
	v5 =	vshrl.u32 v5, $0xC;
	v42 =	vshll.u32 v36, $0x1  }
0x63: {  	v44 =	vand.u32 $0xFFFFE000, v36;
	v6 =	vshrl.u32 v36, $0xC;
	v46 =	vshll.u32 v40, $0x1  }
0x64: {  	v47 =	vand.u32 $0xFFFFE000, v40;
	v9 =	vshrl.u32 v40, $0xC;
	v49 =	vshll.u32 v43, $0x1  }
0x65: {  	v51 =	vand.u32 $0xFFFFE000, v43;
	v52 =	vshrl.u32 v43, $0xC;
	v53 =	vshll.u32 v45, $0x1  }
0x66: {  	v55 =	vand.u32 $0xFFFFE000, v45;
	v11 =	vshrl.u32 v45, $0xC;
	v57 =	vshll.u32 v50, $0x1  }
0x67: {  	v58 =	vand.u32 $0xFFFFE000, v50;
	v59 =	vshrl.u32 v50, $0xC;
	v61 =	vshll.u32 v54, $0x1  }
0x68: {  	v62 =	vshrl.u32 v54, $0xC;
	v7 =	vand.u32 $0x1FFE, v37;
	v4 =	vand.u32 $0x1, v4  }
0x69: {  	v8 =	vand.u32 $0x1FFE, v39;
	v5 =	vand.u32 $0x1, v5;
	v6 =	vand.u32 $0x1, v6  }
0x6a: {  	v48 =	vand.u32 $0x1, v9;
	v9 =	vand.u32 $0x1FFE, v49;
	v10 =	vand.u32 $0x1FFE, v53  }
0x6b: {  	v56 =	vand.u32 $0x1, v11;
	v60 =	vand.u32 $0x1, v59;
	v7 =	vor.u32 v38, v7  }
0x6c: {  	v4 =	vor.u32 v4, v7;
	v7 =	vor.u32 v41, v8;
	v8 =	vand.u32 $0x1FFE, v42  }
0x6d: {  	v8 =	vor.u32 v44, v8;
	v5 =	vor.u32 v5, v7;
	v7 =	vand.u32 $0x1FFE, v46;
	[tilespmem:$0x500] =	vst v4  }
0x6e: {  	v4 =	vor.u32 v55, v10;
	v6 =	vor.u32 v6, v8;
	v7 =	vor.u32 v47, v7;
	[tilespmem:$0x510] =	vst v5  }
0x6f: {  	v8 =	vor.u32 v51, v9;
	v9 =	vand.u32 $0x1, v52;
	v4 =	vor.u32 v56, v4;
	[tilespmem:$0x520] =	vst v6  }
0x70: {  	v7 =	vor.u32 v48, v7;
	v5 =	vor.u32 v9, v8;
	v8 =	vand.u32 $0x1FFE, v57;
	[tilespmem:$0x550] =	vst v4  }
0x71: {  	v6 =	vor.u32 v58, v8;
	[tilespmem:$0x540] =	vst v5;
	v5 =	vand.u32 $0xFFFFE000, v54;
	v8 =	vand.u32 $0x1FFE, v61  }
0x72: {  	v63 =	vand.u32 $0x1, v62;
	[tilespmem:$0x530] =	vst v7;
	v4 =	vor.u32 v60, v6;
	v5 =	vor.u32 v5, v8  }
0x73: {  	[tilespmem:$0x560] =	vst v4;
	v4 =	vor.u32 v63, v5  }
0x74: {  	s31 =	simm.s32 $0x500;
	s10 =	simm.s32 $0x0;
	[tilespmem:$0x570] =	vst v4  }
0x75: {  	[tilespmem:s17], [sflag:$0x3] =	stream.indirect.gather [hbm4b:s6+s9], $0x40, s31, s9, $0xb8;
	[tilespmem:$0x10E00] =	vst v63  }
.LBB2_2:
0x76: {  	_ =	swait.ge [sflag:s18], $0x2000  }
0x77: {  	p1 =	seq.s32 s10, $0x0;
	[sflag:s18] =	ssyncset.done $0x0  }
0x78: {  	s0 =	simm.s32 @!p1 $0x5;
	[sflag:s18] =	ssyncadd.s32 $0xFFFFE000  }
0x79: {  	s1 =	simm.s32 $0x1;
	_ =	swait.ge @!p1 [sflag:s0], $0x2000  }
0x7a: {  	s7 =	simm.s32 $0x0;
	v4 =	vmov s1;
	[sflag:s0] =	ssyncset.done @!p1 $0x0  }
0x7b: {  	v5 =	vmov s7;
	v10 =	vand.u32 $0x7F, v4;
	[sflag:s0] =	ssyncadd.s32 @!p1 $0xFFFFE000;
	s0 =	simm.s32 $0x640  }
0x7c: {  	v11 =	vand.u32 $0x7E, v5;
	v5 =	vadd.s32 v0, v10;
	v4 =	vld [tilespmem:s0+$0x0]  }
0x7d: {  	v7 =	vadd.s32 v0, v11;
	v6 =	vld [tilespmem:s0+$0xFFFFFFC0];
	_ =	sdelay $0x3  }
0x7e: {  	s13 =	simm.s32 $0x3;
	[tilespmem:v5+s19+$0x0] =	vst.idx.msk $0xffff, v4  }
0x7f: {  	s14 =	simm.s32 $0x2;
	v4 =	vmov s13;
	[tilespmem:v7+s19+$0x0] =	vst.idx.msk $0xffff, v6;
	v7 =	vadd.s32 v1, v10;
	v6 =	vld [tilespmem:s0+$0x10]  }
0x80: {  	s11 =	simm.s32 $0x6C0;
	v9 =	vadd.s32 v1, v11;
	v5 =	vmov s14;
	v4 =	vand.u32 $0x7F, v4;
	v8 =	vld [tilespmem:s0+$0xFFFFFFD0]  }
0x81: {  	v12 =	vld [tilespmem:s11+$0x0];
	v5 =	vand.u32 $0x7E, v5;
	v13 =	vadd.s32 v0, v4  }
0x82: {  	s15 =	sshll.u32 s10, $0x1;
	v14 =	vld [tilespmem:s11+$0xFFFFFFC0];
	v15 =	vadd.s32 v0, v5  }
0x83: {  	p0 =	slt.u32 s10, $0x30;
	s8 =	sshrl.u32 s10, $0x1;
	s1 =	sadd.s32 $0x7FFFFB8, s15  }
0x84: {  	s1 =	smov.u32 @p0 s8;
	[tilespmem:v7+s19+$0x0] =	vst.idx.msk $0xffff, v6  }
0x85: {  	s1 =	sshll.u32 s1, $0x5;
	[tilespmem:v9+s19+$0x0] =	vst.idx.msk $0xffff, v8;
	v8 =	vadd.s32 v2, v10;
	v7 =	vld [tilespmem:s0+$0x20]  }
0x86: {  	s12 =	sor.u32 s4, s1;
	[tilespmem:v13+s19+$0x0] =	vst.idx.msk $0xffff, v12;
	v9 =	vld [tilespmem:s0+$0xFFFFFFE0];
	v13 =	vadd.s32 v2, v11  }
0x87: {  	s16 =	simm.s32 $0x5;
	s1 =	sshra.s32 s12, $0x1F;
	[tilespmem:v15+s19+$0x0] =	vst.idx.msk $0xffff, v14;
	v15 =	vadd.s32 v1, v4;
	v14 =	vld [tilespmem:s11+$0x10]  }
0x88: {  	s29 =	simm.s32 $0x4;
	s1 =	sshrl.u32 s1, $0x19;
	v6 =	vmov s16  }
0x89: {  	v17 =	vmov s29;
	s13 =	sadd.s32 s1, s12;
	s1 =	simm.s32 $0x740;
	v18 =	vadd.s32 v1, v5;
	v6 =	vand.u32 $0x7F, v6;
	v16 =	vld [tilespmem:s11+$0xFFFFFFD0]  }
0x8a: {  	s14 =	sand.u32 $0xFFFFFF80, s13;
	v19 =	vld [tilespmem:s1+$0x0];
	v20 =	vadd.s32 v0, v6;
	[tilespmem:v8+s19+$0x0] =	vst.idx.msk $0xffff, v7;
	v7 =	vand.u32 $0x7E, v17  }
0x8b: {  	p2 =	slt.s32 s12, $0x1;
	p3 =	sne.s32 s12, s14;
	v12 =	vld [tilespmem:s1+$0xFFFFFFC0];
	[tilespmem:v13+s19+$0x0] =	vst.idx.msk $0xffff, v9;
	v17 =	vadd.s32 v0, v7  }
0x8c: {  	s15 =	simm.s32 $0x1;
	s7 =	sshll.u32 s10, $0x2;
	p2 =	por !p2, !p3;
	v8 =	vld [tilespmem:s0+$0x30];
	[tilespmem:v15+s19+$0x0] =	vst.idx.msk $0xffff, v14;
	v15 =	vadd.s32 v3, v10  }
0x8d: {  	s13 =	sshra.s32 s13, $0x7;
	s30 =	ssub.s32 s12, s14;
	p2 =	por !p2, !p2;
	v13 =	vadd.s32 v3, v11;
	v9 =	vld [tilespmem:s0+$0xFFFFFFF0]  }
0x8e: {  	s12 =	simm.s32 $0x6;
	s14 =	simm.s32 $0x7;
	s15 =	simm.s32 @!p2 $0x0;
	v11 =	vadd.s32 v2, v4;
	[tilespmem:v18+s19+$0x0] =	vst.idx.msk $0xffff, v16;
	v10 =	vld [tilespmem:s11+$0x20]  }
0x8f: {  	s31 =	ssub.s32 s13, s15;
	s13 =	simm.s32 $0x8;
	[tilespmem:v20+s19+$0x0] =	vst.idx.msk $0xffff, v19;
	v16 =	vadd.s32 v2, v5;
	s0 =	simm.s32 $0x740;
	v14 =	vld [tilespmem:s11+$0xFFFFFFE0]  }
.LBB2_3:
0x90: {  	p2 =	slt.u32 s13, $0x7E;
	v18 =	vmov s14;
	[tilespmem:v17+s19+$0x0] =	vst.idx.msk $0xffff, v12;
	v19 =	vld [tilespmem:s1+$0x10];
	v20 =	vadd.s32 v1, v6  }
0x91: {  	v12 =	vmov s12;
	v22 =	vadd.s32 v1, v7;
	s1 =	sadd.s32 $0x80, s1;
	s12 =	smov.u32 s13;
	v18 =	vand.u32 $0x7F, v18;
	v21 =	vld [tilespmem:s0+$0xFFFFFFD0];
	[tilespmem:v15+s19+$0x0] =	vst.idx.msk $0xffff, v8  }
0x92: {  	v23 =	vand.u32 $0x7E, v12;
	v24 =	vld [tilespmem:s1+$0x0];
	v25 =	vadd.s32 v0, v18;
	[tilespmem:v13+s19+$0x0] =	vst.idx.msk $0xffff, v9  }
.Ltmp2:
0x93: {  	v17 =	vadd.s32 v0, v23;
	v12 =	vld [tilespmem:s1+$0xFFFFFFC0];
	[tilespmem:v11+s19+$0x0] =	vst.idx.msk $0xffff, v10;
	(pc) =	sbr.rel @p2 .LBB2_3-.Ltmp2, $4  }
0x94: {  	v15 =	vadd.s32 v3, v4;
	v4 =	vmov v6;
	v6 =	vmov v18;
	[tilespmem:v16+s19+$0x0] =	vst.idx.msk $0xffff, v14;
	v8 =	vld [tilespmem:s11+$0x30]  }
0x95: {  	v13 =	vadd.s32 v3, v5;
	v5 =	vmov v7;
	v7 =	vmov v23;
	[tilespmem:v20+s19+$0x0] =	vst.idx.msk $0xffff, v19;
	v9 =	vld [tilespmem:s11+$0xFFFFFFF0];
	s11 =	smov.u32 s0;
	s0 =	smov.u32 s1  }
0x96: {  	v11 =	vadd.s32 v2, v4;
	[tilespmem:v22+s19+$0x0] =	vst.idx.msk $0xffff, v21;
	v10 =	vld [tilespmem:s11+$0x20]  }
0x97: {  	s13 =	sadd.s32 $0x2, s13;
	s14 =	sadd.s32 $0x1, s12;
	v16 =	vadd.s32 v2, v5;
	[tilespmem:v25+s19+$0x0] =	vst.idx.msk $0xffff, v24;
	v14 =	vld [tilespmem:s11+$0xFFFFFFE0]  }
0x98: {  	v18 =	vmov s14  }
0x99: {  	v19 =	vmov s12;
	s16 =	sadd.s32 $0x80, s1;
	v18 =	vand.u32 $0x7F, v18  }
0x9a: {  	v19 =	vand.u32 $0x7E, v19;
	v20 =	vld [tilespmem:s16+$0x0];
	v21 =	vadd.s32 v0, v18  }
0x9b: {  	v22 =	vld [tilespmem:s16+$0xFFFFFFC0];
	v23 =	vadd.s32 v0, v19;
	_ =	sdelay $0x2  }
0x9c: {  	[tilespmem:v17+s19+$0x0] =	vst.idx.msk $0xffff, v12;
	v42 =	vld [tilespmem:s1+$0x10];
	v43 =	vadd.s32 v1, v6  }
0x9d: {  	v45 =	vadd.s32 v1, v7;
	v44 =	vld [tilespmem:s0+$0xFFFFFFD0];
	[tilespmem:v21+s19+$0x0] =	vst.idx.msk $0xffff, v20  }
0x9e: {  	v47 =	vadd.s32 v1, v18;
	[tilespmem:v23+s19+$0x0] =	vst.idx.msk $0xffff, v22;
	v46 =	vld [tilespmem:s16+$0x10]  }
0x9f: {  	[tilespmem:v15+s19+$0x0] =	vst.idx.msk $0xffff, v8;
	v49 =	vadd.s32 v1, v19;
	v48 =	vld [tilespmem:s16+$0xFFFFFFD0]  }
0xa0: {  	[tilespmem:v13+s19+$0x0] =	vst.idx.msk $0xffff, v9  }
0xa1: {  	[tilespmem:v43+s19+$0x0] =	vst.idx.msk $0xffff, v42  }
0xa2: {  	v51 =	vadd.s32 v2, v6;
	[tilespmem:v45+s19+$0x0] =	vst.idx.msk $0xffff, v44;
	v50 =	vld [tilespmem:s0+$0x20]  }
0xa3: {  	v53 =	vadd.s32 v2, v7;
	v52 =	vld [tilespmem:s0+$0xFFFFFFE0];
	[tilespmem:v47+s19+$0x0] =	vst.idx.msk $0xffff, v46  }
0xa4: {  	v55 =	vadd.s32 v2, v18;
	[tilespmem:v49+s19+$0x0] =	vst.idx.msk $0xffff, v48;
	v54 =	vld [tilespmem:s16+$0x20]  }
0xa5: {  	v57 =	vadd.s32 v2, v19;
	[tilespmem:v11+s19+$0x0] =	vst.idx.msk $0xffff, v10;
	v56 =	vld [tilespmem:s16+$0xFFFFFFE0]  }
0xa6: {  	v4 =	vadd.s32 v3, v4;
	[tilespmem:v16+s19+$0x0] =	vst.idx.msk $0xffff, v14;
	v58 =	vld [tilespmem:s11+$0x30]  }
0xa7: {  	v5 =	vadd.s32 v3, v5;
	s13 =	sshll.u32 s10, $0x16;
	v16 =	vld [tilespmem:s11+$0xFFFFFFF0];
	[tilespmem:v51+s19+$0x0] =	vst.idx.msk $0xffff, v50  }
0xa8: {  	v59 =	vadd.s32 v3, v6;
	s29 =	sand.u32 $0x400000, s13;
	[tilespmem:v53+s19+$0x0] =	vst.idx.msk $0xffff, v52;
	v9 =	vld [tilespmem:s0+$0x30]  }
0xa9: {  	v61 =	vadd.s32 v3, v7;
	v60 =	vld [tilespmem:s0+$0xFFFFFFF0];
	s0 =	smov.u32 s29;
	[tilespmem:v55+s19+$0x0] =	vst.idx.msk $0xffff, v54  }
0xaa: {  	s14 =	sshll.u32 s31, $0x17;
	s15 =	sshll.u32 s30, $0x8;
	v62 =	vadd.s32 v3, v18;
	s0 =	simm.s32 @!p0 $0x0;
	[tilespmem:v57+s19+$0x0] =	vst.idx.msk $0xffff, v56;
	v8 =	vld [tilespmem:s16+$0x30]  }
0xab: {  	v63 =	vadd.s32 v3, v19;
	[tilespmem:v4+s19+$0x0] =	vst.idx.msk $0xffff, v58;
	s0 =	sor.u32 s0, s14;
	v4 =	vld [tilespmem:s16+$0xFFFFFFF0];
	s16 =	sand.u32 $0x7F00, s15  }
0xac: {  	[tilespmem:v5+s19+$0x0] =	vst.idx.msk $0xffff, v16;
	s0 =	sor.u32 s16, s0  }
0xad: {  	[tilespmem:v59+s19+$0x0] =	vst.idx.msk $0xffff, v9;
	s0 =	sshrl.u32 s0, $0x3  }
0xae: {  	[tilespmem:v61+s19+$0x0] =	vst.idx.msk $0xffff, v60;
	s0 =	sadd.s32 s2, s0  }
0xaf: {  	s30 =	simm.s32 $0x8600;
	s1 =	simm.s32 $0x1000;
	s31 =	sadd.s32 $0x0, s0;
	[tilespmem:v62+s19+$0x0] =	vst.idx.msk $0xffff, v8  }
0xb0: {  	s12 =	simm.s32 $0x8688;
	s11 =	simm.s32 $0x8710;
	[tilespmem:v63+s19+$0x0] =	vst.idx.msk $0xffff, v4;
	s13 =	sadd.s32 $0x10, s31  }
0xb1: {  	[hbm4b:s31+s3] =	stream.linear.scatter [tilespmem:s30], [sflag:$0x5], $0x80, $0x38;
	[tilespmem:$0x10E00] =	vst v63  }
.LBB2_5:
0xb2: {  	[hbm4b:s13+s3] =	stream.linear.scatter [tilespmem:s12], [sflag:$0x5], $0x80, $0x38;
	[tilespmem:$0x10E00] =	vst v63  }
0xb3: {  	s12 =	smov.u32 s1;
	p2 =	sne.s32 s1, $0x1F000  }
.Ltmp3:
0xb4: {  	s1 =	sadd.s32 $0x1000, s1;
	(pc) =	sbr.rel @p2 .LBB2_5-.Ltmp3, $4  }
0xb5: {  	_ = 	snop  }
0xb6: {  	s13 =	sadd.s32 s12, s0  }
0xb7: {  	[hbm4b:s13+s3] =	stream.linear.scatter [tilespmem:s11], [sflag:$0x5], $0x80, $0x38;
	[tilespmem:$0x10E00] =	vst v63  }
0xb8: {  	s12 =	sadd.s32 $0x88, s11;
	s13 =	sadd.s32 $0x10, s13;
	s11 =	sadd.s32 $0x110, s11  }
0xb9: {  	[hbm4b:s13+s3] =	stream.linear.scatter [tilespmem:s12], [sflag:$0x5], $0x80, $0x38;
	[tilespmem:$0x10E00] =	vst v63  }
0xba: {  	s11 =	sor.u32 $0x3, s7  }
0xbb: {  	s0 =	sshll.u32 s11, $0x7  }
0xbc: {  	s0 =	sand.u32 $0x380, s0  }
0xbd: {  	s0 =	simm.s32 @!p0 $0x80  }
0xbe: {  	v4 =	vld [tilespmem:s0+$0x0];
	_ =	sdelay $0x4  }
0xbf: {  	v5 =	vshll.u32 v4, $0x1  }
0xc0: {  	v6 =	vand.u32 $0xFFFFE000, v4;
	v4 =	vshrl.u32 v4, $0xC;
	v5 =	vand.u32 $0x1FFE, v5  }
0xc1: {  	v4 =	vand.u32 $0x1, v4;
	v5 =	vor.u32 v6, v5  }
0xc2: {  	v4 =	vor.u32 v4, v5  }
0xc3: {  	[tilespmem:$0x580] =	vst v4  }
0xc4: {  	v4 =	vld [tilespmem:s0+$0x10];
	_ =	sdelay $0x4  }
0xc5: {  	v5 =	vshll.u32 v4, $0x1  }
0xc6: {  	v6 =	vand.u32 $0xFFFFE000, v4;
	v4 =	vshrl.u32 v4, $0xC;
	v5 =	vand.u32 $0x1FFE, v5  }
0xc7: {  	v4 =	vand.u32 $0x1, v4;
	v5 =	vor.u32 v6, v5  }
0xc8: {  	v4 =	vor.u32 v4, v5  }
0xc9: {  	[tilespmem:$0x590] =	vst v4  }
0xca: {  	v4 =	vld [tilespmem:s0+$0x20];
	_ =	sdelay $0x4  }
0xcb: {  	v5 =	vshll.u32 v4, $0x1  }
0xcc: {  	v6 =	vand.u32 $0xFFFFE000, v4;
	v4 =	vshrl.u32 v4, $0xC;
	v5 =	vand.u32 $0x1FFE, v5  }
0xcd: {  	v4 =	vand.u32 $0x1, v4;
	v5 =	vor.u32 v6, v5  }
0xce: {  	v4 =	vor.u32 v4, v5  }
0xcf: {  	[tilespmem:$0x5A0] =	vst v4  }
0xd0: {  	v4 =	vld [tilespmem:s0+$0x30];
	_ =	sdelay $0x4  }
0xd1: {  	v5 =	vshll.u32 v4, $0x1  }
0xd2: {  	v6 =	vand.u32 $0xFFFFE000, v4;
	v4 =	vshrl.u32 v4, $0xC;
	v5 =	vand.u32 $0x1FFE, v5  }
0xd3: {  	v4 =	vand.u32 $0x1, v4;
	v5 =	vor.u32 v6, v5  }
0xd4: {  	v4 =	vor.u32 v4, v5  }
0xd5: {  	[tilespmem:$0x5B0] =	vst v4  }
0xd6: {  	v4 =	vld [tilespmem:s0+$0x40];
	_ =	sdelay $0x4  }
0xd7: {  	v5 =	vshll.u32 v4, $0x1  }
0xd8: {  	v6 =	vand.u32 $0xFFFFE000, v4;
	v4 =	vshrl.u32 v4, $0xC;
	v5 =	vand.u32 $0x1FFE, v5  }
0xd9: {  	v4 =	vand.u32 $0x1, v4;
	v5 =	vor.u32 v6, v5  }
0xda: {  	v4 =	vor.u32 v4, v5  }
0xdb: {  	[tilespmem:$0x5C0] =	vst v4  }
0xdc: {  	v4 =	vld [tilespmem:s0+$0x50];
	_ =	sdelay $0x4  }
0xdd: {  	v5 =	vshll.u32 v4, $0x1  }
0xde: {  	v6 =	vand.u32 $0xFFFFE000, v4;
	v4 =	vshrl.u32 v4, $0xC;
	v5 =	vand.u32 $0x1FFE, v5  }
0xdf: {  	v4 =	vand.u32 $0x1, v4;
	v5 =	vor.u32 v6, v5  }
0xe0: {  	v4 =	vor.u32 v4, v5  }
0xe1: {  	[tilespmem:$0x5D0] =	vst v4  }
0xe2: {  	v4 =	vld [tilespmem:s0+$0x60];
	_ =	sdelay $0x4  }
0xe3: {  	v5 =	vshll.u32 v4, $0x1  }
0xe4: {  	v6 =	vand.u32 $0xFFFFE000, v4;
	v4 =	vshrl.u32 v4, $0xC;
	v5 =	vand.u32 $0x1FFE, v5  }
0xe5: {  	v4 =	vand.u32 $0x1, v4;
	v5 =	vor.u32 v6, v5  }
0xe6: {  	v4 =	vor.u32 v4, v5  }
0xe7: {  	[tilespmem:$0x5E0] =	vst v4  }
0xe8: {  	v4 =	vld [tilespmem:s0+$0x70];
	_ =	sdelay $0x4  }
0xe9: {  	v5 =	vshll.u32 v4, $0x1  }
0xea: {  	v6 =	vand.u32 $0xFFFFE000, v4;
	v4 =	vshrl.u32 v4, $0xC;
	v5 =	vand.u32 $0x1FFE, v5  }
0xeb: {  	v4 =	vand.u32 $0x1, v4;
	v5 =	vor.u32 v6, v5  }
0xec: {  	v4 =	vor.u32 v4, v5  }
0xed: {  	[tilespmem:$0x5F0] =	vst v4  }
0xee: {  	[tilespmem:s21], [sflag:$0x4] =	stream.indirect.gather [hbm4b:s6+s9], $0x40, s20, s9, $0xb8;
	[tilespmem:$0x10E00] =	vst v63  }
0xef: {  	_ =	swait.ge [sflag:s22], $0x2000  }
0xf0: {  	[sflag:s22] =	ssyncset.done $0x0  }
0xf1: {  	s0 =	simm.s32 @!p1 $0x6;
	[sflag:s22] =	ssyncadd.s32 $0xFFFFE000  }
0xf2: {  	s1 =	simm.s32 $0x1;
	_ =	swait.ge @!p1 [sflag:s0], $0x2000  }
0xf3: {  	s13 =	simm.s32 $0x0;
	v4 =	vmov s1;
	[sflag:s0] =	ssyncset.done @!p1 $0x0  }
0xf4: {  	v5 =	vmov s13;
	v10 =	vand.u32 $0x7F, v4;
	[sflag:s0] =	ssyncadd.s32 @!p1 $0xFFFFE000;
	s0 =	simm.s32 $0x2670  }
0xf5: {  	v11 =	vand.u32 $0x7E, v5;
	v5 =	vadd.s32 v0, v10;
	v4 =	vld [tilespmem:s0+$0xFFFFFFD0]  }
0xf6: {  	v7 =	vadd.s32 v0, v11;
	v6 =	vld [tilespmem:s0+$0xFFFFFF90];
	_ =	sdelay $0x2  }
0xf7: {  	s14 =	sadd.s32 $0xFFFFFF41, s7  }
0xf8: {  	s16 =	simm.s32 $0x3;
	s15 =	sshrl.u32 s14, $0x1F;
	[tilespmem:v5+s23+$0x0] =	vst.idx.msk $0xffff, v4  }
0xf9: {  	s12 =	sadd.s32 s15, s14;
	s1 =	sshra.s32 s14, $0x1F;
	s14 =	simm.s32 $0x2;
	v4 =	vmov s16;
	[tilespmem:v7+s23+$0x0] =	vst.idx.msk $0xffff, v6;
	v7 =	vadd.s32 v1, v10;
	v6 =	vld [tilespmem:s0+$0xFFFFFFE0]  }
0xfa: {  	s30 =	simm.s32 $0x26F0;
	v9 =	vadd.s32 v1, v11;
	v5 =	vmov s14;
	v4 =	vand.u32 $0x7F, v4;
	v8 =	vld [tilespmem:s0+$0xFFFFFFA0]  }
0xfb: {  	s12 =	sshrl.u32 s12, $0x1;
	v12 =	vld [tilespmem:s30+$0xFFFFFFD0];
	v5 =	vand.u32 $0x7E, v5;
	v13 =	vadd.s32 v0, v4  }
0xfc: {  	s1 =	sadd.s32 s12, s1;
	v14 =	vld [tilespmem:s30+$0xFFFFFF90];
	v15 =	vadd.s32 v0, v5  }
0xfd: {  	s1 =	sadd.s32 $0x18, s1  }
0xfe: {  	s1 =	smov.u32 @p0 s8;
	[tilespmem:v7+s23+$0x0] =	vst.idx.msk $0xffff, v6  }
0xff: {  	s1 =	sshll.u32 s1, $0x5;
	[tilespmem:v9+s23+$0x0] =	vst.idx.msk $0xffff, v8;
	v8 =	vadd.s32 v2, v10;
	v7 =	vld [tilespmem:s0+$0xFFFFFFF0]  }
0x100: {  	s1 =	sor.u32 s4, s1;
	[tilespmem:v13+s23+$0x0] =	vst.idx.msk $0xffff, v12;
	v9 =	vld [tilespmem:s0+$0xFFFFFFB0];
	v13 =	vadd.s32 v2, v11  }
0x101: {  	s15 =	simm.s32 $0x5;
	s14 =	sshra.s32 s1, $0x1F;
	[tilespmem:v15+s23+$0x0] =	vst.idx.msk $0xffff, v14;
	v15 =	vadd.s32 v1, v4;
	v14 =	vld [tilespmem:s30+$0xFFFFFFE0]  }
0x102: {  	s12 =	sshrl.u32 s14, $0x19;
	v6 =	vmov s15;
	s15 =	simm.s32 $0x4  }
0x103: {  	s14 =	sadd.s32 s12, s1;
	v18 =	vadd.s32 v1, v5;
	s12 =	simm.s32 $0x2770;
	v6 =	vand.u32 $0x7F, v6;
	v17 =	vmov s15;
	v16 =	vld [tilespmem:s30+$0xFFFFFFA0]  }
0x104: {  	s16 =	sand.u32 $0xFFFFFF80, s14;
	v19 =	vld [tilespmem:s12+$0xFFFFFFD0];
	v20 =	vadd.s32 v0, v6;
	[tilespmem:v8+s23+$0x0] =	vst.idx.msk $0xffff, v7;
	v7 =	vand.u32 $0x7E, v17  }
0x105: {  	p2 =	slt.s32 s1, $0x1;
	p3 =	sne.s32 s1, s16;
	v12 =	vld [tilespmem:s12+$0xFFFFFF90];
	[tilespmem:v13+s23+$0x0] =	vst.idx.msk $0xffff, v9;
	v17 =	vadd.s32 v0, v7  }
0x106: {  	s13 =	simm.s32 $0x6;
	p2 =	por !p2, !p3;
	v8 =	vld [tilespmem:s0+$0x0];
	[tilespmem:v15+s23+$0x0] =	vst.idx.msk $0xffff, v14;
	v15 =	vadd.s32 v3, v10  }
0x107: {  	s14 =	sshra.s32 s14, $0x7;
	p2 =	por !p2, !p2;
	s15 =	simm.s32 $0x1;
	v13 =	vadd.s32 v3, v11;
	v9 =	vld [tilespmem:s0+$0xFFFFFFC0]  }
0x108: {  	s31 =	ssub.s32 s1, s16;
	s1 =	simm.s32 $0x2770;
	s15 =	simm.s32 @!p2 $0x0;
	v11 =	vadd.s32 v2, v4;
	[tilespmem:v18+s23+$0x0] =	vst.idx.msk $0xffff, v16;
	v10 =	vld [tilespmem:s30+$0xFFFFFFF0]  }
0x109: {  	s0 =	ssub.s32 s14, s15;
	s15 =	simm.s32 $0x7;
	s14 =	simm.s32 $0x8;
	[tilespmem:v20+s23+$0x0] =	vst.idx.msk $0xffff, v19;
	v16 =	vadd.s32 v2, v5;
	v14 =	vld [tilespmem:s30+$0xFFFFFFB0]  }
.LBB2_7:
0x10a: {  	p2 =	slt.u32 s14, $0x7E;
	v18 =	vmov s15;
	[tilespmem:v17+s23+$0x0] =	vst.idx.msk $0xffff, v12;
	v19 =	vld [tilespmem:s12+$0xFFFFFFE0];
	v20 =	vadd.s32 v1, v6  }
0x10b: {  	v12 =	vmov s13;
	v22 =	vadd.s32 v1, v7;
	s12 =	sadd.s32 $0x80, s12;
	s13 =	smov.u32 s14;
	v18 =	vand.u32 $0x7F, v18;
	v21 =	vld [tilespmem:s1+$0xFFFFFFA0];
	[tilespmem:v15+s23+$0x0] =	vst.idx.msk $0xffff, v8  }
0x10c: {  	v23 =	vand.u32 $0x7E, v12;
	v24 =	vld [tilespmem:s12+$0xFFFFFFD0];
	v25 =	vadd.s32 v0, v18;
	[tilespmem:v13+s23+$0x0] =	vst.idx.msk $0xffff, v9  }
.Ltmp4:
0x10d: {  	v17 =	vadd.s32 v0, v23;
	v12 =	vld [tilespmem:s12+$0xFFFFFF90];
	[tilespmem:v11+s23+$0x0] =	vst.idx.msk $0xffff, v10;
	(pc) =	sbr.rel @p2 .LBB2_7-.Ltmp4, $4  }
0x10e: {  	v15 =	vadd.s32 v3, v4;
	v4 =	vmov v6;
	v6 =	vmov v18;
	[tilespmem:v16+s23+$0x0] =	vst.idx.msk $0xffff, v14;
	v8 =	vld [tilespmem:s30+$0x0]  }
0x10f: {  	v13 =	vadd.s32 v3, v5;
	v5 =	vmov v7;
	v7 =	vmov v23;
	[tilespmem:v20+s23+$0x0] =	vst.idx.msk $0xffff, v19;
	v9 =	vld [tilespmem:s30+$0xFFFFFFC0];
	s30 =	smov.u32 s1;
	s1 =	smov.u32 s12  }
0x110: {  	v11 =	vadd.s32 v2, v4;
	[tilespmem:v22+s23+$0x0] =	vst.idx.msk $0xffff, v21;
	v10 =	vld [tilespmem:s30+$0xFFFFFFF0]  }
0x111: {  	s14 =	sadd.s32 $0x2, s14;
	s15 =	sadd.s32 $0x1, s13;
	v16 =	vadd.s32 v2, v5;
	[tilespmem:v25+s23+$0x0] =	vst.idx.msk $0xffff, v24;
	v14 =	vld [tilespmem:s30+$0xFFFFFFB0]  }
0x112: {  	v18 =	vmov s15  }
0x113: {  	v19 =	vmov s13;
	s15 =	sadd.s32 $0x80, s12;
	v18 =	vand.u32 $0x7F, v18  }
0x114: {  	v19 =	vand.u32 $0x7E, v19;
	v20 =	vld [tilespmem:s15+$0xFFFFFFD0];
	v21 =	vadd.s32 v0, v18  }
0x115: {  	v22 =	vld [tilespmem:s15+$0xFFFFFF90];
	v23 =	vadd.s32 v0, v19;
	_ =	sdelay $0x2  }
0x116: {  	[tilespmem:v17+s23+$0x0] =	vst.idx.msk $0xffff, v12;
	v42 =	vld [tilespmem:s12+$0xFFFFFFE0];
	v43 =	vadd.s32 v1, v6  }
0x117: {  	v45 =	vadd.s32 v1, v7;
	v44 =	vld [tilespmem:s1+$0xFFFFFFA0];
	[tilespmem:v21+s23+$0x0] =	vst.idx.msk $0xffff, v20  }
0x118: {  	v47 =	vadd.s32 v1, v18;
	[tilespmem:v23+s23+$0x0] =	vst.idx.msk $0xffff, v22;
	v46 =	vld [tilespmem:s15+$0xFFFFFFE0]  }
0x119: {  	[tilespmem:v15+s23+$0x0] =	vst.idx.msk $0xffff, v8;
	v49 =	vadd.s32 v1, v19;
	v48 =	vld [tilespmem:s15+$0xFFFFFFA0]  }
0x11a: {  	[tilespmem:v13+s23+$0x0] =	vst.idx.msk $0xffff, v9  }
0x11b: {  	[tilespmem:v43+s23+$0x0] =	vst.idx.msk $0xffff, v42  }
0x11c: {  	v51 =	vadd.s32 v2, v6;
	[tilespmem:v45+s23+$0x0] =	vst.idx.msk $0xffff, v44;
	v50 =	vld [tilespmem:s1+$0xFFFFFFF0]  }
0x11d: {  	v53 =	vadd.s32 v2, v7;
	v52 =	vld [tilespmem:s1+$0xFFFFFFB0];
	[tilespmem:v47+s23+$0x0] =	vst.idx.msk $0xffff, v46  }
0x11e: {  	v55 =	vadd.s32 v2, v18;
	[tilespmem:v49+s23+$0x0] =	vst.idx.msk $0xffff, v48;
	v54 =	vld [tilespmem:s15+$0xFFFFFFF0]  }
0x11f: {  	v57 =	vadd.s32 v2, v19;
	[tilespmem:v11+s23+$0x0] =	vst.idx.msk $0xffff, v10;
	v56 =	vld [tilespmem:s15+$0xFFFFFFB0]  }
0x120: {  	v4 =	vadd.s32 v3, v4;
	[tilespmem:v16+s23+$0x0] =	vst.idx.msk $0xffff, v14;
	v58 =	vld [tilespmem:s30+$0x0]  }
0x121: {  	v5 =	vadd.s32 v3, v5;
	v16 =	vld [tilespmem:s30+$0xFFFFFFC0];
	[tilespmem:v51+s23+$0x0] =	vst.idx.msk $0xffff, v50  }
0x122: {  	v59 =	vadd.s32 v3, v6;
	[tilespmem:v53+s23+$0x0] =	vst.idx.msk $0xffff, v52;
	v9 =	vld [tilespmem:s1+$0x0]  }
0x123: {  	v61 =	vadd.s32 v3, v7;
	v60 =	vld [tilespmem:s1+$0xFFFFFFC0];
	s1 =	sor.u32 $0x100000, s29;
	[tilespmem:v55+s23+$0x0] =	vst.idx.msk $0xffff, v54  }
0x124: {  	s0 =	sshll.u32 s0, $0x17;
	s16 =	sshll.u32 s31, $0x8;
	v62 =	vadd.s32 v3, v18;
	s1 =	simm.s32 @!p0 $0x100000;
	[tilespmem:v57+s23+$0x0] =	vst.idx.msk $0xffff, v56;
	v8 =	vld [tilespmem:s15+$0x0]  }
0x125: {  	v63 =	vadd.s32 v3, v19;
	[tilespmem:v4+s23+$0x0] =	vst.idx.msk $0xffff, v58;
	s29 =	sand.u32 $0x7F00, s16;
	s0 =	sor.u32 s1, s0;
	v4 =	vld [tilespmem:s15+$0xFFFFFFC0]  }
0x126: {  	[tilespmem:v5+s23+$0x0] =	vst.idx.msk $0xffff, v16;
	s0 =	sor.u32 s29, s0  }
0x127: {  	[tilespmem:v59+s23+$0x0] =	vst.idx.msk $0xffff, v9;
	s0 =	sshrl.u32 s0, $0x3  }
0x128: {  	[tilespmem:v61+s23+$0x0] =	vst.idx.msk $0xffff, v60;
	s0 =	sadd.s32 s2, s0  }
0x129: {  	s13 =	simm.s32 $0xA888;
	s12 =	simm.s32 $0xA910;
	s31 =	sadd.s32 $0x0, s0;
	[tilespmem:v62+s23+$0x0] =	vst.idx.msk $0xffff, v8  }
0x12a: {  	s30 =	simm.s32 $0xA800;
	s1 =	simm.s32 $0x1000;
	s14 =	sadd.s32 $0x10, s31;
	[tilespmem:v63+s23+$0x0] =	vst.idx.msk $0xffff, v4  }
0x12b: {  	[hbm4b:s31+s3] =	stream.linear.scatter [tilespmem:s30], [sflag:$0x6], $0x80, $0x38;
	[tilespmem:$0x10E00] =	vst v63  }
.LBB2_9:
0x12c: {  	[hbm4b:s14+s3] =	stream.linear.scatter [tilespmem:s13], [sflag:$0x6], $0x80, $0x38;
	[tilespmem:$0x10E00] =	vst v63  }
0x12d: {  	s13 =	smov.u32 s1;
	p2 =	sne.s32 s1, $0x1F000  }
.Ltmp5:
0x12e: {  	s1 =	sadd.s32 $0x1000, s1;
	(pc) =	sbr.rel @p2 .LBB2_9-.Ltmp5, $4  }
0x12f: {  	_ = 	snop  }
0x130: {  	s14 =	sadd.s32 s13, s0  }
0x131: {  	[hbm4b:s14+s3] =	stream.linear.scatter [tilespmem:s12], [sflag:$0x6], $0x80, $0x38;
	[tilespmem:$0x10E00] =	vst v63  }
0x132: {  	s13 =	sadd.s32 $0x88, s12;
	s14 =	sadd.s32 $0x10, s14;
	s12 =	sadd.s32 $0x110, s12  }
0x133: {  	p2 =	seq.s32 s10, $0x31  }
.Ltmp6:
0x134: {  	_ = 	snop;
	(pc) =	sbr.rel @p2 .LBB2_12-.Ltmp6, $2  }
0x135: {  	_ =	sdelay $0x2  }
0x136: {  	[hbm4b:s14+s3] =	stream.linear.scatter [tilespmem:s13], [sflag:$0x6], $0x80, $0x38;
	[tilespmem:$0x10E00] =	vst v63  }
0x137: {  	s0 =	sadd.s32 $0x4, s7  }
0x138: {  	p3 =	slt.u32 s10, $0x2F;
	s1 =	sand.u32 $0x4, s0  }
0x139: {  	s1 =	simm.s32 @!p3 $0x0  }
0x13a: {  	p3 =	sne.s32 s1, $0x0  }
0x13b: {  	p4 =	slt.u32 @!p3 s10, $0x2F;
	s12 =	sshrl.u32 @!p3 s7, $0x1  }
0x13c: {  	s0 =	sshrl.u32 @!p3 s0, $0x3;
	s12 =	sadd.s32 @!p3 $0x7FFFFBA, s12;
	p4 =	por !p4, p3  }
0x13d: {  	s0 =	smov.u32 @p4 s12  }
0x13e: {  	s0 =	sshll.u32 @!p3 s0, $0x5  }
0x13f: {  	s0 =	sor.u32 @!p3 s4, s0  }
0x140: {  	s12 =	sshra.s32 @!p3 s0, $0x1F  }
0x141: {  	s12 =	sshrl.u32 @!p3 s12, $0x19  }
0x142: {  	s12 =	sadd.s32 @!p3 s12, s0  }
0x143: {  	s13 =	sand.u32 @!p3 $0xFFFFFF80, s12  }
0x144: {  	p4 =	slt.s32 @!p3 s0, $0x1;
	p5 =	sne.s32 @!p3 s0, s13  }
0x145: {  	p4 =	por @!p3 !p4, !p5  }
0x146: {  	p4 =	por @!p3 !p4, !p4  }
0x147: {  	s13 =	simm.s32 @!p3 $0x1;
	p4 =	por !p4, p3  }
0x148: {  	s12 =	sshrl.u32 @!p3 s12, $0x7;
	s0 =	sshll.u32 @!p3 s0, $0x7;
	s13 =	simm.s32 @p4 $0x0  }
0x149: {  	s0 =	sadd.s32 @!p3 $0x4000, s0;
	s12 =	ssub.s32 @!p3 s12, s13  }
0x14a: {  	s0 =	sand.u32 @!p3 $0x3F80, s0;
	s12 =	sshll.u32 @!p3 s12, $0x11  }
0x14b: {  	s0 =	sor.u32 @!p3 s0, s12  }
0x14c: {  	s14 =	simm.s32 @!p3 $0x0;
	s0 =	sshrl.u32 @!p3 s0, $0x3  }
0x14d: {  	s13 =	simm.s32 @!p3 $0x4000;
	s12 =	simm.s32 @!p3 $0x80;
	s0 =	sadd.s32 @!p3 s5, s0  }
0x14e: {  	[tilespmem:s14], [sflag:$0x9] =	stream.strided.gather @!p3 [hbm4b:s0+s12], $0x400, s13, s12, $0x38;
	[tilespmem:$0x10E00] =	vst v63  }
0x14f: {  	s0 =	simm.s32 @!p3 $0x9  }
0x150: {  	_ =	swait.ge @!p3 [sflag:s0], $0x400  }
0x151: {  	[sflag:s0] =	ssyncset.done @!p3 $0x0  }
0x152: {  	s29 =	sshll.u32 s1, $0x7;
	[sflag:s0] =	ssyncadd.s32 @!p3 $0xFFFFFC00  }
0x153: {  	v4 =	vld [tilespmem:s29+$0x0];
	_ =	sdelay $0x4  }
0x154: {  	v5 =	vshll.u32 v4, $0x1  }
0x155: {  	v6 =	vand.u32 $0xFFFFE000, v4;
	v4 =	vshrl.u32 v4, $0xC;
	v5 =	vand.u32 $0x1FFE, v5  }
0x156: {  	v4 =	vand.u32 $0x1, v4;
	v5 =	vor.u32 v6, v5  }
0x157: {  	v4 =	vor.u32 v4, v5  }
0x158: {  	[tilespmem:$0x400] =	vst v4  }
0x159: {  	v4 =	vld [tilespmem:s29+$0x10];
	_ =	sdelay $0x4  }
0x15a: {  	v5 =	vshll.u32 v4, $0x1  }
0x15b: {  	v57 =	vand.u32 $0xFFFFE000, v4;
	v4 =	vshrl.u32 v4, $0xC;
	v5 =	vand.u32 $0x1FFE, v5  }
0x15c: {  	v4 =	vand.u32 $0x1, v4;
	v5 =	vor.u32 v57, v5  }
0x15d: {  	v4 =	vor.u32 v4, v5  }
0x15e: {  	[tilespmem:$0x410] =	vst v4  }
0x15f: {  	v4 =	vld [tilespmem:s29+$0x20];
	_ =	sdelay $0x4  }
0x160: {  	v5 =	vshll.u32 v4, $0x1  }
0x161: {  	v58 =	vand.u32 $0xFFFFE000, v4;
	v4 =	vshrl.u32 v4, $0xC;
	v5 =	vand.u32 $0x1FFE, v5  }
0x162: {  	v4 =	vand.u32 $0x1, v4;
	v5 =	vor.u32 v58, v5  }
0x163: {  	v4 =	vor.u32 v4, v5  }
0x164: {  	[tilespmem:$0x420] =	vst v4  }
0x165: {  	v4 =	vld [tilespmem:s29+$0x30];
	_ =	sdelay $0x4  }
0x166: {  	v5 =	vshll.u32 v4, $0x1  }
0x167: {  	v59 =	vand.u32 $0xFFFFE000, v4;
	v4 =	vshrl.u32 v4, $0xC;
	v5 =	vand.u32 $0x1FFE, v5  }
0x168: {  	v4 =	vand.u32 $0x1, v4;
	v5 =	vor.u32 v59, v5  }
0x169: {  	v4 =	vor.u32 v4, v5  }
0x16a: {  	[tilespmem:$0x430] =	vst v4  }
0x16b: {  	v4 =	vld [tilespmem:s29+$0x40];
	_ =	sdelay $0x4  }
0x16c: {  	v5 =	vshll.u32 v4, $0x1  }
0x16d: {  	v60 =	vand.u32 $0xFFFFE000, v4;
	v4 =	vshrl.u32 v4, $0xC;
	v5 =	vand.u32 $0x1FFE, v5  }
0x16e: {  	v4 =	vand.u32 $0x1, v4;
	v5 =	vor.u32 v60, v5  }
0x16f: {  	v4 =	vor.u32 v4, v5  }
0x170: {  	[tilespmem:$0x440] =	vst v4  }
0x171: {  	v4 =	vld [tilespmem:s29+$0x50];
	_ =	sdelay $0x4  }
0x172: {  	v5 =	vshll.u32 v4, $0x1  }
0x173: {  	v61 =	vand.u32 $0xFFFFE000, v4;
	v4 =	vshrl.u32 v4, $0xC;
	v5 =	vand.u32 $0x1FFE, v5  }
0x174: {  	v4 =	vand.u32 $0x1, v4;
	v5 =	vor.u32 v61, v5  }
0x175: {  	v4 =	vor.u32 v4, v5  }
0x176: {  	[tilespmem:$0x450] =	vst v4  }
0x177: {  	v4 =	vld [tilespmem:s29+$0x60];
	_ =	sdelay $0x4  }
0x178: {  	v5 =	vshll.u32 v4, $0x1  }
0x179: {  	v62 =	vand.u32 $0xFFFFE000, v4;
	v4 =	vshrl.u32 v4, $0xC;
	v5 =	vand.u32 $0x1FFE, v5  }
0x17a: {  	v4 =	vand.u32 $0x1, v4;
	v5 =	vor.u32 v62, v5  }
0x17b: {  	v4 =	vor.u32 v4, v5  }
0x17c: {  	[tilespmem:$0x460] =	vst v4  }
0x17d: {  	v4 =	vld [tilespmem:s29+$0x70];
	_ =	sdelay $0x4  }
0x17e: {  	v5 =	vshll.u32 v4, $0x1  }
0x17f: {  	v63 =	vand.u32 $0xFFFFE000, v4;
	v4 =	vshrl.u32 v4, $0xC;
	v5 =	vand.u32 $0x1FFE, v5  }
0x180: {  	v4 =	vand.u32 $0x1, v4;
	v5 =	vor.u32 v63, v5  }
0x181: {  	v4 =	vor.u32 v4, v5  }
0x182: {  	s30 =	simm.s32 $0x400;
	s31 =	simm.s32 $0x600;
	[tilespmem:$0x470] =	vst v4  }
0x183: {  	[tilespmem:s31], [sflag:$0x1] =	stream.indirect.gather [hbm4b:s6+s9], $0x40, s30, s9, $0xb8;
	[tilespmem:$0x10E00] =	vst v63  }
.LBB2_12:
0x184: {  	_ =	swait.ge [sflag:s24], $0x2000  }
0x185: {  	[sflag:s24] =	ssyncset.done $0x0  }
0x186: {  	s0 =	simm.s32 @!p1 $0x7;
	[sflag:s24] =	ssyncadd.s32 $0xFFFFE000  }
0x187: {  	s1 =	simm.s32 $0x1;
	_ =	swait.ge @!p1 [sflag:s0], $0x2000  }
0x188: {  	s12 =	simm.s32 $0x0;
	v4 =	vmov s1;
	[sflag:s0] =	ssyncset.done @!p1 $0x0  }
0x189: {  	v5 =	vmov s12;
	v10 =	vand.u32 $0x7F, v4;
	[sflag:s0] =	ssyncadd.s32 @!p1 $0xFFFFE000;
	s0 =	simm.s32 $0x4670  }
0x18a: {  	v11 =	vand.u32 $0x7E, v5;
	v5 =	vadd.s32 v0, v10;
	v4 =	vld [tilespmem:s0+$0xFFFFFFD0]  }
0x18b: {  	v7 =	vadd.s32 v0, v11;
	v6 =	vld [tilespmem:s0+$0xFFFFFF90];
	_ =	sdelay $0x3  }
0x18c: {  	s12 =	simm.s32 $0x3;
	[tilespmem:v5+s25+$0x0] =	vst.idx.msk $0xffff, v4  }
0x18d: {  	s13 =	simm.s32 $0x2;
	v4 =	vmov s12;
	[tilespmem:v7+s25+$0x0] =	vst.idx.msk $0xffff, v6;
	v7 =	vadd.s32 v1, v10;
	v6 =	vld [tilespmem:s0+$0xFFFFFFE0]  }
0x18e: {  	s29 =	simm.s32 $0x46F0;
	v9 =	vadd.s32 v1, v11;
	v5 =	vmov s13;
	v4 =	vand.u32 $0x7F, v4;
	v8 =	vld [tilespmem:s0+$0xFFFFFFA0]  }
0x18f: {  	s14 =	sadd.s32 $0xFFFFF42, s7;
	v12 =	vld [tilespmem:s29+$0xFFFFFFD0];
	v5 =	vand.u32 $0x7E, v5;
	v13 =	vadd.s32 v0, v4  }
0x190: {  	s15 =	sshrl.u32 s14, $0x1;
	v14 =	vld [tilespmem:s29+$0xFFFFFF90];
	v15 =	vadd.s32 v0, v5  }
0x191: {  	s1 =	sadd.s32 $0x18, s15  }
0x192: {  	s1 =	smov.u32 @p0 s8;
	[tilespmem:v7+s25+$0x0] =	vst.idx.msk $0xffff, v6  }
0x193: {  	s1 =	sshll.u32 s1, $0x5;
	[tilespmem:v9+s25+$0x0] =	vst.idx.msk $0xffff, v8;
	v8 =	vadd.s32 v2, v10;
	v7 =	vld [tilespmem:s0+$0xFFFFFFF0]  }
0x194: {  	s12 =	sor.u32 s4, s1;
	[tilespmem:v13+s25+$0x0] =	vst.idx.msk $0xffff, v12;
	v9 =	vld [tilespmem:s0+$0xFFFFFFB0];
	v13 =	vadd.s32 v2, v11  }
0x195: {  	s16 =	simm.s32 $0x5;
	s1 =	sshra.s32 s12, $0x1F;
	[tilespmem:v15+s25+$0x0] =	vst.idx.msk $0xffff, v14;
	v15 =	vadd.s32 v1, v4;
	v14 =	vld [tilespmem:s29+$0xFFFFFFE0]  }
0x196: {  	s15 =	simm.s32 $0x4;
	s1 =	sshrl.u32 s1, $0x19;
	v6 =	vmov s16  }
0x197: {  	v17 =	vmov s15;
	v18 =	vadd.s32 v1, v5;
	s14 =	sadd.s32 s1, s12;
	s1 =	simm.s32 $0x4770;
	v6 =	vand.u32 $0x7F, v6;
	v16 =	vld [tilespmem:s29+$0xFFFFFFA0]  }
0x198: {  	s13 =	sand.u32 $0xFFFFFF80, s14;
	v19 =	vld [tilespmem:s1+$0xFFFFFFD0];
	v20 =	vadd.s32 v0, v6;
	[tilespmem:v8+s25+$0x0] =	vst.idx.msk $0xffff, v7;
	v7 =	vand.u32 $0x7E, v17  }
0x199: {  	s15 =	sor.u32 $0x2, s7;
	p3 =	slt.s32 s12, $0x1;
	p4 =	sne.s32 s12, s13;
	v12 =	vld [tilespmem:s1+$0xFFFFFF90];
	[tilespmem:v13+s25+$0x0] =	vst.idx.msk $0xffff, v9;
	v17 =	vadd.s32 v0, v7  }
0x19a: {  	s30 =	smin.u32 s15, $0xC0;
	s15 =	simm.s32 $0x7;
	p3 =	por !p3, !p4;
	v8 =	vld [tilespmem:s0+$0x0];
	[tilespmem:v15+s25+$0x0] =	vst.idx.msk $0xffff, v14;
	v15 =	vadd.s32 v3, v10  }
0x19b: {  	s14 =	sshra.s32 s14, $0x7;
	s16 =	simm.s32 $0x1;
	p3 =	por !p3, !p3;
	v13 =	vadd.s32 v3, v11;
	v9 =	vld [tilespmem:s0+$0xFFFFFFC0]  }
0x19c: {  	s31 =	ssub.s32 s12, s13;
	s13 =	simm.s32 $0x6;
	s16 =	simm.s32 @!p3 $0x0;
	v11 =	vadd.s32 v2, v4;
	[tilespmem:v18+s25+$0x0] =	vst.idx.msk $0xffff, v16;
	v10 =	vld [tilespmem:s29+$0xFFFFFFF0]  }
0x19d: {  	s12 =	simm.s32 $0x4770;
	s0 =	ssub.s32 s14, s16;
	s14 =	simm.s32 $0x8;
	[tilespmem:v20+s25+$0x0] =	vst.idx.msk $0xffff, v19;
	v16 =	vadd.s32 v2, v5;
	v14 =	vld [tilespmem:s29+$0xFFFFFFB0]  }
.LBB2_13:
0x19e: {  	p3 =	slt.u32 s14, $0x7E;
	v18 =	vmov s15;
	[tilespmem:v17+s25+$0x0] =	vst.idx.msk $0xffff, v12;
	v19 =	vld [tilespmem:s1+$0xFFFFFFE0];
	v20 =	vadd.s32 v1, v6  }
0x19f: {  	v12 =	vmov s13;
	v22 =	vadd.s32 v1, v7;
	s1 =	sadd.s32 $0x80, s1;
	s13 =	smov.u32 s14;
	v18 =	vand.u32 $0x7F, v18;
	v21 =	vld [tilespmem:s12+$0xFFFFFFA0];
	[tilespmem:v15+s25+$0x0] =	vst.idx.msk $0xffff, v8  }
0x1a0: {  	v23 =	vand.u32 $0x7E, v12;
	v24 =	vld [tilespmem:s1+$0xFFFFFFD0];
	v25 =	vadd.s32 v0, v18;
	[tilespmem:v13+s25+$0x0] =	vst.idx.msk $0xffff, v9  }
.Ltmp7:
0x1a1: {  	v17 =	vadd.s32 v0, v23;
	v12 =	vld [tilespmem:s1+$0xFFFFFF90];
	[tilespmem:v11+s25+$0x0] =	vst.idx.msk $0xffff, v10;
	(pc) =	sbr.rel @p3 .LBB2_13-.Ltmp7, $4  }
0x1a2: {  	v15 =	vadd.s32 v3, v4;
	v4 =	vmov v6;
	v6 =	vmov v18;
	[tilespmem:v16+s25+$0x0] =	vst.idx.msk $0xffff, v14;
	v8 =	vld [tilespmem:s29+$0x0]  }
0x1a3: {  	v13 =	vadd.s32 v3, v5;
	v5 =	vmov v7;
	v7 =	vmov v23;
	[tilespmem:v20+s25+$0x0] =	vst.idx.msk $0xffff, v19;
	v9 =	vld [tilespmem:s29+$0xFFFFFFC0];
	s29 =	smov.u32 s12;
	s12 =	smov.u32 s1  }
0x1a4: {  	v11 =	vadd.s32 v2, v4;
	[tilespmem:v22+s25+$0x0] =	vst.idx.msk $0xffff, v21;
	v10 =	vld [tilespmem:s29+$0xFFFFFFF0]  }
0x1a5: {  	s14 =	sadd.s32 $0x2, s14;
	s15 =	sadd.s32 $0x1, s13;
	v16 =	vadd.s32 v2, v5;
	[tilespmem:v25+s25+$0x0] =	vst.idx.msk $0xffff, v24;
	v14 =	vld [tilespmem:s29+$0xFFFFFFB0]  }
0x1a6: {  	v18 =	vmov s15  }
0x1a7: {  	v19 =	vmov s13;
	s14 =	sadd.s32 $0x80, s1;
	v18 =	vand.u32 $0x7F, v18  }
0x1a8: {  	v19 =	vand.u32 $0x7E, v19;
	v20 =	vld [tilespmem:s14+$0xFFFFFFD0];
	v21 =	vadd.s32 v0, v18  }
0x1a9: {  	v22 =	vld [tilespmem:s14+$0xFFFFFF90];
	v23 =	vadd.s32 v0, v19;
	_ =	sdelay $0x2  }
0x1aa: {  	[tilespmem:v17+s25+$0x0] =	vst.idx.msk $0xffff, v12;
	v42 =	vld [tilespmem:s1+$0xFFFFFFE0];
	v43 =	vadd.s32 v1, v6  }
0x1ab: {  	v45 =	vadd.s32 v1, v7;
	v44 =	vld [tilespmem:s12+$0xFFFFFFA0];
	[tilespmem:v21+s25+$0x0] =	vst.idx.msk $0xffff, v20  }
0x1ac: {  	v47 =	vadd.s32 v1, v18;
	[tilespmem:v23+s25+$0x0] =	vst.idx.msk $0xffff, v22;
	v46 =	vld [tilespmem:s14+$0xFFFFFFE0]  }
0x1ad: {  	[tilespmem:v15+s25+$0x0] =	vst.idx.msk $0xffff, v8;
	v49 =	vadd.s32 v1, v19;
	v48 =	vld [tilespmem:s14+$0xFFFFFFA0]  }
0x1ae: {  	[tilespmem:v13+s25+$0x0] =	vst.idx.msk $0xffff, v9  }
0x1af: {  	[tilespmem:v43+s25+$0x0] =	vst.idx.msk $0xffff, v42  }
0x1b0: {  	v51 =	vadd.s32 v2, v6;
	[tilespmem:v45+s25+$0x0] =	vst.idx.msk $0xffff, v44;
	v50 =	vld [tilespmem:s12+$0xFFFFFFF0]  }
0x1b1: {  	v53 =	vadd.s32 v2, v7;
	v52 =	vld [tilespmem:s12+$0xFFFFFFB0];
	[tilespmem:v47+s25+$0x0] =	vst.idx.msk $0xffff, v46  }
0x1b2: {  	v55 =	vadd.s32 v2, v18;
	[tilespmem:v49+s25+$0x0] =	vst.idx.msk $0xffff, v48;
	v54 =	vld [tilespmem:s14+$0xFFFFFFF0]  }
0x1b3: {  	v57 =	vadd.s32 v2, v19;
	[tilespmem:v11+s25+$0x0] =	vst.idx.msk $0xffff, v10;
	v56 =	vld [tilespmem:s14+$0xFFFFFFB0]  }
0x1b4: {  	v4 =	vadd.s32 v3, v4;
	[tilespmem:v16+s25+$0x0] =	vst.idx.msk $0xffff, v14;
	v58 =	vld [tilespmem:s29+$0x0]  }
0x1b5: {  	v5 =	vadd.s32 v3, v5;
	v16 =	vld [tilespmem:s29+$0xFFFFFFC0];
	[tilespmem:v51+s25+$0x0] =	vst.idx.msk $0xffff, v50  }
0x1b6: {  	v59 =	vadd.s32 v3, v6;
	[tilespmem:v53+s25+$0x0] =	vst.idx.msk $0xffff, v52;
	v9 =	vld [tilespmem:s12+$0x0]  }
0x1b7: {  	v61 =	vadd.s32 v3, v7;
	s15 =	sshll.u32 s30, $0x14;
	v60 =	vld [tilespmem:s12+$0xFFFFFFC0];
	[tilespmem:v55+s25+$0x0] =	vst.idx.msk $0xffff, v54  }
0x1b8: {  	s0 =	sshll.u32 s0, $0x17;
	s16 =	sshll.u32 s31, $0x8;
	s1 =	sand.u32 $0x600000, s15;
	v62 =	vadd.s32 v3, v18;
	[tilespmem:v57+s25+$0x0] =	vst.idx.msk $0xffff, v56;
	v8 =	vld [tilespmem:s14+$0x0]  }
0x1b9: {  	v63 =	vadd.s32 v3, v19;
	s0 =	sor.u32 s1, s0;
	s29 =	sand.u32 $0x7F00, s16;
	[tilespmem:v4+s25+$0x0] =	vst.idx.msk $0xffff, v58;
	v4 =	vld [tilespmem:s14+$0xFFFFFFC0]  }
0x1ba: {  	s0 =	sor.u32 s29, s0;
	[tilespmem:v5+s25+$0x0] =	vst.idx.msk $0xffff, v16  }
0x1bb: {  	s0 =	sshrl.u32 s0, $0x3;
	[tilespmem:v59+s25+$0x0] =	vst.idx.msk $0xffff, v9  }
0x1bc: {  	s0 =	sadd.s32 s2, s0;
	[tilespmem:v61+s25+$0x0] =	vst.idx.msk $0xffff, v60  }
0x1bd: {  	s30 =	simm.s32 $0xCA00;
	s13 =	simm.s32 $0xCA88;
	s31 =	sadd.s32 $0x0, s0;
	[tilespmem:v62+s25+$0x0] =	vst.idx.msk $0xffff, v8  }
0x1be: {  	s1 =	simm.s32 $0x1000;
	s12 =	simm.s32 $0xCB10;
	s14 =	sadd.s32 $0x10, s31;
	[tilespmem:v63+s25+$0x0] =	vst.idx.msk $0xffff, v4  }
0x1bf: {  	[hbm4b:s31+s3] =	stream.linear.scatter [tilespmem:s30], [sflag:$0x7], $0x80, $0x38;
	[tilespmem:$0x10E00] =	vst v63  }
.LBB2_15:
0x1c0: {  	[hbm4b:s14+s3] =	stream.linear.scatter [tilespmem:s13], [sflag:$0x7], $0x80, $0x38;
	[tilespmem:$0x10E00] =	vst v63  }
0x1c1: {  	s13 =	smov.u32 s1;
	p3 =	sne.s32 s1, $0x1F000  }
.Ltmp8:
0x1c2: {  	s1 =	sadd.s32 $0x1000, s1;
	(pc) =	sbr.rel @p3 .LBB2_15-.Ltmp8, $4  }
0x1c3: {  	_ = 	snop  }
0x1c4: {  	s14 =	sadd.s32 s13, s0  }
0x1c5: {  	[hbm4b:s14+s3] =	stream.linear.scatter [tilespmem:s12], [sflag:$0x7], $0x80, $0x38;
	[tilespmem:$0x10E00] =	vst v63  }
0x1c6: {  	s13 =	sadd.s32 $0x88, s12;
	s14 =	sadd.s32 $0x10, s14;
	s12 =	sadd.s32 $0x110, s12  }
.Ltmp9:
0x1c7: {  	(pc) =	sbr.rel @p2 .LBB2_18-.Ltmp9, $2  }
0x1c8: {  	_ =	sdelay $0x2  }
0x1c9: {  	[hbm4b:s14+s3] =	stream.linear.scatter [tilespmem:s13], [sflag:$0x7], $0x80, $0x38;
	[tilespmem:$0x10E00] =	vst v63  }
0x1ca: {  	s0 =	sshll.u32 s10, $0x9  }
0x1cb: {  	s0 =	sadd.s32 $0x280, s0  }
0x1cc: {  	p3 =	slt.u32 s10, $0x2F;
	s0 =	sand.u32 $0x280, s0  }
0x1cd: {  	s0 =	simm.s32 @!p3 $0x80  }
0x1ce: {  	v4 =	vld [tilespmem:s0+$0x0];
	_ =	sdelay $0x4  }
0x1cf: {  	v5 =	vshll.u32 v4, $0x1  }
0x1d0: {  	v6 =	vand.u32 $0xFFFFE000, v4;
	v4 =	vshrl.u32 v4, $0xC;
	v5 =	vand.u32 $0x1FFE, v5  }
0x1d1: {  	v4 =	vand.u32 $0x1, v4;
	v5 =	vor.u32 v6, v5  }
0x1d2: {  	v4 =	vor.u32 v4, v5  }
0x1d3: {  	[tilespmem:$0x480] =	vst v4  }
0x1d4: {  	v4 =	vld [tilespmem:s0+$0x10];
	_ =	sdelay $0x4  }
0x1d5: {  	v5 =	vshll.u32 v4, $0x1  }
0x1d6: {  	v57 =	vand.u32 $0xFFFFE000, v4;
	v4 =	vshrl.u32 v4, $0xC;
	v5 =	vand.u32 $0x1FFE, v5  }
0x1d7: {  	v4 =	vand.u32 $0x1, v4;
	v5 =	vor.u32 v57, v5  }
0x1d8: {  	v4 =	vor.u32 v4, v5  }
0x1d9: {  	[tilespmem:$0x490] =	vst v4  }
0x1da: {  	v4 =	vld [tilespmem:s0+$0x20];
	_ =	sdelay $0x4  }
0x1db: {  	v5 =	vshll.u32 v4, $0x1  }
0x1dc: {  	v58 =	vand.u32 $0xFFFFE000, v4;
	v4 =	vshrl.u32 v4, $0xC;
	v5 =	vand.u32 $0x1FFE, v5  }
0x1dd: {  	v4 =	vand.u32 $0x1, v4;
	v5 =	vor.u32 v58, v5  }
0x1de: {  	v4 =	vor.u32 v4, v5  }
0x1df: {  	[tilespmem:$0x4A0] =	vst v4  }
0x1e0: {  	v4 =	vld [tilespmem:s0+$0x30];
	_ =	sdelay $0x4  }
0x1e1: {  	v5 =	vshll.u32 v4, $0x1  }
0x1e2: {  	v59 =	vand.u32 $0xFFFFE000, v4;
	v4 =	vshrl.u32 v4, $0xC;
	v5 =	vand.u32 $0x1FFE, v5  }
0x1e3: {  	v4 =	vand.u32 $0x1, v4;
	v5 =	vor.u32 v59, v5  }
0x1e4: {  	v4 =	vor.u32 v4, v5  }
0x1e5: {  	[tilespmem:$0x4B0] =	vst v4  }
0x1e6: {  	v4 =	vld [tilespmem:s0+$0x40];
	_ =	sdelay $0x4  }
0x1e7: {  	v5 =	vshll.u32 v4, $0x1  }
0x1e8: {  	v60 =	vand.u32 $0xFFFFE000, v4;
	v4 =	vshrl.u32 v4, $0xC;
	v5 =	vand.u32 $0x1FFE, v5  }
0x1e9: {  	v4 =	vand.u32 $0x1, v4;
	v5 =	vor.u32 v60, v5  }
0x1ea: {  	v4 =	vor.u32 v4, v5  }
0x1eb: {  	[tilespmem:$0x4C0] =	vst v4  }
0x1ec: {  	v4 =	vld [tilespmem:s0+$0x50];
	_ =	sdelay $0x4  }
0x1ed: {  	v5 =	vshll.u32 v4, $0x1  }
0x1ee: {  	v61 =	vand.u32 $0xFFFFE000, v4;
	v4 =	vshrl.u32 v4, $0xC;
	v5 =	vand.u32 $0x1FFE, v5  }
0x1ef: {  	v4 =	vand.u32 $0x1, v4;
	v5 =	vor.u32 v61, v5  }
0x1f0: {  	v4 =	vor.u32 v4, v5  }
0x1f1: {  	[tilespmem:$0x4D0] =	vst v4  }
0x1f2: {  	v4 =	vld [tilespmem:s0+$0x60];
	_ =	sdelay $0x4  }
0x1f3: {  	v5 =	vshll.u32 v4, $0x1  }
0x1f4: {  	v62 =	vand.u32 $0xFFFFE000, v4;
	v4 =	vshrl.u32 v4, $0xC;
	v5 =	vand.u32 $0x1FFE, v5  }
0x1f5: {  	v4 =	vand.u32 $0x1, v4;
	v5 =	vor.u32 v62, v5  }
0x1f6: {  	v4 =	vor.u32 v4, v5  }
0x1f7: {  	[tilespmem:$0x4E0] =	vst v4  }
0x1f8: {  	v4 =	vld [tilespmem:s0+$0x70];
	_ =	sdelay $0x4  }
0x1f9: {  	v5 =	vshll.u32 v4, $0x1  }
0x1fa: {  	v63 =	vand.u32 $0xFFFFE000, v4;
	v4 =	vshrl.u32 v4, $0xC;
	v5 =	vand.u32 $0x1FFE, v5  }
0x1fb: {  	v4 =	vand.u32 $0x1, v4;
	v5 =	vor.u32 v63, v5  }
0x1fc: {  	v4 =	vor.u32 v4, v5  }
0x1fd: {  	s31 =	simm.s32 $0x480;
	s1 =	simm.s32 $0x2600;
	[tilespmem:$0x4F0] =	vst v4  }
0x1fe: {  	[tilespmem:s1], [sflag:$0x2] =	stream.indirect.gather [hbm4b:s6+s9], $0x40, s31, s9, $0xb8;
	[tilespmem:$0x10E00] =	vst v63  }
.LBB2_18:
0x1ff: {  	_ =	swait.ge [sflag:s26], $0x2000  }
0x200: {  	[sflag:s26] =	ssyncset.done $0x0  }
0x201: {  	s0 =	simm.s32 @!p1 $0x8;
	[sflag:s26] =	ssyncadd.s32 $0xFFFFE000  }
0x202: {  	s1 =	simm.s32 $0x1;
	_ =	swait.ge @!p1 [sflag:s0], $0x2000  }
0x203: {  	s12 =	simm.s32 $0x0;
	v4 =	vmov s1;
	[sflag:s0] =	ssyncset.done @!p1 $0x0  }
0x204: {  	v5 =	vmov s12;
	v10 =	vand.u32 $0x7F, v4;
	[sflag:s0] =	ssyncadd.s32 @!p1 $0xFFFFE000;
	s0 =	simm.s32 $0x6670  }
0x205: {  	v11 =	vand.u32 $0x7E, v5;
	v5 =	vadd.s32 v0, v10;
	v4 =	vld [tilespmem:s0+$0xFFFFFFD0]  }
0x206: {  	v7 =	vadd.s32 v0, v11;
	v6 =	vld [tilespmem:s0+$0xFFFFFF90];
	_ =	sdelay $0x1  }
0x207: {  	s31 =	sadd.s32 $0xFFFFFF43, s7  }
0x208: {  	s13 =	sshrl.u32 s31, $0x1F  }
0x209: {  	s12 =	sadd.s32 s13, s31;
	s13 =	simm.s32 $0x3;
	[tilespmem:v5+s28+$0x0] =	vst.idx.msk $0xffff, v4  }
0x20a: {  	s14 =	simm.s32 $0x2;
	v4 =	vmov s13;
	[tilespmem:v7+s28+$0x0] =	vst.idx.msk $0xffff, v6;
	v7 =	vadd.s32 v1, v10;
	v6 =	vld [tilespmem:s0+$0xFFFFFFE0]  }
0x20b: {  	s29 =	simm.s32 $0x66F0;
	s1 =	sshra.s32 s31, $0x1F;
	s12 =	sshrl.u32 s12, $0x1;
	v9 =	vadd.s32 v1, v11;
	v5 =	vmov s14;
	v4 =	vand.u32 $0x7F, v4;
	v8 =	vld [tilespmem:s0+$0xFFFFFFA0]  }
0x20c: {  	s1 =	sadd.s32 s12, s1;
	v12 =	vld [tilespmem:s29+$0xFFFFFFD0];
	v5 =	vand.u32 $0x7E, v5;
	v13 =	vadd.s32 v0, v4  }
0x20d: {  	s1 =	sadd.s32 $0x18, s1;
	v14 =	vld [tilespmem:s29+$0xFFFFFF90];
	v15 =	vadd.s32 v0, v5  }
0x20e: {  	s1 =	smov.u32 @p0 s8  }
0x20f: {  	s1 =	sshll.u32 s1, $0x5;
	[tilespmem:v7+s28+$0x0] =	vst.idx.msk $0xffff, v6  }
0x210: {  	s8 =	sor.u32 s4, s1;
	[tilespmem:v9+s28+$0x0] =	vst.idx.msk $0xffff, v8;
	v8 =	vadd.s32 v2, v10;
	v7 =	vld [tilespmem:s0+$0xFFFFFFF0]  }
0x211: {  	s1 =	sshra.s32 s8, $0x1F;
	[tilespmem:v13+s28+$0x0] =	vst.idx.msk $0xffff, v12;
	v9 =	vld [tilespmem:s0+$0xFFFFFFB0];
	v13 =	vadd.s32 v2, v11  }
0x212: {  	s1 =	sshrl.u32 s1, $0x19;
	s14 =	simm.s32 $0x5;
	[tilespmem:v15+s28+$0x0] =	vst.idx.msk $0xffff, v14;
	v15 =	vadd.s32 v1, v4;
	v14 =	vld [tilespmem:s29+$0xFFFFFFE0]  }
0x213: {  	s31 =	simm.s32 $0x4;
	s15 =	sadd.s32 s1, s8;
	v6 =	vmov s14  }
0x214: {  	v17 =	vmov s31;
	s1 =	simm.s32 $0x6770;
	s16 =	sand.u32 $0xFFFFFF80, s15;
	v18 =	vadd.s32 v1, v5;
	v6 =	vand.u32 $0x7F, v6;
	v16 =	vld [tilespmem:s29+$0xFFFFFFA0]  }
0x215: {  	p6 =	slt.s32 s8, $0x1;
	v19 =	vld [tilespmem:s1+$0xFFFFFFD0];
	p3 =	sne.s32 s8, s16;
	v20 =	vadd.s32 v0, v6;
	[tilespmem:v8+s28+$0x0] =	vst.idx.msk $0xffff, v7;
	v7 =	vand.u32 $0x7E, v17  }
0x216: {  	p1 =	por !p6, !p3;
	v12 =	vld [tilespmem:s1+$0xFFFFFF90];
	[tilespmem:v13+s28+$0x0] =	vst.idx.msk $0xffff, v9;
	v17 =	vadd.s32 v0, v7  }
0x217: {  	p1 =	por !p1, !p1;
	s14 =	simm.s32 $0x1;
	v8 =	vld [tilespmem:s0+$0x0];
	[tilespmem:v15+s28+$0x0] =	vst.idx.msk $0xffff, v14;
	v15 =	vadd.s32 v3, v10  }
0x218: {  	s13 =	sshra.s32 s15, $0x7;
	s14 =	simm.s32 @!p1 $0x0;
	v13 =	vadd.s32 v3, v11;
	v9 =	vld [tilespmem:s0+$0xFFFFFFC0]  }
0x219: {  	s12 =	simm.s32 $0x6;
	s8 =	ssub.s32 s8, s16;
	s30 =	ssub.s32 s13, s14;
	v11 =	vadd.s32 v2, v4;
	[tilespmem:v18+s28+$0x0] =	vst.idx.msk $0xffff, v16;
	v10 =	vld [tilespmem:s29+$0xFFFFFFF0]  }
0x21a: {  	s14 =	simm.s32 $0x7;
	s13 =	simm.s32 $0x8;
	[tilespmem:v20+s28+$0x0] =	vst.idx.msk $0xffff, v19;
	v16 =	vadd.s32 v2, v5;
	s0 =	simm.s32 $0x6770;
	v14 =	vld [tilespmem:s29+$0xFFFFFFB0]  }
.LBB2_19:
0x21b: {  	p1 =	slt.u32 s13, $0x7E;
	v18 =	vmov s14;
	[tilespmem:v17+s28+$0x0] =	vst.idx.msk $0xffff, v12;
	v19 =	vld [tilespmem:s1+$0xFFFFFFE0];
	v20 =	vadd.s32 v1, v6  }
0x21c: {  	v12 =	vmov s12;
	v22 =	vadd.s32 v1, v7;
	s1 =	sadd.s32 $0x80, s1;
	s12 =	smov.u32 s13;
	v18 =	vand.u32 $0x7F, v18;
	v21 =	vld [tilespmem:s0+$0xFFFFFFA0];
	[tilespmem:v15+s28+$0x0] =	vst.idx.msk $0xffff, v8  }
0x21d: {  	v23 =	vand.u32 $0x7E, v12;
	v24 =	vld [tilespmem:s1+$0xFFFFFFD0];
	v25 =	vadd.s32 v0, v18;
	[tilespmem:v13+s28+$0x0] =	vst.idx.msk $0xffff, v9  }
.Ltmp10:
0x21e: {  	v17 =	vadd.s32 v0, v23;
	v12 =	vld [tilespmem:s1+$0xFFFFFF90];
	[tilespmem:v11+s28+$0x0] =	vst.idx.msk $0xffff, v10;
	(pc) =	sbr.rel @p1 .LBB2_19-.Ltmp10, $4  }
0x21f: {  	v15 =	vadd.s32 v3, v4;
	v4 =	vmov v6;
	v6 =	vmov v18;
	[tilespmem:v16+s28+$0x0] =	vst.idx.msk $0xffff, v14;
	v8 =	vld [tilespmem:s29+$0x0]  }
0x220: {  	v13 =	vadd.s32 v3, v5;
	v5 =	vmov v7;
	v7 =	vmov v23;
	[tilespmem:v20+s28+$0x0] =	vst.idx.msk $0xffff, v19;
	v9 =	vld [tilespmem:s29+$0xFFFFFFC0];
	s29 =	smov.u32 s0;
	s0 =	smov.u32 s1  }
0x221: {  	v11 =	vadd.s32 v2, v4;
	[tilespmem:v22+s28+$0x0] =	vst.idx.msk $0xffff, v21;
	v10 =	vld [tilespmem:s29+$0xFFFFFFF0]  }
0x222: {  	s13 =	sadd.s32 $0x2, s13;
	s14 =	sadd.s32 $0x1, s12;
	v16 =	vadd.s32 v2, v5;
	[tilespmem:v25+s28+$0x0] =	vst.idx.msk $0xffff, v24;
	v14 =	vld [tilespmem:s29+$0xFFFFFFB0]  }
0x223: {  	v18 =	vmov s14  }
0x224: {  	v19 =	vmov s12;
	s14 =	sadd.s32 $0x80, s1;
	v18 =	vand.u32 $0x7F, v18  }
0x225: {  	v19 =	vand.u32 $0x7E, v19;
	v20 =	vld [tilespmem:s14+$0xFFFFFFD0];
	v21 =	vadd.s32 v0, v18  }
0x226: {  	v22 =	vld [tilespmem:s14+$0xFFFFFF90];
	v23 =	vadd.s32 v0, v19;
	_ =	sdelay $0x2  }
0x227: {  	[tilespmem:v17+s28+$0x0] =	vst.idx.msk $0xffff, v12;
	v42 =	vld [tilespmem:s1+$0xFFFFFFE0];
	v43 =	vadd.s32 v1, v6  }
0x228: {  	v45 =	vadd.s32 v1, v7;
	v44 =	vld [tilespmem:s0+$0xFFFFFFA0];
	[tilespmem:v21+s28+$0x0] =	vst.idx.msk $0xffff, v20  }
0x229: {  	v47 =	vadd.s32 v1, v18;
	[tilespmem:v23+s28+$0x0] =	vst.idx.msk $0xffff, v22;
	v46 =	vld [tilespmem:s14+$0xFFFFFFE0]  }
0x22a: {  	[tilespmem:v15+s28+$0x0] =	vst.idx.msk $0xffff, v8;
	v49 =	vadd.s32 v1, v19;
	v48 =	vld [tilespmem:s14+$0xFFFFFFA0]  }
0x22b: {  	[tilespmem:v13+s28+$0x0] =	vst.idx.msk $0xffff, v9  }
0x22c: {  	[tilespmem:v43+s28+$0x0] =	vst.idx.msk $0xffff, v42  }
0x22d: {  	v51 =	vadd.s32 v2, v6;
	[tilespmem:v45+s28+$0x0] =	vst.idx.msk $0xffff, v44;
	v50 =	vld [tilespmem:s0+$0xFFFFFFF0]  }
0x22e: {  	v53 =	vadd.s32 v2, v7;
	v52 =	vld [tilespmem:s0+$0xFFFFFFB0];
	[tilespmem:v47+s28+$0x0] =	vst.idx.msk $0xffff, v46  }
0x22f: {  	v55 =	vadd.s32 v2, v18;
	[tilespmem:v49+s28+$0x0] =	vst.idx.msk $0xffff, v48;
	v54 =	vld [tilespmem:s14+$0xFFFFFFF0]  }
0x230: {  	v57 =	vadd.s32 v2, v19;
	[tilespmem:v11+s28+$0x0] =	vst.idx.msk $0xffff, v10;
	v56 =	vld [tilespmem:s14+$0xFFFFFFB0]  }
0x231: {  	v4 =	vadd.s32 v3, v4;
	[tilespmem:v16+s28+$0x0] =	vst.idx.msk $0xffff, v14;
	v58 =	vld [tilespmem:s29+$0x0]  }
0x232: {  	v5 =	vadd.s32 v3, v5;
	v16 =	vld [tilespmem:s29+$0xFFFFFFC0];
	[tilespmem:v51+s28+$0x0] =	vst.idx.msk $0xffff, v50  }
0x233: {  	v59 =	vadd.s32 v3, v6;
	s15 =	sshll.u32 s11, $0x14;
	[tilespmem:v53+s28+$0x0] =	vst.idx.msk $0xffff, v52;
	v9 =	vld [tilespmem:s0+$0x0]  }
0x234: {  	v61 =	vadd.s32 v3, v7;
	v60 =	vld [tilespmem:s0+$0xFFFFFFC0];
	s0 =	sand.u32 $0x700000, s15;
	[tilespmem:v55+s28+$0x0] =	vst.idx.msk $0xffff, v54  }
0x235: {  	s16 =	sshll.u32 s30, $0x17;
	s8 =	sshll.u32 s8, $0x8;
	v62 =	vadd.s32 v3, v18;
	s0 =	simm.s32 @!p0 $0x100000;
	[tilespmem:v57+s28+$0x0] =	vst.idx.msk $0xffff, v56;
	v8 =	vld [tilespmem:s14+$0x0]  }
0x236: {  	v63 =	vadd.s32 v3, v19;
	s29 =	sand.u32 $0x7F00, s8;
	[tilespmem:v4+s28+$0x0] =	vst.idx.msk $0xffff, v58;
	s0 =	sor.u32 s0, s16;
	v4 =	vld [tilespmem:s14+$0xFFFFFFC0]  }
0x237: {  	[tilespmem:v5+s28+$0x0] =	vst.idx.msk $0xffff, v16;
	s0 =	sor.u32 s29, s0  }
0x238: {  	[tilespmem:v59+s28+$0x0] =	vst.idx.msk $0xffff, v9;
	s0 =	sshrl.u32 s0, $0x3  }
0x239: {  	[tilespmem:v61+s28+$0x0] =	vst.idx.msk $0xffff, v60;
	s0 =	sadd.s32 s2, s0  }
0x23a: {  	s30 =	simm.s32 $0xEC00;
	s1 =	simm.s32 $0x1000;
	s31 =	sadd.s32 $0x0, s0;
	[tilespmem:v62+s28+$0x0] =	vst.idx.msk $0xffff, v8  }
0x23b: {  	s11 =	simm.s32 $0xEC88;
	s8 =	simm.s32 $0xED10;
	s12 =	sadd.s32 $0x10, s31;
	[tilespmem:v63+s28+$0x0] =	vst.idx.msk $0xffff, v4  }
0x23c: {  	[hbm4b:s31+s3] =	stream.linear.scatter [tilespmem:s30], [sflag:$0x8], $0x80, $0x38;
	[tilespmem:$0x10E00] =	vst v63  }
.LBB2_21:
0x23d: {  	[hbm4b:s12+s3] =	stream.linear.scatter [tilespmem:s11], [sflag:$0x8], $0x80, $0x38;
	[tilespmem:$0x10E00] =	vst v63  }
0x23e: {  	s11 =	smov.u32 s1;
	p0 =	sne.s32 s1, $0x1F000  }
.Ltmp11:
0x23f: {  	s1 =	sadd.s32 $0x1000, s1;
	(pc) =	sbr.rel @p0 .LBB2_21-.Ltmp11, $4  }
0x240: {  	_ = 	snop  }
0x241: {  	s12 =	sadd.s32 s11, s0  }
0x242: {  	[hbm4b:s12+s3] =	stream.linear.scatter [tilespmem:s8], [sflag:$0x8], $0x80, $0x38;
	[tilespmem:$0x10E00] =	vst v63  }
0x243: {  	s11 =	sadd.s32 $0x88, s8;
	s12 =	sadd.s32 $0x10, s12;
	s8 =	sadd.s32 $0x110, s8  }
.Ltmp12:
0x244: {  	(pc) =	sbr.rel @p2 .LBB2_24-.Ltmp12, $2  }
0x245: {  	_ =	sdelay $0x2  }
0x246: {  	[hbm4b:s12+s3] =	stream.linear.scatter [tilespmem:s11], [sflag:$0x8], $0x80, $0x38;
	[tilespmem:$0x10E00] =	vst v63  }
0x247: {  	s0 =	sadd.s32 $0x6, s7  }
0x248: {  	s1 =	smin.u32 s0, $0xC0  }
0x249: {  	s1 =	sand.u32 $0x6, s1  }
0x24a: {  	p0 =	sne.s32 s1, $0x0  }
0x24b: {  	s7 =	sadd.s32 @!p0 $0xFFFFF46, s7  }
0x24c: {  	p1 =	slt.u32 @!p0 s10, $0x2F;
	s7 =	sshrl.u32 @!p0 s7, $0x1  }
0x24d: {  	s0 =	sshrl.u32 @!p0 s0, $0x3;
	p1 =	por !p1, p0;
	s7 =	sadd.s32 @!p0 $0x18, s7  }
0x24e: {  	s0 =	smov.u32 @p1 s7  }
0x24f: {  	s0 =	sshll.u32 @!p0 s0, $0x5  }
0x250: {  	s0 =	sor.u32 @!p0 s4, s0  }
0x251: {  	s7 =	sshra.s32 @!p0 s0, $0x1F  }
0x252: {  	s7 =	sshrl.u32 @!p0 s7, $0x19  }
0x253: {  	s7 =	sadd.s32 @!p0 s7, s0  }
0x254: {  	s8 =	sand.u32 @!p0 $0xFFFFFF80, s7  }
0x255: {  	p1 =	slt.s32 @!p0 s0, $0x1;
	p2 =	sne.s32 @!p0 s0, s8  }
0x256: {  	p1 =	por @!p0 !p1, !p2  }
0x257: {  	p1 =	por @!p0 !p1, !p1  }
0x258: {  	s8 =	simm.s32 @!p0 $0x1;
	p1 =	por !p1, p0  }
0x259: {  	s7 =	sshrl.u32 @!p0 s7, $0x7;
	s0 =	sshll.u32 @!p0 s0, $0x7;
	s8 =	simm.s32 @p1 $0x0  }
0x25a: {  	s0 =	sadd.s32 @!p0 $0x4000, s0;
	s7 =	ssub.s32 @!p0 s7, s8  }
0x25b: {  	s0 =	sand.u32 @!p0 $0x3F80, s0;
	s7 =	sshll.u32 @!p0 s7, $0x11  }
0x25c: {  	s0 =	sor.u32 @!p0 s0, s7  }
0x25d: {  	s11 =	simm.s32 @!p0 $0x0;
	s0 =	sshrl.u32 @!p0 s0, $0x3  }
0x25e: {  	s8 =	simm.s32 @!p0 $0x4000;
	s7 =	simm.s32 @!p0 $0x80;
	s0 =	sadd.s32 @!p0 s5, s0  }
0x25f: {  	[tilespmem:s11], [sflag:$0x9] =	stream.strided.gather @!p0 [hbm4b:s0+s7], $0x400, s8, s7, $0x38;
	[tilespmem:$0x10E00] =	vst v63  }
0x260: {  	s0 =	simm.s32 @!p0 $0x9  }
0x261: {  	_ =	swait.ge @!p0 [sflag:s0], $0x400  }
0x262: {  	[sflag:s0] =	ssyncset.done @!p0 $0x0  }
0x263: {  	s30 =	sshll.u32 s1, $0x7;
	[sflag:s0] =	ssyncadd.s32 @!p0 $0xFFFFFC00  }
0x264: {  	v4 =	vld [tilespmem:s30+$0x0];
	_ =	sdelay $0x4  }
0x265: {  	v5 =	vshll.u32 v4, $0x1  }
0x266: {  	v6 =	vand.u32 $0xFFFFE000, v4;
	v4 =	vshrl.u32 v4, $0xC;
	v5 =	vand.u32 $0x1FFE, v5  }
0x267: {  	v4 =	vand.u32 $0x1, v4;
	v5 =	vor.u32 v6, v5  }
0x268: {  	v4 =	vor.u32 v4, v5  }
0x269: {  	[tilespmem:$0x500] =	vst v4  }
0x26a: {  	v4 =	vld [tilespmem:s30+$0x10];
	_ =	sdelay $0x4  }
0x26b: {  	v5 =	vshll.u32 v4, $0x1  }
0x26c: {  	v57 =	vand.u32 $0xFFFFE000, v4;
	v4 =	vshrl.u32 v4, $0xC;
	v5 =	vand.u32 $0x1FFE, v5  }
0x26d: {  	v4 =	vand.u32 $0x1, v4;
	v5 =	vor.u32 v57, v5  }
0x26e: {  	v4 =	vor.u32 v4, v5  }
0x26f: {  	[tilespmem:$0x510] =	vst v4  }
0x270: {  	v4 =	vld [tilespmem:s30+$0x20];
	_ =	sdelay $0x4  }
0x271: {  	v5 =	vshll.u32 v4, $0x1  }
0x272: {  	v58 =	vand.u32 $0xFFFFE000, v4;
	v4 =	vshrl.u32 v4, $0xC;
	v5 =	vand.u32 $0x1FFE, v5  }
0x273: {  	v4 =	vand.u32 $0x1, v4;
	v5 =	vor.u32 v58, v5  }
0x274: {  	v4 =	vor.u32 v4, v5  }
0x275: {  	[tilespmem:$0x520] =	vst v4  }
0x276: {  	v4 =	vld [tilespmem:s30+$0x30];
	_ =	sdelay $0x4  }
0x277: {  	v5 =	vshll.u32 v4, $0x1  }
0x278: {  	v59 =	vand.u32 $0xFFFFE000, v4;
	v4 =	vshrl.u32 v4, $0xC;
	v5 =	vand.u32 $0x1FFE, v5  }
0x279: {  	v4 =	vand.u32 $0x1, v4;
	v5 =	vor.u32 v59, v5  }
0x27a: {  	v4 =	vor.u32 v4, v5  }
0x27b: {  	[tilespmem:$0x530] =	vst v4  }
0x27c: {  	v4 =	vld [tilespmem:s30+$0x40];
	_ =	sdelay $0x4  }
0x27d: {  	v5 =	vshll.u32 v4, $0x1  }
0x27e: {  	v60 =	vand.u32 $0xFFFFE000, v4;
	v4 =	vshrl.u32 v4, $0xC;
	v5 =	vand.u32 $0x1FFE, v5  }
0x27f: {  	v4 =	vand.u32 $0x1, v4;
	v5 =	vor.u32 v60, v5  }
0x280: {  	v4 =	vor.u32 v4, v5  }
0x281: {  	[tilespmem:$0x540] =	vst v4  }
0x282: {  	v4 =	vld [tilespmem:s30+$0x50];
	_ =	sdelay $0x4  }
0x283: {  	v5 =	vshll.u32 v4, $0x1  }
0x284: {  	v61 =	vand.u32 $0xFFFFE000, v4;
	v4 =	vshrl.u32 v4, $0xC;
	v5 =	vand.u32 $0x1FFE, v5  }
0x285: {  	v4 =	vand.u32 $0x1, v4;
	v5 =	vor.u32 v61, v5  }
0x286: {  	v4 =	vor.u32 v4, v5  }
0x287: {  	[tilespmem:$0x550] =	vst v4  }
0x288: {  	v4 =	vld [tilespmem:s30+$0x60];
	_ =	sdelay $0x4  }
0x289: {  	v5 =	vshll.u32 v4, $0x1  }
0x28a: {  	v62 =	vand.u32 $0xFFFFE000, v4;
	v4 =	vshrl.u32 v4, $0xC;
	v5 =	vand.u32 $0x1FFE, v5  }
0x28b: {  	v4 =	vand.u32 $0x1, v4;
	v5 =	vor.u32 v62, v5  }
0x28c: {  	v4 =	vor.u32 v4, v5  }
0x28d: {  	[tilespmem:$0x560] =	vst v4  }
0x28e: {  	v4 =	vld [tilespmem:s30+$0x70];
	_ =	sdelay $0x4  }
0x28f: {  	v5 =	vshll.u32 v4, $0x1  }
.Ltmp13:
0x290: {  	v63 =	vand.u32 $0xFFFFE000, v4;
	v4 =	vshrl.u32 v4, $0xC;
	v5 =	vand.u32 $0x1FFE, v5;
	(pc) =	sbr.rel .LBB2_2-.Ltmp13, $4  }
0x291: {  	v4 =	vand.u32 $0x1, v4;
	v5 =	vor.u32 v63, v5  }
0x292: {  	v4 =	vor.u32 v4, v5  }
0x293: {  	s31 =	simm.s32 $0x500;
	s10 =	sadd.s32 $0x1, s10;
	[tilespmem:$0x570] =	vst v4  }
0x294: {  	[tilespmem:s17], [sflag:$0x3] =	stream.indirect.gather [hbm4b:s6+s9], $0x40, s31, s9, $0xb8;
	[tilespmem:$0x10E00] =	vst v63  }
.LBB2_25:
0x295: {  	_ =	sfence.sel $0x180000  }
0x296: {  	[bflag:$0x0] =	sbarrier.arrive $0xFFFF  }
0x297: {  	_ =	strace $0x90000047  }
0x298: {  	s0 =	stileid.u32;
	[bflag:$0x2] =	sbarrier.arrive $0xFFFF  }
0x299: {  	p0 =	sne.s32 s0, $0x0;
	s0 =	rddreg [dreg:$0x2]  }
0x29a: {  	s0 =	sadd.s32 @!p0 $0x100000, s0  }
0x29b: {  	[sflag:s0] =	ssyncadd.tile.s32 @!p0 $0x1;
	_ =	shalt  }
.Lfunc_end2:
_tile_overlayer_lowered:
.L_overlay_start_2:
0x29c: {  	(tag) =	ssettag $0x2  }
0x29d: {  	s0 =	rddreg [dreg:$0x0];
	s2 =	stileid.u32  }
0x29e: {  	s1 =	rddreg [dreg:$0x1];
	p0 =	sne.s32 s2, $0x0  }
0x29f: {  	s3 =	rddreg [dreg:$0x2];
	[bflag:$0x3] =	sbarrier.arrive $0xFFFF;
	s2 =	simm.s32 @!p0 $0x1C09  }
0x2a0: {  	[timem:s3], [sflag:s2] =	dma.local @!p0 [hbm:s0], s1  }
0x2a1: {  	s0 =	simm.s32 @!p0 $0x9  }
0x2a2: {  	_ =	swait.ge @!p0 [sflag:s0], s1  }
0x2a3: {  	s1 =	ssub.s32 @!p0 $0x0, s1;
	[sflag:s0] =	ssyncset.done @!p0 $0x0  }
0x2a4: {  	[sflag:s0] =	ssyncadd.s32 @!p0 s1  }
0x2a5: {  	[bflag:$0x3] =	sbarrier.arrive $0xFFFF  }
0x2a6: {  	_ =	shalt  }

</sc_bundles>
